<compile_context>
chip_gen: v7x
topology: tpu7x:2x2x1
jax: 0.10.2.dev20260603
libtpu: 0.0.44.dev20260713+nightly
codegen_flags: <defaults>
</compile_context>

<pallas_src>
import functools

import jax
import jax.numpy as jnp
from jax import lax
from jax.experimental import pallas as pl
from jax.experimental.pallas import tpu as pltpu
from jax.experimental.pallas import tpu_sc as plsc

K = 32
N2 = 4096
NQW = 512
NV = N2 // 16
NB = 144
CAP = 48
QBATCH = 8

_GDN = lax.GatherDimensionNumbers(
    offset_dims=(), collapsed_slice_dims=(0,), start_index_map=(0,))


def _take16(v, idx):
    return lax.gather(v, idx[:, None], _GDN, (1,),
                      mode=lax.GatherScatterMode.PROMISE_IN_BOUNDS)


def _rne_bf16(v):
    i32 = jnp.int32
    bits = lax.bitcast_convert_type(v, i32)
    r = bits + 0x7FFF + (lax.shift_right_logical(bits, 16) & 1)
    return lax.bitcast_convert_type(r & i32(-65536), jnp.float32)


def _sc_body(c_h, q_h, out_h,
             cf_v, cr_v, xx_v, qf_v, qrs_v, qyy_v,
             d_v, hist_v, tot_v, sd_v, si_v, tmp_v, ob_v):
    i32 = jnp.int32
    cid = lax.axis_index("c")
    sid = lax.axis_index("s")
    wid = sid * 2 + cid
    b = wid // 8
    qoff = (wid % 8) * NQW
    cbase = b * 3 * N2

    lane = lax.iota(i32, 16)
    ones = jnp.ones((16,), i32)

    pltpu.sync_copy(c_h.at[pl.ds(cbase, 3 * N2)], cf_v)
    for c in range(3):
        pltpu.sync_copy(q_h.at[pl.ds(cbase + c * N2 + qoff, NQW)],
                        qf_v.at[pl.ds(c * NQW, NQW)])

    def xx_loop(i, _):
        x = cf_v[pl.ds(i * 16, 16)]
        y = cf_v[pl.ds(N2 + i * 16, 16)]
        z = cf_v[pl.ds(2 * N2 + i * 16, 16)]
        xx_v[pl.ds(i * 16, 16)] = (x * x + y * y) + z * z
        cr_v[pl.ds(i * 16, 16)] = -2.0 * _rne_bf16(x)
        cr_v[pl.ds(N2 + i * 16, 16)] = -2.0 * _rne_bf16(y)
        cr_v[pl.ds(2 * N2 + i * 16, 16)] = -2.0 * _rne_bf16(z)
        return 0
    lax.fori_loop(0, NV, xx_loop, 0)

    def hclear(i, _):
        hist_v[pl.ds(i * 16, 16)] = jnp.zeros((16,), i32)
        return 0
    lax.fori_loop(0, QBATCH * 16 * NB // 16, hclear, 0)

    def qyy_loop(i, _):
        x = qf_v[pl.ds(i * 16, 16)]
        y = qf_v[pl.ds(NQW + i * 16, 16)]
        z = qf_v[pl.ds(2 * NQW + i * 16, 16)]
        qyy_v[pl.ds(i * 16, 16)] = (x * x + y * y) + z * z
        qrs_v[pl.ds(i * 16, 16)] = _rne_bf16(x)
        qrs_v[pl.ds(NQW + i * 16, 16)] = _rne_bf16(y)
        qrs_v[pl.ds(2 * NQW + i * 16, 16)] = _rne_bf16(z)
        return 0
    lax.fori_loop(0, NQW // 16, qyy_loop, 0)

    def blk_loop(qb, _):
        q0 = qb * QBATCH
        qblk = (q0 // 16) * 16
        qrel = q0 - qblk
        qxv = qrs_v[pl.ds(qblk, 16)]
        qyv = qrs_v[pl.ds(NQW + qblk, 16)]
        qzv = qrs_v[pl.ds(2 * NQW + qblk, 16)]
        qyyv = qyy_v[pl.ds(qblk, 16)]
        qbs = []
        for u in range(QBATCH):
            qsel = jnp.full((16,), qrel + u, i32)
            qbs.append((_take16(qxv, qsel), _take16(qyv, qsel),
                        _take16(qzv, qsel), _take16(qyyv, qsel)))

        def dist_loop(i2, _):
            for w in range(2):
                i = i2 * 2 + w
                cx = cr_v[pl.ds(i * 16, 16)]
                cy = cr_v[pl.ds(N2 + i * 16, 16)]
                cz = cr_v[pl.ds(2 * N2 + i * 16, 16)]
                xxc = xx_v[pl.ds(i * 16, 16)]
                for u in range(QBATCH):
                    qxb, qyb, qzb, qyyb = qbs[u]
                    s = (qxb * cx + qyb * cy) + qzb * cz
                    d = jnp.maximum((xxc + qyyb) + s, 0.0)
                    d_v[pl.ds(u * N2 + i * 16, 16)] = d
                    key = lax.shift_right_logical(
                        lax.bitcast_convert_type(d, i32), 23)
                    plsc.addupdate_scatter(
                        hist_v, [(u * 16 + lane) * NB + key], ones)
            return 0
        lax.fori_loop(0, NV // 2, dist_loop, 0)

        def q_loop(u, _):
            q = q0 + u
            hb = u * 16 * NB
            db = u * N2

            zeros16 = jnp.zeros((16,), i32)
            for jc in range(NB // 16):
                acc = zeros16
                for l in range(16):
                    acc = acc + hist_v[pl.ds(hb + l * NB + jc * 16, 16)]
                    hist_v[pl.ds(hb + l * NB + jc * 16, 16)] = zeros16
                tot_v[pl.ds(jc * 16, 16)] = acc

            csums = jnp.zeros((16,), i32)
            for jc in range(NB // 16):
                s = jnp.sum(tot_v[pl.ds(jc * 16, 16)])
                csums = jnp.where(lane == jc, s, csums)
            cumc = plsc.cumsum(csums)
            hitc = (cumc >= 33).astype(i32)
            jstar = 16 - jnp.sum(plsc.cummax(hitc))
            cum_before = jnp.sum(jnp.where(lane == jstar - 1, cumc, 0))
            tot = tot_v[pl.ds(jstar * 16, 16)]
            cumv = plsc.cumsum(tot) + cum_before
            hit = (cumv >= 33).astype(i32)
            nbefore = 16 - jnp.sum(plsc.cummax(hit))
            strictC = jnp.sum(jnp.where(lane == nbefore - 1, cumv, 0))
            strictC = jnp.where(nbefore == 0, cum_before, strictC)
            eqC = jnp.sum(jnp.where(lane == nbefore, tot, 0))
            P = jstar * 16 + nbefore

            def rcond(st):
                shift, P, strictC, eqC = st
                return (strictC + eqC > CAP) & (shift > 3)

            def refine(st):
                shift, P, strictC, eqC = st
                nshift = shift - 4

                def hloop(i, _):
                    bits = lax.bitcast_convert_type(
                        d_v[pl.ds(db + i * 16, 16)], i32)
                    m = lax.shift_right_logical(bits, shift) == P
                    digit = lax.shift_right_logical(bits, nshift) & 15
                    plsc.addupdate_scatter(
                        hist_v, [hb + lane * NB + digit], ones, mask=m)
                    return 0
                lax.fori_loop(0, NV, hloop, 0)

                acc = jnp.zeros((16,), i32)
                for l in range(16):
                    acc = acc + hist_v[pl.ds(hb + l * NB, 16)]
                    hist_v[pl.ds(hb + l * NB, 16)] = jnp.zeros((16,), i32)
                cumv = plsc.cumsum(acc) + strictC
                hit = (cumv >= 33).astype(i32)
                nbefore = 16 - jnp.sum(plsc.cummax(hit))
                strict_new = jnp.sum(
                    jnp.where(lane == nbefore - 1, cumv, 0))
                strict_new = jnp.where(nbefore == 0, strictC, strict_new)
                eq_new = jnp.sum(jnp.where(lane == nbefore, acc, 0))
                return (nshift, P * 16 + nbefore, strict_new, eq_new)

            shift, P, strictC, eqC = lax.while_loop(
                rcond, refine, (i32(23), P, strictC, eqC))

            for j in range(4):
                sd_v[pl.ds(j * 16, 16)] = jnp.full((16,), jnp.inf,
                                                   jnp.float32)
                si_v[pl.ds(j * 16, 16)] = N2 + j * 16 + lane

            def comp(i2, cnt):
                for w in range(2):
                    i = i2 * 2 + w
                    d = d_v[pl.ds(db + i * 16, 16)]
                    bits = lax.bitcast_convert_type(d, i32)
                    m = lax.shift_right_logical(bits, shift) <= P
                    base = jnp.minimum(cnt, i32(CAP))
                    plsc.store_compressed(sd_v.at[pl.ds(base, 16)], d,
                                          mask=m)
                    plsc.store_compressed(si_v.at[pl.ds(base, 16)],
                                          i * 16 + lane, mask=m)
                    cnt = jnp.minimum(cnt + jnp.sum(m.astype(i32)),
                                      i32(CAP))
                return cnt
            lax.fori_loop(0, NV // 2, comp, i32(0))

            svd = [sd_v[pl.ds(j * 16, 16)] for j in range(3)]
            svi = [si_v[pl.ds(j * 16, 16)] for j in range(3)]

            def rank_loop(r, ranks):
                rsel = (lane + r) & 15
                rots = [(_take16(svd[bb], rsel), _take16(svi[bb], rsel))
                        for bb in range(3)]
                out = []
                for a in range(3):
                    da, ia, rk = svd[a], svi[a], ranks[a]
                    for bb in range(3):
                        db_, ib = rots[bb]
                        lt = (db_ < da) | ((db_ == da) & (ib < ia))
                        rk = rk + jnp.where(lt, 1, 0)
                    out.append(rk)
                return tuple(out)
            ranks = lax.fori_loop(0, 16, rank_loop,
                                  (zeros16, zeros16, zeros16))
            for a in range(3):
                rank_a = ranks[a]
                msk = (rank_a >= 1) & (rank_a <= K)
                plsc.store_scatter(tmp_v, [rank_a - 1], svi[a], mask=msk)

            ob_v[pl.ds(q * K, 16)] = tmp_v[pl.ds(0, 16)]
            ob_v[pl.ds(q * K + 16, 16)] = tmp_v[pl.ds(16, 16)]
            return 0

        lax.fori_loop(0, QBATCH, q_loop, 0)
        return 0

    lax.fori_loop(0, NQW // QBATCH, blk_loop, 0)

    pltpu.sync_copy(ob_v, out_h.at[pl.ds(wid * NQW * K, NQW * K)])


@jax.jit
def kernel(xyz2, xyz1):
    b, n2, _ = xyz2.shape
    n1 = xyz1.shape[1]
    c_soa = jnp.transpose(xyz2, (0, 2, 1)).reshape(-1)
    q_soa = jnp.transpose(xyz1, (0, 2, 1)).reshape(-1)

    mesh = plsc.VectorSubcoreMesh(core_axis_name="c", subcore_axis_name="s")
    f32 = jnp.float32
    i32 = jnp.int32
    run = pl.kernel(
        _sc_body,
        out_type=jax.ShapeDtypeStruct((b * n1 * K,), i32),
        mesh=mesh,
        compiler_params=pltpu.CompilerParams(needs_layout_passes=False),
        scratch_types=[
            pltpu.VMEM((3 * N2,), f32),
            pltpu.VMEM((3 * N2,), f32),
            pltpu.VMEM((N2,), f32),
            pltpu.VMEM((3 * NQW,), f32),
            pltpu.VMEM((3 * NQW,), f32),
            pltpu.VMEM((NQW,), f32),
            pltpu.VMEM((QBATCH * N2,), f32),
            pltpu.VMEM((QBATCH * 16 * NB,), i32),
            pltpu.VMEM((NB,), i32),
            pltpu.VMEM((CAP + 16,), f32),
            pltpu.VMEM((CAP + 16,), i32),
            pltpu.VMEM((CAP + 16,), i32),
            pltpu.VMEM((NQW * K,), i32),
        ],
    )
    out = run(c_soa, q_soa)
    return out.reshape(b, n1, K)

# --- scband reference (transcript-rebuilt; emitter-appended) ---
"""Pipeline reference for scband-se3-transformer-39152921870371 (READ-ONLY COPY).

The authoritative reference and input builder live on the scoring server;
editing this copy changes nothing except your own understanding.
"""

import jax, jax.numpy as jnp
import numpy as np

NUM_SAMPLES = 32

def pdist2squared(x, y):
    # x: [B, 3, N2], y: [B, 3, N1] -> dist: [B, N2, N1]
    xx = jnp.sum(x ** 2, axis=1)[:, :, None]
    yy = jnp.sum(y ** 2, axis=1)[:, None, :]
    dist = xx + yy - 2.0 * jnp.einsum('bdn,bdm->bnm', x, y)
    dist = jnp.where(jnp.isnan(dist), 0.0, dist)
    dist = jnp.clip(dist, 0.0, None)
    return dist

def setup_inputs(seed: int = 0) -> dict:
    key = jax.random.key(seed)
    k1, k2 = jax.random.split(key)
    xyz2 = jax.random.uniform(k1, (4, 4096, 3), dtype=jnp.float32)
    xyz1 = jax.random.uniform(k2, (4, 4096, 3), dtype=jnp.float32)
    return {"xyz2": xyz2, "xyz1": xyz1}

def reference(xyz2, xyz1):
    # SampleNeighbors.forward with knn=True:
    # dist = pdist2squared(xyz2^T, xyz1^T): [B, N2, N1]
    dist = pdist2squared(jnp.transpose(xyz2, (0, 2, 1)), jnp.transpose(xyz1, (0, 2, 1)))
    # torch: dist.topk(K+1, dim=1, largest=False)[1].int().permute(0,2,1)[:, :, 1:]
    # take smallest along candidate axis (dim=1); transpose so candidates are last axis
    neg = -jnp.transpose(dist, (0, 2, 1))  # [B, N1, N2]
    vals, idx = jax.lax.top_k(neg, NUM_SAMPLES + 1)
    ind = idx[:, :, 1:].astype(jnp.int32)  # drop self (nearest), [B, N1, K]
    return ind

if __name__ == "__main__":
    import jax
    _d = setup_inputs()
    print(jax.jit(kernel)(*tuple(_d.values())))

</pallas_src>

<mosaic_0001>
#map = affine_map<(d0, d1) -> (0)>
module attributes {stable_mosaic.version = 14 : i64} {
  func.func @_sc_body(%arg0: i32, %arg1: i32, %arg2: memref<49152xf32, #tpu.memory_space<hbm>>, %arg3: memref<49152xf32, #tpu.memory_space<hbm>>, %arg4: memref<524288xi32, #tpu.memory_space<hbm>>, %arg5: memref<12288xf32, #tpu.memory_space<vmem>>, %arg6: memref<12288xf32, #tpu.memory_space<vmem>>, %arg7: memref<4096xf32, #tpu.memory_space<vmem>>, %arg8: memref<1536xf32, #tpu.memory_space<vmem>>, %arg9: memref<1536xf32, #tpu.memory_space<vmem>>, %arg10: memref<512xf32, #tpu.memory_space<vmem>>, %arg11: memref<32768xf32, #tpu.memory_space<vmem>>, %arg12: memref<18432xi32, #tpu.memory_space<vmem>>, %arg13: memref<144xi32, #tpu.memory_space<vmem>>, %arg14: memref<64xf32, #tpu.memory_space<vmem>>, %arg15: memref<64xi32, #tpu.memory_space<vmem>>, %arg16: memref<64xi32, #tpu.memory_space<vmem>>, %arg17: memref<16384xi32, #tpu.memory_space<vmem>>) attributes {dimension_semantics = [#tpu.dimension_semantics<core_parallel>, #tpu.dimension_semantics<subcore_parallel>], iteration_bounds = array<i64: 2, 16>, scalar_prefetch = 0 : i64, scratch_operands = 13 : i64, tpu.core_type = #tpu.core_type<sc_vector_subcore>, window_params = [{transform_indices = #map}, {transform_indices = #map}, {transform_indices = #map}]} {
    %mul3A = arith.constant 2 : i32
    %mul3A_0 = arith.muli %arg1, %mul3A : i32
    %add3A = arith.addi %mul3A_0, %arg0 : i32
    %jit3A = arith.constant 8 : i32
    %div3A = arith.divsi %add3A, %jit3A : i32
    %sign3A = arith.constant 0 : i32
    %sign3A_1 = arith.cmpi sgt, %add3A, %sign3A : i32
    %sign3A_2 = arith.extui %sign3A_1 : i1 to i32
    %sign3A_3 = arith.constant 0 : i32
    %sign3A_4 = arith.cmpi slt, %add3A, %sign3A_3 : i32
    %sign3A_5 = arith.extui %sign3A_4 : i1 to i32
    %sign3A_6 = arith.subi %sign3A_2, %sign3A_5 : i32
    %sign3A_7 = arith.constant 0 : i32
    %sign3A_8 = arith.cmpi sgt, %jit3A, %sign3A_7 : i32
    %sign3A_9 = arith.extui %sign3A_8 : i1 to i32
    %sign3A_10 = arith.constant 0 : i32
    %sign3A_11 = arith.cmpi slt, %jit3A, %sign3A_10 : i32
    %sign3A_12 = arith.extui %sign3A_11 : i1 to i32
    %sign3A_13 = arith.subi %sign3A_9, %sign3A_12 : i32
    %ne3A = arith.cmpi ne, %sign3A_6, %sign3A_13 : i32
    %rem3A = arith.remsi %add3A, %jit3A : i32
    %ne3A_14 = arith.constant 0 : i32
    %ne3A_15 = arith.cmpi ne, %rem3A, %ne3A_14 : i32
    %and3A = arith.andi %ne3A, %ne3A_15 : i1
    %sub3A = arith.constant 1 : i32
    %sub3A_16 = arith.subi %div3A, %sub3A : i32
    %select_n3A = arith.select %and3A, %sub3A_16, %div3A : i32
    %jit3A_17 = arith.constant 8 : i32
    %eq3A = arith.constant 0 : i32
    %eq3A_18 = arith.cmpi eq, %jit3A_17, %eq3A : i32
    %jit3A_19 = arith.constant 1 : i32
    %select_n3A_20 = arith.select %eq3A_18, %jit3A_19, %jit3A_17 : i32
    %rem3A_21 = arith.remsi %add3A, %select_n3A_20 : i32
    %ne3A_22 = arith.constant 0 : i32
    %ne3A_23 = arith.cmpi ne, %rem3A_21, %ne3A_22 : i32
    %lt3A = arith.constant 0 : i32
    %lt3A_24 = arith.cmpi slt, %rem3A_21, %lt3A : i32
    %lt3A_25 = arith.constant 0 : i32
    %lt3A_26 = arith.cmpi slt, %select_n3A_20, %lt3A_25 : i32
    %ne3A_27 = arith.xori %lt3A_24, %lt3A_26 : i1
    %and3A_28 = arith.andi %ne3A_27, %ne3A_23 : i1
    %add3A_29 = arith.addi %rem3A_21, %select_n3A_20 : i32
    %select_n3A_30 = arith.select %and3A_28, %add3A_29, %rem3A_21 : i32
    %mul3A_31 = arith.constant 512 : i32
    %mul3A_32 = arith.muli %select_n3A_30, %mul3A_31 : i32
    %mul3A_33 = arith.constant 3 : i32
    %mul3A_34 = arith.muli %select_n3A, %mul3A_33 : i32
    %mul3A_35 = arith.constant 4096 : i32
    %mul3A_36 = arith.muli %mul3A_34, %mul3A_35 : i32
    %iota3A = tpu.iota {dimensions = array<i32: 0>} : vector<16xi32>
    %broadcast_in_dim3A = arith.constant 1 : i32
    %broadcast_in_dim3A_37 = vector.broadcast %broadcast_in_dim3A : i32 to vector<16xi32>
    "tpu.region"() ({
      %run_scoped3A = tpu.sem_alloc : memref<!tpu.dma_semaphore, #tpu.memory_space<semaphore_mem>>
      %dma_start3A = tpu.memref_slice %arg2[%mul3A_36] : memref<49152xf32, #tpu.memory_space<hbm>> -> memref<12288xf32, #tpu.memory_space<hbm>>
      %dma_start3A_78 = tpu.memref_slice %arg2[%mul3A_36] : memref<49152xf32, #tpu.memory_space<hbm>> -> memref<12288xf32, #tpu.memory_space<hbm>>
      tpu.enqueue_dma source(%dma_start3A_78 : memref<12288xf32, #tpu.memory_space<hbm>>) target(%arg5 : memref<12288xf32, #tpu.memory_space<vmem>>) target_semaphore(%run_scoped3A : memref<!tpu.dma_semaphore, #tpu.memory_space<semaphore_mem>>)
      %dma_wait3A = tpu.memref_slice %arg2[%mul3A_36] : memref<49152xf32, #tpu.memory_space<hbm>> -> memref<12288xf32, #tpu.memory_space<hbm>>
      %dma_wait3A_79 = tpu.memref_slice %arg2[%mul3A_36] : memref<49152xf32, #tpu.memory_space<hbm>> -> memref<12288xf32, #tpu.memory_space<hbm>>
      tpu.wait_dma2 semaphore(%run_scoped3A : memref<!tpu.dma_semaphore, #tpu.memory_space<semaphore_mem>>) src(%dma_wait3A_79 : memref<12288xf32, #tpu.memory_space<hbm>>) dst(%arg5 : memref<12288xf32, #tpu.memory_space<vmem>>)
      tpu.yield
    }) : () -> ()
    %add3A_38 = arith.constant 0 : i32
    %add3A_39 = arith.addi %mul3A_36, %add3A_38 : i32
    %add3A_40 = arith.addi %add3A_39, %mul3A_32 : i32
    "tpu.region"() ({
      %run_scoped3A = tpu.sem_alloc : memref<!tpu.dma_semaphore, #tpu.memory_space<semaphore_mem>>
      %dma_start3A = arith.constant 0 : i32
      %dma_start3A_78 = tpu.memref_slice %arg8[%dma_start3A] : memref<1536xf32, #tpu.memory_space<vmem>> -> memref<512xf32, #tpu.memory_space<vmem>>
      %dma_start3A_79 = tpu.memref_slice %arg3[%add3A_40] : memref<49152xf32, #tpu.memory_space<hbm>> -> memref<512xf32, #tpu.memory_space<hbm>>
      %dma_start3A_80 = arith.constant 0 : i32
      %dma_start3A_81 = tpu.memref_slice %arg8[%dma_start3A_80] : memref<1536xf32, #tpu.memory_space<vmem>> -> memref<512xf32, #tpu.memory_space<vmem>>
      %dma_start3A_82 = tpu.memref_slice %arg3[%add3A_40] : memref<49152xf32, #tpu.memory_space<hbm>> -> memref<512xf32, #tpu.memory_space<hbm>>
      tpu.enqueue_dma source(%dma_start3A_82 : memref<512xf32, #tpu.memory_space<hbm>>) target(%dma_start3A_81 : memref<512xf32, #tpu.memory_space<vmem>>) target_semaphore(%run_scoped3A : memref<!tpu.dma_semaphore, #tpu.memory_space<semaphore_mem>>)
      %dma_wait3A = arith.constant 0 : i32
      %dma_wait3A_83 = tpu.memref_slice %arg8[%dma_wait3A] : memref<1536xf32, #tpu.memory_space<vmem>> -> memref<512xf32, #tpu.memory_space<vmem>>
      %dma_wait3A_84 = tpu.memref_slice %arg3[%add3A_40] : memref<49152xf32, #tpu.memory_space<hbm>> -> memref<512xf32, #tpu.memory_space<hbm>>
      %dma_wait3A_85 = arith.constant 0 : i32
      %dma_wait3A_86 = tpu.memref_slice %arg8[%dma_wait3A_85] : memref<1536xf32, #tpu.memory_space<vmem>> -> memref<512xf32, #tpu.memory_space<vmem>>
      %dma_wait3A_87 = tpu.memref_slice %arg3[%add3A_40] : memref<49152xf32, #tpu.memory_space<hbm>> -> memref<512xf32, #tpu.memory_space<hbm>>
      tpu.wait_dma2 semaphore(%run_scoped3A : memref<!tpu.dma_semaphore, #tpu.memory_space<semaphore_mem>>) src(%dma_wait3A_87 : memref<512xf32, #tpu.memory_space<hbm>>) dst(%dma_wait3A_86 : memref<512xf32, #tpu.memory_space<vmem>>)
      tpu.yield
    }) : () -> ()
    %add3A_41 = arith.constant 4096 : i32
    %add3A_42 = arith.addi %mul3A_36, %add3A_41 : i32
    %add3A_43 = arith.addi %add3A_42, %mul3A_32 : i32
    "tpu.region"() ({
      %run_scoped3A = tpu.sem_alloc : memref<!tpu.dma_semaphore, #tpu.memory_space<semaphore_mem>>
      %dma_start3A = arith.constant 512 : i32
      %dma_start3A_78 = tpu.memref_slice %arg8[%dma_start3A] : memref<1536xf32, #tpu.memory_space<vmem>> -> memref<512xf32, #tpu.memory_space<vmem>>
      %dma_start3A_79 = tpu.memref_slice %arg3[%add3A_43] : memref<49152xf32, #tpu.memory_space<hbm>> -> memref<512xf32, #tpu.memory_space<hbm>>
      %dma_start3A_80 = arith.constant 512 : i32
      %dma_start3A_81 = tpu.memref_slice %arg8[%dma_start3A_80] : memref<1536xf32, #tpu.memory_space<vmem>> -> memref<512xf32, #tpu.memory_space<vmem>>
      %dma_start3A_82 = tpu.memref_slice %arg3[%add3A_43] : memref<49152xf32, #tpu.memory_space<hbm>> -> memref<512xf32, #tpu.memory_space<hbm>>
      tpu.enqueue_dma source(%dma_start3A_82 : memref<512xf32, #tpu.memory_space<hbm>>) target(%dma_start3A_81 : memref<512xf32, #tpu.memory_space<vmem>>) target_semaphore(%run_scoped3A : memref<!tpu.dma_semaphore, #tpu.memory_space<semaphore_mem>>)
      %dma_wait3A = arith.constant 512 : i32
      %dma_wait3A_83 = tpu.memref_slice %arg8[%dma_wait3A] : memref<1536xf32, #tpu.memory_space<vmem>> -> memref<512xf32, #tpu.memory_space<vmem>>
      %dma_wait3A_84 = tpu.memref_slice %arg3[%add3A_43] : memref<49152xf32, #tpu.memory_space<hbm>> -> memref<512xf32, #tpu.memory_space<hbm>>
      %dma_wait3A_85 = arith.constant 512 : i32
      %dma_wait3A_86 = tpu.memref_slice %arg8[%dma_wait3A_85] : memref<1536xf32, #tpu.memory_space<vmem>> -> memref<512xf32, #tpu.memory_space<vmem>>
      %dma_wait3A_87 = tpu.memref_slice %arg3[%add3A_43] : memref<49152xf32, #tpu.memory_space<hbm>> -> memref<512xf32, #tpu.memory_space<hbm>>
      tpu.wait_dma2 semaphore(%run_scoped3A : memref<!tpu.dma_semaphore, #tpu.memory_space<semaphore_mem>>) src(%dma_wait3A_87 : memref<512xf32, #tpu.memory_space<hbm>>) dst(%dma_wait3A_86 : memref<512xf32, #tpu.memory_space<vmem>>)
      tpu.yield
    }) : () -> ()
    %add3A_44 = arith.constant 8192 : i32
    %add3A_45 = arith.addi %mul3A_36, %add3A_44 : i32
    %add3A_46 = arith.addi %add3A_45, %mul3A_32 : i32
    "tpu.region"() ({
      %run_scoped3A = tpu.sem_alloc : memref<!tpu.dma_semaphore, #tpu.memory_space<semaphore_mem>>
      %dma_start3A = arith.constant 1024 : i32
      %dma_start3A_78 = tpu.memref_slice %arg8[%dma_start3A] : memref<1536xf32, #tpu.memory_space<vmem>> -> memref<512xf32, #tpu.memory_space<vmem>>
      %dma_start3A_79 = tpu.memref_slice %arg3[%add3A_46] : memref<49152xf32, #tpu.memory_space<hbm>> -> memref<512xf32, #tpu.memory_space<hbm>>
      %dma_start3A_80 = arith.constant 1024 : i32
      %dma_start3A_81 = tpu.memref_slice %arg8[%dma_start3A_80] : memref<1536xf32, #tpu.memory_space<vmem>> -> memref<512xf32, #tpu.memory_space<vmem>>
      %dma_start3A_82 = tpu.memref_slice %arg3[%add3A_46] : memref<49152xf32, #tpu.memory_space<hbm>> -> memref<512xf32, #tpu.memory_space<hbm>>
      tpu.enqueue_dma source(%dma_start3A_82 : memref<512xf32, #tpu.memory_space<hbm>>) target(%dma_start3A_81 : memref<512xf32, #tpu.memory_space<vmem>>) target_semaphore(%run_scoped3A : memref<!tpu.dma_semaphore, #tpu.memory_space<semaphore_mem>>)
      %dma_wait3A = arith.constant 1024 : i32
      %dma_wait3A_83 = tpu.memref_slice %arg8[%dma_wait3A] : memref<1536xf32, #tpu.memory_space<vmem>> -> memref<512xf32, #tpu.memory_space<vmem>>
      %dma_wait3A_84 = tpu.memref_slice %arg3[%add3A_46] : memref<49152xf32, #tpu.memory_space<hbm>> -> memref<512xf32, #tpu.memory_space<hbm>>
      %dma_wait3A_85 = arith.constant 1024 : i32
      %dma_wait3A_86 = tpu.memref_slice %arg8[%dma_wait3A_85] : memref<1536xf32, #tpu.memory_space<vmem>> -> memref<512xf32, #tpu.memory_space<vmem>>
      %dma_wait3A_87 = tpu.memref_slice %arg3[%add3A_46] : memref<49152xf32, #tpu.memory_space<hbm>> -> memref<512xf32, #tpu.memory_space<hbm>>
      tpu.wait_dma2 semaphore(%run_scoped3A : memref<!tpu.dma_semaphore, #tpu.memory_space<semaphore_mem>>) src(%dma_wait3A_87 : memref<512xf32, #tpu.memory_space<hbm>>) dst(%dma_wait3A_86 : memref<512xf32, #tpu.memory_space<vmem>>)
      tpu.yield
    }) : () -> ()
    %scan3A = arith.constant 0 : i32
    %scan3A_47 = arith.constant 0 : i32
    %scan3A_48 = arith.constant 256 : i32
    %scan3A_49 = arith.addi %scan3A_47, %scan3A_48 : i32
    %scan3A_50 = arith.constant 1 : i32
    %scan3A_51 = scf.for %scan3A_78 = %scan3A_47 to %scan3A_49 step %scan3A_50 iter_args(%scan3A_79 = %scan3A) -> (i32)  : i32 {
      %mul3A_80 = arith.constant 16 : i32
      %mul3A_81 = arith.muli %scan3A_78, %mul3A_80 : i32
      %get3A = arith.index_cast %mul3A_81 : i32 to index
      %get3A_82 = tpu.vector_load %arg5[%get3A] {strides = array<i32>} : memref<12288xf32, #tpu.memory_space<vmem>>, vector<16xf32>,
      %mul3A_83 = arith.constant 16 : i32
      %mul3A_84 = arith.muli %scan3A_78, %mul3A_83 : i32
      %add3A_85 = arith.constant 4096 : i32
      %add3A_86 = arith.addi %add3A_85, %mul3A_84 : i32
      %get3A_87 = arith.index_cast %add3A_86 : i32 to index
      %get3A_88 = tpu.vector_load %arg5[%get3A_87] {strides = array<i32>} : memref<12288xf32, #tpu.memory_space<vmem>>, vector<16xf32>,
      %mul3A_89 = arith.constant 16 : i32
      %mul3A_90 = arith.muli %scan3A_78, %mul3A_89 : i32
      %add3A_91 = arith.constant 8192 : i32
      %add3A_92 = arith.addi %add3A_91, %mul3A_90 : i32
      %get3A_93 = arith.index_cast %add3A_92 : i32 to index
      %get3A_94 = tpu.vector_load %arg5[%get3A_93] {strides = array<i32>} : memref<12288xf32, #tpu.memory_space<vmem>>, vector<16xf32>,
      %mul3A_95 = arith.mulf %get3A_82, %get3A_82 : vector<16xf32>
      %mul3A_96 = arith.mulf %get3A_88, %get3A_88 : vector<16xf32>
      %add3A_97 = arith.addf %mul3A_95, %mul3A_96 : vector<16xf32>
      %mul3A_98 = arith.mulf %get3A_94, %get3A_94 : vector<16xf32>
      %add3A_99 = arith.addf %add3A_97, %mul3A_98 : vector<16xf32>
      %mul3A_100 = arith.constant 16 : i32
      %mul3A_101 = arith.muli %scan3A_78, %mul3A_100 : i32
      %swap3A = arith.index_cast %mul3A_101 : i32 to index
      %swap3A_102 = tpu.vector_load %arg7[%swap3A] {strides = array<i32>} : memref<4096xf32, #tpu.memory_space<vmem>>, vector<16xf32>,
      tpu.vector_store %arg7[%swap3A], %add3A_99 {strides = array<i32>} : memref<4096xf32, #tpu.memory_space<vmem>>, vector<16xf32>,
      %bitcast_convert_type3A = tpu.bitcast %get3A_82 : vector<16xf32> -> vector<16xi32>
      %add3A_103 = arith.constant 32767 : i32
      %add3A_104 = vector.broadcast %add3A_103 : i32 to vector<16xi32>
      %add3A_105 = arith.addi %bitcast_convert_type3A, %add3A_104 : vector<16xi32>
      %shift_right_logical3A = arith.constant 16 : i32
      %shift_right_logical3A_106 = vector.broadcast %shift_right_logical3A : i32 to vector<16xi32>
      %shift_right_logical3A_107 = arith.shrui %bitcast_convert_type3A, %shift_right_logical3A_106 : vector<16xi32>
      %and3A_108 = arith.constant 1 : i32
      %and3A_109 = vector.broadcast %and3A_108 : i32 to vector<16xi32>
      %and3A_110 = arith.andi %shift_right_logical3A_107, %and3A_109 : vector<16xi32>
      %add3A_111 = arith.addi %add3A_105, %and3A_110 : vector<16xi32>
      %and3A_112 = arith.constant -65536 : i32
      %and3A_113 = vector.broadcast %and3A_112 : i32 to vector<16xi32>
      %and3A_114 = arith.andi %add3A_111, %and3A_113 : vector<16xi32>
      %bitcast_convert_type3A_115 = tpu.bitcast %and3A_114 : vector<16xi32> -> vector<16xf32>
      %mul3A_116 = arith.constant -2.000000e+00 : f32
      %mul3A_117 = vector.broadcast %mul3A_116 : f32 to vector<16xf32>
      %mul3A_118 = arith.mulf %mul3A_117, %bitcast_convert_type3A_115 : vector<16xf32>
      %mul3A_119 = arith.constant 16 : i32
      %mul3A_120 = arith.muli %scan3A_78, %mul3A_119 : i32
      %swap3A_121 = arith.index_cast %mul3A_120 : i32 to index
      %swap3A_122 = tpu.vector_load %arg6[%swap3A_121] {strides = array<i32>} : memref<12288xf32, #tpu.memory_space<vmem>>, vector<16xf32>,
      tpu.vector_store %arg6[%swap3A_121], %mul3A_118 {strides = array<i32>} : memref<12288xf32, #tpu.memory_space<vmem>>, vector<16xf32>,
      %bitcast_convert_type3A_123 = tpu.bitcast %get3A_88 : vector<16xf32> -> vector<16xi32>
      %add3A_124 = arith.constant 32767 : i32
      %add3A_125 = vector.broadcast %add3A_124 : i32 to vector<16xi32>
      %add3A_126 = arith.addi %bitcast_convert_type3A_123, %add3A_125 : vector<16xi32>
      %shift_right_logical3A_127 = arith.constant 16 : i32
      %shift_right_logical3A_128 = vector.broadcast %shift_right_logical3A_127 : i32 to vector<16xi32>
      %shift_right_logical3A_129 = arith.shrui %bitcast_convert_type3A_123, %shift_right_logical3A_128 : vector<16xi32>
      %and3A_130 = arith.constant 1 : i32
      %and3A_131 = vector.broadcast %and3A_130 : i32 to vector<16xi32>
      %and3A_132 = arith.andi %shift_right_logical3A_129, %and3A_131 : vector<16xi32>
      %add3A_133 = arith.addi %add3A_126, %and3A_132 : vector<16xi32>
      %and3A_134 = arith.constant -65536 : i32
      %and3A_135 = vector.broadcast %and3A_134 : i32 to vector<16xi32>
      %and3A_136 = arith.andi %add3A_133, %and3A_135 : vector<16xi32>
      %bitcast_convert_type3A_137 = tpu.bitcast %and3A_136 : vector<16xi32> -> vector<16xf32>
      %mul3A_138 = arith.constant -2.000000e+00 : f32
      %mul3A_139 = vector.broadcast %mul3A_138 : f32 to vector<16xf32>
      %mul3A_140 = arith.mulf %mul3A_139, %bitcast_convert_type3A_137 : vector<16xf32>
      %mul3A_141 = arith.constant 16 : i32
      %mul3A_142 = arith.muli %scan3A_78, %mul3A_141 : i32
      %add3A_143 = arith.constant 4096 : i32
      %add3A_144 = arith.addi %add3A_143, %mul3A_142 : i32
      %swap3A_145 = arith.index_cast %add3A_144 : i32 to index
      %swap3A_146 = tpu.vector_load %arg6[%swap3A_145] {strides = array<i32>} : memref<12288xf32, #tpu.memory_space<vmem>>, vector<16xf32>,
      tpu.vector_store %arg6[%swap3A_145], %mul3A_140 {strides = array<i32>} : memref<12288xf32, #tpu.memory_space<vmem>>, vector<16xf32>,
      %bitcast_convert_type3A_147 = tpu.bitcast %get3A_94 : vector<16xf32> -> vector<16xi32>
      %add3A_148 = arith.constant 32767 : i32
      %add3A_149 = vector.broadcast %add3A_148 : i32 to vector<16xi32>
      %add3A_150 = arith.addi %bitcast_convert_type3A_147, %add3A_149 : vector<16xi32>
      %shift_right_logical3A_151 = arith.constant 16 : i32
      %shift_right_logical3A_152 = vector.broadcast %shift_right_logical3A_151 : i32 to vector<16xi32>
      %shift_right_logical3A_153 = arith.shrui %bitcast_convert_type3A_147, %shift_right_logical3A_152 : vector<16xi32>
      %and3A_154 = arith.constant 1 : i32
      %and3A_155 = vector.broadcast %and3A_154 : i32 to vector<16xi32>
      %and3A_156 = arith.andi %shift_right_logical3A_153, %and3A_155 : vector<16xi32>
      %add3A_157 = arith.addi %add3A_150, %and3A_156 : vector<16xi32>
      %and3A_158 = arith.constant -65536 : i32
      %and3A_159 = vector.broadcast %and3A_158 : i32 to vector<16xi32>
      %and3A_160 = arith.andi %add3A_157, %and3A_159 : vector<16xi32>
      %bitcast_convert_type3A_161 = tpu.bitcast %and3A_160 : vector<16xi32> -> vector<16xf32>
      %mul3A_162 = arith.constant -2.000000e+00 : f32
      %mul3A_163 = vector.broadcast %mul3A_162 : f32 to vector<16xf32>
      %mul3A_164 = arith.mulf %mul3A_163, %bitcast_convert_type3A_161 : vector<16xf32>
      %mul3A_165 = arith.constant 16 : i32
      %mul3A_166 = arith.muli %scan3A_78, %mul3A_165 : i32
      %add3A_167 = arith.constant 8192 : i32
      %add3A_168 = arith.addi %add3A_167, %mul3A_166 : i32
      %swap3A_169 = arith.index_cast %add3A_168 : i32 to index
      %swap3A_170 = tpu.vector_load %arg6[%swap3A_169] {strides = array<i32>} : memref<12288xf32, #tpu.memory_space<vmem>>, vector<16xf32>,
      tpu.vector_store %arg6[%swap3A_169], %mul3A_164 {strides = array<i32>} : memref<12288xf32, #tpu.memory_space<vmem>>, vector<16xf32>,
      %scan3A_171 = arith.constant 0 : i32
      scf.yield %scan3A_171 : i32
    }
    %scan3A_52 = arith.constant 256 : i32
    %scan3A_53 = arith.constant 0 : i32
    %scan3A_54 = arith.constant 0 : i32
    %scan3A_55 = arith.constant 1152 : i32
    %scan3A_56 = arith.addi %scan3A_54, %scan3A_55 : i32
    %scan3A_57 = arith.constant 1 : i32
    %scan3A_58 = scf.for %scan3A_78 = %scan3A_54 to %scan3A_56 step %scan3A_57 iter_args(%scan3A_79 = %scan3A_53) -> (i32)  : i32 {
      %broadcast_in_dim3A_80 = arith.constant 0 : i32
      %broadcast_in_dim3A_81 = vector.broadcast %broadcast_in_dim3A_80 : i32 to vector<16xi32>
      %mul3A_82 = arith.constant 16 : i32
      %mul3A_83 = arith.muli %scan3A_78, %mul3A_82 : i32
      %swap3A = arith.index_cast %mul3A_83 : i32 to index
      %swap3A_84 = tpu.vector_load %arg12[%swap3A] {strides = array<i32>} : memref<18432xi32, #tpu.memory_space<vmem>>, vector<16xi32>,
      tpu.vector_store %arg12[%swap3A], %broadcast_in_dim3A_81 {strides = array<i32>} : memref<18432xi32, #tpu.memory_space<vmem>>, vector<16xi32>,
      %scan3A_85 = arith.constant 0 : i32
      scf.yield %scan3A_85 : i32
    }
    %scan3A_59 = arith.constant 1152 : i32
    %scan3A_60 = arith.constant 0 : i32
    %scan3A_61 = arith.constant 0 : i32
    %scan3A_62 = arith.constant 32 : i32
    %scan3A_63 = arith.addi %scan3A_61, %scan3A_62 : i32
    %scan3A_64 = arith.constant 1 : i32
    %scan3A_65 = scf.for %scan3A_78 = %scan3A_61 to %scan3A_63 step %scan3A_64 iter_args(%scan3A_79 = %scan3A_60) -> (i32)  : i32 {
      %mul3A_80 = arith.constant 16 : i32
      %mul3A_81 = arith.muli %scan3A_78, %mul3A_80 : i32
      %get3A = arith.index_cast %mul3A_81 : i32 to index
      %get3A_82 = tpu.vector_load %arg8[%get3A] {strides = array<i32>} : memref<1536xf32, #tpu.memory_space<vmem>>, vector<16xf32>,
      %mul3A_83 = arith.constant 16 : i32
      %mul3A_84 = arith.muli %scan3A_78, %mul3A_83 : i32
      %add3A_85 = arith.constant 512 : i32
      %add3A_86 = arith.addi %add3A_85, %mul3A_84 : i32
      %get3A_87 = arith.index_cast %add3A_86 : i32 to index
      %get3A_88 = tpu.vector_load %arg8[%get3A_87] {strides = array<i32>} : memref<1536xf32, #tpu.memory_space<vmem>>, vector<16xf32>,
      %mul3A_89 = arith.constant 16 : i32
      %mul3A_90 = arith.muli %scan3A_78, %mul3A_89 : i32
      %add3A_91 = arith.constant 1024 : i32
      %add3A_92 = arith.addi %add3A_91, %mul3A_90 : i32
      %get3A_93 = arith.index_cast %add3A_92 : i32 to index
      %get3A_94 = tpu.vector_load %arg8[%get3A_93] {strides = array<i32>} : memref<1536xf32, #tpu.memory_space<vmem>>, vector<16xf32>,
      %mul3A_95 = arith.mulf %get3A_82, %get3A_82 : vector<16xf32>
      %mul3A_96 = arith.mulf %get3A_88, %get3A_88 : vector<16xf32>
      %add3A_97 = arith.addf %mul3A_95, %mul3A_96 : vector<16xf32>
      %mul3A_98 = arith.mulf %get3A_94, %get3A_94 : vector<16xf32>
      %add3A_99 = arith.addf %add3A_97, %mul3A_98 : vector<16xf32>
      %mul3A_100 = arith.constant 16 : i32
      %mul3A_101 = arith.muli %scan3A_78, %mul3A_100 : i32
      %swap3A = arith.index_cast %mul3A_101 : i32 to index
      %swap3A_102 = tpu.vector_load %arg10[%swap3A] {strides = array<i32>} : memref<512xf32, #tpu.memory_space<vmem>>, vector<16xf32>,
      tpu.vector_store %arg10[%swap3A], %add3A_99 {strides = array<i32>} : memref<512xf32, #tpu.memory_space<vmem>>, vector<16xf32>,
      %bitcast_convert_type3A = tpu.bitcast %get3A_82 : vector<16xf32> -> vector<16xi32>
      %add3A_103 = arith.constant 32767 : i32
      %add3A_104 = vector.broadcast %add3A_103 : i32 to vector<16xi32>
      %add3A_105 = arith.addi %bitcast_convert_type3A, %add3A_104 : vector<16xi32>
      %shift_right_logical3A = arith.constant 16 : i32
      %shift_right_logical3A_106 = vector.broadcast %shift_right_logical3A : i32 to vector<16xi32>
      %shift_right_logical3A_107 = arith.shrui %bitcast_convert_type3A, %shift_right_logical3A_106 : vector<16xi32>
      %and3A_108 = arith.constant 1 : i32
      %and3A_109 = vector.broadcast %and3A_108 : i32 to vector<16xi32>
      %and3A_110 = arith.andi %shift_right_logical3A_107, %and3A_109 : vector<16xi32>
      %add3A_111 = arith.addi %add3A_105, %and3A_110 : vector<16xi32>
      %and3A_112 = arith.constant -65536 : i32
      %and3A_113 = vector.broadcast %and3A_112 : i32 to vector<16xi32>
      %and3A_114 = arith.andi %add3A_111, %and3A_113 : vector<16xi32>
      %bitcast_convert_type3A_115 = tpu.bitcast %and3A_114 : vector<16xi32> -> vector<16xf32>
      %mul3A_116 = arith.constant 16 : i32
      %mul3A_117 = arith.muli %scan3A_78, %mul3A_116 : i32
      %swap3A_118 = arith.index_cast %mul3A_117 : i32 to index
      %swap3A_119 = tpu.vector_load %arg9[%swap3A_118] {strides = array<i32>} : memref<1536xf32, #tpu.memory_space<vmem>>, vector<16xf32>,
      tpu.vector_store %arg9[%swap3A_118], %bitcast_convert_type3A_115 {strides = array<i32>} : memref<1536xf32, #tpu.memory_space<vmem>>, vector<16xf32>,
      %bitcast_convert_type3A_120 = tpu.bitcast %get3A_88 : vector<16xf32> -> vector<16xi32>
      %add3A_121 = arith.constant 32767 : i32
      %add3A_122 = vector.broadcast %add3A_121 : i32 to vector<16xi32>
      %add3A_123 = arith.addi %bitcast_convert_type3A_120, %add3A_122 : vector<16xi32>
      %shift_right_logical3A_124 = arith.constant 16 : i32
      %shift_right_logical3A_125 = vector.broadcast %shift_right_logical3A_124 : i32 to vector<16xi32>
      %shift_right_logical3A_126 = arith.shrui %bitcast_convert_type3A_120, %shift_right_logical3A_125 : vector<16xi32>
      %and3A_127 = arith.constant 1 : i32
      %and3A_128 = vector.broadcast %and3A_127 : i32 to vector<16xi32>
      %and3A_129 = arith.andi %shift_right_logical3A_126, %and3A_128 : vector<16xi32>
      %add3A_130 = arith.addi %add3A_123, %and3A_129 : vector<16xi32>
      %and3A_131 = arith.constant -65536 : i32
      %and3A_132 = vector.broadcast %and3A_131 : i32 to vector<16xi32>
      %and3A_133 = arith.andi %add3A_130, %and3A_132 : vector<16xi32>
      %bitcast_convert_type3A_134 = tpu.bitcast %and3A_133 : vector<16xi32> -> vector<16xf32>
      %mul3A_135 = arith.constant 16 : i32
      %mul3A_136 = arith.muli %scan3A_78, %mul3A_135 : i32
      %add3A_137 = arith.constant 512 : i32
      %add3A_138 = arith.addi %add3A_137, %mul3A_136 : i32
      %swap3A_139 = arith.index_cast %add3A_138 : i32 to index
      %swap3A_140 = tpu.vector_load %arg9[%swap3A_139] {strides = array<i32>} : memref<1536xf32, #tpu.memory_space<vmem>>, vector<16xf32>,
      tpu.vector_store %arg9[%swap3A_139], %bitcast_convert_type3A_134 {strides = array<i32>} : memref<1536xf32, #tpu.memory_space<vmem>>, vector<16xf32>,
      %bitcast_convert_type3A_141 = tpu.bitcast %get3A_94 : vector<16xf32> -> vector<16xi32>
      %add3A_142 = arith.constant 32767 : i32
      %add3A_143 = vector.broadcast %add3A_142 : i32 to vector<16xi32>
      %add3A_144 = arith.addi %bitcast_convert_type3A_141, %add3A_143 : vector<16xi32>
      %shift_right_logical3A_145 = arith.constant 16 : i32
      %shift_right_logical3A_146 = vector.broadcast %shift_right_logical3A_145 : i32 to vector<16xi32>
      %shift_right_logical3A_147 = arith.shrui %bitcast_convert_type3A_141, %shift_right_logical3A_146 : vector<16xi32>
      %and3A_148 = arith.constant 1 : i32
      %and3A_149 = vector.broadcast %and3A_148 : i32 to vector<16xi32>
      %and3A_150 = arith.andi %shift_right_logical3A_147, %and3A_149 : vector<16xi32>
      %add3A_151 = arith.addi %add3A_144, %and3A_150 : vector<16xi32>
      %and3A_152 = arith.constant -65536 : i32
      %and3A_153 = vector.broadcast %and3A_152 : i32 to vector<16xi32>
      %and3A_154 = arith.andi %add3A_151, %and3A_153 : vector<16xi32>
      %bitcast_convert_type3A_155 = tpu.bitcast %and3A_154 : vector<16xi32> -> vector<16xf32>
      %mul3A_156 = arith.constant 16 : i32
      %mul3A_157 = arith.muli %scan3A_78, %mul3A_156 : i32
      %add3A_158 = arith.constant 1024 : i32
      %add3A_159 = arith.addi %add3A_158, %mul3A_157 : i32
      %swap3A_160 = arith.index_cast %add3A_159 : i32 to index
      %swap3A_161 = tpu.vector_load %arg9[%swap3A_160] {strides = array<i32>} : memref<1536xf32, #tpu.memory_space<vmem>>, vector<16xf32>,
      tpu.vector_store %arg9[%swap3A_160], %bitcast_convert_type3A_155 {strides = array<i32>} : memref<1536xf32, #tpu.memory_space<vmem>>, vector<16xf32>,
      %scan3A_162 = arith.constant 0 : i32
      scf.yield %scan3A_162 : i32
    }
    %scan3A_66 = arith.constant 32 : i32
    %scan3A_67 = arith.constant 0 : i32
    %scan3A_68 = arith.constant 0 : i32
    %scan3A_69 = arith.constant 64 : i32
    %scan3A_70 = arith.addi %scan3A_68, %scan3A_69 : i32
    %scan3A_71 = arith.constant 1 : i32
    %scan3A_72 = scf.for %scan3A_78 = %scan3A_68 to %scan3A_70 step %scan3A_71 iter_args(%scan3A_79 = %scan3A_67) -> (i32)  : i32 {
      %mul3A_80 = arith.constant 8 : i32
      %mul3A_81 = arith.muli %scan3A_78, %mul3A_80 : i32
      %jit3A_82 = arith.constant 16 : i32
      %div3A_83 = arith.divsi %mul3A_81, %jit3A_82 : i32
      %sign3A_84 = arith.constant 0 : i32
      %sign3A_85 = arith.cmpi sgt, %mul3A_81, %sign3A_84 : i32
      %sign3A_86 = arith.extui %sign3A_85 : i1 to i32
      %sign3A_87 = arith.constant 0 : i32
      %sign3A_88 = arith.cmpi slt, %mul3A_81, %sign3A_87 : i32
      %sign3A_89 = arith.extui %sign3A_88 : i1 to i32
      %sign3A_90 = arith.subi %sign3A_86, %sign3A_89 : i32
      %sign3A_91 = arith.constant 0 : i32
      %sign3A_92 = arith.cmpi sgt, %jit3A_82, %sign3A_91 : i32
      %sign3A_93 = arith.extui %sign3A_92 : i1 to i32
      %sign3A_94 = arith.constant 0 : i32
      %sign3A_95 = arith.cmpi slt, %jit3A_82, %sign3A_94 : i32
      %sign3A_96 = arith.extui %sign3A_95 : i1 to i32
      %sign3A_97 = arith.subi %sign3A_93, %sign3A_96 : i32
      %ne3A_98 = arith.cmpi ne, %sign3A_90, %sign3A_97 : i32
      %rem3A_99 = arith.remsi %mul3A_81, %jit3A_82 : i32
      %ne3A_100 = arith.constant 0 : i32
      %ne3A_101 = arith.cmpi ne, %rem3A_99, %ne3A_100 : i32
      %and3A_102 = arith.andi %ne3A_98, %ne3A_101 : i1
      %sub3A_103 = arith.constant 1 : i32
      %sub3A_104 = arith.subi %div3A_83, %sub3A_103 : i32
      %select_n3A_105 = arith.select %and3A_102, %sub3A_104, %div3A_83 : i32
      %mul3A_106 = arith.constant 16 : i32
      %mul3A_107 = arith.muli %select_n3A_105, %mul3A_106 : i32
      %sub3A_108 = arith.subi %mul3A_81, %mul3A_107 : i32
      %get3A = arith.index_cast %mul3A_107 : i32 to index
      %get3A_109 = tpu.vector_load %arg9[%get3A] {strides = array<i32>} : memref<1536xf32, #tpu.memory_space<vmem>>, vector<16xf32>,
      %add3A_110 = arith.constant 512 : i32
      %add3A_111 = arith.addi %add3A_110, %mul3A_107 : i32
      %get3A_112 = arith.index_cast %add3A_111 : i32 to index
      %get3A_113 = tpu.vector_load %arg9[%get3A_112] {strides = array<i32>} : memref<1536xf32, #tpu.memory_space<vmem>>, vector<16xf32>,
      %add3A_114 = arith.constant 1024 : i32
      %add3A_115 = arith.addi %add3A_114, %mul3A_107 : i32
      %get3A_116 = arith.index_cast %add3A_115 : i32 to index
      %get3A_117 = tpu.vector_load %arg9[%get3A_116] {strides = array<i32>} : memref<1536xf32, #tpu.memory_space<vmem>>, vector<16xf32>,
      %get3A_118 = arith.index_cast %mul3A_107 : i32 to index
      %get3A_119 = tpu.vector_load %arg10[%get3A_118] {strides = array<i32>} : memref<512xf32, #tpu.memory_space<vmem>>, vector<16xf32>,
      %add3A_120 = arith.constant 0 : i32
      %add3A_121 = arith.addi %sub3A_108, %add3A_120 : i32
      %broadcast_in_dim3A_122 = vector.broadcast %add3A_121 : i32 to vector<16xi32>
      %broadcast_in_dim3A_123 = vector.shape_cast %broadcast_in_dim3A_122 : vector<16xi32> to vector<16x1xi32>
      %gather3A = vector.shape_cast %broadcast_in_dim3A_123 : vector<16x1xi32> to vector<16xi32>
      %gather3A_124 = tpu.dynamic_gather %get3A_109[%gather3A] in [0] : vector<16xf32>, vector<16xi32> -> vector<16xf32>
      %broadcast_in_dim3A_125 = vector.shape_cast %broadcast_in_dim3A_122 : vector<16xi32> to vector<16x1xi32>
      %gather3A_126 = vector.shape_cast %broadcast_in_dim3A_125 : vector<16x1xi32> to vector<16xi32>
      %gather3A_127 = tpu.dynamic_gather %get3A_113[%gather3A_126] in [0] : vector<16xf32>, vector<16xi32> -> vector<16xf32>
      %broadcast_in_dim3A_128 = vector.shape_cast %broadcast_in_dim3A_122 : vector<16xi32> to vector<16x1xi32>
      %gather3A_129 = vector.shape_cast %broadcast_in_dim3A_128 : vector<16x1xi32> to vector<16xi32>
      %gather3A_130 = tpu.dynamic_gather %get3A_117[%gather3A_129] in [0] : vector<16xf32>, vector<16xi32> -> vector<16xf32>
      %broadcast_in_dim3A_131 = vector.shape_cast %broadcast_in_dim3A_122 : vector<16xi32> to vector<16x1xi32>
      %gather3A_132 = vector.shape_cast %broadcast_in_dim3A_131 : vector<16x1xi32> to vector<16xi32>
      %gather3A_133 = tpu.dynamic_gather %get3A_119[%gather3A_132] in [0] : vector<16xf32>, vector<16xi32> -> vector<16xf32>
      %add3A_134 = arith.constant 1 : i32
      %add3A_135 = arith.addi %sub3A_108, %add3A_134 : i32
      %broadcast_in_dim3A_136 = vector.broadcast %add3A_135 : i32 to vector<16xi32>
      %broadcast_in_dim3A_137 = vector.shape_cast %broadcast_in_dim3A_136 : vector<16xi32> to vector<16x1xi32>
      %gather3A_138 = vector.shape_cast %broadcast_in_dim3A_137 : vector<16x1xi32> to vector<16xi32>
      %gather3A_139 = tpu.dynamic_gather %get3A_109[%gather3A_138] in [0] : vector<16xf32>, vector<16xi32> -> vector<16xf32>
      %broadcast_in_dim3A_140 = vector.shape_cast %broadcast_in_dim3A_136 : vector<16xi32> to vector<16x1xi32>
      %gather3A_141 = vector.shape_cast %broadcast_in_dim3A_140 : vector<16x1xi32> to vector<16xi32>
      %gather3A_142 = tpu.dynamic_gather %get3A_113[%gather3A_141] in [0] : vector<16xf32>, vector<16xi32> -> vector<16xf32>
      %broadcast_in_dim3A_143 = vector.shape_cast %broadcast_in_dim3A_136 : vector<16xi32> to vector<16x1xi32>
      %gather3A_144 = vector.shape_cast %broadcast_in_dim3A_143 : vector<16x1xi32> to vector<16xi32>
      %gather3A_145 = tpu.dynamic_gather %get3A_117[%gather3A_144] in [0] : vector<16xf32>, vector<16xi32> -> vector<16xf32>
      %broadcast_in_dim3A_146 = vector.shape_cast %broadcast_in_dim3A_136 : vector<16xi32> to vector<16x1xi32>
      %gather3A_147 = vector.shape_cast %broadcast_in_dim3A_146 : vector<16x1xi32> to vector<16xi32>
      %gather3A_148 = tpu.dynamic_gather %get3A_119[%gather3A_147] in [0] : vector<16xf32>, vector<16xi32> -> vector<16xf32>
      %add3A_149 = arith.constant 2 : i32
      %add3A_150 = arith.addi %sub3A_108, %add3A_149 : i32
      %broadcast_in_dim3A_151 = vector.broadcast %add3A_150 : i32 to vector<16xi32>
      %broadcast_in_dim3A_152 = vector.shape_cast %broadcast_in_dim3A_151 : vector<16xi32> to vector<16x1xi32>
      %gather3A_153 = vector.shape_cast %broadcast_in_dim3A_152 : vector<16x1xi32> to vector<16xi32>
      %gather3A_154 = tpu.dynamic_gather %get3A_109[%gather3A_153] in [0] : vector<16xf32>, vector<16xi32> -> vector<16xf32>
      %broadcast_in_dim3A_155 = vector.shape_cast %broadcast_in_dim3A_151 : vector<16xi32> to vector<16x1xi32>
      %gather3A_156 = vector.shape_cast %broadcast_in_dim3A_155 : vector<16x1xi32> to vector<16xi32>
      %gather3A_157 = tpu.dynamic_gather %get3A_113[%gather3A_156] in [0] : vector<16xf32>, vector<16xi32> -> vector<16xf32>
      %broadcast_in_dim3A_158 = vector.shape_cast %broadcast_in_dim3A_151 : vector<16xi32> to vector<16x1xi32>
      %gather3A_159 = vector.shape_cast %broadcast_in_dim3A_158 : vector<16x1xi32> to vector<16xi32>
      %gather3A_160 = tpu.dynamic_gather %get3A_117[%gather3A_159] in [0] : vector<16xf32>, vector<16xi32> -> vector<16xf32>
      %broadcast_in_dim3A_161 = vector.shape_cast %broadcast_in_dim3A_151 : vector<16xi32> to vector<16x1xi32>
      %gather3A_162 = vector.shape_cast %broadcast_in_dim3A_161 : vector<16x1xi32> to vector<16xi32>
      %gather3A_163 = tpu.dynamic_gather %get3A_119[%gather3A_162] in [0] : vector<16xf32>, vector<16xi32> -> vector<16xf32>
      %add3A_164 = arith.constant 3 : i32
      %add3A_165 = arith.addi %sub3A_108, %add3A_164 : i32
      %broadcast_in_dim3A_166 = vector.broadcast %add3A_165 : i32 to vector<16xi32>
      %broadcast_in_dim3A_167 = vector.shape_cast %broadcast_in_dim3A_166 : vector<16xi32> to vector<16x1xi32>
      %gather3A_168 = vector.shape_cast %broadcast_in_dim3A_167 : vector<16x1xi32> to vector<16xi32>
      %gather3A_169 = tpu.dynamic_gather %get3A_109[%gather3A_168] in [0] : vector<16xf32>, vector<16xi32> -> vector<16xf32>
      %broadcast_in_dim3A_170 = vector.shape_cast %broadcast_in_dim3A_166 : vector<16xi32> to vector<16x1xi32>
      %gather3A_171 = vector.shape_cast %broadcast_in_dim3A_170 : vector<16x1xi32> to vector<16xi32>
      %gather3A_172 = tpu.dynamic_gather %get3A_113[%gather3A_171] in [0] : vector<16xf32>, vector<16xi32> -> vector<16xf32>
      %broadcast_in_dim3A_173 = vector.shape_cast %broadcast_in_dim3A_166 : vector<16xi32> to vector<16x1xi32>
      %gather3A_174 = vector.shape_cast %broadcast_in_dim3A_173 : vector<16x1xi32> to vector<16xi32>
      %gather3A_175 = tpu.dynamic_gather %get3A_117[%gather3A_174] in [0] : vector<16xf32>, vector<16xi32> -> vector<16xf32>
      %broadcast_in_dim3A_176 = vector.shape_cast %broadcast_in_dim3A_166 : vector<16xi32> to vector<16x1xi32>
      %gather3A_177 = vector.shape_cast %broadcast_in_dim3A_176 : vector<16x1xi32> to vector<16xi32>
      %gather3A_178 = tpu.dynamic_gather %get3A_119[%gather3A_177] in [0] : vector<16xf32>, vector<16xi32> -> vector<16xf32>
      %add3A_179 = arith.constant 4 : i32
      %add3A_180 = arith.addi %sub3A_108, %add3A_179 : i32
      %broadcast_in_dim3A_181 = vector.broadcast %add3A_180 : i32 to vector<16xi32>
      %broadcast_in_dim3A_182 = vector.shape_cast %broadcast_in_dim3A_181 : vector<16xi32> to vector<16x1xi32>
      %gather3A_183 = vector.shape_cast %broadcast_in_dim3A_182 : vector<16x1xi32> to vector<16xi32>
      %gather3A_184 = tpu.dynamic_gather %get3A_109[%gather3A_183] in [0] : vector<16xf32>, vector<16xi32> -> vector<16xf32>
      %broadcast_in_dim3A_185 = vector.shape_cast %broadcast_in_dim3A_181 : vector<16xi32> to vector<16x1xi32>
      %gather3A_186 = vector.shape_cast %broadcast_in_dim3A_185 : vector<16x1xi32> to vector<16xi32>
      %gather3A_187 = tpu.dynamic_gather %get3A_113[%gather3A_186] in [0] : vector<16xf32>, vector<16xi32> -> vector<16xf32>
      %broadcast_in_dim3A_188 = vector.shape_cast %broadcast_in_dim3A_181 : vector<16xi32> to vector<16x1xi32>
      %gather3A_189 = vector.shape_cast %broadcast_in_dim3A_188 : vector<16x1xi32> to vector<16xi32>
      %gather3A_190 = tpu.dynamic_gather %get3A_117[%gather3A_189] in [0] : vector<16xf32>, vector<16xi32> -> vector<16xf32>
      %broadcast_in_dim3A_191 = vector.shape_cast %broadcast_in_dim3A_181 : vector<16xi32> to vector<16x1xi32>
      %gather3A_192 = vector.shape_cast %broadcast_in_dim3A_191 : vector<16x1xi32> to vector<16xi32>
      %gather3A_193 = tpu.dynamic_gather %get3A_119[%gather3A_192] in [0] : vector<16xf32>, vector<16xi32> -> vector<16xf32>
      %add3A_194 = arith.constant 5 : i32
      %add3A_195 = arith.addi %sub3A_108, %add3A_194 : i32
      %broadcast_in_dim3A_196 = vector.broadcast %add3A_195 : i32 to vector<16xi32>
      %broadcast_in_dim3A_197 = vector.shape_cast %broadcast_in_dim3A_196 : vector<16xi32> to vector<16x1xi32>
      %gather3A_198 = vector.shape_cast %broadcast_in_dim3A_197 : vector<16x1xi32> to vector<16xi32>
      %gather3A_199 = tpu.dynamic_gather %get3A_109[%gather3A_198] in [0] : vector<16xf32>, vector<16xi32> -> vector<16xf32>
      %broadcast_in_dim3A_200 = vector.shape_cast %broadcast_in_dim3A_196 : vector<16xi32> to vector<16x1xi32>
      %gather3A_201 = vector.shape_cast %broadcast_in_dim3A_200 : vector<16x1xi32> to vector<16xi32>
      %gather3A_202 = tpu.dynamic_gather %get3A_113[%gather3A_201] in [0] : vector<16xf32>, vector<16xi32> -> vector<16xf32>
      %broadcast_in_dim3A_203 = vector.shape_cast %broadcast_in_dim3A_196 : vector<16xi32> to vector<16x1xi32>
      %gather3A_204 = vector.shape_cast %broadcast_in_dim3A_203 : vector<16x1xi32> to vector<16xi32>
      %gather3A_205 = tpu.dynamic_gather %get3A_117[%gather3A_204] in [0] : vector<16xf32>, vector<16xi32> -> vector<16xf32>
      %broadcast_in_dim3A_206 = vector.shape_cast %broadcast_in_dim3A_196 : vector<16xi32> to vector<16x1xi32>
      %gather3A_207 = vector.shape_cast %broadcast_in_dim3A_206 : vector<16x1xi32> to vector<16xi32>
      %gather3A_208 = tpu.dynamic_gather %get3A_119[%gather3A_207] in [0] : vector<16xf32>, vector<16xi32> -> vector<16xf32>
      %add3A_209 = arith.constant 6 : i32
      %add3A_210 = arith.addi %sub3A_108, %add3A_209 : i32
      %broadcast_in_dim3A_211 = vector.broadcast %add3A_210 : i32 to vector<16xi32>
      %broadcast_in_dim3A_212 = vector.shape_cast %broadcast_in_dim3A_211 : vector<16xi32> to vector<16x1xi32>
      %gather3A_213 = vector.shape_cast %broadcast_in_dim3A_212 : vector<16x1xi32> to vector<16xi32>
      %gather3A_214 = tpu.dynamic_gather %get3A_109[%gather3A_213] in [0] : vector<16xf32>, vector<16xi32> -> vector<16xf32>
      %broadcast_in_dim3A_215 = vector.shape_cast %broadcast_in_dim3A_211 : vector<16xi32> to vector<16x1xi32>
      %gather3A_216 = vector.shape_cast %broadcast_in_dim3A_215 : vector<16x1xi32> to vector<16xi32>
      %gather3A_217 = tpu.dynamic_gather %get3A_113[%gather3A_216] in [0] : vector<16xf32>, vector<16xi32> -> vector<16xf32>
      %broadcast_in_dim3A_218 = vector.shape_cast %broadcast_in_dim3A_211 : vector<16xi32> to vector<16x1xi32>
      %gather3A_219 = vector.shape_cast %broadcast_in_dim3A_218 : vector<16x1xi32> to vector<16xi32>
      %gather3A_220 = tpu.dynamic_gather %get3A_117[%gather3A_219] in [0] : vector<16xf32>, vector<16xi32> -> vector<16xf32>
      %broadcast_in_dim3A_221 = vector.shape_cast %broadcast_in_dim3A_211 : vector<16xi32> to vector<16x1xi32>
      %gather3A_222 = vector.shape_cast %broadcast_in_dim3A_221 : vector<16x1xi32> to vector<16xi32>
      %gather3A_223 = tpu.dynamic_gather %get3A_119[%gather3A_222] in [0] : vector<16xf32>, vector<16xi32> -> vector<16xf32>
      %add3A_224 = arith.constant 7 : i32
      %add3A_225 = arith.addi %sub3A_108, %add3A_224 : i32
      %broadcast_in_dim3A_226 = vector.broadcast %add3A_225 : i32 to vector<16xi32>
      %broadcast_in_dim3A_227 = vector.shape_cast %broadcast_in_dim3A_226 : vector<16xi32> to vector<16x1xi32>
      %gather3A_228 = vector.shape_cast %broadcast_in_dim3A_227 : vector<16x1xi32> to vector<16xi32>
      %gather3A_229 = tpu.dynamic_gather %get3A_109[%gather3A_228] in [0] : vector<16xf32>, vector<16xi32> -> vector<16xf32>
      %broadcast_in_dim3A_230 = vector.shape_cast %broadcast_in_dim3A_226 : vector<16xi32> to vector<16x1xi32>
      %gather3A_231 = vector.shape_cast %broadcast_in_dim3A_230 : vector<16x1xi32> to vector<16xi32>
      %gather3A_232 = tpu.dynamic_gather %get3A_113[%gather3A_231] in [0] : vector<16xf32>, vector<16xi32> -> vector<16xf32>
      %broadcast_in_dim3A_233 = vector.shape_cast %broadcast_in_dim3A_226 : vector<16xi32> to vector<16x1xi32>
      %gather3A_234 = vector.shape_cast %broadcast_in_dim3A_233 : vector<16x1xi32> to vector<16xi32>
      %gather3A_235 = tpu.dynamic_gather %get3A_117[%gather3A_234] in [0] : vector<16xf32>, vector<16xi32> -> vector<16xf32>
      %broadcast_in_dim3A_236 = vector.shape_cast %broadcast_in_dim3A_226 : vector<16xi32> to vector<16x1xi32>
      %gather3A_237 = vector.shape_cast %broadcast_in_dim3A_236 : vector<16x1xi32> to vector<16xi32>
      %gather3A_238 = tpu.dynamic_gather %get3A_119[%gather3A_237] in [0] : vector<16xf32>, vector<16xi32> -> vector<16xf32>
      %scan3A_239 = arith.constant 0 : i32
      %scan3A_240 = arith.constant 0 : i32
      %scan3A_241 = arith.constant 128 : i32
      %scan3A_242 = arith.addi %scan3A_240, %scan3A_241 : i32
      %scan3A_243 = arith.constant 1 : i32
      %scan3A_244 = scf.for %scan3A_254 = %scan3A_240 to %scan3A_242 step %scan3A_243 iter_args(%scan3A_255 = %scan3A_239) -> (i32)  : i32 {
        %mul3A_256 = arith.constant 2 : i32
        %mul3A_257 = arith.muli %scan3A_254, %mul3A_256 : i32
        %add3A_258 = arith.constant 0 : i32
        %add3A_259 = arith.addi %mul3A_257, %add3A_258 : i32
        %mul3A_260 = arith.constant 16 : i32
        %mul3A_261 = arith.muli %add3A_259, %mul3A_260 : i32
        %get3A_262 = arith.index_cast %mul3A_261 : i32 to index
        %get3A_263 = tpu.vector_load %arg6[%get3A_262] {strides = array<i32>} : memref<12288xf32, #tpu.memory_space<vmem>>, vector<16xf32>,
        %mul3A_264 = arith.constant 16 : i32
        %mul3A_265 = arith.muli %add3A_259, %mul3A_264 : i32
        %add3A_266 = arith.constant 4096 : i32
        %add3A_267 = arith.addi %add3A_266, %mul3A_265 : i32
        %get3A_268 = arith.index_cast %add3A_267 : i32 to index
        %get3A_269 = tpu.vector_load %arg6[%get3A_268] {strides = array<i32>} : memref<12288xf32, #tpu.memory_space<vmem>>, vector<16xf32>,
        %mul3A_270 = arith.constant 16 : i32
        %mul3A_271 = arith.muli %add3A_259, %mul3A_270 : i32
        %add3A_272 = arith.constant 8192 : i32
        %add3A_273 = arith.addi %add3A_272, %mul3A_271 : i32
        %get3A_274 = arith.index_cast %add3A_273 : i32 to index
        %get3A_275 = tpu.vector_load %arg6[%get3A_274] {strides = array<i32>} : memref<12288xf32, #tpu.memory_space<vmem>>, vector<16xf32>,
        %mul3A_276 = arith.constant 16 : i32
        %mul3A_277 = arith.muli %add3A_259, %mul3A_276 : i32
        %get3A_278 = arith.index_cast %mul3A_277 : i32 to index
        %get3A_279 = tpu.vector_load %arg7[%get3A_278] {strides = array<i32>} : memref<4096xf32, #tpu.memory_space<vmem>>, vector<16xf32>,
        %mul3A_280 = arith.mulf %gather3A_124, %get3A_263 : vector<16xf32>
        %mul3A_281 = arith.mulf %gather3A_127, %get3A_269 : vector<16xf32>
        %add3A_282 = arith.addf %mul3A_280, %mul3A_281 : vector<16xf32>
        %mul3A_283 = arith.mulf %gather3A_130, %get3A_275 : vector<16xf32>
        %add3A_284 = arith.addf %add3A_282, %mul3A_283 : vector<16xf32>
        %add3A_285 = arith.addf %get3A_279, %gather3A_133 : vector<16xf32>
        %add3A_286 = arith.addf %add3A_285, %add3A_284 : vector<16xf32>
        %max3A = arith.constant 0.000000e+00 : f32
        %max3A_287 = vector.broadcast %max3A : f32 to vector<16xf32>
        %max3A_288 = arith.maximumf %add3A_286, %max3A_287 : vector<16xf32>
        %mul3A_289 = arith.constant 16 : i32
        %mul3A_290 = arith.muli %add3A_259, %mul3A_289 : i32
        %add3A_291 = arith.constant 0 : i32
        %add3A_292 = arith.addi %add3A_291, %mul3A_290 : i32
        %swap3A = arith.index_cast %add3A_292 : i32 to index
        %swap3A_293 = tpu.vector_load %arg11[%swap3A] {strides = array<i32>} : memref<32768xf32, #tpu.memory_space<vmem>>, vector<16xf32>,
        tpu.vector_store %arg11[%swap3A], %max3A_288 {strides = array<i32>} : memref<32768xf32, #tpu.memory_space<vmem>>, vector<16xf32>,
        %bitcast_convert_type3A = tpu.bitcast %max3A_288 : vector<16xf32> -> vector<16xi32>
        %shift_right_logical3A = arith.constant 23 : i32
        %shift_right_logical3A_294 = vector.broadcast %shift_right_logical3A : i32 to vector<16xi32>
        %shift_right_logical3A_295 = arith.shrui %bitcast_convert_type3A, %shift_right_logical3A_294 : vector<16xi32>
        %add3A_296 = arith.constant 0 : i32
        %add3A_297 = vector.broadcast %add3A_296 : i32 to vector<16xi32>
        %add3A_298 = arith.addi %add3A_297, %iota3A : vector<16xi32>
        %mul3A_299 = arith.constant 144 : i32
        %mul3A_300 = vector.broadcast %mul3A_299 : i32 to vector<16xi32>
        %mul3A_301 = arith.muli %add3A_298, %mul3A_300 : vector<16xi32>
        %add3A_302 = arith.addi %mul3A_301, %shift_right_logical3A_295 : vector<16xi32>
        tpu.vector_store_idx %arg12[%add3A_302], %broadcast_in_dim3A_37 {add = true} : memref<18432xi32, #tpu.memory_space<vmem>>[vector<16xi32>], vector<16xi32>,
        %mul3A_303 = arith.mulf %gather3A_139, %get3A_263 : vector<16xf32>
        %mul3A_304 = arith.mulf %gather3A_142, %get3A_269 : vector<16xf32>
        %add3A_305 = arith.addf %mul3A_303, %mul3A_304 : vector<16xf32>
        %mul3A_306 = arith.mulf %gather3A_145, %get3A_275 : vector<16xf32>
        %add3A_307 = arith.addf %add3A_305, %mul3A_306 : vector<16xf32>
        %add3A_308 = arith.addf %get3A_279, %gather3A_148 : vector<16xf32>
        %add3A_309 = arith.addf %add3A_308, %add3A_307 : vector<16xf32>
        %max3A_310 = arith.constant 0.000000e+00 : f32
        %max3A_311 = vector.broadcast %max3A_310 : f32 to vector<16xf32>
        %max3A_312 = arith.maximumf %add3A_309, %max3A_311 : vector<16xf32>
        %mul3A_313 = arith.constant 16 : i32
        %mul3A_314 = arith.muli %add3A_259, %mul3A_313 : i32
        %add3A_315 = arith.constant 4096 : i32
        %add3A_316 = arith.addi %add3A_315, %mul3A_314 : i32
        %swap3A_317 = arith.index_cast %add3A_316 : i32 to index
        %swap3A_318 = tpu.vector_load %arg11[%swap3A_317] {strides = array<i32>} : memref<32768xf32, #tpu.memory_space<vmem>>, vector<16xf32>,
        tpu.vector_store %arg11[%swap3A_317], %max3A_312 {strides = array<i32>} : memref<32768xf32, #tpu.memory_space<vmem>>, vector<16xf32>,
        %bitcast_convert_type3A_319 = tpu.bitcast %max3A_312 : vector<16xf32> -> vector<16xi32>
        %shift_right_logical3A_320 = arith.constant 23 : i32
        %shift_right_logical3A_321 = vector.broadcast %shift_right_logical3A_320 : i32 to vector<16xi32>
        %shift_right_logical3A_322 = arith.shrui %bitcast_convert_type3A_319, %shift_right_logical3A_321 : vector<16xi32>
        %add3A_323 = arith.constant 16 : i32
        %add3A_324 = vector.broadcast %add3A_323 : i32 to vector<16xi32>
        %add3A_325 = arith.addi %add3A_324, %iota3A : vector<16xi32>
        %mul3A_326 = arith.constant 144 : i32
        %mul3A_327 = vector.broadcast %mul3A_326 : i32 to vector<16xi32>
        %mul3A_328 = arith.muli %add3A_325, %mul3A_327 : vector<16xi32>
        %add3A_329 = arith.addi %mul3A_328, %shift_right_logical3A_322 : vector<16xi32>
        tpu.vector_store_idx %arg12[%add3A_329], %broadcast_in_dim3A_37 {add = true} : memref<18432xi32, #tpu.memory_space<vmem>>[vector<16xi32>], vector<16xi32>,
        %mul3A_330 = arith.mulf %gather3A_154, %get3A_263 : vector<16xf32>
        %mul3A_331 = arith.mulf %gather3A_157, %get3A_269 : vector<16xf32>
        %add3A_332 = arith.addf %mul3A_330, %mul3A_331 : vector<16xf32>
        %mul3A_333 = arith.mulf %gather3A_160, %get3A_275 : vector<16xf32>
        %add3A_334 = arith.addf %add3A_332, %mul3A_333 : vector<16xf32>
        %add3A_335 = arith.addf %get3A_279, %gather3A_163 : vector<16xf32>
        %add3A_336 = arith.addf %add3A_335, %add3A_334 : vector<16xf32>
        %max3A_337 = arith.constant 0.000000e+00 : f32
        %max3A_338 = vector.broadcast %max3A_337 : f32 to vector<16xf32>
        %max3A_339 = arith.maximumf %add3A_336, %max3A_338 : vector<16xf32>
        %mul3A_340 = arith.constant 16 : i32
        %mul3A_341 = arith.muli %add3A_259, %mul3A_340 : i32
        %add3A_342 = arith.constant 8192 : i32
        %add3A_343 = arith.addi %add3A_342, %mul3A_341 : i32
        %swap3A_344 = arith.index_cast %add3A_343 : i32 to index
        %swap3A_345 = tpu.vector_load %arg11[%swap3A_344] {strides = array<i32>} : memref<32768xf32, #tpu.memory_space<vmem>>, vector<16xf32>,
        tpu.vector_store %arg11[%swap3A_344], %max3A_339 {strides = array<i32>} : memref<32768xf32, #tpu.memory_space<vmem>>, vector<16xf32>,
        %bitcast_convert_type3A_346 = tpu.bitcast %max3A_339 : vector<16xf32> -> vector<16xi32>
        %shift_right_logical3A_347 = arith.constant 23 : i32
        %shift_right_logical3A_348 = vector.broadcast %shift_right_logical3A_347 : i32 to vector<16xi32>
        %shift_right_logical3A_349 = arith.shrui %bitcast_convert_type3A_346, %shift_right_logical3A_348 : vector<16xi32>
        %add3A_350 = arith.constant 32 : i32
        %add3A_351 = vector.broadcast %add3A_350 : i32 to vector<16xi32>
        %add3A_352 = arith.addi %add3A_351, %iota3A : vector<16xi32>
        %mul3A_353 = arith.constant 144 : i32
        %mul3A_354 = vector.broadcast %mul3A_353 : i32 to vector<16xi32>
        %mul3A_355 = arith.muli %add3A_352, %mul3A_354 : vector<16xi32>
        %add3A_356 = arith.addi %mul3A_355, %shift_right_logical3A_349 : vector<16xi32>
        tpu.vector_store_idx %arg12[%add3A_356], %broadcast_in_dim3A_37 {add = true} : memref<18432xi32, #tpu.memory_space<vmem>>[vector<16xi32>], vector<16xi32>,
        %mul3A_357 = arith.mulf %gather3A_169, %get3A_263 : vector<16xf32>
        %mul3A_358 = arith.mulf %gather3A_172, %get3A_269 : vector<16xf32>
        %add3A_359 = arith.addf %mul3A_357, %mul3A_358 : vector<16xf32>
        %mul3A_360 = arith.mulf %gather3A_175, %get3A_275 : vector<16xf32>
        %add3A_361 = arith.addf %add3A_359, %mul3A_360 : vector<16xf32>
        %add3A_362 = arith.addf %get3A_279, %gather3A_178 : vector<16xf32>
        %add3A_363 = arith.addf %add3A_362, %add3A_361 : vector<16xf32>
        %max3A_364 = arith.constant 0.000000e+00 : f32
        %max3A_365 = vector.broadcast %max3A_364 : f32 to vector<16xf32>
        %max3A_366 = arith.maximumf %add3A_363, %max3A_365 : vector<16xf32>
        %mul3A_367 = arith.constant 16 : i32
        %mul3A_368 = arith.muli %add3A_259, %mul3A_367 : i32
        %add3A_369 = arith.constant 12288 : i32
        %add3A_370 = arith.addi %add3A_369, %mul3A_368 : i32
        %swap3A_371 = arith.index_cast %add3A_370 : i32 to index
        %swap3A_372 = tpu.vector_load %arg11[%swap3A_371] {strides = array<i32>} : memref<32768xf32, #tpu.memory_space<vmem>>, vector<16xf32>,
        tpu.vector_store %arg11[%swap3A_371], %max3A_366 {strides = array<i32>} : memref<32768xf32, #tpu.memory_space<vmem>>, vector<16xf32>,
        %bitcast_convert_type3A_373 = tpu.bitcast %max3A_366 : vector<16xf32> -> vector<16xi32>
        %shift_right_logical3A_374 = arith.constant 23 : i32
        %shift_right_logical3A_375 = vector.broadcast %shift_right_logical3A_374 : i32 to vector<16xi32>
        %shift_right_logical3A_376 = arith.shrui %bitcast_convert_type3A_373, %shift_right_logical3A_375 : vector<16xi32>
        %add3A_377 = arith.constant 48 : i32
        %add3A_378 = vector.broadcast %add3A_377 : i32 to vector<16xi32>
        %add3A_379 = arith.addi %add3A_378, %iota3A : vector<16xi32>
        %mul3A_380 = arith.constant 144 : i32
        %mul3A_381 = vector.broadcast %mul3A_380 : i32 to vector<16xi32>
        %mul3A_382 = arith.muli %add3A_379, %mul3A_381 : vector<16xi32>
        %add3A_383 = arith.addi %mul3A_382, %shift_right_logical3A_376 : vector<16xi32>
        tpu.vector_store_idx %arg12[%add3A_383], %broadcast_in_dim3A_37 {add = true} : memref<18432xi32, #tpu.memory_space<vmem>>[vector<16xi32>], vector<16xi32>,
        %mul3A_384 = arith.mulf %gather3A_184, %get3A_263 : vector<16xf32>
        %mul3A_385 = arith.mulf %gather3A_187, %get3A_269 : vector<16xf32>
        %add3A_386 = arith.addf %mul3A_384, %mul3A_385 : vector<16xf32>
        %mul3A_387 = arith.mulf %gather3A_190, %get3A_275 : vector<16xf32>
        %add3A_388 = arith.addf %add3A_386, %mul3A_387 : vector<16xf32>
        %add3A_389 = arith.addf %get3A_279, %gather3A_193 : vector<16xf32>
        %add3A_390 = arith.addf %add3A_389, %add3A_388 : vector<16xf32>
        %max3A_391 = arith.constant 0.000000e+00 : f32
        %max3A_392 = vector.broadcast %max3A_391 : f32 to vector<16xf32>
        %max3A_393 = arith.maximumf %add3A_390, %max3A_392 : vector<16xf32>
        %mul3A_394 = arith.constant 16 : i32
        %mul3A_395 = arith.muli %add3A_259, %mul3A_394 : i32
        %add3A_396 = arith.constant 16384 : i32
        %add3A_397 = arith.addi %add3A_396, %mul3A_395 : i32
        %swap3A_398 = arith.index_cast %add3A_397 : i32 to index
        %swap3A_399 = tpu.vector_load %arg11[%swap3A_398] {strides = array<i32>} : memref<32768xf32, #tpu.memory_space<vmem>>, vector<16xf32>,
        tpu.vector_store %arg11[%swap3A_398], %max3A_393 {strides = array<i32>} : memref<32768xf32, #tpu.memory_space<vmem>>, vector<16xf32>,
        %bitcast_convert_type3A_400 = tpu.bitcast %max3A_393 : vector<16xf32> -> vector<16xi32>
        %shift_right_logical3A_401 = arith.constant 23 : i32
        %shift_right_logical3A_402 = vector.broadcast %shift_right_logical3A_401 : i32 to vector<16xi32>
        %shift_right_logical3A_403 = arith.shrui %bitcast_convert_type3A_400, %shift_right_logical3A_402 : vector<16xi32>
        %add3A_404 = arith.constant 64 : i32
        %add3A_405 = vector.broadcast %add3A_404 : i32 to vector<16xi32>
        %add3A_406 = arith.addi %add3A_405, %iota3A : vector<16xi32>
        %mul3A_407 = arith.constant 144 : i32
        %mul3A_408 = vector.broadcast %mul3A_407 : i32 to vector<16xi32>
        %mul3A_409 = arith.muli %add3A_406, %mul3A_408 : vector<16xi32>
        %add3A_410 = arith.addi %mul3A_409, %shift_right_logical3A_403 : vector<16xi32>
        tpu.vector_store_idx %arg12[%add3A_410], %broadcast_in_dim3A_37 {add = true} : memref<18432xi32, #tpu.memory_space<vmem>>[vector<16xi32>], vector<16xi32>,
        %mul3A_411 = arith.mulf %gather3A_199, %get3A_263 : vector<16xf32>
        %mul3A_412 = arith.mulf %gather3A_202, %get3A_269 : vector<16xf32>
        %add3A_413 = arith.addf %mul3A_411, %mul3A_412 : vector<16xf32>
        %mul3A_414 = arith.mulf %gather3A_205, %get3A_275 : vector<16xf32>
        %add3A_415 = arith.addf %add3A_413, %mul3A_414 : vector<16xf32>
        %add3A_416 = arith.addf %get3A_279, %gather3A_208 : vector<16xf32>
        %add3A_417 = arith.addf %add3A_416, %add3A_415 : vector<16xf32>
        %max3A_418 = arith.constant 0.000000e+00 : f32
        %max3A_419 = vector.broadcast %max3A_418 : f32 to vector<16xf32>
        %max3A_420 = arith.maximumf %add3A_417, %max3A_419 : vector<16xf32>
        %mul3A_421 = arith.constant 16 : i32
        %mul3A_422 = arith.muli %add3A_259, %mul3A_421 : i32
        %add3A_423 = arith.constant 20480 : i32
        %add3A_424 = arith.addi %add3A_423, %mul3A_422 : i32
        %swap3A_425 = arith.index_cast %add3A_424 : i32 to index
        %swap3A_426 = tpu.vector_load %arg11[%swap3A_425] {strides = array<i32>} : memref<32768xf32, #tpu.memory_space<vmem>>, vector<16xf32>,
        tpu.vector_store %arg11[%swap3A_425], %max3A_420 {strides = array<i32>} : memref<32768xf32, #tpu.memory_space<vmem>>, vector<16xf32>,
        %bitcast_convert_type3A_427 = tpu.bitcast %max3A_420 : vector<16xf32> -> vector<16xi32>
        %shift_right_logical3A_428 = arith.constant 23 : i32
        %shift_right_logical3A_429 = vector.broadcast %shift_right_logical3A_428 : i32 to vector<16xi32>
        %shift_right_logical3A_430 = arith.shrui %bitcast_convert_type3A_427, %shift_right_logical3A_429 : vector<16xi32>
        %add3A_431 = arith.constant 80 : i32
        %add3A_432 = vector.broadcast %add3A_431 : i32 to vector<16xi32>
        %add3A_433 = arith.addi %add3A_432, %iota3A : vector<16xi32>
        %mul3A_434 = arith.constant 144 : i32
        %mul3A_435 = vector.broadcast %mul3A_434 : i32 to vector<16xi32>
        %mul3A_436 = arith.muli %add3A_433, %mul3A_435 : vector<16xi32>
        %add3A_437 = arith.addi %mul3A_436, %shift_right_logical3A_430 : vector<16xi32>
        tpu.vector_store_idx %arg12[%add3A_437], %broadcast_in_dim3A_37 {add = true} : memref<18432xi32, #tpu.memory_space<vmem>>[vector<16xi32>], vector<16xi32>,
        %mul3A_438 = arith.mulf %gather3A_214, %get3A_263 : vector<16xf32>
        %mul3A_439 = arith.mulf %gather3A_217, %get3A_269 : vector<16xf32>
        %add3A_440 = arith.addf %mul3A_438, %mul3A_439 : vector<16xf32>
        %mul3A_441 = arith.mulf %gather3A_220, %get3A_275 : vector<16xf32>
        %add3A_442 = arith.addf %add3A_440, %mul3A_441 : vector<16xf32>
        %add3A_443 = arith.addf %get3A_279, %gather3A_223 : vector<16xf32>
        %add3A_444 = arith.addf %add3A_443, %add3A_442 : vector<16xf32>
        %max3A_445 = arith.constant 0.000000e+00 : f32
        %max3A_446 = vector.broadcast %max3A_445 : f32 to vector<16xf32>
        %max3A_447 = arith.maximumf %add3A_444, %max3A_446 : vector<16xf32>
        %mul3A_448 = arith.constant 16 : i32
        %mul3A_449 = arith.muli %add3A_259, %mul3A_448 : i32
        %add3A_450 = arith.constant 24576 : i32
        %add3A_451 = arith.addi %add3A_450, %mul3A_449 : i32
        %swap3A_452 = arith.index_cast %add3A_451 : i32 to index
        %swap3A_453 = tpu.vector_load %arg11[%swap3A_452] {strides = array<i32>} : memref<32768xf32, #tpu.memory_space<vmem>>, vector<16xf32>,
        tpu.vector_store %arg11[%swap3A_452], %max3A_447 {strides = array<i32>} : memref<32768xf32, #tpu.memory_space<vmem>>, vector<16xf32>,
        %bitcast_convert_type3A_454 = tpu.bitcast %max3A_447 : vector<16xf32> -> vector<16xi32>
        %shift_right_logical3A_455 = arith.constant 23 : i32
        %shift_right_logical3A_456 = vector.broadcast %shift_right_logical3A_455 : i32 to vector<16xi32>
        %shift_right_logical3A_457 = arith.shrui %bitcast_convert_type3A_454, %shift_right_logical3A_456 : vector<16xi32>
        %add3A_458 = arith.constant 96 : i32
        %add3A_459 = vector.broadcast %add3A_458 : i32 to vector<16xi32>
        %add3A_460 = arith.addi %add3A_459, %iota3A : vector<16xi32>
        %mul3A_461 = arith.constant 144 : i32
        %mul3A_462 = vector.broadcast %mul3A_461 : i32 to vector<16xi32>
        %mul3A_463 = arith.muli %add3A_460, %mul3A_462 : vector<16xi32>
        %add3A_464 = arith.addi %mul3A_463, %shift_right_logical3A_457 : vector<16xi32>
        tpu.vector_store_idx %arg12[%add3A_464], %broadcast_in_dim3A_37 {add = true} : memref<18432xi32, #tpu.memory_space<vmem>>[vector<16xi32>], vector<16xi32>,
        %mul3A_465 = arith.mulf %gather3A_229, %get3A_263 : vector<16xf32>
        %mul3A_466 = arith.mulf %gather3A_232, %get3A_269 : vector<16xf32>
        %add3A_467 = arith.addf %mul3A_465, %mul3A_466 : vector<16xf32>
        %mul3A_468 = arith.mulf %gather3A_235, %get3A_275 : vector<16xf32>
        %add3A_469 = arith.addf %add3A_467, %mul3A_468 : vector<16xf32>
        %add3A_470 = arith.addf %get3A_279, %gather3A_238 : vector<16xf32>
        %add3A_471 = arith.addf %add3A_470, %add3A_469 : vector<16xf32>
        %max3A_472 = arith.constant 0.000000e+00 : f32
        %max3A_473 = vector.broadcast %max3A_472 : f32 to vector<16xf32>
        %max3A_474 = arith.maximumf %add3A_471, %max3A_473 : vector<16xf32>
        %mul3A_475 = arith.constant 16 : i32
        %mul3A_476 = arith.muli %add3A_259, %mul3A_475 : i32
        %add3A_477 = arith.constant 28672 : i32
        %add3A_478 = arith.addi %add3A_477, %mul3A_476 : i32
        %swap3A_479 = arith.index_cast %add3A_478 : i32 to index
        %swap3A_480 = tpu.vector_load %arg11[%swap3A_479] {strides = array<i32>} : memref<32768xf32, #tpu.memory_space<vmem>>, vector<16xf32>,
        tpu.vector_store %arg11[%swap3A_479], %max3A_474 {strides = array<i32>} : memref<32768xf32, #tpu.memory_space<vmem>>, vector<16xf32>,
        %bitcast_convert_type3A_481 = tpu.bitcast %max3A_474 : vector<16xf32> -> vector<16xi32>
        %shift_right_logical3A_482 = arith.constant 23 : i32
        %shift_right_logical3A_483 = vector.broadcast %shift_right_logical3A_482 : i32 to vector<16xi32>
        %shift_right_logical3A_484 = arith.shrui %bitcast_convert_type3A_481, %shift_right_logical3A_483 : vector<16xi32>
        %add3A_485 = arith.constant 112 : i32
        %add3A_486 = vector.broadcast %add3A_485 : i32 to vector<16xi32>
        %add3A_487 = arith.addi %add3A_486, %iota3A : vector<16xi32>
        %mul3A_488 = arith.constant 144 : i32
        %mul3A_489 = vector.broadcast %mul3A_488 : i32 to vector<16xi32>
        %mul3A_490 = arith.muli %add3A_487, %mul3A_489 : vector<16xi32>
        %add3A_491 = arith.addi %mul3A_490, %shift_right_logical3A_484 : vector<16xi32>
        tpu.vector_store_idx %arg12[%add3A_491], %broadcast_in_dim3A_37 {add = true} : memref<18432xi32, #tpu.memory_space<vmem>>[vector<16xi32>], vector<16xi32>,
        %mul3A_492 = arith.constant 2 : i32
        %mul3A_493 = arith.muli %scan3A_254, %mul3A_492 : i32
        %add3A_494 = arith.constant 1 : i32
        %add3A_495 = arith.addi %mul3A_493, %add3A_494 : i32
        %mul3A_496 = arith.constant 16 : i32
        %mul3A_497 = arith.muli %add3A_495, %mul3A_496 : i32
        %get3A_498 = arith.index_cast %mul3A_497 : i32 to index
        %get3A_499 = tpu.vector_load %arg6[%get3A_498] {strides = array<i32>} : memref<12288xf32, #tpu.memory_space<vmem>>, vector<16xf32>,
        %mul3A_500 = arith.constant 16 : i32
        %mul3A_501 = arith.muli %add3A_495, %mul3A_500 : i32
        %add3A_502 = arith.constant 4096 : i32
        %add3A_503 = arith.addi %add3A_502, %mul3A_501 : i32
        %get3A_504 = arith.index_cast %add3A_503 : i32 to index
        %get3A_505 = tpu.vector_load %arg6[%get3A_504] {strides = array<i32>} : memref<12288xf32, #tpu.memory_space<vmem>>, vector<16xf32>,
        %mul3A_506 = arith.constant 16 : i32
        %mul3A_507 = arith.muli %add3A_495, %mul3A_506 : i32
        %add3A_508 = arith.constant 8192 : i32
        %add3A_509 = arith.addi %add3A_508, %mul3A_507 : i32
        %get3A_510 = arith.index_cast %add3A_509 : i32 to index
        %get3A_511 = tpu.vector_load %arg6[%get3A_510] {strides = array<i32>} : memref<12288xf32, #tpu.memory_space<vmem>>, vector<16xf32>,
        %mul3A_512 = arith.constant 16 : i32
        %mul3A_513 = arith.muli %add3A_495, %mul3A_512 : i32
        %get3A_514 = arith.index_cast %mul3A_513 : i32 to index
        %get3A_515 = tpu.vector_load %arg7[%get3A_514] {strides = array<i32>} : memref<4096xf32, #tpu.memory_space<vmem>>, vector<16xf32>,
        %mul3A_516 = arith.mulf %gather3A_124, %get3A_499 : vector<16xf32>
        %mul3A_517 = arith.mulf %gather3A_127, %get3A_505 : vector<16xf32>
        %add3A_518 = arith.addf %mul3A_516, %mul3A_517 : vector<16xf32>
        %mul3A_519 = arith.mulf %gather3A_130, %get3A_511 : vector<16xf32>
        %add3A_520 = arith.addf %add3A_518, %mul3A_519 : vector<16xf32>
        %add3A_521 = arith.addf %get3A_515, %gather3A_133 : vector<16xf32>
        %add3A_522 = arith.addf %add3A_521, %add3A_520 : vector<16xf32>
        %max3A_523 = arith.constant 0.000000e+00 : f32
        %max3A_524 = vector.broadcast %max3A_523 : f32 to vector<16xf32>
        %max3A_525 = arith.maximumf %add3A_522, %max3A_524 : vector<16xf32>
        %mul3A_526 = arith.constant 16 : i32
        %mul3A_527 = arith.muli %add3A_495, %mul3A_526 : i32
        %add3A_528 = arith.constant 0 : i32
        %add3A_529 = arith.addi %add3A_528, %mul3A_527 : i32
        %swap3A_530 = arith.index_cast %add3A_529 : i32 to index
        %swap3A_531 = tpu.vector_load %arg11[%swap3A_530] {strides = array<i32>} : memref<32768xf32, #tpu.memory_space<vmem>>, vector<16xf32>,
        tpu.vector_store %arg11[%swap3A_530], %max3A_525 {strides = array<i32>} : memref<32768xf32, #tpu.memory_space<vmem>>, vector<16xf32>,
        %bitcast_convert_type3A_532 = tpu.bitcast %max3A_525 : vector<16xf32> -> vector<16xi32>
        %shift_right_logical3A_533 = arith.constant 23 : i32
        %shift_right_logical3A_534 = vector.broadcast %shift_right_logical3A_533 : i32 to vector<16xi32>
        %shift_right_logical3A_535 = arith.shrui %bitcast_convert_type3A_532, %shift_right_logical3A_534 : vector<16xi32>
        %add3A_536 = arith.constant 0 : i32
        %add3A_537 = vector.broadcast %add3A_536 : i32 to vector<16xi32>
        %add3A_538 = arith.addi %add3A_537, %iota3A : vector<16xi32>
        %mul3A_539 = arith.constant 144 : i32
        %mul3A_540 = vector.broadcast %mul3A_539 : i32 to vector<16xi32>
        %mul3A_541 = arith.muli %add3A_538, %mul3A_540 : vector<16xi32>
        %add3A_542 = arith.addi %mul3A_541, %shift_right_logical3A_535 : vector<16xi32>
        tpu.vector_store_idx %arg12[%add3A_542], %broadcast_in_dim3A_37 {add = true} : memref<18432xi32, #tpu.memory_space<vmem>>[vector<16xi32>], vector<16xi32>,
        %mul3A_543 = arith.mulf %gather3A_139, %get3A_499 : vector<16xf32>
        %mul3A_544 = arith.mulf %gather3A_142, %get3A_505 : vector<16xf32>
        %add3A_545 = arith.addf %mul3A_543, %mul3A_544 : vector<16xf32>
        %mul3A_546 = arith.mulf %gather3A_145, %get3A_511 : vector<16xf32>
        %add3A_547 = arith.addf %add3A_545, %mul3A_546 : vector<16xf32>
        %add3A_548 = arith.addf %get3A_515, %gather3A_148 : vector<16xf32>
        %add3A_549 = arith.addf %add3A_548, %add3A_547 : vector<16xf32>
        %max3A_550 = arith.constant 0.000000e+00 : f32
        %max3A_551 = vector.broadcast %max3A_550 : f32 to vector<16xf32>
        %max3A_552 = arith.maximumf %add3A_549, %max3A_551 : vector<16xf32>
        %mul3A_553 = arith.constant 16 : i32
        %mul3A_554 = arith.muli %add3A_495, %mul3A_553 : i32
        %add3A_555 = arith.constant 4096 : i32
        %add3A_556 = arith.addi %add3A_555, %mul3A_554 : i32
        %swap3A_557 = arith.index_cast %add3A_556 : i32 to index
        %swap3A_558 = tpu.vector_load %arg11[%swap3A_557] {strides = array<i32>} : memref<32768xf32, #tpu.memory_space<vmem>>, vector<16xf32>,
        tpu.vector_store %arg11[%swap3A_557], %max3A_552 {strides = array<i32>} : memref<32768xf32, #tpu.memory_space<vmem>>, vector<16xf32>,
        %bitcast_convert_type3A_559 = tpu.bitcast %max3A_552 : vector<16xf32> -> vector<16xi32>
        %shift_right_logical3A_560 = arith.constant 23 : i32
        %shift_right_logical3A_561 = vector.broadcast %shift_right_logical3A_560 : i32 to vector<16xi32>
        %shift_right_logical3A_562 = arith.shrui %bitcast_convert_type3A_559, %shift_right_logical3A_561 : vector<16xi32>
        %add3A_563 = arith.constant 16 : i32
        %add3A_564 = vector.broadcast %add3A_563 : i32 to vector<16xi32>
        %add3A_565 = arith.addi %add3A_564, %iota3A : vector<16xi32>
        %mul3A_566 = arith.constant 144 : i32
        %mul3A_567 = vector.broadcast %mul3A_566 : i32 to vector<16xi32>
        %mul3A_568 = arith.muli %add3A_565, %mul3A_567 : vector<16xi32>
        %add3A_569 = arith.addi %mul3A_568, %shift_right_logical3A_562 : vector<16xi32>
        tpu.vector_store_idx %arg12[%add3A_569], %broadcast_in_dim3A_37 {add = true} : memref<18432xi32, #tpu.memory_space<vmem>>[vector<16xi32>], vector<16xi32>,
        %mul3A_570 = arith.mulf %gather3A_154, %get3A_499 : vector<16xf32>
        %mul3A_571 = arith.mulf %gather3A_157, %get3A_505 : vector<16xf32>
        %add3A_572 = arith.addf %mul3A_570, %mul3A_571 : vector<16xf32>
        %mul3A_573 = arith.mulf %gather3A_160, %get3A_511 : vector<16xf32>
        %add3A_574 = arith.addf %add3A_572, %mul3A_573 : vector<16xf32>
        %add3A_575 = arith.addf %get3A_515, %gather3A_163 : vector<16xf32>
        %add3A_576 = arith.addf %add3A_575, %add3A_574 : vector<16xf32>
        %max3A_577 = arith.constant 0.000000e+00 : f32
        %max3A_578 = vector.broadcast %max3A_577 : f32 to vector<16xf32>
        %max3A_579 = arith.maximumf %add3A_576, %max3A_578 : vector<16xf32>
        %mul3A_580 = arith.constant 16 : i32
        %mul3A_581 = arith.muli %add3A_495, %mul3A_580 : i32
        %add3A_582 = arith.constant 8192 : i32
        %add3A_583 = arith.addi %add3A_582, %mul3A_581 : i32
        %swap3A_584 = arith.index_cast %add3A_583 : i32 to index
        %swap3A_585 = tpu.vector_load %arg11[%swap3A_584] {strides = array<i32>} : memref<32768xf32, #tpu.memory_space<vmem>>, vector<16xf32>,
        tpu.vector_store %arg11[%swap3A_584], %max3A_579 {strides = array<i32>} : memref<32768xf32, #tpu.memory_space<vmem>>, vector<16xf32>,
        %bitcast_convert_type3A_586 = tpu.bitcast %max3A_579 : vector<16xf32> -> vector<16xi32>
        %shift_right_logical3A_587 = arith.constant 23 : i32
        %shift_right_logical3A_588 = vector.broadcast %shift_right_logical3A_587 : i32 to vector<16xi32>
        %shift_right_logical3A_589 = arith.shrui %bitcast_convert_type3A_586, %shift_right_logical3A_588 : vector<16xi32>
        %add3A_590 = arith.constant 32 : i32
        %add3A_591 = vector.broadcast %add3A_590 : i32 to vector<16xi32>
        %add3A_592 = arith.addi %add3A_591, %iota3A : vector<16xi32>
        %mul3A_593 = arith.constant 144 : i32
        %mul3A_594 = vector.broadcast %mul3A_593 : i32 to vector<16xi32>
        %mul3A_595 = arith.muli %add3A_592, %mul3A_594 : vector<16xi32>
        %add3A_596 = arith.addi %mul3A_595, %shift_right_logical3A_589 : vector<16xi32>
        tpu.vector_store_idx %arg12[%add3A_596], %broadcast_in_dim3A_37 {add = true} : memref<18432xi32, #tpu.memory_space<vmem>>[vector<16xi32>], vector<16xi32>,
        %mul3A_597 = arith.mulf %gather3A_169, %get3A_499 : vector<16xf32>
        %mul3A_598 = arith.mulf %gather3A_172, %get3A_505 : vector<16xf32>
        %add3A_599 = arith.addf %mul3A_597, %mul3A_598 : vector<16xf32>
        %mul3A_600 = arith.mulf %gather3A_175, %get3A_511 : vector<16xf32>
        %add3A_601 = arith.addf %add3A_599, %mul3A_600 : vector<16xf32>
        %add3A_602 = arith.addf %get3A_515, %gather3A_178 : vector<16xf32>
        %add3A_603 = arith.addf %add3A_602, %add3A_601 : vector<16xf32>
        %max3A_604 = arith.constant 0.000000e+00 : f32
        %max3A_605 = vector.broadcast %max3A_604 : f32 to vector<16xf32>
        %max3A_606 = arith.maximumf %add3A_603, %max3A_605 : vector<16xf32>
        %mul3A_607 = arith.constant 16 : i32
        %mul3A_608 = arith.muli %add3A_495, %mul3A_607 : i32
        %add3A_609 = arith.constant 12288 : i32
        %add3A_610 = arith.addi %add3A_609, %mul3A_608 : i32
        %swap3A_611 = arith.index_cast %add3A_610 : i32 to index
        %swap3A_612 = tpu.vector_load %arg11[%swap3A_611] {strides = array<i32>} : memref<32768xf32, #tpu.memory_space<vmem>>, vector<16xf32>,
        tpu.vector_store %arg11[%swap3A_611], %max3A_606 {strides = array<i32>} : memref<32768xf32, #tpu.memory_space<vmem>>, vector<16xf32>,
        %bitcast_convert_type3A_613 = tpu.bitcast %max3A_606 : vector<16xf32> -> vector<16xi32>
        %shift_right_logical3A_614 = arith.constant 23 : i32
        %shift_right_logical3A_615 = vector.broadcast %shift_right_logical3A_614 : i32 to vector<16xi32>
        %shift_right_logical3A_616 = arith.shrui %bitcast_convert_type3A_613, %shift_right_logical3A_615 : vector<16xi32>
        %add3A_617 = arith.constant 48 : i32
        %add3A_618 = vector.broadcast %add3A_617 : i32 to vector<16xi32>
        %add3A_619 = arith.addi %add3A_618, %iota3A : vector<16xi32>
        %mul3A_620 = arith.constant 144 : i32
        %mul3A_621 = vector.broadcast %mul3A_620 : i32 to vector<16xi32>
        %mul3A_622 = arith.muli %add3A_619, %mul3A_621 : vector<16xi32>
        %add3A_623 = arith.addi %mul3A_622, %shift_right_logical3A_616 : vector<16xi32>
        tpu.vector_store_idx %arg12[%add3A_623], %broadcast_in_dim3A_37 {add = true} : memref<18432xi32, #tpu.memory_space<vmem>>[vector<16xi32>], vector<16xi32>,
        %mul3A_624 = arith.mulf %gather3A_184, %get3A_499 : vector<16xf32>
        %mul3A_625 = arith.mulf %gather3A_187, %get3A_505 : vector<16xf32>
        %add3A_626 = arith.addf %mul3A_624, %mul3A_625 : vector<16xf32>
        %mul3A_627 = arith.mulf %gather3A_190, %get3A_511 : vector<16xf32>
        %add3A_628 = arith.addf %add3A_626, %mul3A_627 : vector<16xf32>
        %add3A_629 = arith.addf %get3A_515, %gather3A_193 : vector<16xf32>
        %add3A_630 = arith.addf %add3A_629, %add3A_628 : vector<16xf32>
        %max3A_631 = arith.constant 0.000000e+00 : f32
        %max3A_632 = vector.broadcast %max3A_631 : f32 to vector<16xf32>
        %max3A_633 = arith.maximumf %add3A_630, %max3A_632 : vector<16xf32>
        %mul3A_634 = arith.constant 16 : i32
        %mul3A_635 = arith.muli %add3A_495, %mul3A_634 : i32
        %add3A_636 = arith.constant 16384 : i32
        %add3A_637 = arith.addi %add3A_636, %mul3A_635 : i32
        %swap3A_638 = arith.index_cast %add3A_637 : i32 to index
        %swap3A_639 = tpu.vector_load %arg11[%swap3A_638] {strides = array<i32>} : memref<32768xf32, #tpu.memory_space<vmem>>, vector<16xf32>,
        tpu.vector_store %arg11[%swap3A_638], %max3A_633 {strides = array<i32>} : memref<32768xf32, #tpu.memory_space<vmem>>, vector<16xf32>,
        %bitcast_convert_type3A_640 = tpu.bitcast %max3A_633 : vector<16xf32> -> vector<16xi32>
        %shift_right_logical3A_641 = arith.constant 23 : i32
        %shift_right_logical3A_642 = vector.broadcast %shift_right_logical3A_641 : i32 to vector<16xi32>
        %shift_right_logical3A_643 = arith.shrui %bitcast_convert_type3A_640, %shift_right_logical3A_642 : vector<16xi32>
        %add3A_644 = arith.constant 64 : i32
        %add3A_645 = vector.broadcast %add3A_644 : i32 to vector<16xi32>
        %add3A_646 = arith.addi %add3A_645, %iota3A : vector<16xi32>
        %mul3A_647 = arith.constant 144 : i32
        %mul3A_648 = vector.broadcast %mul3A_647 : i32 to vector<16xi32>
        %mul3A_649 = arith.muli %add3A_646, %mul3A_648 : vector<16xi32>
        %add3A_650 = arith.addi %mul3A_649, %shift_right_logical3A_643 : vector<16xi32>
        tpu.vector_store_idx %arg12[%add3A_650], %broadcast_in_dim3A_37 {add = true} : memref<18432xi32, #tpu.memory_space<vmem>>[vector<16xi32>], vector<16xi32>,
        %mul3A_651 = arith.mulf %gather3A_199, %get3A_499 : vector<16xf32>
        %mul3A_652 = arith.mulf %gather3A_202, %get3A_505 : vector<16xf32>
        %add3A_653 = arith.addf %mul3A_651, %mul3A_652 : vector<16xf32>
        %mul3A_654 = arith.mulf %gather3A_205, %get3A_511 : vector<16xf32>
        %add3A_655 = arith.addf %add3A_653, %mul3A_654 : vector<16xf32>
        %add3A_656 = arith.addf %get3A_515, %gather3A_208 : vector<16xf32>
        %add3A_657 = arith.addf %add3A_656, %add3A_655 : vector<16xf32>
        %max3A_658 = arith.constant 0.000000e+00 : f32
        %max3A_659 = vector.broadcast %max3A_658 : f32 to vector<16xf32>
        %max3A_660 = arith.maximumf %add3A_657, %max3A_659 : vector<16xf32>
        %mul3A_661 = arith.constant 16 : i32
        %mul3A_662 = arith.muli %add3A_495, %mul3A_661 : i32
        %add3A_663 = arith.constant 20480 : i32
        %add3A_664 = arith.addi %add3A_663, %mul3A_662 : i32
        %swap3A_665 = arith.index_cast %add3A_664 : i32 to index
        %swap3A_666 = tpu.vector_load %arg11[%swap3A_665] {strides = array<i32>} : memref<32768xf32, #tpu.memory_space<vmem>>, vector<16xf32>,
        tpu.vector_store %arg11[%swap3A_665], %max3A_660 {strides = array<i32>} : memref<32768xf32, #tpu.memory_space<vmem>>, vector<16xf32>,
        %bitcast_convert_type3A_667 = tpu.bitcast %max3A_660 : vector<16xf32> -> vector<16xi32>
        %shift_right_logical3A_668 = arith.constant 23 : i32
        %shift_right_logical3A_669 = vector.broadcast %shift_right_logical3A_668 : i32 to vector<16xi32>
        %shift_right_logical3A_670 = arith.shrui %bitcast_convert_type3A_667, %shift_right_logical3A_669 : vector<16xi32>
        %add3A_671 = arith.constant 80 : i32
        %add3A_672 = vector.broadcast %add3A_671 : i32 to vector<16xi32>
        %add3A_673 = arith.addi %add3A_672, %iota3A : vector<16xi32>
        %mul3A_674 = arith.constant 144 : i32
        %mul3A_675 = vector.broadcast %mul3A_674 : i32 to vector<16xi32>
        %mul3A_676 = arith.muli %add3A_673, %mul3A_675 : vector<16xi32>
        %add3A_677 = arith.addi %mul3A_676, %shift_right_logical3A_670 : vector<16xi32>
        tpu.vector_store_idx %arg12[%add3A_677], %broadcast_in_dim3A_37 {add = true} : memref<18432xi32, #tpu.memory_space<vmem>>[vector<16xi32>], vector<16xi32>,
        %mul3A_678 = arith.mulf %gather3A_214, %get3A_499 : vector<16xf32>
        %mul3A_679 = arith.mulf %gather3A_217, %get3A_505 : vector<16xf32>
        %add3A_680 = arith.addf %mul3A_678, %mul3A_679 : vector<16xf32>
        %mul3A_681 = arith.mulf %gather3A_220, %get3A_511 : vector<16xf32>
        %add3A_682 = arith.addf %add3A_680, %mul3A_681 : vector<16xf32>
        %add3A_683 = arith.addf %get3A_515, %gather3A_223 : vector<16xf32>
        %add3A_684 = arith.addf %add3A_683, %add3A_682 : vector<16xf32>
        %max3A_685 = arith.constant 0.000000e+00 : f32
        %max3A_686 = vector.broadcast %max3A_685 : f32 to vector<16xf32>
        %max3A_687 = arith.maximumf %add3A_684, %max3A_686 : vector<16xf32>
        %mul3A_688 = arith.constant 16 : i32
        %mul3A_689 = arith.muli %add3A_495, %mul3A_688 : i32
        %add3A_690 = arith.constant 24576 : i32
        %add3A_691 = arith.addi %add3A_690, %mul3A_689 : i32
        %swap3A_692 = arith.index_cast %add3A_691 : i32 to index
        %swap3A_693 = tpu.vector_load %arg11[%swap3A_692] {strides = array<i32>} : memref<32768xf32, #tpu.memory_space<vmem>>, vector<16xf32>,
        tpu.vector_store %arg11[%swap3A_692], %max3A_687 {strides = array<i32>} : memref<32768xf32, #tpu.memory_space<vmem>>, vector<16xf32>,
        %bitcast_convert_type3A_694 = tpu.bitcast %max3A_687 : vector<16xf32> -> vector<16xi32>
        %shift_right_logical3A_695 = arith.constant 23 : i32
        %shift_right_logical3A_696 = vector.broadcast %shift_right_logical3A_695 : i32 to vector<16xi32>
        %shift_right_logical3A_697 = arith.shrui %bitcast_convert_type3A_694, %shift_right_logical3A_696 : vector<16xi32>
        %add3A_698 = arith.constant 96 : i32
        %add3A_699 = vector.broadcast %add3A_698 : i32 to vector<16xi32>
        %add3A_700 = arith.addi %add3A_699, %iota3A : vector<16xi32>
        %mul3A_701 = arith.constant 144 : i32
        %mul3A_702 = vector.broadcast %mul3A_701 : i32 to vector<16xi32>
        %mul3A_703 = arith.muli %add3A_700, %mul3A_702 : vector<16xi32>
        %add3A_704 = arith.addi %mul3A_703, %shift_right_logical3A_697 : vector<16xi32>
        tpu.vector_store_idx %arg12[%add3A_704], %broadcast_in_dim3A_37 {add = true} : memref<18432xi32, #tpu.memory_space<vmem>>[vector<16xi32>], vector<16xi32>,
        %mul3A_705 = arith.mulf %gather3A_229, %get3A_499 : vector<16xf32>
        %mul3A_706 = arith.mulf %gather3A_232, %get3A_505 : vector<16xf32>
        %add3A_707 = arith.addf %mul3A_705, %mul3A_706 : vector<16xf32>
        %mul3A_708 = arith.mulf %gather3A_235, %get3A_511 : vector<16xf32>
        %add3A_709 = arith.addf %add3A_707, %mul3A_708 : vector<16xf32>
        %add3A_710 = arith.addf %get3A_515, %gather3A_238 : vector<16xf32>
        %add3A_711 = arith.addf %add3A_710, %add3A_709 : vector<16xf32>
        %max3A_712 = arith.constant 0.000000e+00 : f32
        %max3A_713 = vector.broadcast %max3A_712 : f32 to vector<16xf32>
        %max3A_714 = arith.maximumf %add3A_711, %max3A_713 : vector<16xf32>
        %mul3A_715 = arith.constant 16 : i32
        %mul3A_716 = arith.muli %add3A_495, %mul3A_715 : i32
        %add3A_717 = arith.constant 28672 : i32
        %add3A_718 = arith.addi %add3A_717, %mul3A_716 : i32
        %swap3A_719 = arith.index_cast %add3A_718 : i32 to index
        %swap3A_720 = tpu.vector_load %arg11[%swap3A_719] {strides = array<i32>} : memref<32768xf32, #tpu.memory_space<vmem>>, vector<16xf32>,
        tpu.vector_store %arg11[%swap3A_719], %max3A_714 {strides = array<i32>} : memref<32768xf32, #tpu.memory_space<vmem>>, vector<16xf32>,
        %bitcast_convert_type3A_721 = tpu.bitcast %max3A_714 : vector<16xf32> -> vector<16xi32>
        %shift_right_logical3A_722 = arith.constant 23 : i32
        %shift_right_logical3A_723 = vector.broadcast %shift_right_logical3A_722 : i32 to vector<16xi32>
        %shift_right_logical3A_724 = arith.shrui %bitcast_convert_type3A_721, %shift_right_logical3A_723 : vector<16xi32>
        %add3A_725 = arith.constant 112 : i32
        %add3A_726 = vector.broadcast %add3A_725 : i32 to vector<16xi32>
        %add3A_727 = arith.addi %add3A_726, %iota3A : vector<16xi32>
        %mul3A_728 = arith.constant 144 : i32
        %mul3A_729 = vector.broadcast %mul3A_728 : i32 to vector<16xi32>
        %mul3A_730 = arith.muli %add3A_727, %mul3A_729 : vector<16xi32>
        %add3A_731 = arith.addi %mul3A_730, %shift_right_logical3A_724 : vector<16xi32>
        tpu.vector_store_idx %arg12[%add3A_731], %broadcast_in_dim3A_37 {add = true} : memref<18432xi32, #tpu.memory_space<vmem>>[vector<16xi32>], vector<16xi32>,
        %scan3A_732 = arith.constant 0 : i32
        scf.yield %scan3A_732 : i32
      }
      %scan3A_245 = arith.constant 128 : i32
      %scan3A_246 = arith.constant 0 : i32
      %scan3A_247 = arith.constant 0 : i32
      %scan3A_248 = arith.constant 8 : i32
      %scan3A_249 = arith.addi %scan3A_247, %scan3A_248 : i32
      %scan3A_250 = arith.constant 1 : i32
      %scan3A_251 = scf.for %scan3A_254 = %scan3A_247 to %scan3A_249 step %scan3A_250 iter_args(%scan3A_255 = %scan3A_246) -> (i32)  : i32 {
        %add3A_256 = arith.addi %mul3A_81, %scan3A_254 : i32
        %mul3A_257 = arith.constant 16 : i32
        %mul3A_258 = arith.muli %scan3A_254, %mul3A_257 : i32
        %mul3A_259 = arith.constant 144 : i32
        %mul3A_260 = arith.muli %mul3A_258, %mul3A_259 : i32
        %mul3A_261 = arith.constant 4096 : i32
        %mul3A_262 = arith.muli %scan3A_254, %mul3A_261 : i32
        %broadcast_in_dim3A_263 = arith.constant 0 : i32
        %broadcast_in_dim3A_264 = vector.broadcast %broadcast_in_dim3A_263 : i32 to vector<16xi32>
        %add3A_265 = arith.constant 0 : i32
        %add3A_266 = arith.addi %mul3A_260, %add3A_265 : i32
        %add3A_267 = arith.constant 0 : i32
        %add3A_268 = arith.addi %add3A_266, %add3A_267 : i32
        %get3A_269 = arith.index_cast %add3A_268 : i32 to index
        %get3A_270 = tpu.vector_load %arg12[%get3A_269] {strides = array<i32>} : memref<18432xi32, #tpu.memory_space<vmem>>, vector<16xi32>,
        %add3A_271 = arith.addi %broadcast_in_dim3A_264, %get3A_270 : vector<16xi32>
        %add3A_272 = arith.constant 0 : i32
        %add3A_273 = arith.addi %mul3A_260, %add3A_272 : i32
        %add3A_274 = arith.constant 0 : i32
        %add3A_275 = arith.addi %add3A_273, %add3A_274 : i32
        %swap3A = arith.index_cast %add3A_275 : i32 to index
        %swap3A_276 = tpu.vector_load %arg12[%swap3A] {strides = array<i32>} : memref<18432xi32, #tpu.memory_space<vmem>>, vector<16xi32>,
        tpu.vector_store %arg12[%swap3A], %broadcast_in_dim3A_264 {strides = array<i32>} : memref<18432xi32, #tpu.memory_space<vmem>>, vector<16xi32>,
        %add3A_277 = arith.constant 144 : i32
        %add3A_278 = arith.addi %mul3A_260, %add3A_277 : i32
        %add3A_279 = arith.constant 0 : i32
        %add3A_280 = arith.addi %add3A_278, %add3A_279 : i32
        %get3A_281 = arith.index_cast %add3A_280 : i32 to index
        %get3A_282 = tpu.vector_load %arg12[%get3A_281] {strides = array<i32>} : memref<18432xi32, #tpu.memory_space<vmem>>, vector<16xi32>,
        %add3A_283 = arith.addi %add3A_271, %get3A_282 : vector<16xi32>
        %add3A_284 = arith.constant 144 : i32
        %add3A_285 = arith.addi %mul3A_260, %add3A_284 : i32
        %add3A_286 = arith.constant 0 : i32
        %add3A_287 = arith.addi %add3A_285, %add3A_286 : i32
        %swap3A_288 = arith.index_cast %add3A_287 : i32 to index
        %swap3A_289 = tpu.vector_load %arg12[%swap3A_288] {strides = array<i32>} : memref<18432xi32, #tpu.memory_space<vmem>>, vector<16xi32>,
        tpu.vector_store %arg12[%swap3A_288], %broadcast_in_dim3A_264 {strides = array<i32>} : memref<18432xi32, #tpu.memory_space<vmem>>, vector<16xi32>,
        %add3A_290 = arith.constant 288 : i32
        %add3A_291 = arith.addi %mul3A_260, %add3A_290 : i32
        %add3A_292 = arith.constant 0 : i32
        %add3A_293 = arith.addi %add3A_291, %add3A_292 : i32
        %get3A_294 = arith.index_cast %add3A_293 : i32 to index
        %get3A_295 = tpu.vector_load %arg12[%get3A_294] {strides = array<i32>} : memref<18432xi32, #tpu.memory_space<vmem>>, vector<16xi32>,
        %add3A_296 = arith.addi %add3A_283, %get3A_295 : vector<16xi32>
        %add3A_297 = arith.constant 288 : i32
        %add3A_298 = arith.addi %mul3A_260, %add3A_297 : i32
        %add3A_299 = arith.constant 0 : i32
        %add3A_300 = arith.addi %add3A_298, %add3A_299 : i32
        %swap3A_301 = arith.index_cast %add3A_300 : i32 to index
        %swap3A_302 = tpu.vector_load %arg12[%swap3A_301] {strides = array<i32>} : memref<18432xi32, #tpu.memory_space<vmem>>, vector<16xi32>,
        tpu.vector_store %arg12[%swap3A_301], %broadcast_in_dim3A_264 {strides = array<i32>} : memref<18432xi32, #tpu.memory_space<vmem>>, vector<16xi32>,
        %add3A_303 = arith.constant 432 : i32
        %add3A_304 = arith.addi %mul3A_260, %add3A_303 : i32
        %add3A_305 = arith.constant 0 : i32
        %add3A_306 = arith.addi %add3A_304, %add3A_305 : i32
        %get3A_307 = arith.index_cast %add3A_306 : i32 to index
        %get3A_308 = tpu.vector_load %arg12[%get3A_307] {strides = array<i32>} : memref<18432xi32, #tpu.memory_space<vmem>>, vector<16xi32>,
        %add3A_309 = arith.addi %add3A_296, %get3A_308 : vector<16xi32>
        %add3A_310 = arith.constant 432 : i32
        %add3A_311 = arith.addi %mul3A_260, %add3A_310 : i32
        %add3A_312 = arith.constant 0 : i32
        %add3A_313 = arith.addi %add3A_311, %add3A_312 : i32
        %swap3A_314 = arith.index_cast %add3A_313 : i32 to index
        %swap3A_315 = tpu.vector_load %arg12[%swap3A_314] {strides = array<i32>} : memref<18432xi32, #tpu.memory_space<vmem>>, vector<16xi32>,
        tpu.vector_store %arg12[%swap3A_314], %broadcast_in_dim3A_264 {strides = array<i32>} : memref<18432xi32, #tpu.memory_space<vmem>>, vector<16xi32>,
        %add3A_316 = arith.constant 576 : i32
        %add3A_317 = arith.addi %mul3A_260, %add3A_316 : i32
        %add3A_318 = arith.constant 0 : i32
        %add3A_319 = arith.addi %add3A_317, %add3A_318 : i32
        %get3A_320 = arith.index_cast %add3A_319 : i32 to index
        %get3A_321 = tpu.vector_load %arg12[%get3A_320] {strides = array<i32>} : memref<18432xi32, #tpu.memory_space<vmem>>, vector<16xi32>,
        %add3A_322 = arith.addi %add3A_309, %get3A_321 : vector<16xi32>
        %add3A_323 = arith.constant 576 : i32
        %add3A_324 = arith.addi %mul3A_260, %add3A_323 : i32
        %add3A_325 = arith.constant 0 : i32
        %add3A_326 = arith.addi %add3A_324, %add3A_325 : i32
        %swap3A_327 = arith.index_cast %add3A_326 : i32 to index
        %swap3A_328 = tpu.vector_load %arg12[%swap3A_327] {strides = array<i32>} : memref<18432xi32, #tpu.memory_space<vmem>>, vector<16xi32>,
        tpu.vector_store %arg12[%swap3A_327], %broadcast_in_dim3A_264 {strides = array<i32>} : memref<18432xi32, #tpu.memory_space<vmem>>, vector<16xi32>,
        %add3A_329 = arith.constant 720 : i32
        %add3A_330 = arith.addi %mul3A_260, %add3A_329 : i32
        %add3A_331 = arith.constant 0 : i32
        %add3A_332 = arith.addi %add3A_330, %add3A_331 : i32
        %get3A_333 = arith.index_cast %add3A_332 : i32 to index
        %get3A_334 = tpu.vector_load %arg12[%get3A_333] {strides = array<i32>} : memref<18432xi32, #tpu.memory_space<vmem>>, vector<16xi32>,
        %add3A_335 = arith.addi %add3A_322, %get3A_334 : vector<16xi32>
        %add3A_336 = arith.constant 720 : i32
        %add3A_337 = arith.addi %mul3A_260, %add3A_336 : i32
        %add3A_338 = arith.constant 0 : i32
        %add3A_339 = arith.addi %add3A_337, %add3A_338 : i32
        %swap3A_340 = arith.index_cast %add3A_339 : i32 to index
        %swap3A_341 = tpu.vector_load %arg12[%swap3A_340] {strides = array<i32>} : memref<18432xi32, #tpu.memory_space<vmem>>, vector<16xi32>,
        tpu.vector_store %arg12[%swap3A_340], %broadcast_in_dim3A_264 {strides = array<i32>} : memref<18432xi32, #tpu.memory_space<vmem>>, vector<16xi32>,
        %add3A_342 = arith.constant 864 : i32
        %add3A_343 = arith.addi %mul3A_260, %add3A_342 : i32
        %add3A_344 = arith.constant 0 : i32
        %add3A_345 = arith.addi %add3A_343, %add3A_344 : i32
        %get3A_346 = arith.index_cast %add3A_345 : i32 to index
        %get3A_347 = tpu.vector_load %arg12[%get3A_346] {strides = array<i32>} : memref<18432xi32, #tpu.memory_space<vmem>>, vector<16xi32>,
        %add3A_348 = arith.addi %add3A_335, %get3A_347 : vector<16xi32>
        %add3A_349 = arith.constant 864 : i32
        %add3A_350 = arith.addi %mul3A_260, %add3A_349 : i32
        %add3A_351 = arith.constant 0 : i32
        %add3A_352 = arith.addi %add3A_350, %add3A_351 : i32
        %swap3A_353 = arith.index_cast %add3A_352 : i32 to index
        %swap3A_354 = tpu.vector_load %arg12[%swap3A_353] {strides = array<i32>} : memref<18432xi32, #tpu.memory_space<vmem>>, vector<16xi32>,
        tpu.vector_store %arg12[%swap3A_353], %broadcast_in_dim3A_264 {strides = array<i32>} : memref<18432xi32, #tpu.memory_space<vmem>>, vector<16xi32>,
        %add3A_355 = arith.constant 1008 : i32
        %add3A_356 = arith.addi %mul3A_260, %add3A_355 : i32
        %add3A_357 = arith.constant 0 : i32
        %add3A_358 = arith.addi %add3A_356, %add3A_357 : i32
        %get3A_359 = arith.index_cast %add3A_358 : i32 to index
        %get3A_360 = tpu.vector_load %arg12[%get3A_359] {strides = array<i32>} : memref<18432xi32, #tpu.memory_space<vmem>>, vector<16xi32>,
        %add3A_361 = arith.addi %add3A_348, %get3A_360 : vector<16xi32>
        %add3A_362 = arith.constant 1008 : i32
        %add3A_363 = arith.addi %mul3A_260, %add3A_362 : i32
        %add3A_364 = arith.constant 0 : i32
        %add3A_365 = arith.addi %add3A_363, %add3A_364 : i32
        %swap3A_366 = arith.index_cast %add3A_365 : i32 to index
        %swap3A_367 = tpu.vector_load %arg12[%swap3A_366] {strides = array<i32>} : memref<18432xi32, #tpu.memory_space<vmem>>, vector<16xi32>,
        tpu.vector_store %arg12[%swap3A_366], %broadcast_in_dim3A_264 {strides = array<i32>} : memref<18432xi32, #tpu.memory_space<vmem>>, vector<16xi32>,
        %add3A_368 = arith.constant 1152 : i32
        %add3A_369 = arith.addi %mul3A_260, %add3A_368 : i32
        %add3A_370 = arith.constant 0 : i32
        %add3A_371 = arith.addi %add3A_369, %add3A_370 : i32
        %get3A_372 = arith.index_cast %add3A_371 : i32 to index
        %get3A_373 = tpu.vector_load %arg12[%get3A_372] {strides = array<i32>} : memref<18432xi32, #tpu.memory_space<vmem>>, vector<16xi32>,
        %add3A_374 = arith.addi %add3A_361, %get3A_373 : vector<16xi32>
        %add3A_375 = arith.constant 1152 : i32
        %add3A_376 = arith.addi %mul3A_260, %add3A_375 : i32
        %add3A_377 = arith.constant 0 : i32
        %add3A_378 = arith.addi %add3A_376, %add3A_377 : i32
        %swap3A_379 = arith.index_cast %add3A_378 : i32 to index
        %swap3A_380 = tpu.vector_load %arg12[%swap3A_379] {strides = array<i32>} : memref<18432xi32, #tpu.memory_space<vmem>>, vector<16xi32>,
        tpu.vector_store %arg12[%swap3A_379], %broadcast_in_dim3A_264 {strides = array<i32>} : memref<18432xi32, #tpu.memory_space<vmem>>, vector<16xi32>,
        %add3A_381 = arith.constant 1296 : i32
        %add3A_382 = arith.addi %mul3A_260, %add3A_381 : i32
        %add3A_383 = arith.constant 0 : i32
        %add3A_384 = arith.addi %add3A_382, %add3A_383 : i32
        %get3A_385 = arith.index_cast %add3A_384 : i32 to index
        %get3A_386 = tpu.vector_load %arg12[%get3A_385] {strides = array<i32>} : memref<18432xi32, #tpu.memory_space<vmem>>, vector<16xi32>,
        %add3A_387 = arith.addi %add3A_374, %get3A_386 : vector<16xi32>
        %add3A_388 = arith.constant 1296 : i32
        %add3A_389 = arith.addi %mul3A_260, %add3A_388 : i32
        %add3A_390 = arith.constant 0 : i32
        %add3A_391 = arith.addi %add3A_389, %add3A_390 : i32
        %swap3A_392 = arith.index_cast %add3A_391 : i32 to index
        %swap3A_393 = tpu.vector_load %arg12[%swap3A_392] {strides = array<i32>} : memref<18432xi32, #tpu.memory_space<vmem>>, vector<16xi32>,
        tpu.vector_store %arg12[%swap3A_392], %broadcast_in_dim3A_264 {strides = array<i32>} : memref<18432xi32, #tpu.memory_space<vmem>>, vector<16xi32>,
        %add3A_394 = arith.constant 1440 : i32
        %add3A_395 = arith.addi %mul3A_260, %add3A_394 : i32
        %add3A_396 = arith.constant 0 : i32
        %add3A_397 = arith.addi %add3A_395, %add3A_396 : i32
        %get3A_398 = arith.index_cast %add3A_397 : i32 to index
        %get3A_399 = tpu.vector_load %arg12[%get3A_398] {strides = array<i32>} : memref<18432xi32, #tpu.memory_space<vmem>>, vector<16xi32>,
        %add3A_400 = arith.addi %add3A_387, %get3A_399 : vector<16xi32>
        %add3A_401 = arith.constant 1440 : i32
        %add3A_402 = arith.addi %mul3A_260, %add3A_401 : i32
        %add3A_403 = arith.constant 0 : i32
        %add3A_404 = arith.addi %add3A_402, %add3A_403 : i32
        %swap3A_405 = arith.index_cast %add3A_404 : i32 to index
        %swap3A_406 = tpu.vector_load %arg12[%swap3A_405] {strides = array<i32>} : memref<18432xi32, #tpu.memory_space<vmem>>, vector<16xi32>,
        tpu.vector_store %arg12[%swap3A_405], %broadcast_in_dim3A_264 {strides = array<i32>} : memref<18432xi32, #tpu.memory_space<vmem>>, vector<16xi32>,
        %add3A_407 = arith.constant 1584 : i32
        %add3A_408 = arith.addi %mul3A_260, %add3A_407 : i32
        %add3A_409 = arith.constant 0 : i32
        %add3A_410 = arith.addi %add3A_408, %add3A_409 : i32
        %get3A_411 = arith.index_cast %add3A_410 : i32 to index
        %get3A_412 = tpu.vector_load %arg12[%get3A_411] {strides = array<i32>} : memref<18432xi32, #tpu.memory_space<vmem>>, vector<16xi32>,
        %add3A_413 = arith.addi %add3A_400, %get3A_412 : vector<16xi32>
        %add3A_414 = arith.constant 1584 : i32
        %add3A_415 = arith.addi %mul3A_260, %add3A_414 : i32
        %add3A_416 = arith.constant 0 : i32
        %add3A_417 = arith.addi %add3A_415, %add3A_416 : i32
        %swap3A_418 = arith.index_cast %add3A_417 : i32 to index
        %swap3A_419 = tpu.vector_load %arg12[%swap3A_418] {strides = array<i32>} : memref<18432xi32, #tpu.memory_space<vmem>>, vector<16xi32>,
        tpu.vector_store %arg12[%swap3A_418], %broadcast_in_dim3A_264 {strides = array<i32>} : memref<18432xi32, #tpu.memory_space<vmem>>, vector<16xi32>,
        %add3A_420 = arith.constant 1728 : i32
        %add3A_421 = arith.addi %mul3A_260, %add3A_420 : i32
        %add3A_422 = arith.constant 0 : i32
        %add3A_423 = arith.addi %add3A_421, %add3A_422 : i32
        %get3A_424 = arith.index_cast %add3A_423 : i32 to index
        %get3A_425 = tpu.vector_load %arg12[%get3A_424] {strides = array<i32>} : memref<18432xi32, #tpu.memory_space<vmem>>, vector<16xi32>,
        %add3A_426 = arith.addi %add3A_413, %get3A_425 : vector<16xi32>
        %add3A_427 = arith.constant 1728 : i32
        %add3A_428 = arith.addi %mul3A_260, %add3A_427 : i32
        %add3A_429 = arith.constant 0 : i32
        %add3A_430 = arith.addi %add3A_428, %add3A_429 : i32
        %swap3A_431 = arith.index_cast %add3A_430 : i32 to index
        %swap3A_432 = tpu.vector_load %arg12[%swap3A_431] {strides = array<i32>} : memref<18432xi32, #tpu.memory_space<vmem>>, vector<16xi32>,
        tpu.vector_store %arg12[%swap3A_431], %broadcast_in_dim3A_264 {strides = array<i32>} : memref<18432xi32, #tpu.memory_space<vmem>>, vector<16xi32>,
        %add3A_433 = arith.constant 1872 : i32
        %add3A_434 = arith.addi %mul3A_260, %add3A_433 : i32
        %add3A_435 = arith.constant 0 : i32
        %add3A_436 = arith.addi %add3A_434, %add3A_435 : i32
        %get3A_437 = arith.index_cast %add3A_436 : i32 to index
        %get3A_438 = tpu.vector_load %arg12[%get3A_437] {strides = array<i32>} : memref<18432xi32, #tpu.memory_space<vmem>>, vector<16xi32>,
        %add3A_439 = arith.addi %add3A_426, %get3A_438 : vector<16xi32>
        %add3A_440 = arith.constant 1872 : i32
        %add3A_441 = arith.addi %mul3A_260, %add3A_440 : i32
        %add3A_442 = arith.constant 0 : i32
        %add3A_443 = arith.addi %add3A_441, %add3A_442 : i32
        %swap3A_444 = arith.index_cast %add3A_443 : i32 to index
        %swap3A_445 = tpu.vector_load %arg12[%swap3A_444] {strides = array<i32>} : memref<18432xi32, #tpu.memory_space<vmem>>, vector<16xi32>,
        tpu.vector_store %arg12[%swap3A_444], %broadcast_in_dim3A_264 {strides = array<i32>} : memref<18432xi32, #tpu.memory_space<vmem>>, vector<16xi32>,
        %add3A_446 = arith.constant 2016 : i32
        %add3A_447 = arith.addi %mul3A_260, %add3A_446 : i32
        %add3A_448 = arith.constant 0 : i32
        %add3A_449 = arith.addi %add3A_447, %add3A_448 : i32
        %get3A_450 = arith.index_cast %add3A_449 : i32 to index
        %get3A_451 = tpu.vector_load %arg12[%get3A_450] {strides = array<i32>} : memref<18432xi32, #tpu.memory_space<vmem>>, vector<16xi32>,
        %add3A_452 = arith.addi %add3A_439, %get3A_451 : vector<16xi32>
        %add3A_453 = arith.constant 2016 : i32
        %add3A_454 = arith.addi %mul3A_260, %add3A_453 : i32
        %add3A_455 = arith.constant 0 : i32
        %add3A_456 = arith.addi %add3A_454, %add3A_455 : i32
        %swap3A_457 = arith.index_cast %add3A_456 : i32 to index
        %swap3A_458 = tpu.vector_load %arg12[%swap3A_457] {strides = array<i32>} : memref<18432xi32, #tpu.memory_space<vmem>>, vector<16xi32>,
        tpu.vector_store %arg12[%swap3A_457], %broadcast_in_dim3A_264 {strides = array<i32>} : memref<18432xi32, #tpu.memory_space<vmem>>, vector<16xi32>,
        %add3A_459 = arith.constant 2160 : i32
        %add3A_460 = arith.addi %mul3A_260, %add3A_459 : i32
        %add3A_461 = arith.constant 0 : i32
        %add3A_462 = arith.addi %add3A_460, %add3A_461 : i32
        %get3A_463 = arith.index_cast %add3A_462 : i32 to index
        %get3A_464 = tpu.vector_load %arg12[%get3A_463] {strides = array<i32>} : memref<18432xi32, #tpu.memory_space<vmem>>, vector<16xi32>,
        %add3A_465 = arith.addi %add3A_452, %get3A_464 : vector<16xi32>
        %add3A_466 = arith.constant 2160 : i32
        %add3A_467 = arith.addi %mul3A_260, %add3A_466 : i32
        %add3A_468 = arith.constant 0 : i32
        %add3A_469 = arith.addi %add3A_467, %add3A_468 : i32
        %swap3A_470 = arith.index_cast %add3A_469 : i32 to index
        %swap3A_471 = tpu.vector_load %arg12[%swap3A_470] {strides = array<i32>} : memref<18432xi32, #tpu.memory_space<vmem>>, vector<16xi32>,
        tpu.vector_store %arg12[%swap3A_470], %broadcast_in_dim3A_264 {strides = array<i32>} : memref<18432xi32, #tpu.memory_space<vmem>>, vector<16xi32>,
        %swap3A_472 = arith.constant 0 : index
        %swap3A_473 = tpu.vector_load %arg13[%swap3A_472] {strides = array<i32>} : memref<144xi32, #tpu.memory_space<vmem>>, vector<16xi32>,
        tpu.vector_store %arg13[%swap3A_472], %add3A_465 {strides = array<i32>} : memref<144xi32, #tpu.memory_space<vmem>>, vector<16xi32>,
        %add3A_474 = arith.constant 0 : i32
        %add3A_475 = arith.addi %mul3A_260, %add3A_474 : i32
        %add3A_476 = arith.constant 16 : i32
        %add3A_477 = arith.addi %add3A_475, %add3A_476 : i32
        %get3A_478 = arith.index_cast %add3A_477 : i32 to index
        %get3A_479 = tpu.vector_load %arg12[%get3A_478] {strides = array<i32>} : memref<18432xi32, #tpu.memory_space<vmem>>, vector<16xi32>,
        %add3A_480 = arith.addi %broadcast_in_dim3A_264, %get3A_479 : vector<16xi32>
        %add3A_481 = arith.constant 0 : i32
        %add3A_482 = arith.addi %mul3A_260, %add3A_481 : i32
        %add3A_483 = arith.constant 16 : i32
        %add3A_484 = arith.addi %add3A_482, %add3A_483 : i32
        %swap3A_485 = arith.index_cast %add3A_484 : i32 to index
        %swap3A_486 = tpu.vector_load %arg12[%swap3A_485] {strides = array<i32>} : memref<18432xi32, #tpu.memory_space<vmem>>, vector<16xi32>,
        tpu.vector_store %arg12[%swap3A_485], %broadcast_in_dim3A_264 {strides = array<i32>} : memref<18432xi32, #tpu.memory_space<vmem>>, vector<16xi32>,
        %add3A_487 = arith.constant 144 : i32
        %add3A_488 = arith.addi %mul3A_260, %add3A_487 : i32
        %add3A_489 = arith.constant 16 : i32
        %add3A_490 = arith.addi %add3A_488, %add3A_489 : i32
        %get3A_491 = arith.index_cast %add3A_490 : i32 to index
        %get3A_492 = tpu.vector_load %arg12[%get3A_491] {strides = array<i32>} : memref<18432xi32, #tpu.memory_space<vmem>>, vector<16xi32>,
        %add3A_493 = arith.addi %add3A_480, %get3A_492 : vector<16xi32>
        %add3A_494 = arith.constant 144 : i32
        %add3A_495 = arith.addi %mul3A_260, %add3A_494 : i32
        %add3A_496 = arith.constant 16 : i32
        %add3A_497 = arith.addi %add3A_495, %add3A_496 : i32
        %swap3A_498 = arith.index_cast %add3A_497 : i32 to index
        %swap3A_499 = tpu.vector_load %arg12[%swap3A_498] {strides = array<i32>} : memref<18432xi32, #tpu.memory_space<vmem>>, vector<16xi32>,
        tpu.vector_store %arg12[%swap3A_498], %broadcast_in_dim3A_264 {strides = array<i32>} : memref<18432xi32, #tpu.memory_space<vmem>>, vector<16xi32>,
        %add3A_500 = arith.constant 288 : i32
        %add3A_501 = arith.addi %mul3A_260, %add3A_500 : i32
        %add3A_502 = arith.constant 16 : i32
        %add3A_503 = arith.addi %add3A_501, %add3A_502 : i32
        %get3A_504 = arith.index_cast %add3A_503 : i32 to index
        %get3A_505 = tpu.vector_load %arg12[%get3A_504] {strides = array<i32>} : memref<18432xi32, #tpu.memory_space<vmem>>, vector<16xi32>,
        %add3A_506 = arith.addi %add3A_493, %get3A_505 : vector<16xi32>
        %add3A_507 = arith.constant 288 : i32
        %add3A_508 = arith.addi %mul3A_260, %add3A_507 : i32
        %add3A_509 = arith.constant 16 : i32
        %add3A_510 = arith.addi %add3A_508, %add3A_509 : i32
        %swap3A_511 = arith.index_cast %add3A_510 : i32 to index
        %swap3A_512 = tpu.vector_load %arg12[%swap3A_511] {strides = array<i32>} : memref<18432xi32, #tpu.memory_space<vmem>>, vector<16xi32>,
        tpu.vector_store %arg12[%swap3A_511], %broadcast_in_dim3A_264 {strides = array<i32>} : memref<18432xi32, #tpu.memory_space<vmem>>, vector<16xi32>,
        %add3A_513 = arith.constant 432 : i32
        %add3A_514 = arith.addi %mul3A_260, %add3A_513 : i32
        %add3A_515 = arith.constant 16 : i32
        %add3A_516 = arith.addi %add3A_514, %add3A_515 : i32
        %get3A_517 = arith.index_cast %add3A_516 : i32 to index
        %get3A_518 = tpu.vector_load %arg12[%get3A_517] {strides = array<i32>} : memref<18432xi32, #tpu.memory_space<vmem>>, vector<16xi32>,
        %add3A_519 = arith.addi %add3A_506, %get3A_518 : vector<16xi32>
        %add3A_520 = arith.constant 432 : i32
        %add3A_521 = arith.addi %mul3A_260, %add3A_520 : i32
        %add3A_522 = arith.constant 16 : i32
        %add3A_523 = arith.addi %add3A_521, %add3A_522 : i32
        %swap3A_524 = arith.index_cast %add3A_523 : i32 to index
        %swap3A_525 = tpu.vector_load %arg12[%swap3A_524] {strides = array<i32>} : memref<18432xi32, #tpu.memory_space<vmem>>, vector<16xi32>,
        tpu.vector_store %arg12[%swap3A_524], %broadcast_in_dim3A_264 {strides = array<i32>} : memref<18432xi32, #tpu.memory_space<vmem>>, vector<16xi32>,
        %add3A_526 = arith.constant 576 : i32
        %add3A_527 = arith.addi %mul3A_260, %add3A_526 : i32
        %add3A_528 = arith.constant 16 : i32
        %add3A_529 = arith.addi %add3A_527, %add3A_528 : i32
        %get3A_530 = arith.index_cast %add3A_529 : i32 to index
        %get3A_531 = tpu.vector_load %arg12[%get3A_530] {strides = array<i32>} : memref<18432xi32, #tpu.memory_space<vmem>>, vector<16xi32>,
        %add3A_532 = arith.addi %add3A_519, %get3A_531 : vector<16xi32>
        %add3A_533 = arith.constant 576 : i32
        %add3A_534 = arith.addi %mul3A_260, %add3A_533 : i32
        %add3A_535 = arith.constant 16 : i32
        %add3A_536 = arith.addi %add3A_534, %add3A_535 : i32
        %swap3A_537 = arith.index_cast %add3A_536 : i32 to index
        %swap3A_538 = tpu.vector_load %arg12[%swap3A_537] {strides = array<i32>} : memref<18432xi32, #tpu.memory_space<vmem>>, vector<16xi32>,
        tpu.vector_store %arg12[%swap3A_537], %broadcast_in_dim3A_264 {strides = array<i32>} : memref<18432xi32, #tpu.memory_space<vmem>>, vector<16xi32>,
        %add3A_539 = arith.constant 720 : i32
        %add3A_540 = arith.addi %mul3A_260, %add3A_539 : i32
        %add3A_541 = arith.constant 16 : i32
        %add3A_542 = arith.addi %add3A_540, %add3A_541 : i32
        %get3A_543 = arith.index_cast %add3A_542 : i32 to index
        %get3A_544 = tpu.vector_load %arg12[%get3A_543] {strides = array<i32>} : memref<18432xi32, #tpu.memory_space<vmem>>, vector<16xi32>,
        %add3A_545 = arith.addi %add3A_532, %get3A_544 : vector<16xi32>
        %add3A_546 = arith.constant 720 : i32
        %add3A_547 = arith.addi %mul3A_260, %add3A_546 : i32
        %add3A_548 = arith.constant 16 : i32
        %add3A_549 = arith.addi %add3A_547, %add3A_548 : i32
        %swap3A_550 = arith.index_cast %add3A_549 : i32 to index
        %swap3A_551 = tpu.vector_load %arg12[%swap3A_550] {strides = array<i32>} : memref<18432xi32, #tpu.memory_space<vmem>>, vector<16xi32>,
        tpu.vector_store %arg12[%swap3A_550], %broadcast_in_dim3A_264 {strides = array<i32>} : memref<18432xi32, #tpu.memory_space<vmem>>, vector<16xi32>,
        %add3A_552 = arith.constant 864 : i32
        %add3A_553 = arith.addi %mul3A_260, %add3A_552 : i32
        %add3A_554 = arith.constant 16 : i32
        %add3A_555 = arith.addi %add3A_553, %add3A_554 : i32
        %get3A_556 = arith.index_cast %add3A_555 : i32 to index
        %get3A_557 = tpu.vector_load %arg12[%get3A_556] {strides = array<i32>} : memref<18432xi32, #tpu.memory_space<vmem>>, vector<16xi32>,
        %add3A_558 = arith.addi %add3A_545, %get3A_557 : vector<16xi32>
        %add3A_559 = arith.constant 864 : i32
        %add3A_560 = arith.addi %mul3A_260, %add3A_559 : i32
        %add3A_561 = arith.constant 16 : i32
        %add3A_562 = arith.addi %add3A_560, %add3A_561 : i32
        %swap3A_563 = arith.index_cast %add3A_562 : i32 to index
        %swap3A_564 = tpu.vector_load %arg12[%swap3A_563] {strides = array<i32>} : memref<18432xi32, #tpu.memory_space<vmem>>, vector<16xi32>,
        tpu.vector_store %arg12[%swap3A_563], %broadcast_in_dim3A_264 {strides = array<i32>} : memref<18432xi32, #tpu.memory_space<vmem>>, vector<16xi32>,
        %add3A_565 = arith.constant 1008 : i32
        %add3A_566 = arith.addi %mul3A_260, %add3A_565 : i32
        %add3A_567 = arith.constant 16 : i32
        %add3A_568 = arith.addi %add3A_566, %add3A_567 : i32
        %get3A_569 = arith.index_cast %add3A_568 : i32 to index
        %get3A_570 = tpu.vector_load %arg12[%get3A_569] {strides = array<i32>} : memref<18432xi32, #tpu.memory_space<vmem>>, vector<16xi32>,
        %add3A_571 = arith.addi %add3A_558, %get3A_570 : vector<16xi32>
        %add3A_572 = arith.constant 1008 : i32
        %add3A_573 = arith.addi %mul3A_260, %add3A_572 : i32
        %add3A_574 = arith.constant 16 : i32
        %add3A_575 = arith.addi %add3A_573, %add3A_574 : i32
        %swap3A_576 = arith.index_cast %add3A_575 : i32 to index
        %swap3A_577 = tpu.vector_load %arg12[%swap3A_576] {strides = array<i32>} : memref<18432xi32, #tpu.memory_space<vmem>>, vector<16xi32>,
        tpu.vector_store %arg12[%swap3A_576], %broadcast_in_dim3A_264 {strides = array<i32>} : memref<18432xi32, #tpu.memory_space<vmem>>, vector<16xi32>,
        %add3A_578 = arith.constant 1152 : i32
        %add3A_579 = arith.addi %mul3A_260, %add3A_578 : i32
        %add3A_580 = arith.constant 16 : i32
        %add3A_581 = arith.addi %add3A_579, %add3A_580 : i32
        %get3A_582 = arith.index_cast %add3A_581 : i32 to index
        %get3A_583 = tpu.vector_load %arg12[%get3A_582] {strides = array<i32>} : memref<18432xi32, #tpu.memory_space<vmem>>, vector<16xi32>,
        %add3A_584 = arith.addi %add3A_571, %get3A_583 : vector<16xi32>
        %add3A_585 = arith.constant 1152 : i32
        %add3A_586 = arith.addi %mul3A_260, %add3A_585 : i32
        %add3A_587 = arith.constant 16 : i32
        %add3A_588 = arith.addi %add3A_586, %add3A_587 : i32
        %swap3A_589 = arith.index_cast %add3A_588 : i32 to index
        %swap3A_590 = tpu.vector_load %arg12[%swap3A_589] {strides = array<i32>} : memref<18432xi32, #tpu.memory_space<vmem>>, vector<16xi32>,
        tpu.vector_store %arg12[%swap3A_589], %broadcast_in_dim3A_264 {strides = array<i32>} : memref<18432xi32, #tpu.memory_space<vmem>>, vector<16xi32>,
        %add3A_591 = arith.constant 1296 : i32
        %add3A_592 = arith.addi %mul3A_260, %add3A_591 : i32
        %add3A_593 = arith.constant 16 : i32
        %add3A_594 = arith.addi %add3A_592, %add3A_593 : i32
        %get3A_595 = arith.index_cast %add3A_594 : i32 to index
        %get3A_596 = tpu.vector_load %arg12[%get3A_595] {strides = array<i32>} : memref<18432xi32, #tpu.memory_space<vmem>>, vector<16xi32>,
        %add3A_597 = arith.addi %add3A_584, %get3A_596 : vector<16xi32>
        %add3A_598 = arith.constant 1296 : i32
        %add3A_599 = arith.addi %mul3A_260, %add3A_598 : i32
        %add3A_600 = arith.constant 16 : i32
        %add3A_601 = arith.addi %add3A_599, %add3A_600 : i32
        %swap3A_602 = arith.index_cast %add3A_601 : i32 to index
        %swap3A_603 = tpu.vector_load %arg12[%swap3A_602] {strides = array<i32>} : memref<18432xi32, #tpu.memory_space<vmem>>, vector<16xi32>,
        tpu.vector_store %arg12[%swap3A_602], %broadcast_in_dim3A_264 {strides = array<i32>} : memref<18432xi32, #tpu.memory_space<vmem>>, vector<16xi32>,
        %add3A_604 = arith.constant 1440 : i32
        %add3A_605 = arith.addi %mul3A_260, %add3A_604 : i32
        %add3A_606 = arith.constant 16 : i32
        %add3A_607 = arith.addi %add3A_605, %add3A_606 : i32
        %get3A_608 = arith.index_cast %add3A_607 : i32 to index
        %get3A_609 = tpu.vector_load %arg12[%get3A_608] {strides = array<i32>} : memref<18432xi32, #tpu.memory_space<vmem>>, vector<16xi32>,
        %add3A_610 = arith.addi %add3A_597, %get3A_609 : vector<16xi32>
        %add3A_611 = arith.constant 1440 : i32
        %add3A_612 = arith.addi %mul3A_260, %add3A_611 : i32
        %add3A_613 = arith.constant 16 : i32
        %add3A_614 = arith.addi %add3A_612, %add3A_613 : i32
        %swap3A_615 = arith.index_cast %add3A_614 : i32 to index
        %swap3A_616 = tpu.vector_load %arg12[%swap3A_615] {strides = array<i32>} : memref<18432xi32, #tpu.memory_space<vmem>>, vector<16xi32>,
        tpu.vector_store %arg12[%swap3A_615], %broadcast_in_dim3A_264 {strides = array<i32>} : memref<18432xi32, #tpu.memory_space<vmem>>, vector<16xi32>,
        %add3A_617 = arith.constant 1584 : i32
        %add3A_618 = arith.addi %mul3A_260, %add3A_617 : i32
        %add3A_619 = arith.constant 16 : i32
        %add3A_620 = arith.addi %add3A_618, %add3A_619 : i32
        %get3A_621 = arith.index_cast %add3A_620 : i32 to index
        %get3A_622 = tpu.vector_load %arg12[%get3A_621] {strides = array<i32>} : memref<18432xi32, #tpu.memory_space<vmem>>, vector<16xi32>,
        %add3A_623 = arith.addi %add3A_610, %get3A_622 : vector<16xi32>
        %add3A_624 = arith.constant 1584 : i32
        %add3A_625 = arith.addi %mul3A_260, %add3A_624 : i32
        %add3A_626 = arith.constant 16 : i32
        %add3A_627 = arith.addi %add3A_625, %add3A_626 : i32
        %swap3A_628 = arith.index_cast %add3A_627 : i32 to index
        %swap3A_629 = tpu.vector_load %arg12[%swap3A_628] {strides = array<i32>} : memref<18432xi32, #tpu.memory_space<vmem>>, vector<16xi32>,
        tpu.vector_store %arg12[%swap3A_628], %broadcast_in_dim3A_264 {strides = array<i32>} : memref<18432xi32, #tpu.memory_space<vmem>>, vector<16xi32>,
        %add3A_630 = arith.constant 1728 : i32
        %add3A_631 = arith.addi %mul3A_260, %add3A_630 : i32
        %add3A_632 = arith.constant 16 : i32
        %add3A_633 = arith.addi %add3A_631, %add3A_632 : i32
        %get3A_634 = arith.index_cast %add3A_633 : i32 to index
        %get3A_635 = tpu.vector_load %arg12[%get3A_634] {strides = array<i32>} : memref<18432xi32, #tpu.memory_space<vmem>>, vector<16xi32>,
        %add3A_636 = arith.addi %add3A_623, %get3A_635 : vector<16xi32>
        %add3A_637 = arith.constant 1728 : i32
        %add3A_638 = arith.addi %mul3A_260, %add3A_637 : i32
        %add3A_639 = arith.constant 16 : i32
        %add3A_640 = arith.addi %add3A_638, %add3A_639 : i32
        %swap3A_641 = arith.index_cast %add3A_640 : i32 to index
        %swap3A_642 = tpu.vector_load %arg12[%swap3A_641] {strides = array<i32>} : memref<18432xi32, #tpu.memory_space<vmem>>, vector<16xi32>,
        tpu.vector_store %arg12[%swap3A_641], %broadcast_in_dim3A_264 {strides = array<i32>} : memref<18432xi32, #tpu.memory_space<vmem>>, vector<16xi32>,
        %add3A_643 = arith.constant 1872 : i32
        %add3A_644 = arith.addi %mul3A_260, %add3A_643 : i32
        %add3A_645 = arith.constant 16 : i32
        %add3A_646 = arith.addi %add3A_644, %add3A_645 : i32
        %get3A_647 = arith.index_cast %add3A_646 : i32 to index
        %get3A_648 = tpu.vector_load %arg12[%get3A_647] {strides = array<i32>} : memref<18432xi32, #tpu.memory_space<vmem>>, vector<16xi32>,
        %add3A_649 = arith.addi %add3A_636, %get3A_648 : vector<16xi32>
        %add3A_650 = arith.constant 1872 : i32
        %add3A_651 = arith.addi %mul3A_260, %add3A_650 : i32
        %add3A_652 = arith.constant 16 : i32
        %add3A_653 = arith.addi %add3A_651, %add3A_652 : i32
        %swap3A_654 = arith.index_cast %add3A_653 : i32 to index
        %swap3A_655 = tpu.vector_load %arg12[%swap3A_654] {strides = array<i32>} : memref<18432xi32, #tpu.memory_space<vmem>>, vector<16xi32>,
        tpu.vector_store %arg12[%swap3A_654], %broadcast_in_dim3A_264 {strides = array<i32>} : memref<18432xi32, #tpu.memory_space<vmem>>, vector<16xi32>,
        %add3A_656 = arith.constant 2016 : i32
        %add3A_657 = arith.addi %mul3A_260, %add3A_656 : i32
        %add3A_658 = arith.constant 16 : i32
        %add3A_659 = arith.addi %add3A_657, %add3A_658 : i32
        %get3A_660 = arith.index_cast %add3A_659 : i32 to index
        %get3A_661 = tpu.vector_load %arg12[%get3A_660] {strides = array<i32>} : memref<18432xi32, #tpu.memory_space<vmem>>, vector<16xi32>,
        %add3A_662 = arith.addi %add3A_649, %get3A_661 : vector<16xi32>
        %add3A_663 = arith.constant 2016 : i32
        %add3A_664 = arith.addi %mul3A_260, %add3A_663 : i32
        %add3A_665 = arith.constant 16 : i32
        %add3A_666 = arith.addi %add3A_664, %add3A_665 : i32
        %swap3A_667 = arith.index_cast %add3A_666 : i32 to index
        %swap3A_668 = tpu.vector_load %arg12[%swap3A_667] {strides = array<i32>} : memref<18432xi32, #tpu.memory_space<vmem>>, vector<16xi32>,
        tpu.vector_store %arg12[%swap3A_667], %broadcast_in_dim3A_264 {strides = array<i32>} : memref<18432xi32, #tpu.memory_space<vmem>>, vector<16xi32>,
        %add3A_669 = arith.constant 2160 : i32
        %add3A_670 = arith.addi %mul3A_260, %add3A_669 : i32
        %add3A_671 = arith.constant 16 : i32
        %add3A_672 = arith.addi %add3A_670, %add3A_671 : i32
        %get3A_673 = arith.index_cast %add3A_672 : i32 to index
        %get3A_674 = tpu.vector_load %arg12[%get3A_673] {strides = array<i32>} : memref<18432xi32, #tpu.memory_space<vmem>>, vector<16xi32>,
        %add3A_675 = arith.addi %add3A_662, %get3A_674 : vector<16xi32>
        %add3A_676 = arith.constant 2160 : i32
        %add3A_677 = arith.addi %mul3A_260, %add3A_676 : i32
        %add3A_678 = arith.constant 16 : i32
        %add3A_679 = arith.addi %add3A_677, %add3A_678 : i32
        %swap3A_680 = arith.index_cast %add3A_679 : i32 to index
        %swap3A_681 = tpu.vector_load %arg12[%swap3A_680] {strides = array<i32>} : memref<18432xi32, #tpu.memory_space<vmem>>, vector<16xi32>,
        tpu.vector_store %arg12[%swap3A_680], %broadcast_in_dim3A_264 {strides = array<i32>} : memref<18432xi32, #tpu.memory_space<vmem>>, vector<16xi32>,
        %swap3A_682 = arith.constant 16 : index
        %swap3A_683 = tpu.vector_load %arg13[%swap3A_682] {strides = array<i32>} : memref<144xi32, #tpu.memory_space<vmem>>, vector<16xi32>,
        tpu.vector_store %arg13[%swap3A_682], %add3A_675 {strides = array<i32>} : memref<144xi32, #tpu.memory_space<vmem>>, vector<16xi32>,
        %add3A_684 = arith.constant 0 : i32
        %add3A_685 = arith.addi %mul3A_260, %add3A_684 : i32
        %add3A_686 = arith.constant 32 : i32
        %add3A_687 = arith.addi %add3A_685, %add3A_686 : i32
        %get3A_688 = arith.index_cast %add3A_687 : i32 to index
        %get3A_689 = tpu.vector_load %arg12[%get3A_688] {strides = array<i32>} : memref<18432xi32, #tpu.memory_space<vmem>>, vector<16xi32>,
        %add3A_690 = arith.addi %broadcast_in_dim3A_264, %get3A_689 : vector<16xi32>
        %add3A_691 = arith.constant 0 : i32
        %add3A_692 = arith.addi %mul3A_260, %add3A_691 : i32
        %add3A_693 = arith.constant 32 : i32
        %add3A_694 = arith.addi %add3A_692, %add3A_693 : i32
        %swap3A_695 = arith.index_cast %add3A_694 : i32 to index
        %swap3A_696 = tpu.vector_load %arg12[%swap3A_695] {strides = array<i32>} : memref<18432xi32, #tpu.memory_space<vmem>>, vector<16xi32>,
        tpu.vector_store %arg12[%swap3A_695], %broadcast_in_dim3A_264 {strides = array<i32>} : memref<18432xi32, #tpu.memory_space<vmem>>, vector<16xi32>,
        %add3A_697 = arith.constant 144 : i32
        %add3A_698 = arith.addi %mul3A_260, %add3A_697 : i32
        %add3A_699 = arith.constant 32 : i32
        %add3A_700 = arith.addi %add3A_698, %add3A_699 : i32
        %get3A_701 = arith.index_cast %add3A_700 : i32 to index
        %get3A_702 = tpu.vector_load %arg12[%get3A_701] {strides = array<i32>} : memref<18432xi32, #tpu.memory_space<vmem>>, vector<16xi32>,
        %add3A_703 = arith.addi %add3A_690, %get3A_702 : vector<16xi32>
        %add3A_704 = arith.constant 144 : i32
        %add3A_705 = arith.addi %mul3A_260, %add3A_704 : i32
        %add3A_706 = arith.constant 32 : i32
        %add3A_707 = arith.addi %add3A_705, %add3A_706 : i32
        %swap3A_708 = arith.index_cast %add3A_707 : i32 to index
        %swap3A_709 = tpu.vector_load %arg12[%swap3A_708] {strides = array<i32>} : memref<18432xi32, #tpu.memory_space<vmem>>, vector<16xi32>,
        tpu.vector_store %arg12[%swap3A_708], %broadcast_in_dim3A_264 {strides = array<i32>} : memref<18432xi32, #tpu.memory_space<vmem>>, vector<16xi32>,
        %add3A_710 = arith.constant 288 : i32
        %add3A_711 = arith.addi %mul3A_260, %add3A_710 : i32
        %add3A_712 = arith.constant 32 : i32
        %add3A_713 = arith.addi %add3A_711, %add3A_712 : i32
        %get3A_714 = arith.index_cast %add3A_713 : i32 to index
        %get3A_715 = tpu.vector_load %arg12[%get3A_714] {strides = array<i32>} : memref<18432xi32, #tpu.memory_space<vmem>>, vector<16xi32>,
        %add3A_716 = arith.addi %add3A_703, %get3A_715 : vector<16xi32>
        %add3A_717 = arith.constant 288 : i32
        %add3A_718 = arith.addi %mul3A_260, %add3A_717 : i32
        %add3A_719 = arith.constant 32 : i32
        %add3A_720 = arith.addi %add3A_718, %add3A_719 : i32
        %swap3A_721 = arith.index_cast %add3A_720 : i32 to index
        %swap3A_722 = tpu.vector_load %arg12[%swap3A_721] {strides = array<i32>} : memref<18432xi32, #tpu.memory_space<vmem>>, vector<16xi32>,
        tpu.vector_store %arg12[%swap3A_721], %broadcast_in_dim3A_264 {strides = array<i32>} : memref<18432xi32, #tpu.memory_space<vmem>>, vector<16xi32>,
        %add3A_723 = arith.constant 432 : i32
        %add3A_724 = arith.addi %mul3A_260, %add3A_723 : i32
        %add3A_725 = arith.constant 32 : i32
        %add3A_726 = arith.addi %add3A_724, %add3A_725 : i32
        %get3A_727 = arith.index_cast %add3A_726 : i32 to index
        %get3A_728 = tpu.vector_load %arg12[%get3A_727] {strides = array<i32>} : memref<18432xi32, #tpu.memory_space<vmem>>, vector<16xi32>,
        %add3A_729 = arith.addi %add3A_716, %get3A_728 : vector<16xi32>
        %add3A_730 = arith.constant 432 : i32
        %add3A_731 = arith.addi %mul3A_260, %add3A_730 : i32
        %add3A_732 = arith.constant 32 : i32
        %add3A_733 = arith.addi %add3A_731, %add3A_732 : i32
        %swap3A_734 = arith.index_cast %add3A_733 : i32 to index
        %swap3A_735 = tpu.vector_load %arg12[%swap3A_734] {strides = array<i32>} : memref<18432xi32, #tpu.memory_space<vmem>>, vector<16xi32>,
        tpu.vector_store %arg12[%swap3A_734], %broadcast_in_dim3A_264 {strides = array<i32>} : memref<18432xi32, #tpu.memory_space<vmem>>, vector<16xi32>,
        %add3A_736 = arith.constant 576 : i32
        %add3A_737 = arith.addi %mul3A_260, %add3A_736 : i32
        %add3A_738 = arith.constant 32 : i32
        %add3A_739 = arith.addi %add3A_737, %add3A_738 : i32
        %get3A_740 = arith.index_cast %add3A_739 : i32 to index
        %get3A_741 = tpu.vector_load %arg12[%get3A_740] {strides = array<i32>} : memref<18432xi32, #tpu.memory_space<vmem>>, vector<16xi32>,
        %add3A_742 = arith.addi %add3A_729, %get3A_741 : vector<16xi32>
        %add3A_743 = arith.constant 576 : i32
        %add3A_744 = arith.addi %mul3A_260, %add3A_743 : i32
        %add3A_745 = arith.constant 32 : i32
        %add3A_746 = arith.addi %add3A_744, %add3A_745 : i32
        %swap3A_747 = arith.index_cast %add3A_746 : i32 to index
        %swap3A_748 = tpu.vector_load %arg12[%swap3A_747] {strides = array<i32>} : memref<18432xi32, #tpu.memory_space<vmem>>, vector<16xi32>,
        tpu.vector_store %arg12[%swap3A_747], %broadcast_in_dim3A_264 {strides = array<i32>} : memref<18432xi32, #tpu.memory_space<vmem>>, vector<16xi32>,
        %add3A_749 = arith.constant 720 : i32
        %add3A_750 = arith.addi %mul3A_260, %add3A_749 : i32
        %add3A_751 = arith.constant 32 : i32
        %add3A_752 = arith.addi %add3A_750, %add3A_751 : i32
        %get3A_753 = arith.index_cast %add3A_752 : i32 to index
        %get3A_754 = tpu.vector_load %arg12[%get3A_753] {strides = array<i32>} : memref<18432xi32, #tpu.memory_space<vmem>>, vector<16xi32>,
        %add3A_755 = arith.addi %add3A_742, %get3A_754 : vector<16xi32>
        %add3A_756 = arith.constant 720 : i32
        %add3A_757 = arith.addi %mul3A_260, %add3A_756 : i32
        %add3A_758 = arith.constant 32 : i32
        %add3A_759 = arith.addi %add3A_757, %add3A_758 : i32
        %swap3A_760 = arith.index_cast %add3A_759 : i32 to index
        %swap3A_761 = tpu.vector_load %arg12[%swap3A_760] {strides = array<i32>} : memref<18432xi32, #tpu.memory_space<vmem>>, vector<16xi32>,
        tpu.vector_store %arg12[%swap3A_760], %broadcast_in_dim3A_264 {strides = array<i32>} : memref<18432xi32, #tpu.memory_space<vmem>>, vector<16xi32>,
        %add3A_762 = arith.constant 864 : i32
        %add3A_763 = arith.addi %mul3A_260, %add3A_762 : i32
        %add3A_764 = arith.constant 32 : i32
        %add3A_765 = arith.addi %add3A_763, %add3A_764 : i32
        %get3A_766 = arith.index_cast %add3A_765 : i32 to index
        %get3A_767 = tpu.vector_load %arg12[%get3A_766] {strides = array<i32>} : memref<18432xi32, #tpu.memory_space<vmem>>, vector<16xi32>,
        %add3A_768 = arith.addi %add3A_755, %get3A_767 : vector<16xi32>
        %add3A_769 = arith.constant 864 : i32
        %add3A_770 = arith.addi %mul3A_260, %add3A_769 : i32
        %add3A_771 = arith.constant 32 : i32
        %add3A_772 = arith.addi %add3A_770, %add3A_771 : i32
        %swap3A_773 = arith.index_cast %add3A_772 : i32 to index
        %swap3A_774 = tpu.vector_load %arg12[%swap3A_773] {strides = array<i32>} : memref<18432xi32, #tpu.memory_space<vmem>>, vector<16xi32>,
        tpu.vector_store %arg12[%swap3A_773], %broadcast_in_dim3A_264 {strides = array<i32>} : memref<18432xi32, #tpu.memory_space<vmem>>, vector<16xi32>,
        %add3A_775 = arith.constant 1008 : i32
        %add3A_776 = arith.addi %mul3A_260, %add3A_775 : i32
        %add3A_777 = arith.constant 32 : i32
        %add3A_778 = arith.addi %add3A_776, %add3A_777 : i32
        %get3A_779 = arith.index_cast %add3A_778 : i32 to index
        %get3A_780 = tpu.vector_load %arg12[%get3A_779] {strides = array<i32>} : memref<18432xi32, #tpu.memory_space<vmem>>, vector<16xi32>,
        %add3A_781 = arith.addi %add3A_768, %get3A_780 : vector<16xi32>
        %add3A_782 = arith.constant 1008 : i32
        %add3A_783 = arith.addi %mul3A_260, %add3A_782 : i32
        %add3A_784 = arith.constant 32 : i32
        %add3A_785 = arith.addi %add3A_783, %add3A_784 : i32
        %swap3A_786 = arith.index_cast %add3A_785 : i32 to index
        %swap3A_787 = tpu.vector_load %arg12[%swap3A_786] {strides = array<i32>} : memref<18432xi32, #tpu.memory_space<vmem>>, vector<16xi32>,
        tpu.vector_store %arg12[%swap3A_786], %broadcast_in_dim3A_264 {strides = array<i32>} : memref<18432xi32, #tpu.memory_space<vmem>>, vector<16xi32>,
        %add3A_788 = arith.constant 1152 : i32
        %add3A_789 = arith.addi %mul3A_260, %add3A_788 : i32
        %add3A_790 = arith.constant 32 : i32
        %add3A_791 = arith.addi %add3A_789, %add3A_790 : i32
        %get3A_792 = arith.index_cast %add3A_791 : i32 to index
        %get3A_793 = tpu.vector_load %arg12[%get3A_792] {strides = array<i32>} : memref<18432xi32, #tpu.memory_space<vmem>>, vector<16xi32>,
        %add3A_794 = arith.addi %add3A_781, %get3A_793 : vector<16xi32>
        %add3A_795 = arith.constant 1152 : i32
        %add3A_796 = arith.addi %mul3A_260, %add3A_795 : i32
        %add3A_797 = arith.constant 32 : i32
        %add3A_798 = arith.addi %add3A_796, %add3A_797 : i32
        %swap3A_799 = arith.index_cast %add3A_798 : i32 to index
        %swap3A_800 = tpu.vector_load %arg12[%swap3A_799] {strides = array<i32>} : memref<18432xi32, #tpu.memory_space<vmem>>, vector<16xi32>,
        tpu.vector_store %arg12[%swap3A_799], %broadcast_in_dim3A_264 {strides = array<i32>} : memref<18432xi32, #tpu.memory_space<vmem>>, vector<16xi32>,
        %add3A_801 = arith.constant 1296 : i32
        %add3A_802 = arith.addi %mul3A_260, %add3A_801 : i32
        %add3A_803 = arith.constant 32 : i32
        %add3A_804 = arith.addi %add3A_802, %add3A_803 : i32
        %get3A_805 = arith.index_cast %add3A_804 : i32 to index
        %get3A_806 = tpu.vector_load %arg12[%get3A_805] {strides = array<i32>} : memref<18432xi32, #tpu.memory_space<vmem>>, vector<16xi32>,
        %add3A_807 = arith.addi %add3A_794, %get3A_806 : vector<16xi32>
        %add3A_808 = arith.constant 1296 : i32
        %add3A_809 = arith.addi %mul3A_260, %add3A_808 : i32
        %add3A_810 = arith.constant 32 : i32
        %add3A_811 = arith.addi %add3A_809, %add3A_810 : i32
        %swap3A_812 = arith.index_cast %add3A_811 : i32 to index
        %swap3A_813 = tpu.vector_load %arg12[%swap3A_812] {strides = array<i32>} : memref<18432xi32, #tpu.memory_space<vmem>>, vector<16xi32>,
        tpu.vector_store %arg12[%swap3A_812], %broadcast_in_dim3A_264 {strides = array<i32>} : memref<18432xi32, #tpu.memory_space<vmem>>, vector<16xi32>,
        %add3A_814 = arith.constant 1440 : i32
        %add3A_815 = arith.addi %mul3A_260, %add3A_814 : i32
        %add3A_816 = arith.constant 32 : i32
        %add3A_817 = arith.addi %add3A_815, %add3A_816 : i32
        %get3A_818 = arith.index_cast %add3A_817 : i32 to index
        %get3A_819 = tpu.vector_load %arg12[%get3A_818] {strides = array<i32>} : memref<18432xi32, #tpu.memory_space<vmem>>, vector<16xi32>,
        %add3A_820 = arith.addi %add3A_807, %get3A_819 : vector<16xi32>
        %add3A_821 = arith.constant 1440 : i32
        %add3A_822 = arith.addi %mul3A_260, %add3A_821 : i32
        %add3A_823 = arith.constant 32 : i32
        %add3A_824 = arith.addi %add3A_822, %add3A_823 : i32
        %swap3A_825 = arith.index_cast %add3A_824 : i32 to index
        %swap3A_826 = tpu.vector_load %arg12[%swap3A_825] {strides = array<i32>} : memref<18432xi32, #tpu.memory_space<vmem>>, vector<16xi32>,
        tpu.vector_store %arg12[%swap3A_825], %broadcast_in_dim3A_264 {strides = array<i32>} : memref<18432xi32, #tpu.memory_space<vmem>>, vector<16xi32>,
        %add3A_827 = arith.constant 1584 : i32
        %add3A_828 = arith.addi %mul3A_260, %add3A_827 : i32
        %add3A_829 = arith.constant 32 : i32
        %add3A_830 = arith.addi %add3A_828, %add3A_829 : i32
        %get3A_831 = arith.index_cast %add3A_830 : i32 to index
        %get3A_832 = tpu.vector_load %arg12[%get3A_831] {strides = array<i32>} : memref<18432xi32, #tpu.memory_space<vmem>>, vector<16xi32>,
        %add3A_833 = arith.addi %add3A_820, %get3A_832 : vector<16xi32>
        %add3A_834 = arith.constant 1584 : i32
        %add3A_835 = arith.addi %mul3A_260, %add3A_834 : i32
        %add3A_836 = arith.constant 32 : i32
        %add3A_837 = arith.addi %add3A_835, %add3A_836 : i32
        %swap3A_838 = arith.index_cast %add3A_837 : i32 to index
        %swap3A_839 = tpu.vector_load %arg12[%swap3A_838] {strides = array<i32>} : memref<18432xi32, #tpu.memory_space<vmem>>, vector<16xi32>,
        tpu.vector_store %arg12[%swap3A_838], %broadcast_in_dim3A_264 {strides = array<i32>} : memref<18432xi32, #tpu.memory_space<vmem>>, vector<16xi32>,
        %add3A_840 = arith.constant 1728 : i32
        %add3A_841 = arith.addi %mul3A_260, %add3A_840 : i32
        %add3A_842 = arith.constant 32 : i32
        %add3A_843 = arith.addi %add3A_841, %add3A_842 : i32
        %get3A_844 = arith.index_cast %add3A_843 : i32 to index
        %get3A_845 = tpu.vector_load %arg12[%get3A_844] {strides = array<i32>} : memref<18432xi32, #tpu.memory_space<vmem>>, vector<16xi32>,
        %add3A_846 = arith.addi %add3A_833, %get3A_845 : vector<16xi32>
        %add3A_847 = arith.constant 1728 : i32
        %add3A_848 = arith.addi %mul3A_260, %add3A_847 : i32
        %add3A_849 = arith.constant 32 : i32
        %add3A_850 = arith.addi %add3A_848, %add3A_849 : i32
        %swap3A_851 = arith.index_cast %add3A_850 : i32 to index
        %swap3A_852 = tpu.vector_load %arg12[%swap3A_851] {strides = array<i32>} : memref<18432xi32, #tpu.memory_space<vmem>>, vector<16xi32>,
        tpu.vector_store %arg12[%swap3A_851], %broadcast_in_dim3A_264 {strides = array<i32>} : memref<18432xi32, #tpu.memory_space<vmem>>, vector<16xi32>,
        %add3A_853 = arith.constant 1872 : i32
        %add3A_854 = arith.addi %mul3A_260, %add3A_853 : i32
        %add3A_855 = arith.constant 32 : i32
        %add3A_856 = arith.addi %add3A_854, %add3A_855 : i32
        %get3A_857 = arith.index_cast %add3A_856 : i32 to index
        %get3A_858 = tpu.vector_load %arg12[%get3A_857] {strides = array<i32>} : memref<18432xi32, #tpu.memory_space<vmem>>, vector<16xi32>,
        %add3A_859 = arith.addi %add3A_846, %get3A_858 : vector<16xi32>
        %add3A_860 = arith.constant 1872 : i32
        %add3A_861 = arith.addi %mul3A_260, %add3A_860 : i32
        %add3A_862 = arith.constant 32 : i32
        %add3A_863 = arith.addi %add3A_861, %add3A_862 : i32
        %swap3A_864 = arith.index_cast %add3A_863 : i32 to index
        %swap3A_865 = tpu.vector_load %arg12[%swap3A_864] {strides = array<i32>} : memref<18432xi32, #tpu.memory_space<vmem>>, vector<16xi32>,
        tpu.vector_store %arg12[%swap3A_864], %broadcast_in_dim3A_264 {strides = array<i32>} : memref<18432xi32, #tpu.memory_space<vmem>>, vector<16xi32>,
        %add3A_866 = arith.constant 2016 : i32
        %add3A_867 = arith.addi %mul3A_260, %add3A_866 : i32
        %add3A_868 = arith.constant 32 : i32
        %add3A_869 = arith.addi %add3A_867, %add3A_868 : i32
        %get3A_870 = arith.index_cast %add3A_869 : i32 to index
        %get3A_871 = tpu.vector_load %arg12[%get3A_870] {strides = array<i32>} : memref<18432xi32, #tpu.memory_space<vmem>>, vector<16xi32>,
        %add3A_872 = arith.addi %add3A_859, %get3A_871 : vector<16xi32>
        %add3A_873 = arith.constant 2016 : i32
        %add3A_874 = arith.addi %mul3A_260, %add3A_873 : i32
        %add3A_875 = arith.constant 32 : i32
        %add3A_876 = arith.addi %add3A_874, %add3A_875 : i32
        %swap3A_877 = arith.index_cast %add3A_876 : i32 to index
        %swap3A_878 = tpu.vector_load %arg12[%swap3A_877] {strides = array<i32>} : memref<18432xi32, #tpu.memory_space<vmem>>, vector<16xi32>,
        tpu.vector_store %arg12[%swap3A_877], %broadcast_in_dim3A_264 {strides = array<i32>} : memref<18432xi32, #tpu.memory_space<vmem>>, vector<16xi32>,
        %add3A_879 = arith.constant 2160 : i32
        %add3A_880 = arith.addi %mul3A_260, %add3A_879 : i32
        %add3A_881 = arith.constant 32 : i32
        %add3A_882 = arith.addi %add3A_880, %add3A_881 : i32
        %get3A_883 = arith.index_cast %add3A_882 : i32 to index
        %get3A_884 = tpu.vector_load %arg12[%get3A_883] {strides = array<i32>} : memref<18432xi32, #tpu.memory_space<vmem>>, vector<16xi32>,
        %add3A_885 = arith.addi %add3A_872, %get3A_884 : vector<16xi32>
        %add3A_886 = arith.constant 2160 : i32
        %add3A_887 = arith.addi %mul3A_260, %add3A_886 : i32
        %add3A_888 = arith.constant 32 : i32
        %add3A_889 = arith.addi %add3A_887, %add3A_888 : i32
        %swap3A_890 = arith.index_cast %add3A_889 : i32 to index
        %swap3A_891 = tpu.vector_load %arg12[%swap3A_890] {strides = array<i32>} : memref<18432xi32, #tpu.memory_space<vmem>>, vector<16xi32>,
        tpu.vector_store %arg12[%swap3A_890], %broadcast_in_dim3A_264 {strides = array<i32>} : memref<18432xi32, #tpu.memory_space<vmem>>, vector<16xi32>,
        %swap3A_892 = arith.constant 32 : index
        %swap3A_893 = tpu.vector_load %arg13[%swap3A_892] {strides = array<i32>} : memref<144xi32, #tpu.memory_space<vmem>>, vector<16xi32>,
        tpu.vector_store %arg13[%swap3A_892], %add3A_885 {strides = array<i32>} : memref<144xi32, #tpu.memory_space<vmem>>, vector<16xi32>,
        %add3A_894 = arith.constant 0 : i32
        %add3A_895 = arith.addi %mul3A_260, %add3A_894 : i32
        %add3A_896 = arith.constant 48 : i32
        %add3A_897 = arith.addi %add3A_895, %add3A_896 : i32
        %get3A_898 = arith.index_cast %add3A_897 : i32 to index
        %get3A_899 = tpu.vector_load %arg12[%get3A_898] {strides = array<i32>} : memref<18432xi32, #tpu.memory_space<vmem>>, vector<16xi32>,
        %add3A_900 = arith.addi %broadcast_in_dim3A_264, %get3A_899 : vector<16xi32>
        %add3A_901 = arith.constant 0 : i32
        %add3A_902 = arith.addi %mul3A_260, %add3A_901 : i32
        %add3A_903 = arith.constant 48 : i32
        %add3A_904 = arith.addi %add3A_902, %add3A_903 : i32
        %swap3A_905 = arith.index_cast %add3A_904 : i32 to index
        %swap3A_906 = tpu.vector_load %arg12[%swap3A_905] {strides = array<i32>} : memref<18432xi32, #tpu.memory_space<vmem>>, vector<16xi32>,
        tpu.vector_store %arg12[%swap3A_905], %broadcast_in_dim3A_264 {strides = array<i32>} : memref<18432xi32, #tpu.memory_space<vmem>>, vector<16xi32>,
        %add3A_907 = arith.constant 144 : i32
        %add3A_908 = arith.addi %mul3A_260, %add3A_907 : i32
        %add3A_909 = arith.constant 48 : i32
        %add3A_910 = arith.addi %add3A_908, %add3A_909 : i32
        %get3A_911 = arith.index_cast %add3A_910 : i32 to index
        %get3A_912 = tpu.vector_load %arg12[%get3A_911] {strides = array<i32>} : memref<18432xi32, #tpu.memory_space<vmem>>, vector<16xi32>,
        %add3A_913 = arith.addi %add3A_900, %get3A_912 : vector<16xi32>
        %add3A_914 = arith.constant 144 : i32
        %add3A_915 = arith.addi %mul3A_260, %add3A_914 : i32
        %add3A_916 = arith.constant 48 : i32
        %add3A_917 = arith.addi %add3A_915, %add3A_916 : i32
        %swap3A_918 = arith.index_cast %add3A_917 : i32 to index
        %swap3A_919 = tpu.vector_load %arg12[%swap3A_918] {strides = array<i32>} : memref<18432xi32, #tpu.memory_space<vmem>>, vector<16xi32>,
        tpu.vector_store %arg12[%swap3A_918], %broadcast_in_dim3A_264 {strides = array<i32>} : memref<18432xi32, #tpu.memory_space<vmem>>, vector<16xi32>,
        %add3A_920 = arith.constant 288 : i32
        %add3A_921 = arith.addi %mul3A_260, %add3A_920 : i32
        %add3A_922 = arith.constant 48 : i32
        %add3A_923 = arith.addi %add3A_921, %add3A_922 : i32
        %get3A_924 = arith.index_cast %add3A_923 : i32 to index
        %get3A_925 = tpu.vector_load %arg12[%get3A_924] {strides = array<i32>} : memref<18432xi32, #tpu.memory_space<vmem>>, vector<16xi32>,
        %add3A_926 = arith.addi %add3A_913, %get3A_925 : vector<16xi32>
        %add3A_927 = arith.constant 288 : i32
        %add3A_928 = arith.addi %mul3A_260, %add3A_927 : i32
        %add3A_929 = arith.constant 48 : i32
        %add3A_930 = arith.addi %add3A_928, %add3A_929 : i32
        %swap3A_931 = arith.index_cast %add3A_930 : i32 to index
        %swap3A_932 = tpu.vector_load %arg12[%swap3A_931] {strides = array<i32>} : memref<18432xi32, #tpu.memory_space<vmem>>, vector<16xi32>,
        tpu.vector_store %arg12[%swap3A_931], %broadcast_in_dim3A_264 {strides = array<i32>} : memref<18432xi32, #tpu.memory_space<vmem>>, vector<16xi32>,
        %add3A_933 = arith.constant 432 : i32
        %add3A_934 = arith.addi %mul3A_260, %add3A_933 : i32
        %add3A_935 = arith.constant 48 : i32
        %add3A_936 = arith.addi %add3A_934, %add3A_935 : i32
        %get3A_937 = arith.index_cast %add3A_936 : i32 to index
        %get3A_938 = tpu.vector_load %arg12[%get3A_937] {strides = array<i32>} : memref<18432xi32, #tpu.memory_space<vmem>>, vector<16xi32>,
        %add3A_939 = arith.addi %add3A_926, %get3A_938 : vector<16xi32>
        %add3A_940 = arith.constant 432 : i32
        %add3A_941 = arith.addi %mul3A_260, %add3A_940 : i32
        %add3A_942 = arith.constant 48 : i32
        %add3A_943 = arith.addi %add3A_941, %add3A_942 : i32
        %swap3A_944 = arith.index_cast %add3A_943 : i32 to index
        %swap3A_945 = tpu.vector_load %arg12[%swap3A_944] {strides = array<i32>} : memref<18432xi32, #tpu.memory_space<vmem>>, vector<16xi32>,
        tpu.vector_store %arg12[%swap3A_944], %broadcast_in_dim3A_264 {strides = array<i32>} : memref<18432xi32, #tpu.memory_space<vmem>>, vector<16xi32>,
        %add3A_946 = arith.constant 576 : i32
        %add3A_947 = arith.addi %mul3A_260, %add3A_946 : i32
        %add3A_948 = arith.constant 48 : i32
        %add3A_949 = arith.addi %add3A_947, %add3A_948 : i32
        %get3A_950 = arith.index_cast %add3A_949 : i32 to index
        %get3A_951 = tpu.vector_load %arg12[%get3A_950] {strides = array<i32>} : memref<18432xi32, #tpu.memory_space<vmem>>, vector<16xi32>,
        %add3A_952 = arith.addi %add3A_939, %get3A_951 : vector<16xi32>
        %add3A_953 = arith.constant 576 : i32
        %add3A_954 = arith.addi %mul3A_260, %add3A_953 : i32
        %add3A_955 = arith.constant 48 : i32
        %add3A_956 = arith.addi %add3A_954, %add3A_955 : i32
        %swap3A_957 = arith.index_cast %add3A_956 : i32 to index
        %swap3A_958 = tpu.vector_load %arg12[%swap3A_957] {strides = array<i32>} : memref<18432xi32, #tpu.memory_space<vmem>>, vector<16xi32>,
        tpu.vector_store %arg12[%swap3A_957], %broadcast_in_dim3A_264 {strides = array<i32>} : memref<18432xi32, #tpu.memory_space<vmem>>, vector<16xi32>,
        %add3A_959 = arith.constant 720 : i32
        %add3A_960 = arith.addi %mul3A_260, %add3A_959 : i32
        %add3A_961 = arith.constant 48 : i32
        %add3A_962 = arith.addi %add3A_960, %add3A_961 : i32
        %get3A_963 = arith.index_cast %add3A_962 : i32 to index
        %get3A_964 = tpu.vector_load %arg12[%get3A_963] {strides = array<i32>} : memref<18432xi32, #tpu.memory_space<vmem>>, vector<16xi32>,
        %add3A_965 = arith.addi %add3A_952, %get3A_964 : vector<16xi32>
        %add3A_966 = arith.constant 720 : i32
        %add3A_967 = arith.addi %mul3A_260, %add3A_966 : i32
        %add3A_968 = arith.constant 48 : i32
        %add3A_969 = arith.addi %add3A_967, %add3A_968 : i32
        %swap3A_970 = arith.index_cast %add3A_969 : i32 to index
        %swap3A_971 = tpu.vector_load %arg12[%swap3A_970] {strides = array<i32>} : memref<18432xi32, #tpu.memory_space<vmem>>, vector<16xi32>,
        tpu.vector_store %arg12[%swap3A_970], %broadcast_in_dim3A_264 {strides = array<i32>} : memref<18432xi32, #tpu.memory_space<vmem>>, vector<16xi32>,
        %add3A_972 = arith.constant 864 : i32
        %add3A_973 = arith.addi %mul3A_260, %add3A_972 : i32
        %add3A_974 = arith.constant 48 : i32
        %add3A_975 = arith.addi %add3A_973, %add3A_974 : i32
        %get3A_976 = arith.index_cast %add3A_975 : i32 to index
        %get3A_977 = tpu.vector_load %arg12[%get3A_976] {strides = array<i32>} : memref<18432xi32, #tpu.memory_space<vmem>>, vector<16xi32>,
        %add3A_978 = arith.addi %add3A_965, %get3A_977 : vector<16xi32>
        %add3A_979 = arith.constant 864 : i32
        %add3A_980 = arith.addi %mul3A_260, %add3A_979 : i32
        %add3A_981 = arith.constant 48 : i32
        %add3A_982 = arith.addi %add3A_980, %add3A_981 : i32
        %swap3A_983 = arith.index_cast %add3A_982 : i32 to index
        %swap3A_984 = tpu.vector_load %arg12[%swap3A_983] {strides = array<i32>} : memref<18432xi32, #tpu.memory_space<vmem>>, vector<16xi32>,
        tpu.vector_store %arg12[%swap3A_983], %broadcast_in_dim3A_264 {strides = array<i32>} : memref<18432xi32, #tpu.memory_space<vmem>>, vector<16xi32>,
        %add3A_985 = arith.constant 1008 : i32
        %add3A_986 = arith.addi %mul3A_260, %add3A_985 : i32
        %add3A_987 = arith.constant 48 : i32
        %add3A_988 = arith.addi %add3A_986, %add3A_987 : i32
        %get3A_989 = arith.index_cast %add3A_988 : i32 to index
        %get3A_990 = tpu.vector_load %arg12[%get3A_989] {strides = array<i32>} : memref<18432xi32, #tpu.memory_space<vmem>>, vector<16xi32>,
        %add3A_991 = arith.addi %add3A_978, %get3A_990 : vector<16xi32>
        %add3A_992 = arith.constant 1008 : i32
        %add3A_993 = arith.addi %mul3A_260, %add3A_992 : i32
        %add3A_994 = arith.constant 48 : i32
        %add3A_995 = arith.addi %add3A_993, %add3A_994 : i32
        %swap3A_996 = arith.index_cast %add3A_995 : i32 to index
        %swap3A_997 = tpu.vector_load %arg12[%swap3A_996] {strides = array<i32>} : memref<18432xi32, #tpu.memory_space<vmem>>, vector<16xi32>,
        tpu.vector_store %arg12[%swap3A_996], %broadcast_in_dim3A_264 {strides = array<i32>} : memref<18432xi32, #tpu.memory_space<vmem>>, vector<16xi32>,
        %add3A_998 = arith.constant 1152 : i32
        %add3A_999 = arith.addi %mul3A_260, %add3A_998 : i32
        %add3A_1000 = arith.constant 48 : i32
        %add3A_1001 = arith.addi %add3A_999, %add3A_1000 : i32
        %get3A_1002 = arith.index_cast %add3A_1001 : i32 to index
        %get3A_1003 = tpu.vector_load %arg12[%get3A_1002] {strides = array<i32>} : memref<18432xi32, #tpu.memory_space<vmem>>, vector<16xi32>,
        %add3A_1004 = arith.addi %add3A_991, %get3A_1003 : vector<16xi32>
        %add3A_1005 = arith.constant 1152 : i32
        %add3A_1006 = arith.addi %mul3A_260, %add3A_1005 : i32
        %add3A_1007 = arith.constant 48 : i32
        %add3A_1008 = arith.addi %add3A_1006, %add3A_1007 : i32
        %swap3A_1009 = arith.index_cast %add3A_1008 : i32 to index
        %swap3A_1010 = tpu.vector_load %arg12[%swap3A_1009] {strides = array<i32>} : memref<18432xi32, #tpu.memory_space<vmem>>, vector<16xi32>,
        tpu.vector_store %arg12[%swap3A_1009], %broadcast_in_dim3A_264 {strides = array<i32>} : memref<18432xi32, #tpu.memory_space<vmem>>, vector<16xi32>,
        %add3A_1011 = arith.constant 1296 : i32
        %add3A_1012 = arith.addi %mul3A_260, %add3A_1011 : i32
        %add3A_1013 = arith.constant 48 : i32
        %add3A_1014 = arith.addi %add3A_1012, %add3A_1013 : i32
        %get3A_1015 = arith.index_cast %add3A_1014 : i32 to index
        %get3A_1016 = tpu.vector_load %arg12[%get3A_1015] {strides = array<i32>} : memref<18432xi32, #tpu.memory_space<vmem>>, vector<16xi32>,
        %add3A_1017 = arith.addi %add3A_1004, %get3A_1016 : vector<16xi32>
        %add3A_1018 = arith.constant 1296 : i32
        %add3A_1019 = arith.addi %mul3A_260, %add3A_1018 : i32
        %add3A_1020 = arith.constant 48 : i32
        %add3A_1021 = arith.addi %add3A_1019, %add3A_1020 : i32
        %swap3A_1022 = arith.index_cast %add3A_1021 : i32 to index
        %swap3A_1023 = tpu.vector_load %arg12[%swap3A_1022] {strides = array<i32>} : memref<18432xi32, #tpu.memory_space<vmem>>, vector<16xi32>,
        tpu.vector_store %arg12[%swap3A_1022], %broadcast_in_dim3A_264 {strides = array<i32>} : memref<18432xi32, #tpu.memory_space<vmem>>, vector<16xi32>,
        %add3A_1024 = arith.constant 1440 : i32
        %add3A_1025 = arith.addi %mul3A_260, %add3A_1024 : i32
        %add3A_1026 = arith.constant 48 : i32
        %add3A_1027 = arith.addi %add3A_1025, %add3A_1026 : i32
        %get3A_1028 = arith.index_cast %add3A_1027 : i32 to index
        %get3A_1029 = tpu.vector_load %arg12[%get3A_1028] {strides = array<i32>} : memref<18432xi32, #tpu.memory_space<vmem>>, vector<16xi32>,
        %add3A_1030 = arith.addi %add3A_1017, %get3A_1029 : vector<16xi32>
        %add3A_1031 = arith.constant 1440 : i32
        %add3A_1032 = arith.addi %mul3A_260, %add3A_1031 : i32
        %add3A_1033 = arith.constant 48 : i32
        %add3A_1034 = arith.addi %add3A_1032, %add3A_1033 : i32
        %swap3A_1035 = arith.index_cast %add3A_1034 : i32 to index
        %swap3A_1036 = tpu.vector_load %arg12[%swap3A_1035] {strides = array<i32>} : memref<18432xi32, #tpu.memory_space<vmem>>, vector<16xi32>,
        tpu.vector_store %arg12[%swap3A_1035], %broadcast_in_dim3A_264 {strides = array<i32>} : memref<18432xi32, #tpu.memory_space<vmem>>, vector<16xi32>,
        %add3A_1037 = arith.constant 1584 : i32
        %add3A_1038 = arith.addi %mul3A_260, %add3A_1037 : i32
        %add3A_1039 = arith.constant 48 : i32
        %add3A_1040 = arith.addi %add3A_1038, %add3A_1039 : i32
        %get3A_1041 = arith.index_cast %add3A_1040 : i32 to index
        %get3A_1042 = tpu.vector_load %arg12[%get3A_1041] {strides = array<i32>} : memref<18432xi32, #tpu.memory_space<vmem>>, vector<16xi32>,
        %add3A_1043 = arith.addi %add3A_1030, %get3A_1042 : vector<16xi32>
        %add3A_1044 = arith.constant 1584 : i32
        %add3A_1045 = arith.addi %mul3A_260, %add3A_1044 : i32
        %add3A_1046 = arith.constant 48 : i32
        %add3A_1047 = arith.addi %add3A_1045, %add3A_1046 : i32
        %swap3A_1048 = arith.index_cast %add3A_1047 : i32 to index
        %swap3A_1049 = tpu.vector_load %arg12[%swap3A_1048] {strides = array<i32>} : memref<18432xi32, #tpu.memory_space<vmem>>, vector<16xi32>,
        tpu.vector_store %arg12[%swap3A_1048], %broadcast_in_dim3A_264 {strides = array<i32>} : memref<18432xi32, #tpu.memory_space<vmem>>, vector<16xi32>,
        %add3A_1050 = arith.constant 1728 : i32
        %add3A_1051 = arith.addi %mul3A_260, %add3A_1050 : i32
        %add3A_1052 = arith.constant 48 : i32
        %add3A_1053 = arith.addi %add3A_1051, %add3A_1052 : i32
        %get3A_1054 = arith.index_cast %add3A_1053 : i32 to index
        %get3A_1055 = tpu.vector_load %arg12[%get3A_1054] {strides = array<i32>} : memref<18432xi32, #tpu.memory_space<vmem>>, vector<16xi32>,
        %add3A_1056 = arith.addi %add3A_1043, %get3A_1055 : vector<16xi32>
        %add3A_1057 = arith.constant 1728 : i32
        %add3A_1058 = arith.addi %mul3A_260, %add3A_1057 : i32
        %add3A_1059 = arith.constant 48 : i32
        %add3A_1060 = arith.addi %add3A_1058, %add3A_1059 : i32
        %swap3A_1061 = arith.index_cast %add3A_1060 : i32 to index
        %swap3A_1062 = tpu.vector_load %arg12[%swap3A_1061] {strides = array<i32>} : memref<18432xi32, #tpu.memory_space<vmem>>, vector<16xi32>,
        tpu.vector_store %arg12[%swap3A_1061], %broadcast_in_dim3A_264 {strides = array<i32>} : memref<18432xi32, #tpu.memory_space<vmem>>, vector<16xi32>,
        %add3A_1063 = arith.constant 1872 : i32
        %add3A_1064 = arith.addi %mul3A_260, %add3A_1063 : i32
        %add3A_1065 = arith.constant 48 : i32
        %add3A_1066 = arith.addi %add3A_1064, %add3A_1065 : i32
        %get3A_1067 = arith.index_cast %add3A_1066 : i32 to index
        %get3A_1068 = tpu.vector_load %arg12[%get3A_1067] {strides = array<i32>} : memref<18432xi32, #tpu.memory_space<vmem>>, vector<16xi32>,
        %add3A_1069 = arith.addi %add3A_1056, %get3A_1068 : vector<16xi32>
        %add3A_1070 = arith.constant 1872 : i32
        %add3A_1071 = arith.addi %mul3A_260, %add3A_1070 : i32
        %add3A_1072 = arith.constant 48 : i32
        %add3A_1073 = arith.addi %add3A_1071, %add3A_1072 : i32
        %swap3A_1074 = arith.index_cast %add3A_1073 : i32 to index
        %swap3A_1075 = tpu.vector_load %arg12[%swap3A_1074] {strides = array<i32>} : memref<18432xi32, #tpu.memory_space<vmem>>, vector<16xi32>,
        tpu.vector_store %arg12[%swap3A_1074], %broadcast_in_dim3A_264 {strides = array<i32>} : memref<18432xi32, #tpu.memory_space<vmem>>, vector<16xi32>,
        %add3A_1076 = arith.constant 2016 : i32
        %add3A_1077 = arith.addi %mul3A_260, %add3A_1076 : i32
        %add3A_1078 = arith.constant 48 : i32
        %add3A_1079 = arith.addi %add3A_1077, %add3A_1078 : i32
        %get3A_1080 = arith.index_cast %add3A_1079 : i32 to index
        %get3A_1081 = tpu.vector_load %arg12[%get3A_1080] {strides = array<i32>} : memref<18432xi32, #tpu.memory_space<vmem>>, vector<16xi32>,
        %add3A_1082 = arith.addi %add3A_1069, %get3A_1081 : vector<16xi32>
        %add3A_1083 = arith.constant 2016 : i32
        %add3A_1084 = arith.addi %mul3A_260, %add3A_1083 : i32
        %add3A_1085 = arith.constant 48 : i32
        %add3A_1086 = arith.addi %add3A_1084, %add3A_1085 : i32
        %swap3A_1087 = arith.index_cast %add3A_1086 : i32 to index
        %swap3A_1088 = tpu.vector_load %arg12[%swap3A_1087] {strides = array<i32>} : memref<18432xi32, #tpu.memory_space<vmem>>, vector<16xi32>,
        tpu.vector_store %arg12[%swap3A_1087], %broadcast_in_dim3A_264 {strides = array<i32>} : memref<18432xi32, #tpu.memory_space<vmem>>, vector<16xi32>,
        %add3A_1089 = arith.constant 2160 : i32
        %add3A_1090 = arith.addi %mul3A_260, %add3A_1089 : i32
        %add3A_1091 = arith.constant 48 : i32
        %add3A_1092 = arith.addi %add3A_1090, %add3A_1091 : i32
        %get3A_1093 = arith.index_cast %add3A_1092 : i32 to index
        %get3A_1094 = tpu.vector_load %arg12[%get3A_1093] {strides = array<i32>} : memref<18432xi32, #tpu.memory_space<vmem>>, vector<16xi32>,
        %add3A_1095 = arith.addi %add3A_1082, %get3A_1094 : vector<16xi32>
        %add3A_1096 = arith.constant 2160 : i32
        %add3A_1097 = arith.addi %mul3A_260, %add3A_1096 : i32
        %add3A_1098 = arith.constant 48 : i32
        %add3A_1099 = arith.addi %add3A_1097, %add3A_1098 : i32
        %swap3A_1100 = arith.index_cast %add3A_1099 : i32 to index
        %swap3A_1101 = tpu.vector_load %arg12[%swap3A_1100] {strides = array<i32>} : memref<18432xi32, #tpu.memory_space<vmem>>, vector<16xi32>,
        tpu.vector_store %arg12[%swap3A_1100], %broadcast_in_dim3A_264 {strides = array<i32>} : memref<18432xi32, #tpu.memory_space<vmem>>, vector<16xi32>,
        %swap3A_1102 = arith.constant 48 : index
        %swap3A_1103 = tpu.vector_load %arg13[%swap3A_1102] {strides = array<i32>} : memref<144xi32, #tpu.memory_space<vmem>>, vector<16xi32>,
        tpu.vector_store %arg13[%swap3A_1102], %add3A_1095 {strides = array<i32>} : memref<144xi32, #tpu.memory_space<vmem>>, vector<16xi32>,
        %add3A_1104 = arith.constant 0 : i32
        %add3A_1105 = arith.addi %mul3A_260, %add3A_1104 : i32
        %add3A_1106 = arith.constant 64 : i32
        %add3A_1107 = arith.addi %add3A_1105, %add3A_1106 : i32
        %get3A_1108 = arith.index_cast %add3A_1107 : i32 to index
        %get3A_1109 = tpu.vector_load %arg12[%get3A_1108] {strides = array<i32>} : memref<18432xi32, #tpu.memory_space<vmem>>, vector<16xi32>,
        %add3A_1110 = arith.addi %broadcast_in_dim3A_264, %get3A_1109 : vector<16xi32>
        %add3A_1111 = arith.constant 0 : i32
        %add3A_1112 = arith.addi %mul3A_260, %add3A_1111 : i32
        %add3A_1113 = arith.constant 64 : i32
        %add3A_1114 = arith.addi %add3A_1112, %add3A_1113 : i32
        %swap3A_1115 = arith.index_cast %add3A_1114 : i32 to index
        %swap3A_1116 = tpu.vector_load %arg12[%swap3A_1115] {strides = array<i32>} : memref<18432xi32, #tpu.memory_space<vmem>>, vector<16xi32>,
        tpu.vector_store %arg12[%swap3A_1115], %broadcast_in_dim3A_264 {strides = array<i32>} : memref<18432xi32, #tpu.memory_space<vmem>>, vector<16xi32>,
        %add3A_1117 = arith.constant 144 : i32
        %add3A_1118 = arith.addi %mul3A_260, %add3A_1117 : i32
        %add3A_1119 = arith.constant 64 : i32
        %add3A_1120 = arith.addi %add3A_1118, %add3A_1119 : i32
        %get3A_1121 = arith.index_cast %add3A_1120 : i32 to index
        %get3A_1122 = tpu.vector_load %arg12[%get3A_1121] {strides = array<i32>} : memref<18432xi32, #tpu.memory_space<vmem>>, vector<16xi32>,
        %add3A_1123 = arith.addi %add3A_1110, %get3A_1122 : vector<16xi32>
        %add3A_1124 = arith.constant 144 : i32
        %add3A_1125 = arith.addi %mul3A_260, %add3A_1124 : i32
        %add3A_1126 = arith.constant 64 : i32
        %add3A_1127 = arith.addi %add3A_1125, %add3A_1126 : i32
        %swap3A_1128 = arith.index_cast %add3A_1127 : i32 to index
        %swap3A_1129 = tpu.vector_load %arg12[%swap3A_1128] {strides = array<i32>} : memref<18432xi32, #tpu.memory_space<vmem>>, vector<16xi32>,
        tpu.vector_store %arg12[%swap3A_1128], %broadcast_in_dim3A_264 {strides = array<i32>} : memref<18432xi32, #tpu.memory_space<vmem>>, vector<16xi32>,
        %add3A_1130 = arith.constant 288 : i32
        %add3A_1131 = arith.addi %mul3A_260, %add3A_1130 : i32
        %add3A_1132 = arith.constant 64 : i32
        %add3A_1133 = arith.addi %add3A_1131, %add3A_1132 : i32
        %get3A_1134 = arith.index_cast %add3A_1133 : i32 to index
        %get3A_1135 = tpu.vector_load %arg12[%get3A_1134] {strides = array<i32>} : memref<18432xi32, #tpu.memory_space<vmem>>, vector<16xi32>,
        %add3A_1136 = arith.addi %add3A_1123, %get3A_1135 : vector<16xi32>
        %add3A_1137 = arith.constant 288 : i32
        %add3A_1138 = arith.addi %mul3A_260, %add3A_1137 : i32
        %add3A_1139 = arith.constant 64 : i32
        %add3A_1140 = arith.addi %add3A_1138, %add3A_1139 : i32
        %swap3A_1141 = arith.index_cast %add3A_1140 : i32 to index
        %swap3A_1142 = tpu.vector_load %arg12[%swap3A_1141] {strides = array<i32>} : memref<18432xi32, #tpu.memory_space<vmem>>, vector<16xi32>,
        tpu.vector_store %arg12[%swap3A_1141], %broadcast_in_dim3A_264 {strides = array<i32>} : memref<18432xi32, #tpu.memory_space<vmem>>, vector<16xi32>,
        %add3A_1143 = arith.constant 432 : i32
        %add3A_1144 = arith.addi %mul3A_260, %add3A_1143 : i32
        %add3A_1145 = arith.constant 64 : i32
        %add3A_1146 = arith.addi %add3A_1144, %add3A_1145 : i32
        %get3A_1147 = arith.index_cast %add3A_1146 : i32 to index
        %get3A_1148 = tpu.vector_load %arg12[%get3A_1147] {strides = array<i32>} : memref<18432xi32, #tpu.memory_space<vmem>>, vector<16xi32>,
        %add3A_1149 = arith.addi %add3A_1136, %get3A_1148 : vector<16xi32>
        %add3A_1150 = arith.constant 432 : i32
        %add3A_1151 = arith.addi %mul3A_260, %add3A_1150 : i32
        %add3A_1152 = arith.constant 64 : i32
        %add3A_1153 = arith.addi %add3A_1151, %add3A_1152 : i32
        %swap3A_1154 = arith.index_cast %add3A_1153 : i32 to index
        %swap3A_1155 = tpu.vector_load %arg12[%swap3A_1154] {strides = array<i32>} : memref<18432xi32, #tpu.memory_space<vmem>>, vector<16xi32>,
        tpu.vector_store %arg12[%swap3A_1154], %broadcast_in_dim3A_264 {strides = array<i32>} : memref<18432xi32, #tpu.memory_space<vmem>>, vector<16xi32>,
        %add3A_1156 = arith.constant 576 : i32
        %add3A_1157 = arith.addi %mul3A_260, %add3A_1156 : i32
        %add3A_1158 = arith.constant 64 : i32
        %add3A_1159 = arith.addi %add3A_1157, %add3A_1158 : i32
        %get3A_1160 = arith.index_cast %add3A_1159 : i32 to index
        %get3A_1161 = tpu.vector_load %arg12[%get3A_1160] {strides = array<i32>} : memref<18432xi32, #tpu.memory_space<vmem>>, vector<16xi32>,
        %add3A_1162 = arith.addi %add3A_1149, %get3A_1161 : vector<16xi32>
        %add3A_1163 = arith.constant 576 : i32
        %add3A_1164 = arith.addi %mul3A_260, %add3A_1163 : i32
        %add3A_1165 = arith.constant 64 : i32
        %add3A_1166 = arith.addi %add3A_1164, %add3A_1165 : i32
        %swap3A_1167 = arith.index_cast %add3A_1166 : i32 to index
        %swap3A_1168 = tpu.vector_load %arg12[%swap3A_1167] {strides = array<i32>} : memref<18432xi32, #tpu.memory_space<vmem>>, vector<16xi32>,
        tpu.vector_store %arg12[%swap3A_1167], %broadcast_in_dim3A_264 {strides = array<i32>} : memref<18432xi32, #tpu.memory_space<vmem>>, vector<16xi32>,
        %add3A_1169 = arith.constant 720 : i32
        %add3A_1170 = arith.addi %mul3A_260, %add3A_1169 : i32
        %add3A_1171 = arith.constant 64 : i32
        %add3A_1172 = arith.addi %add3A_1170, %add3A_1171 : i32
        %get3A_1173 = arith.index_cast %add3A_1172 : i32 to index
        %get3A_1174 = tpu.vector_load %arg12[%get3A_1173] {strides = array<i32>} : memref<18432xi32, #tpu.memory_space<vmem>>, vector<16xi32>,
        %add3A_1175 = arith.addi %add3A_1162, %get3A_1174 : vector<16xi32>
        %add3A_1176 = arith.constant 720 : i32
        %add3A_1177 = arith.addi %mul3A_260, %add3A_1176 : i32
        %add3A_1178 = arith.constant 64 : i32
        %add3A_1179 = arith.addi %add3A_1177, %add3A_1178 : i32
        %swap3A_1180 = arith.index_cast %add3A_1179 : i32 to index
        %swap3A_1181 = tpu.vector_load %arg12[%swap3A_1180] {strides = array<i32>} : memref<18432xi32, #tpu.memory_space<vmem>>, vector<16xi32>,
        tpu.vector_store %arg12[%swap3A_1180], %broadcast_in_dim3A_264 {strides = array<i32>} : memref<18432xi32, #tpu.memory_space<vmem>>, vector<16xi32>,
        %add3A_1182 = arith.constant 864 : i32
        %add3A_1183 = arith.addi %mul3A_260, %add3A_1182 : i32
        %add3A_1184 = arith.constant 64 : i32
        %add3A_1185 = arith.addi %add3A_1183, %add3A_1184 : i32
        %get3A_1186 = arith.index_cast %add3A_1185 : i32 to index
        %get3A_1187 = tpu.vector_load %arg12[%get3A_1186] {strides = array<i32>} : memref<18432xi32, #tpu.memory_space<vmem>>, vector<16xi32>,
        %add3A_1188 = arith.addi %add3A_1175, %get3A_1187 : vector<16xi32>
        %add3A_1189 = arith.constant 864 : i32
        %add3A_1190 = arith.addi %mul3A_260, %add3A_1189 : i32
        %add3A_1191 = arith.constant 64 : i32
        %add3A_1192 = arith.addi %add3A_1190, %add3A_1191 : i32
        %swap3A_1193 = arith.index_cast %add3A_1192 : i32 to index
        %swap3A_1194 = tpu.vector_load %arg12[%swap3A_1193] {strides = array<i32>} : memref<18432xi32, #tpu.memory_space<vmem>>, vector<16xi32>,
        tpu.vector_store %arg12[%swap3A_1193], %broadcast_in_dim3A_264 {strides = array<i32>} : memref<18432xi32, #tpu.memory_space<vmem>>, vector<16xi32>,
        %add3A_1195 = arith.constant 1008 : i32
        %add3A_1196 = arith.addi %mul3A_260, %add3A_1195 : i32
        %add3A_1197 = arith.constant 64 : i32
        %add3A_1198 = arith.addi %add3A_1196, %add3A_1197 : i32
        %get3A_1199 = arith.index_cast %add3A_1198 : i32 to index
        %get3A_1200 = tpu.vector_load %arg12[%get3A_1199] {strides = array<i32>} : memref<18432xi32, #tpu.memory_space<vmem>>, vector<16xi32>,
        %add3A_1201 = arith.addi %add3A_1188, %get3A_1200 : vector<16xi32>
        %add3A_1202 = arith.constant 1008 : i32
        %add3A_1203 = arith.addi %mul3A_260, %add3A_1202 : i32
        %add3A_1204 = arith.constant 64 : i32
        %add3A_1205 = arith.addi %add3A_1203, %add3A_1204 : i32
        %swap3A_1206 = arith.index_cast %add3A_1205 : i32 to index
        %swap3A_1207 = tpu.vector_load %arg12[%swap3A_1206] {strides = array<i32>} : memref<18432xi32, #tpu.memory_space<vmem>>, vector<16xi32>,
        tpu.vector_store %arg12[%swap3A_1206], %broadcast_in_dim3A_264 {strides = array<i32>} : memref<18432xi32, #tpu.memory_space<vmem>>, vector<16xi32>,
        %add3A_1208 = arith.constant 1152 : i32
        %add3A_1209 = arith.addi %mul3A_260, %add3A_1208 : i32
        %add3A_1210 = arith.constant 64 : i32
        %add3A_1211 = arith.addi %add3A_1209, %add3A_1210 : i32
        %get3A_1212 = arith.index_cast %add3A_1211 : i32 to index
        %get3A_1213 = tpu.vector_load %arg12[%get3A_1212] {strides = array<i32>} : memref<18432xi32, #tpu.memory_space<vmem>>, vector<16xi32>,
        %add3A_1214 = arith.addi %add3A_1201, %get3A_1213 : vector<16xi32>
        %add3A_1215 = arith.constant 1152 : i32
        %add3A_1216 = arith.addi %mul3A_260, %add3A_1215 : i32
        %add3A_1217 = arith.constant 64 : i32
        %add3A_1218 = arith.addi %add3A_1216, %add3A_1217 : i32
        %swap3A_1219 = arith.index_cast %add3A_1218 : i32 to index
        %swap3A_1220 = tpu.vector_load %arg12[%swap3A_1219] {strides = array<i32>} : memref<18432xi32, #tpu.memory_space<vmem>>, vector<16xi32>,
        tpu.vector_store %arg12[%swap3A_1219], %broadcast_in_dim3A_264 {strides = array<i32>} : memref<18432xi32, #tpu.memory_space<vmem>>, vector<16xi32>,
        %add3A_1221 = arith.constant 1296 : i32
        %add3A_1222 = arith.addi %mul3A_260, %add3A_1221 : i32
        %add3A_1223 = arith.constant 64 : i32
        %add3A_1224 = arith.addi %add3A_1222, %add3A_1223 : i32
        %get3A_1225 = arith.index_cast %add3A_1224 : i32 to index
        %get3A_1226 = tpu.vector_load %arg12[%get3A_1225] {strides = array<i32>} : memref<18432xi32, #tpu.memory_space<vmem>>, vector<16xi32>,
        %add3A_1227 = arith.addi %add3A_1214, %get3A_1226 : vector<16xi32>
        %add3A_1228 = arith.constant 1296 : i32
        %add3A_1229 = arith.addi %mul3A_260, %add3A_1228 : i32
        %add3A_1230 = arith.constant 64 : i32
        %add3A_1231 = arith.addi %add3A_1229, %add3A_1230 : i32
        %swap3A_1232 = arith.index_cast %add3A_1231 : i32 to index
        %swap3A_1233 = tpu.vector_load %arg12[%swap3A_1232] {strides = array<i32>} : memref<18432xi32, #tpu.memory_space<vmem>>, vector<16xi32>,
        tpu.vector_store %arg12[%swap3A_1232], %broadcast_in_dim3A_264 {strides = array<i32>} : memref<18432xi32, #tpu.memory_space<vmem>>, vector<16xi32>,
        %add3A_1234 = arith.constant 1440 : i32
        %add3A_1235 = arith.addi %mul3A_260, %add3A_1234 : i32
        %add3A_1236 = arith.constant 64 : i32
        %add3A_1237 = arith.addi %add3A_1235, %add3A_1236 : i32
        %get3A_1238 = arith.index_cast %add3A_1237 : i32 to index
        %get3A_1239 = tpu.vector_load %arg12[%get3A_1238] {strides = array<i32>} : memref<18432xi32, #tpu.memory_space<vmem>>, vector<16xi32>,
        %add3A_1240 = arith.addi %add3A_1227, %get3A_1239 : vector<16xi32>
        %add3A_1241 = arith.constant 1440 : i32
        %add3A_1242 = arith.addi %mul3A_260, %add3A_1241 : i32
        %add3A_1243 = arith.constant 64 : i32
        %add3A_1244 = arith.addi %add3A_1242, %add3A_1243 : i32
        %swap3A_1245 = arith.index_cast %add3A_1244 : i32 to index
        %swap3A_1246 = tpu.vector_load %arg12[%swap3A_1245] {strides = array<i32>} : memref<18432xi32, #tpu.memory_space<vmem>>, vector<16xi32>,
        tpu.vector_store %arg12[%swap3A_1245], %broadcast_in_dim3A_264 {strides = array<i32>} : memref<18432xi32, #tpu.memory_space<vmem>>, vector<16xi32>,
        %add3A_1247 = arith.constant 1584 : i32
        %add3A_1248 = arith.addi %mul3A_260, %add3A_1247 : i32
        %add3A_1249 = arith.constant 64 : i32
        %add3A_1250 = arith.addi %add3A_1248, %add3A_1249 : i32
        %get3A_1251 = arith.index_cast %add3A_1250 : i32 to index
        %get3A_1252 = tpu.vector_load %arg12[%get3A_1251] {strides = array<i32>} : memref<18432xi32, #tpu.memory_space<vmem>>, vector<16xi32>,
        %add3A_1253 = arith.addi %add3A_1240, %get3A_1252 : vector<16xi32>
        %add3A_1254 = arith.constant 1584 : i32
        %add3A_1255 = arith.addi %mul3A_260, %add3A_1254 : i32
        %add3A_1256 = arith.constant 64 : i32
        %add3A_1257 = arith.addi %add3A_1255, %add3A_1256 : i32
        %swap3A_1258 = arith.index_cast %add3A_1257 : i32 to index
        %swap3A_1259 = tpu.vector_load %arg12[%swap3A_1258] {strides = array<i32>} : memref<18432xi32, #tpu.memory_space<vmem>>, vector<16xi32>,
        tpu.vector_store %arg12[%swap3A_1258], %broadcast_in_dim3A_264 {strides = array<i32>} : memref<18432xi32, #tpu.memory_space<vmem>>, vector<16xi32>,
        %add3A_1260 = arith.constant 1728 : i32
        %add3A_1261 = arith.addi %mul3A_260, %add3A_1260 : i32
        %add3A_1262 = arith.constant 64 : i32
        %add3A_1263 = arith.addi %add3A_1261, %add3A_1262 : i32
        %get3A_1264 = arith.index_cast %add3A_1263 : i32 to index
        %get3A_1265 = tpu.vector_load %arg12[%get3A_1264] {strides = array<i32>} : memref<18432xi32, #tpu.memory_space<vmem>>, vector<16xi32>,
        %add3A_1266 = arith.addi %add3A_1253, %get3A_1265 : vector<16xi32>
        %add3A_1267 = arith.constant 1728 : i32
        %add3A_1268 = arith.addi %mul3A_260, %add3A_1267 : i32
        %add3A_1269 = arith.constant 64 : i32
        %add3A_1270 = arith.addi %add3A_1268, %add3A_1269 : i32
        %swap3A_1271 = arith.index_cast %add3A_1270 : i32 to index
        %swap3A_1272 = tpu.vector_load %arg12[%swap3A_1271] {strides = array<i32>} : memref<18432xi32, #tpu.memory_space<vmem>>, vector<16xi32>,
        tpu.vector_store %arg12[%swap3A_1271], %broadcast_in_dim3A_264 {strides = array<i32>} : memref<18432xi32, #tpu.memory_space<vmem>>, vector<16xi32>,
        %add3A_1273 = arith.constant 1872 : i32
        %add3A_1274 = arith.addi %mul3A_260, %add3A_1273 : i32
        %add3A_1275 = arith.constant 64 : i32
        %add3A_1276 = arith.addi %add3A_1274, %add3A_1275 : i32
        %get3A_1277 = arith.index_cast %add3A_1276 : i32 to index
        %get3A_1278 = tpu.vector_load %arg12[%get3A_1277] {strides = array<i32>} : memref<18432xi32, #tpu.memory_space<vmem>>, vector<16xi32>,
        %add3A_1279 = arith.addi %add3A_1266, %get3A_1278 : vector<16xi32>
        %add3A_1280 = arith.constant 1872 : i32
        %add3A_1281 = arith.addi %mul3A_260, %add3A_1280 : i32
        %add3A_1282 = arith.constant 64 : i32
        %add3A_1283 = arith.addi %add3A_1281, %add3A_1282 : i32
        %swap3A_1284 = arith.index_cast %add3A_1283 : i32 to index
        %swap3A_1285 = tpu.vector_load %arg12[%swap3A_1284] {strides = array<i32>} : memref<18432xi32, #tpu.memory_space<vmem>>, vector<16xi32>,
        tpu.vector_store %arg12[%swap3A_1284], %broadcast_in_dim3A_264 {strides = array<i32>} : memref<18432xi32, #tpu.memory_space<vmem>>, vector<16xi32>,
        %add3A_1286 = arith.constant 2016 : i32
        %add3A_1287 = arith.addi %mul3A_260, %add3A_1286 : i32
        %add3A_1288 = arith.constant 64 : i32
        %add3A_1289 = arith.addi %add3A_1287, %add3A_1288 : i32
        %get3A_1290 = arith.index_cast %add3A_1289 : i32 to index
        %get3A_1291 = tpu.vector_load %arg12[%get3A_1290] {strides = array<i32>} : memref<18432xi32, #tpu.memory_space<vmem>>, vector<16xi32>,
        %add3A_1292 = arith.addi %add3A_1279, %get3A_1291 : vector<16xi32>
        %add3A_1293 = arith.constant 2016 : i32
        %add3A_1294 = arith.addi %mul3A_260, %add3A_1293 : i32
        %add3A_1295 = arith.constant 64 : i32
        %add3A_1296 = arith.addi %add3A_1294, %add3A_1295 : i32
        %swap3A_1297 = arith.index_cast %add3A_1296 : i32 to index
        %swap3A_1298 = tpu.vector_load %arg12[%swap3A_1297] {strides = array<i32>} : memref<18432xi32, #tpu.memory_space<vmem>>, vector<16xi32>,
        tpu.vector_store %arg12[%swap3A_1297], %broadcast_in_dim3A_264 {strides = array<i32>} : memref<18432xi32, #tpu.memory_space<vmem>>, vector<16xi32>,
        %add3A_1299 = arith.constant 2160 : i32
        %add3A_1300 = arith.addi %mul3A_260, %add3A_1299 : i32
        %add3A_1301 = arith.constant 64 : i32
        %add3A_1302 = arith.addi %add3A_1300, %add3A_1301 : i32
        %get3A_1303 = arith.index_cast %add3A_1302 : i32 to index
        %get3A_1304 = tpu.vector_load %arg12[%get3A_1303] {strides = array<i32>} : memref<18432xi32, #tpu.memory_space<vmem>>, vector<16xi32>,
        %add3A_1305 = arith.addi %add3A_1292, %get3A_1304 : vector<16xi32>
        %add3A_1306 = arith.constant 2160 : i32
        %add3A_1307 = arith.addi %mul3A_260, %add3A_1306 : i32
        %add3A_1308 = arith.constant 64 : i32
        %add3A_1309 = arith.addi %add3A_1307, %add3A_1308 : i32
        %swap3A_1310 = arith.index_cast %add3A_1309 : i32 to index
        %swap3A_1311 = tpu.vector_load %arg12[%swap3A_1310] {strides = array<i32>} : memref<18432xi32, #tpu.memory_space<vmem>>, vector<16xi32>,
        tpu.vector_store %arg12[%swap3A_1310], %broadcast_in_dim3A_264 {strides = array<i32>} : memref<18432xi32, #tpu.memory_space<vmem>>, vector<16xi32>,
        %swap3A_1312 = arith.constant 64 : index
        %swap3A_1313 = tpu.vector_load %arg13[%swap3A_1312] {strides = array<i32>} : memref<144xi32, #tpu.memory_space<vmem>>, vector<16xi32>,
        tpu.vector_store %arg13[%swap3A_1312], %add3A_1305 {strides = array<i32>} : memref<144xi32, #tpu.memory_space<vmem>>, vector<16xi32>,
        %add3A_1314 = arith.constant 0 : i32
        %add3A_1315 = arith.addi %mul3A_260, %add3A_1314 : i32
        %add3A_1316 = arith.constant 80 : i32
        %add3A_1317 = arith.addi %add3A_1315, %add3A_1316 : i32
        %get3A_1318 = arith.index_cast %add3A_1317 : i32 to index
        %get3A_1319 = tpu.vector_load %arg12[%get3A_1318] {strides = array<i32>} : memref<18432xi32, #tpu.memory_space<vmem>>, vector<16xi32>,
        %add3A_1320 = arith.addi %broadcast_in_dim3A_264, %get3A_1319 : vector<16xi32>
        %add3A_1321 = arith.constant 0 : i32
        %add3A_1322 = arith.addi %mul3A_260, %add3A_1321 : i32
        %add3A_1323 = arith.constant 80 : i32
        %add3A_1324 = arith.addi %add3A_1322, %add3A_1323 : i32
        %swap3A_1325 = arith.index_cast %add3A_1324 : i32 to index
        %swap3A_1326 = tpu.vector_load %arg12[%swap3A_1325] {strides = array<i32>} : memref<18432xi32, #tpu.memory_space<vmem>>, vector<16xi32>,
        tpu.vector_store %arg12[%swap3A_1325], %broadcast_in_dim3A_264 {strides = array<i32>} : memref<18432xi32, #tpu.memory_space<vmem>>, vector<16xi32>,
        %add3A_1327 = arith.constant 144 : i32
        %add3A_1328 = arith.addi %mul3A_260, %add3A_1327 : i32
        %add3A_1329 = arith.constant 80 : i32
        %add3A_1330 = arith.addi %add3A_1328, %add3A_1329 : i32
        %get3A_1331 = arith.index_cast %add3A_1330 : i32 to index
        %get3A_1332 = tpu.vector_load %arg12[%get3A_1331] {strides = array<i32>} : memref<18432xi32, #tpu.memory_space<vmem>>, vector<16xi32>,
        %add3A_1333 = arith.addi %add3A_1320, %get3A_1332 : vector<16xi32>
        %add3A_1334 = arith.constant 144 : i32
        %add3A_1335 = arith.addi %mul3A_260, %add3A_1334 : i32
        %add3A_1336 = arith.constant 80 : i32
        %add3A_1337 = arith.addi %add3A_1335, %add3A_1336 : i32
        %swap3A_1338 = arith.index_cast %add3A_1337 : i32 to index
        %swap3A_1339 = tpu.vector_load %arg12[%swap3A_1338] {strides = array<i32>} : memref<18432xi32, #tpu.memory_space<vmem>>, vector<16xi32>,
        tpu.vector_store %arg12[%swap3A_1338], %broadcast_in_dim3A_264 {strides = array<i32>} : memref<18432xi32, #tpu.memory_space<vmem>>, vector<16xi32>,
        %add3A_1340 = arith.constant 288 : i32
        %add3A_1341 = arith.addi %mul3A_260, %add3A_1340 : i32
        %add3A_1342 = arith.constant 80 : i32
        %add3A_1343 = arith.addi %add3A_1341, %add3A_1342 : i32
        %get3A_1344 = arith.index_cast %add3A_1343 : i32 to index
        %get3A_1345 = tpu.vector_load %arg12[%get3A_1344] {strides = array<i32>} : memref<18432xi32, #tpu.memory_space<vmem>>, vector<16xi32>,
        %add3A_1346 = arith.addi %add3A_1333, %get3A_1345 : vector<16xi32>
        %add3A_1347 = arith.constant 288 : i32
        %add3A_1348 = arith.addi %mul3A_260, %add3A_1347 : i32
        %add3A_1349 = arith.constant 80 : i32
        %add3A_1350 = arith.addi %add3A_1348, %add3A_1349 : i32
        %swap3A_1351 = arith.index_cast %add3A_1350 : i32 to index
        %swap3A_1352 = tpu.vector_load %arg12[%swap3A_1351] {strides = array<i32>} : memref<18432xi32, #tpu.memory_space<vmem>>, vector<16xi32>,
        tpu.vector_store %arg12[%swap3A_1351], %broadcast_in_dim3A_264 {strides = array<i32>} : memref<18432xi32, #tpu.memory_space<vmem>>, vector<16xi32>,
        %add3A_1353 = arith.constant 432 : i32
        %add3A_1354 = arith.addi %mul3A_260, %add3A_1353 : i32
        %add3A_1355 = arith.constant 80 : i32
        %add3A_1356 = arith.addi %add3A_1354, %add3A_1355 : i32
        %get3A_1357 = arith.index_cast %add3A_1356 : i32 to index
        %get3A_1358 = tpu.vector_load %arg12[%get3A_1357] {strides = array<i32>} : memref<18432xi32, #tpu.memory_space<vmem>>, vector<16xi32>,
        %add3A_1359 = arith.addi %add3A_1346, %get3A_1358 : vector<16xi32>
        %add3A_1360 = arith.constant 432 : i32
        %add3A_1361 = arith.addi %mul3A_260, %add3A_1360 : i32
        %add3A_1362 = arith.constant 80 : i32
        %add3A_1363 = arith.addi %add3A_1361, %add3A_1362 : i32
        %swap3A_1364 = arith.index_cast %add3A_1363 : i32 to index
        %swap3A_1365 = tpu.vector_load %arg12[%swap3A_1364] {strides = array<i32>} : memref<18432xi32, #tpu.memory_space<vmem>>, vector<16xi32>,
        tpu.vector_store %arg12[%swap3A_1364], %broadcast_in_dim3A_264 {strides = array<i32>} : memref<18432xi32, #tpu.memory_space<vmem>>, vector<16xi32>,
        %add3A_1366 = arith.constant 576 : i32
        %add3A_1367 = arith.addi %mul3A_260, %add3A_1366 : i32
        %add3A_1368 = arith.constant 80 : i32
        %add3A_1369 = arith.addi %add3A_1367, %add3A_1368 : i32
        %get3A_1370 = arith.index_cast %add3A_1369 : i32 to index
        %get3A_1371 = tpu.vector_load %arg12[%get3A_1370] {strides = array<i32>} : memref<18432xi32, #tpu.memory_space<vmem>>, vector<16xi32>,
        %add3A_1372 = arith.addi %add3A_1359, %get3A_1371 : vector<16xi32>
        %add3A_1373 = arith.constant 576 : i32
        %add3A_1374 = arith.addi %mul3A_260, %add3A_1373 : i32
        %add3A_1375 = arith.constant 80 : i32
        %add3A_1376 = arith.addi %add3A_1374, %add3A_1375 : i32
        %swap3A_1377 = arith.index_cast %add3A_1376 : i32 to index
        %swap3A_1378 = tpu.vector_load %arg12[%swap3A_1377] {strides = array<i32>} : memref<18432xi32, #tpu.memory_space<vmem>>, vector<16xi32>,
        tpu.vector_store %arg12[%swap3A_1377], %broadcast_in_dim3A_264 {strides = array<i32>} : memref<18432xi32, #tpu.memory_space<vmem>>, vector<16xi32>,
        %add3A_1379 = arith.constant 720 : i32
        %add3A_1380 = arith.addi %mul3A_260, %add3A_1379 : i32
        %add3A_1381 = arith.constant 80 : i32
        %add3A_1382 = arith.addi %add3A_1380, %add3A_1381 : i32
        %get3A_1383 = arith.index_cast %add3A_1382 : i32 to index
        %get3A_1384 = tpu.vector_load %arg12[%get3A_1383] {strides = array<i32>} : memref<18432xi32, #tpu.memory_space<vmem>>, vector<16xi32>,
        %add3A_1385 = arith.addi %add3A_1372, %get3A_1384 : vector<16xi32>
        %add3A_1386 = arith.constant 720 : i32
        %add3A_1387 = arith.addi %mul3A_260, %add3A_1386 : i32
        %add3A_1388 = arith.constant 80 : i32
        %add3A_1389 = arith.addi %add3A_1387, %add3A_1388 : i32
        %swap3A_1390 = arith.index_cast %add3A_1389 : i32 to index
        %swap3A_1391 = tpu.vector_load %arg12[%swap3A_1390] {strides = array<i32>} : memref<18432xi32, #tpu.memory_space<vmem>>, vector<16xi32>,
        tpu.vector_store %arg12[%swap3A_1390], %broadcast_in_dim3A_264 {strides = array<i32>} : memref<18432xi32, #tpu.memory_space<vmem>>, vector<16xi32>,
        %add3A_1392 = arith.constant 864 : i32
        %add3A_1393 = arith.addi %mul3A_260, %add3A_1392 : i32
        %add3A_1394 = arith.constant 80 : i32
        %add3A_1395 = arith.addi %add3A_1393, %add3A_1394 : i32
        %get3A_1396 = arith.index_cast %add3A_1395 : i32 to index
        %get3A_1397 = tpu.vector_load %arg12[%get3A_1396] {strides = array<i32>} : memref<18432xi32, #tpu.memory_space<vmem>>, vector<16xi32>,
        %add3A_1398 = arith.addi %add3A_1385, %get3A_1397 : vector<16xi32>
        %add3A_1399 = arith.constant 864 : i32
        %add3A_1400 = arith.addi %mul3A_260, %add3A_1399 : i32
        %add3A_1401 = arith.constant 80 : i32
        %add3A_1402 = arith.addi %add3A_1400, %add3A_1401 : i32
        %swap3A_1403 = arith.index_cast %add3A_1402 : i32 to index
        %swap3A_1404 = tpu.vector_load %arg12[%swap3A_1403] {strides = array<i32>} : memref<18432xi32, #tpu.memory_space<vmem>>, vector<16xi32>,
        tpu.vector_store %arg12[%swap3A_1403], %broadcast_in_dim3A_264 {strides = array<i32>} : memref<18432xi32, #tpu.memory_space<vmem>>, vector<16xi32>,
        %add3A_1405 = arith.constant 1008 : i32
        %add3A_1406 = arith.addi %mul3A_260, %add3A_1405 : i32
        %add3A_1407 = arith.constant 80 : i32
        %add3A_1408 = arith.addi %add3A_1406, %add3A_1407 : i32
        %get3A_1409 = arith.index_cast %add3A_1408 : i32 to index
        %get3A_1410 = tpu.vector_load %arg12[%get3A_1409] {strides = array<i32>} : memref<18432xi32, #tpu.memory_space<vmem>>, vector<16xi32>,
        %add3A_1411 = arith.addi %add3A_1398, %get3A_1410 : vector<16xi32>
        %add3A_1412 = arith.constant 1008 : i32
        %add3A_1413 = arith.addi %mul3A_260, %add3A_1412 : i32
        %add3A_1414 = arith.constant 80 : i32
        %add3A_1415 = arith.addi %add3A_1413, %add3A_1414 : i32
        %swap3A_1416 = arith.index_cast %add3A_1415 : i32 to index
        %swap3A_1417 = tpu.vector_load %arg12[%swap3A_1416] {strides = array<i32>} : memref<18432xi32, #tpu.memory_space<vmem>>, vector<16xi32>,
        tpu.vector_store %arg12[%swap3A_1416], %broadcast_in_dim3A_264 {strides = array<i32>} : memref<18432xi32, #tpu.memory_space<vmem>>, vector<16xi32>,
        %add3A_1418 = arith.constant 1152 : i32
        %add3A_1419 = arith.addi %mul3A_260, %add3A_1418 : i32
        %add3A_1420 = arith.constant 80 : i32
        %add3A_1421 = arith.addi %add3A_1419, %add3A_1420 : i32
        %get3A_1422 = arith.index_cast %add3A_1421 : i32 to index
        %get3A_1423 = tpu.vector_load %arg12[%get3A_1422] {strides = array<i32>} : memref<18432xi32, #tpu.memory_space<vmem>>, vector<16xi32>,
        %add3A_1424 = arith.addi %add3A_1411, %get3A_1423 : vector<16xi32>
        %add3A_1425 = arith.constant 1152 : i32
        %add3A_1426 = arith.addi %mul3A_260, %add3A_1425 : i32
        %add3A_1427 = arith.constant 80 : i32
        %add3A_1428 = arith.addi %add3A_1426, %add3A_1427 : i32
        %swap3A_1429 = arith.index_cast %add3A_1428 : i32 to index
        %swap3A_1430 = tpu.vector_load %arg12[%swap3A_1429] {strides = array<i32>} : memref<18432xi32, #tpu.memory_space<vmem>>, vector<16xi32>,
        tpu.vector_store %arg12[%swap3A_1429], %broadcast_in_dim3A_264 {strides = array<i32>} : memref<18432xi32, #tpu.memory_space<vmem>>, vector<16xi32>,
        %add3A_1431 = arith.constant 1296 : i32
        %add3A_1432 = arith.addi %mul3A_260, %add3A_1431 : i32
        %add3A_1433 = arith.constant 80 : i32
        %add3A_1434 = arith.addi %add3A_1432, %add3A_1433 : i32
        %get3A_1435 = arith.index_cast %add3A_1434 : i32 to index
        %get3A_1436 = tpu.vector_load %arg12[%get3A_1435] {strides = array<i32>} : memref<18432xi32, #tpu.memory_space<vmem>>, vector<16xi32>,
        %add3A_1437 = arith.addi %add3A_1424, %get3A_1436 : vector<16xi32>
        %add3A_1438 = arith.constant 1296 : i32
        %add3A_1439 = arith.addi %mul3A_260, %add3A_1438 : i32
        %add3A_1440 = arith.constant 80 : i32
        %add3A_1441 = arith.addi %add3A_1439, %add3A_1440 : i32
        %swap3A_1442 = arith.index_cast %add3A_1441 : i32 to index
        %swap3A_1443 = tpu.vector_load %arg12[%swap3A_1442] {strides = array<i32>} : memref<18432xi32, #tpu.memory_space<vmem>>, vector<16xi32>,
        tpu.vector_store %arg12[%swap3A_1442], %broadcast_in_dim3A_264 {strides = array<i32>} : memref<18432xi32, #tpu.memory_space<vmem>>, vector<16xi32>,
        %add3A_1444 = arith.constant 1440 : i32
        %add3A_1445 = arith.addi %mul3A_260, %add3A_1444 : i32
        %add3A_1446 = arith.constant 80 : i32
        %add3A_1447 = arith.addi %add3A_1445, %add3A_1446 : i32
        %get3A_1448 = arith.index_cast %add3A_1447 : i32 to index
        %get3A_1449 = tpu.vector_load %arg12[%get3A_1448] {strides = array<i32>} : memref<18432xi32, #tpu.memory_space<vmem>>, vector<16xi32>,
        %add3A_1450 = arith.addi %add3A_1437, %get3A_1449 : vector<16xi32>
        %add3A_1451 = arith.constant 1440 : i32
        %add3A_1452 = arith.addi %mul3A_260, %add3A_1451 : i32
        %add3A_1453 = arith.constant 80 : i32
        %add3A_1454 = arith.addi %add3A_1452, %add3A_1453 : i32
        %swap3A_1455 = arith.index_cast %add3A_1454 : i32 to index
        %swap3A_1456 = tpu.vector_load %arg12[%swap3A_1455] {strides = array<i32>} : memref<18432xi32, #tpu.memory_space<vmem>>, vector<16xi32>,
        tpu.vector_store %arg12[%swap3A_1455], %broadcast_in_dim3A_264 {strides = array<i32>} : memref<18432xi32, #tpu.memory_space<vmem>>, vector<16xi32>,
        %add3A_1457 = arith.constant 1584 : i32
        %add3A_1458 = arith.addi %mul3A_260, %add3A_1457 : i32
        %add3A_1459 = arith.constant 80 : i32
        %add3A_1460 = arith.addi %add3A_1458, %add3A_1459 : i32
        %get3A_1461 = arith.index_cast %add3A_1460 : i32 to index
        %get3A_1462 = tpu.vector_load %arg12[%get3A_1461] {strides = array<i32>} : memref<18432xi32, #tpu.memory_space<vmem>>, vector<16xi32>,
        %add3A_1463 = arith.addi %add3A_1450, %get3A_1462 : vector<16xi32>
        %add3A_1464 = arith.constant 1584 : i32
        %add3A_1465 = arith.addi %mul3A_260, %add3A_1464 : i32
        %add3A_1466 = arith.constant 80 : i32
        %add3A_1467 = arith.addi %add3A_1465, %add3A_1466 : i32
        %swap3A_1468 = arith.index_cast %add3A_1467 : i32 to index
        %swap3A_1469 = tpu.vector_load %arg12[%swap3A_1468] {strides = array<i32>} : memref<18432xi32, #tpu.memory_space<vmem>>, vector<16xi32>,
        tpu.vector_store %arg12[%swap3A_1468], %broadcast_in_dim3A_264 {strides = array<i32>} : memref<18432xi32, #tpu.memory_space<vmem>>, vector<16xi32>,
        %add3A_1470 = arith.constant 1728 : i32
        %add3A_1471 = arith.addi %mul3A_260, %add3A_1470 : i32
        %add3A_1472 = arith.constant 80 : i32
        %add3A_1473 = arith.addi %add3A_1471, %add3A_1472 : i32
        %get3A_1474 = arith.index_cast %add3A_1473 : i32 to index
        %get3A_1475 = tpu.vector_load %arg12[%get3A_1474] {strides = array<i32>} : memref<18432xi32, #tpu.memory_space<vmem>>, vector<16xi32>,
        %add3A_1476 = arith.addi %add3A_1463, %get3A_1475 : vector<16xi32>
        %add3A_1477 = arith.constant 1728 : i32
        %add3A_1478 = arith.addi %mul3A_260, %add3A_1477 : i32
        %add3A_1479 = arith.constant 80 : i32
        %add3A_1480 = arith.addi %add3A_1478, %add3A_1479 : i32
        %swap3A_1481 = arith.index_cast %add3A_1480 : i32 to index
        %swap3A_1482 = tpu.vector_load %arg12[%swap3A_1481] {strides = array<i32>} : memref<18432xi32, #tpu.memory_space<vmem>>, vector<16xi32>,
        tpu.vector_store %arg12[%swap3A_1481], %broadcast_in_dim3A_264 {strides = array<i32>} : memref<18432xi32, #tpu.memory_space<vmem>>, vector<16xi32>,
        %add3A_1483 = arith.constant 1872 : i32
        %add3A_1484 = arith.addi %mul3A_260, %add3A_1483 : i32
        %add3A_1485 = arith.constant 80 : i32
        %add3A_1486 = arith.addi %add3A_1484, %add3A_1485 : i32
        %get3A_1487 = arith.index_cast %add3A_1486 : i32 to index
        %get3A_1488 = tpu.vector_load %arg12[%get3A_1487] {strides = array<i32>} : memref<18432xi32, #tpu.memory_space<vmem>>, vector<16xi32>,
        %add3A_1489 = arith.addi %add3A_1476, %get3A_1488 : vector<16xi32>
        %add3A_1490 = arith.constant 1872 : i32
        %add3A_1491 = arith.addi %mul3A_260, %add3A_1490 : i32
        %add3A_1492 = arith.constant 80 : i32
        %add3A_1493 = arith.addi %add3A_1491, %add3A_1492 : i32
        %swap3A_1494 = arith.index_cast %add3A_1493 : i32 to index
        %swap3A_1495 = tpu.vector_load %arg12[%swap3A_1494] {strides = array<i32>} : memref<18432xi32, #tpu.memory_space<vmem>>, vector<16xi32>,
        tpu.vector_store %arg12[%swap3A_1494], %broadcast_in_dim3A_264 {strides = array<i32>} : memref<18432xi32, #tpu.memory_space<vmem>>, vector<16xi32>,
        %add3A_1496 = arith.constant 2016 : i32
        %add3A_1497 = arith.addi %mul3A_260, %add3A_1496 : i32
        %add3A_1498 = arith.constant 80 : i32
        %add3A_1499 = arith.addi %add3A_1497, %add3A_1498 : i32
        %get3A_1500 = arith.index_cast %add3A_1499 : i32 to index
        %get3A_1501 = tpu.vector_load %arg12[%get3A_1500] {strides = array<i32>} : memref<18432xi32, #tpu.memory_space<vmem>>, vector<16xi32>,
        %add3A_1502 = arith.addi %add3A_1489, %get3A_1501 : vector<16xi32>
        %add3A_1503 = arith.constant 2016 : i32
        %add3A_1504 = arith.addi %mul3A_260, %add3A_1503 : i32
        %add3A_1505 = arith.constant 80 : i32
        %add3A_1506 = arith.addi %add3A_1504, %add3A_1505 : i32
        %swap3A_1507 = arith.index_cast %add3A_1506 : i32 to index
        %swap3A_1508 = tpu.vector_load %arg12[%swap3A_1507] {strides = array<i32>} : memref<18432xi32, #tpu.memory_space<vmem>>, vector<16xi32>,
        tpu.vector_store %arg12[%swap3A_1507], %broadcast_in_dim3A_264 {strides = array<i32>} : memref<18432xi32, #tpu.memory_space<vmem>>, vector<16xi32>,
        %add3A_1509 = arith.constant 2160 : i32
        %add3A_1510 = arith.addi %mul3A_260, %add3A_1509 : i32
        %add3A_1511 = arith.constant 80 : i32
        %add3A_1512 = arith.addi %add3A_1510, %add3A_1511 : i32
        %get3A_1513 = arith.index_cast %add3A_1512 : i32 to index
        %get3A_1514 = tpu.vector_load %arg12[%get3A_1513] {strides = array<i32>} : memref<18432xi32, #tpu.memory_space<vmem>>, vector<16xi32>,
        %add3A_1515 = arith.addi %add3A_1502, %get3A_1514 : vector<16xi32>
        %add3A_1516 = arith.constant 2160 : i32
        %add3A_1517 = arith.addi %mul3A_260, %add3A_1516 : i32
        %add3A_1518 = arith.constant 80 : i32
        %add3A_1519 = arith.addi %add3A_1517, %add3A_1518 : i32
        %swap3A_1520 = arith.index_cast %add3A_1519 : i32 to index
        %swap3A_1521 = tpu.vector_load %arg12[%swap3A_1520] {strides = array<i32>} : memref<18432xi32, #tpu.memory_space<vmem>>, vector<16xi32>,
        tpu.vector_store %arg12[%swap3A_1520], %broadcast_in_dim3A_264 {strides = array<i32>} : memref<18432xi32, #tpu.memory_space<vmem>>, vector<16xi32>,
        %swap3A_1522 = arith.constant 80 : index
        %swap3A_1523 = tpu.vector_load %arg13[%swap3A_1522] {strides = array<i32>} : memref<144xi32, #tpu.memory_space<vmem>>, vector<16xi32>,
        tpu.vector_store %arg13[%swap3A_1522], %add3A_1515 {strides = array<i32>} : memref<144xi32, #tpu.memory_space<vmem>>, vector<16xi32>,
        %add3A_1524 = arith.constant 0 : i32
        %add3A_1525 = arith.addi %mul3A_260, %add3A_1524 : i32
        %add3A_1526 = arith.constant 96 : i32
        %add3A_1527 = arith.addi %add3A_1525, %add3A_1526 : i32
        %get3A_1528 = arith.index_cast %add3A_1527 : i32 to index
        %get3A_1529 = tpu.vector_load %arg12[%get3A_1528] {strides = array<i32>} : memref<18432xi32, #tpu.memory_space<vmem>>, vector<16xi32>,
        %add3A_1530 = arith.addi %broadcast_in_dim3A_264, %get3A_1529 : vector<16xi32>
        %add3A_1531 = arith.constant 0 : i32
        %add3A_1532 = arith.addi %mul3A_260, %add3A_1531 : i32
        %add3A_1533 = arith.constant 96 : i32
        %add3A_1534 = arith.addi %add3A_1532, %add3A_1533 : i32
        %swap3A_1535 = arith.index_cast %add3A_1534 : i32 to index
        %swap3A_1536 = tpu.vector_load %arg12[%swap3A_1535] {strides = array<i32>} : memref<18432xi32, #tpu.memory_space<vmem>>, vector<16xi32>,
        tpu.vector_store %arg12[%swap3A_1535], %broadcast_in_dim3A_264 {strides = array<i32>} : memref<18432xi32, #tpu.memory_space<vmem>>, vector<16xi32>,
        %add3A_1537 = arith.constant 144 : i32
        %add3A_1538 = arith.addi %mul3A_260, %add3A_1537 : i32
        %add3A_1539 = arith.constant 96 : i32
        %add3A_1540 = arith.addi %add3A_1538, %add3A_1539 : i32
        %get3A_1541 = arith.index_cast %add3A_1540 : i32 to index
        %get3A_1542 = tpu.vector_load %arg12[%get3A_1541] {strides = array<i32>} : memref<18432xi32, #tpu.memory_space<vmem>>, vector<16xi32>,
        %add3A_1543 = arith.addi %add3A_1530, %get3A_1542 : vector<16xi32>
        %add3A_1544 = arith.constant 144 : i32
        %add3A_1545 = arith.addi %mul3A_260, %add3A_1544 : i32
        %add3A_1546 = arith.constant 96 : i32
        %add3A_1547 = arith.addi %add3A_1545, %add3A_1546 : i32
        %swap3A_1548 = arith.index_cast %add3A_1547 : i32 to index
        %swap3A_1549 = tpu.vector_load %arg12[%swap3A_1548] {strides = array<i32>} : memref<18432xi32, #tpu.memory_space<vmem>>, vector<16xi32>,
        tpu.vector_store %arg12[%swap3A_1548], %broadcast_in_dim3A_264 {strides = array<i32>} : memref<18432xi32, #tpu.memory_space<vmem>>, vector<16xi32>,
        %add3A_1550 = arith.constant 288 : i32
        %add3A_1551 = arith.addi %mul3A_260, %add3A_1550 : i32
        %add3A_1552 = arith.constant 96 : i32
        %add3A_1553 = arith.addi %add3A_1551, %add3A_1552 : i32
        %get3A_1554 = arith.index_cast %add3A_1553 : i32 to index
        %get3A_1555 = tpu.vector_load %arg12[%get3A_1554] {strides = array<i32>} : memref<18432xi32, #tpu.memory_space<vmem>>, vector<16xi32>,
        %add3A_1556 = arith.addi %add3A_1543, %get3A_1555 : vector<16xi32>
        %add3A_1557 = arith.constant 288 : i32
        %add3A_1558 = arith.addi %mul3A_260, %add3A_1557 : i32
        %add3A_1559 = arith.constant 96 : i32
        %add3A_1560 = arith.addi %add3A_1558, %add3A_1559 : i32
        %swap3A_1561 = arith.index_cast %add3A_1560 : i32 to index
        %swap3A_1562 = tpu.vector_load %arg12[%swap3A_1561] {strides = array<i32>} : memref<18432xi32, #tpu.memory_space<vmem>>, vector<16xi32>,
        tpu.vector_store %arg12[%swap3A_1561], %broadcast_in_dim3A_264 {strides = array<i32>} : memref<18432xi32, #tpu.memory_space<vmem>>, vector<16xi32>,
        %add3A_1563 = arith.constant 432 : i32
        %add3A_1564 = arith.addi %mul3A_260, %add3A_1563 : i32
        %add3A_1565 = arith.constant 96 : i32
        %add3A_1566 = arith.addi %add3A_1564, %add3A_1565 : i32
        %get3A_1567 = arith.index_cast %add3A_1566 : i32 to index
        %get3A_1568 = tpu.vector_load %arg12[%get3A_1567] {strides = array<i32>} : memref<18432xi32, #tpu.memory_space<vmem>>, vector<16xi32>,
        %add3A_1569 = arith.addi %add3A_1556, %get3A_1568 : vector<16xi32>
        %add3A_1570 = arith.constant 432 : i32
        %add3A_1571 = arith.addi %mul3A_260, %add3A_1570 : i32
        %add3A_1572 = arith.constant 96 : i32
        %add3A_1573 = arith.addi %add3A_1571, %add3A_1572 : i32
        %swap3A_1574 = arith.index_cast %add3A_1573 : i32 to index
        %swap3A_1575 = tpu.vector_load %arg12[%swap3A_1574] {strides = array<i32>} : memref<18432xi32, #tpu.memory_space<vmem>>, vector<16xi32>,
        tpu.vector_store %arg12[%swap3A_1574], %broadcast_in_dim3A_264 {strides = array<i32>} : memref<18432xi32, #tpu.memory_space<vmem>>, vector<16xi32>,
        %add3A_1576 = arith.constant 576 : i32
        %add3A_1577 = arith.addi %mul3A_260, %add3A_1576 : i32
        %add3A_1578 = arith.constant 96 : i32
        %add3A_1579 = arith.addi %add3A_1577, %add3A_1578 : i32
        %get3A_1580 = arith.index_cast %add3A_1579 : i32 to index
        %get3A_1581 = tpu.vector_load %arg12[%get3A_1580] {strides = array<i32>} : memref<18432xi32, #tpu.memory_space<vmem>>, vector<16xi32>,
        %add3A_1582 = arith.addi %add3A_1569, %get3A_1581 : vector<16xi32>
        %add3A_1583 = arith.constant 576 : i32
        %add3A_1584 = arith.addi %mul3A_260, %add3A_1583 : i32
        %add3A_1585 = arith.constant 96 : i32
        %add3A_1586 = arith.addi %add3A_1584, %add3A_1585 : i32
        %swap3A_1587 = arith.index_cast %add3A_1586 : i32 to index
        %swap3A_1588 = tpu.vector_load %arg12[%swap3A_1587] {strides = array<i32>} : memref<18432xi32, #tpu.memory_space<vmem>>, vector<16xi32>,
        tpu.vector_store %arg12[%swap3A_1587], %broadcast_in_dim3A_264 {strides = array<i32>} : memref<18432xi32, #tpu.memory_space<vmem>>, vector<16xi32>,
        %add3A_1589 = arith.constant 720 : i32
        %add3A_1590 = arith.addi %mul3A_260, %add3A_1589 : i32
        %add3A_1591 = arith.constant 96 : i32
        %add3A_1592 = arith.addi %add3A_1590, %add3A_1591 : i32
        %get3A_1593 = arith.index_cast %add3A_1592 : i32 to index
        %get3A_1594 = tpu.vector_load %arg12[%get3A_1593] {strides = array<i32>} : memref<18432xi32, #tpu.memory_space<vmem>>, vector<16xi32>,
        %add3A_1595 = arith.addi %add3A_1582, %get3A_1594 : vector<16xi32>
        %add3A_1596 = arith.constant 720 : i32
        %add3A_1597 = arith.addi %mul3A_260, %add3A_1596 : i32
        %add3A_1598 = arith.constant 96 : i32
        %add3A_1599 = arith.addi %add3A_1597, %add3A_1598 : i32
        %swap3A_1600 = arith.index_cast %add3A_1599 : i32 to index
        %swap3A_1601 = tpu.vector_load %arg12[%swap3A_1600] {strides = array<i32>} : memref<18432xi32, #tpu.memory_space<vmem>>, vector<16xi32>,
        tpu.vector_store %arg12[%swap3A_1600], %broadcast_in_dim3A_264 {strides = array<i32>} : memref<18432xi32, #tpu.memory_space<vmem>>, vector<16xi32>,
        %add3A_1602 = arith.constant 864 : i32
        %add3A_1603 = arith.addi %mul3A_260, %add3A_1602 : i32
        %add3A_1604 = arith.constant 96 : i32
        %add3A_1605 = arith.addi %add3A_1603, %add3A_1604 : i32
        %get3A_1606 = arith.index_cast %add3A_1605 : i32 to index
        %get3A_1607 = tpu.vector_load %arg12[%get3A_1606] {strides = array<i32>} : memref<18432xi32, #tpu.memory_space<vmem>>, vector<16xi32>,
        %add3A_1608 = arith.addi %add3A_1595, %get3A_1607 : vector<16xi32>
        %add3A_1609 = arith.constant 864 : i32
        %add3A_1610 = arith.addi %mul3A_260, %add3A_1609 : i32
        %add3A_1611 = arith.constant 96 : i32
        %add3A_1612 = arith.addi %add3A_1610, %add3A_1611 : i32
        %swap3A_1613 = arith.index_cast %add3A_1612 : i32 to index
        %swap3A_1614 = tpu.vector_load %arg12[%swap3A_1613] {strides = array<i32>} : memref<18432xi32, #tpu.memory_space<vmem>>, vector<16xi32>,
        tpu.vector_store %arg12[%swap3A_1613], %broadcast_in_dim3A_264 {strides = array<i32>} : memref<18432xi32, #tpu.memory_space<vmem>>, vector<16xi32>,
        %add3A_1615 = arith.constant 1008 : i32
        %add3A_1616 = arith.addi %mul3A_260, %add3A_1615 : i32
        %add3A_1617 = arith.constant 96 : i32
        %add3A_1618 = arith.addi %add3A_1616, %add3A_1617 : i32
        %get3A_1619 = arith.index_cast %add3A_1618 : i32 to index
        %get3A_1620 = tpu.vector_load %arg12[%get3A_1619] {strides = array<i32>} : memref<18432xi32, #tpu.memory_space<vmem>>, vector<16xi32>,
        %add3A_1621 = arith.addi %add3A_1608, %get3A_1620 : vector<16xi32>
        %add3A_1622 = arith.constant 1008 : i32
        %add3A_1623 = arith.addi %mul3A_260, %add3A_1622 : i32
        %add3A_1624 = arith.constant 96 : i32
        %add3A_1625 = arith.addi %add3A_1623, %add3A_1624 : i32
        %swap3A_1626 = arith.index_cast %add3A_1625 : i32 to index
        %swap3A_1627 = tpu.vector_load %arg12[%swap3A_1626] {strides = array<i32>} : memref<18432xi32, #tpu.memory_space<vmem>>, vector<16xi32>,
        tpu.vector_store %arg12[%swap3A_1626], %broadcast_in_dim3A_264 {strides = array<i32>} : memref<18432xi32, #tpu.memory_space<vmem>>, vector<16xi32>,
        %add3A_1628 = arith.constant 1152 : i32
        %add3A_1629 = arith.addi %mul3A_260, %add3A_1628 : i32
        %add3A_1630 = arith.constant 96 : i32
        %add3A_1631 = arith.addi %add3A_1629, %add3A_1630 : i32
        %get3A_1632 = arith.index_cast %add3A_1631 : i32 to index
        %get3A_1633 = tpu.vector_load %arg12[%get3A_1632] {strides = array<i32>} : memref<18432xi32, #tpu.memory_space<vmem>>, vector<16xi32>,
        %add3A_1634 = arith.addi %add3A_1621, %get3A_1633 : vector<16xi32>
        %add3A_1635 = arith.constant 1152 : i32
        %add3A_1636 = arith.addi %mul3A_260, %add3A_1635 : i32
        %add3A_1637 = arith.constant 96 : i32
        %add3A_1638 = arith.addi %add3A_1636, %add3A_1637 : i32
        %swap3A_1639 = arith.index_cast %add3A_1638 : i32 to index
        %swap3A_1640 = tpu.vector_load %arg12[%swap3A_1639] {strides = array<i32>} : memref<18432xi32, #tpu.memory_space<vmem>>, vector<16xi32>,
        tpu.vector_store %arg12[%swap3A_1639], %broadcast_in_dim3A_264 {strides = array<i32>} : memref<18432xi32, #tpu.memory_space<vmem>>, vector<16xi32>,
        %add3A_1641 = arith.constant 1296 : i32
        %add3A_1642 = arith.addi %mul3A_260, %add3A_1641 : i32
        %add3A_1643 = arith.constant 96 : i32
        %add3A_1644 = arith.addi %add3A_1642, %add3A_1643 : i32
        %get3A_1645 = arith.index_cast %add3A_1644 : i32 to index
        %get3A_1646 = tpu.vector_load %arg12[%get3A_1645] {strides = array<i32>} : memref<18432xi32, #tpu.memory_space<vmem>>, vector<16xi32>,
        %add3A_1647 = arith.addi %add3A_1634, %get3A_1646 : vector<16xi32>
        %add3A_1648 = arith.constant 1296 : i32
        %add3A_1649 = arith.addi %mul3A_260, %add3A_1648 : i32
        %add3A_1650 = arith.constant 96 : i32
        %add3A_1651 = arith.addi %add3A_1649, %add3A_1650 : i32
        %swap3A_1652 = arith.index_cast %add3A_1651 : i32 to index
        %swap3A_1653 = tpu.vector_load %arg12[%swap3A_1652] {strides = array<i32>} : memref<18432xi32, #tpu.memory_space<vmem>>, vector<16xi32>,
        tpu.vector_store %arg12[%swap3A_1652], %broadcast_in_dim3A_264 {strides = array<i32>} : memref<18432xi32, #tpu.memory_space<vmem>>, vector<16xi32>,
        %add3A_1654 = arith.constant 1440 : i32
        %add3A_1655 = arith.addi %mul3A_260, %add3A_1654 : i32
        %add3A_1656 = arith.constant 96 : i32
        %add3A_1657 = arith.addi %add3A_1655, %add3A_1656 : i32
        %get3A_1658 = arith.index_cast %add3A_1657 : i32 to index
        %get3A_1659 = tpu.vector_load %arg12[%get3A_1658] {strides = array<i32>} : memref<18432xi32, #tpu.memory_space<vmem>>, vector<16xi32>,
        %add3A_1660 = arith.addi %add3A_1647, %get3A_1659 : vector<16xi32>
        %add3A_1661 = arith.constant 1440 : i32
        %add3A_1662 = arith.addi %mul3A_260, %add3A_1661 : i32
        %add3A_1663 = arith.constant 96 : i32
        %add3A_1664 = arith.addi %add3A_1662, %add3A_1663 : i32
        %swap3A_1665 = arith.index_cast %add3A_1664 : i32 to index
        %swap3A_1666 = tpu.vector_load %arg12[%swap3A_1665] {strides = array<i32>} : memref<18432xi32, #tpu.memory_space<vmem>>, vector<16xi32>,
        tpu.vector_store %arg12[%swap3A_1665], %broadcast_in_dim3A_264 {strides = array<i32>} : memref<18432xi32, #tpu.memory_space<vmem>>, vector<16xi32>,
        %add3A_1667 = arith.constant 1584 : i32
        %add3A_1668 = arith.addi %mul3A_260, %add3A_1667 : i32
        %add3A_1669 = arith.constant 96 : i32
        %add3A_1670 = arith.addi %add3A_1668, %add3A_1669 : i32
        %get3A_1671 = arith.index_cast %add3A_1670 : i32 to index
        %get3A_1672 = tpu.vector_load %arg12[%get3A_1671] {strides = array<i32>} : memref<18432xi32, #tpu.memory_space<vmem>>, vector<16xi32>,
        %add3A_1673 = arith.addi %add3A_1660, %get3A_1672 : vector<16xi32>
        %add3A_1674 = arith.constant 1584 : i32
        %add3A_1675 = arith.addi %mul3A_260, %add3A_1674 : i32
        %add3A_1676 = arith.constant 96 : i32
        %add3A_1677 = arith.addi %add3A_1675, %add3A_1676 : i32
        %swap3A_1678 = arith.index_cast %add3A_1677 : i32 to index
        %swap3A_1679 = tpu.vector_load %arg12[%swap3A_1678] {strides = array<i32>} : memref<18432xi32, #tpu.memory_space<vmem>>, vector<16xi32>,
        tpu.vector_store %arg12[%swap3A_1678], %broadcast_in_dim3A_264 {strides = array<i32>} : memref<18432xi32, #tpu.memory_space<vmem>>, vector<16xi32>,
        %add3A_1680 = arith.constant 1728 : i32
        %add3A_1681 = arith.addi %mul3A_260, %add3A_1680 : i32
        %add3A_1682 = arith.constant 96 : i32
        %add3A_1683 = arith.addi %add3A_1681, %add3A_1682 : i32
        %get3A_1684 = arith.index_cast %add3A_1683 : i32 to index
        %get3A_1685 = tpu.vector_load %arg12[%get3A_1684] {strides = array<i32>} : memref<18432xi32, #tpu.memory_space<vmem>>, vector<16xi32>,
        %add3A_1686 = arith.addi %add3A_1673, %get3A_1685 : vector<16xi32>
        %add3A_1687 = arith.constant 1728 : i32
        %add3A_1688 = arith.addi %mul3A_260, %add3A_1687 : i32
        %add3A_1689 = arith.constant 96 : i32
        %add3A_1690 = arith.addi %add3A_1688, %add3A_1689 : i32
        %swap3A_1691 = arith.index_cast %add3A_1690 : i32 to index
        %swap3A_1692 = tpu.vector_load %arg12[%swap3A_1691] {strides = array<i32>} : memref<18432xi32, #tpu.memory_space<vmem>>, vector<16xi32>,
        tpu.vector_store %arg12[%swap3A_1691], %broadcast_in_dim3A_264 {strides = array<i32>} : memref<18432xi32, #tpu.memory_space<vmem>>, vector<16xi32>,
        %add3A_1693 = arith.constant 1872 : i32
        %add3A_1694 = arith.addi %mul3A_260, %add3A_1693 : i32
        %add3A_1695 = arith.constant 96 : i32
        %add3A_1696 = arith.addi %add3A_1694, %add3A_1695 : i32
        %get3A_1697 = arith.index_cast %add3A_1696 : i32 to index
        %get3A_1698 = tpu.vector_load %arg12[%get3A_1697] {strides = array<i32>} : memref<18432xi32, #tpu.memory_space<vmem>>, vector<16xi32>,
        %add3A_1699 = arith.addi %add3A_1686, %get3A_1698 : vector<16xi32>
        %add3A_1700 = arith.constant 1872 : i32
        %add3A_1701 = arith.addi %mul3A_260, %add3A_1700 : i32
        %add3A_1702 = arith.constant 96 : i32
        %add3A_1703 = arith.addi %add3A_1701, %add3A_1702 : i32
        %swap3A_1704 = arith.index_cast %add3A_1703 : i32 to index
        %swap3A_1705 = tpu.vector_load %arg12[%swap3A_1704] {strides = array<i32>} : memref<18432xi32, #tpu.memory_space<vmem>>, vector<16xi32>,
        tpu.vector_store %arg12[%swap3A_1704], %broadcast_in_dim3A_264 {strides = array<i32>} : memref<18432xi32, #tpu.memory_space<vmem>>, vector<16xi32>,
        %add3A_1706 = arith.constant 2016 : i32
        %add3A_1707 = arith.addi %mul3A_260, %add3A_1706 : i32
        %add3A_1708 = arith.constant 96 : i32
        %add3A_1709 = arith.addi %add3A_1707, %add3A_1708 : i32
        %get3A_1710 = arith.index_cast %add3A_1709 : i32 to index
        %get3A_1711 = tpu.vector_load %arg12[%get3A_1710] {strides = array<i32>} : memref<18432xi32, #tpu.memory_space<vmem>>, vector<16xi32>,
        %add3A_1712 = arith.addi %add3A_1699, %get3A_1711 : vector<16xi32>
        %add3A_1713 = arith.constant 2016 : i32
        %add3A_1714 = arith.addi %mul3A_260, %add3A_1713 : i32
        %add3A_1715 = arith.constant 96 : i32
        %add3A_1716 = arith.addi %add3A_1714, %add3A_1715 : i32
        %swap3A_1717 = arith.index_cast %add3A_1716 : i32 to index
        %swap3A_1718 = tpu.vector_load %arg12[%swap3A_1717] {strides = array<i32>} : memref<18432xi32, #tpu.memory_space<vmem>>, vector<16xi32>,
        tpu.vector_store %arg12[%swap3A_1717], %broadcast_in_dim3A_264 {strides = array<i32>} : memref<18432xi32, #tpu.memory_space<vmem>>, vector<16xi32>,
        %add3A_1719 = arith.constant 2160 : i32
        %add3A_1720 = arith.addi %mul3A_260, %add3A_1719 : i32
        %add3A_1721 = arith.constant 96 : i32
        %add3A_1722 = arith.addi %add3A_1720, %add3A_1721 : i32
        %get3A_1723 = arith.index_cast %add3A_1722 : i32 to index
        %get3A_1724 = tpu.vector_load %arg12[%get3A_1723] {strides = array<i32>} : memref<18432xi32, #tpu.memory_space<vmem>>, vector<16xi32>,
        %add3A_1725 = arith.addi %add3A_1712, %get3A_1724 : vector<16xi32>
        %add3A_1726 = arith.constant 2160 : i32
        %add3A_1727 = arith.addi %mul3A_260, %add3A_1726 : i32
        %add3A_1728 = arith.constant 96 : i32
        %add3A_1729 = arith.addi %add3A_1727, %add3A_1728 : i32
        %swap3A_1730 = arith.index_cast %add3A_1729 : i32 to index
        %swap3A_1731 = tpu.vector_load %arg12[%swap3A_1730] {strides = array<i32>} : memref<18432xi32, #tpu.memory_space<vmem>>, vector<16xi32>,
        tpu.vector_store %arg12[%swap3A_1730], %broadcast_in_dim3A_264 {strides = array<i32>} : memref<18432xi32, #tpu.memory_space<vmem>>, vector<16xi32>,
        %swap3A_1732 = arith.constant 96 : index
        %swap3A_1733 = tpu.vector_load %arg13[%swap3A_1732] {strides = array<i32>} : memref<144xi32, #tpu.memory_space<vmem>>, vector<16xi32>,
        tpu.vector_store %arg13[%swap3A_1732], %add3A_1725 {strides = array<i32>} : memref<144xi32, #tpu.memory_space<vmem>>, vector<16xi32>,
        %add3A_1734 = arith.constant 0 : i32
        %add3A_1735 = arith.addi %mul3A_260, %add3A_1734 : i32
        %add3A_1736 = arith.constant 112 : i32
        %add3A_1737 = arith.addi %add3A_1735, %add3A_1736 : i32
        %get3A_1738 = arith.index_cast %add3A_1737 : i32 to index
        %get3A_1739 = tpu.vector_load %arg12[%get3A_1738] {strides = array<i32>} : memref<18432xi32, #tpu.memory_space<vmem>>, vector<16xi32>,
        %add3A_1740 = arith.addi %broadcast_in_dim3A_264, %get3A_1739 : vector<16xi32>
        %add3A_1741 = arith.constant 0 : i32
        %add3A_1742 = arith.addi %mul3A_260, %add3A_1741 : i32
        %add3A_1743 = arith.constant 112 : i32
        %add3A_1744 = arith.addi %add3A_1742, %add3A_1743 : i32
        %swap3A_1745 = arith.index_cast %add3A_1744 : i32 to index
        %swap3A_1746 = tpu.vector_load %arg12[%swap3A_1745] {strides = array<i32>} : memref<18432xi32, #tpu.memory_space<vmem>>, vector<16xi32>,
        tpu.vector_store %arg12[%swap3A_1745], %broadcast_in_dim3A_264 {strides = array<i32>} : memref<18432xi32, #tpu.memory_space<vmem>>, vector<16xi32>,
        %add3A_1747 = arith.constant 144 : i32
        %add3A_1748 = arith.addi %mul3A_260, %add3A_1747 : i32
        %add3A_1749 = arith.constant 112 : i32
        %add3A_1750 = arith.addi %add3A_1748, %add3A_1749 : i32
        %get3A_1751 = arith.index_cast %add3A_1750 : i32 to index
        %get3A_1752 = tpu.vector_load %arg12[%get3A_1751] {strides = array<i32>} : memref<18432xi32, #tpu.memory_space<vmem>>, vector<16xi32>,
        %add3A_1753 = arith.addi %add3A_1740, %get3A_1752 : vector<16xi32>
        %add3A_1754 = arith.constant 144 : i32
        %add3A_1755 = arith.addi %mul3A_260, %add3A_1754 : i32
        %add3A_1756 = arith.constant 112 : i32
        %add3A_1757 = arith.addi %add3A_1755, %add3A_1756 : i32
        %swap3A_1758 = arith.index_cast %add3A_1757 : i32 to index
        %swap3A_1759 = tpu.vector_load %arg12[%swap3A_1758] {strides = array<i32>} : memref<18432xi32, #tpu.memory_space<vmem>>, vector<16xi32>,
        tpu.vector_store %arg12[%swap3A_1758], %broadcast_in_dim3A_264 {strides = array<i32>} : memref<18432xi32, #tpu.memory_space<vmem>>, vector<16xi32>,
        %add3A_1760 = arith.constant 288 : i32
        %add3A_1761 = arith.addi %mul3A_260, %add3A_1760 : i32
        %add3A_1762 = arith.constant 112 : i32
        %add3A_1763 = arith.addi %add3A_1761, %add3A_1762 : i32
        %get3A_1764 = arith.index_cast %add3A_1763 : i32 to index
        %get3A_1765 = tpu.vector_load %arg12[%get3A_1764] {strides = array<i32>} : memref<18432xi32, #tpu.memory_space<vmem>>, vector<16xi32>,
        %add3A_1766 = arith.addi %add3A_1753, %get3A_1765 : vector<16xi32>
        %add3A_1767 = arith.constant 288 : i32
        %add3A_1768 = arith.addi %mul3A_260, %add3A_1767 : i32
        %add3A_1769 = arith.constant 112 : i32
        %add3A_1770 = arith.addi %add3A_1768, %add3A_1769 : i32
        %swap3A_1771 = arith.index_cast %add3A_1770 : i32 to index
        %swap3A_1772 = tpu.vector_load %arg12[%swap3A_1771] {strides = array<i32>} : memref<18432xi32, #tpu.memory_space<vmem>>, vector<16xi32>,
        tpu.vector_store %arg12[%swap3A_1771], %broadcast_in_dim3A_264 {strides = array<i32>} : memref<18432xi32, #tpu.memory_space<vmem>>, vector<16xi32>,
        %add3A_1773 = arith.constant 432 : i32
        %add3A_1774 = arith.addi %mul3A_260, %add3A_1773 : i32
        %add3A_1775 = arith.constant 112 : i32
        %add3A_1776 = arith.addi %add3A_1774, %add3A_1775 : i32
        %get3A_1777 = arith.index_cast %add3A_1776 : i32 to index
        %get3A_1778 = tpu.vector_load %arg12[%get3A_1777] {strides = array<i32>} : memref<18432xi32, #tpu.memory_space<vmem>>, vector<16xi32>,
        %add3A_1779 = arith.addi %add3A_1766, %get3A_1778 : vector<16xi32>
        %add3A_1780 = arith.constant 432 : i32
        %add3A_1781 = arith.addi %mul3A_260, %add3A_1780 : i32
        %add3A_1782 = arith.constant 112 : i32
        %add3A_1783 = arith.addi %add3A_1781, %add3A_1782 : i32
        %swap3A_1784 = arith.index_cast %add3A_1783 : i32 to index
        %swap3A_1785 = tpu.vector_load %arg12[%swap3A_1784] {strides = array<i32>} : memref<18432xi32, #tpu.memory_space<vmem>>, vector<16xi32>,
        tpu.vector_store %arg12[%swap3A_1784], %broadcast_in_dim3A_264 {strides = array<i32>} : memref<18432xi32, #tpu.memory_space<vmem>>, vector<16xi32>,
        %add3A_1786 = arith.constant 576 : i32
        %add3A_1787 = arith.addi %mul3A_260, %add3A_1786 : i32
        %add3A_1788 = arith.constant 112 : i32
        %add3A_1789 = arith.addi %add3A_1787, %add3A_1788 : i32
        %get3A_1790 = arith.index_cast %add3A_1789 : i32 to index
        %get3A_1791 = tpu.vector_load %arg12[%get3A_1790] {strides = array<i32>} : memref<18432xi32, #tpu.memory_space<vmem>>, vector<16xi32>,
        %add3A_1792 = arith.addi %add3A_1779, %get3A_1791 : vector<16xi32>
        %add3A_1793 = arith.constant 576 : i32
        %add3A_1794 = arith.addi %mul3A_260, %add3A_1793 : i32
        %add3A_1795 = arith.constant 112 : i32
        %add3A_1796 = arith.addi %add3A_1794, %add3A_1795 : i32
        %swap3A_1797 = arith.index_cast %add3A_1796 : i32 to index
        %swap3A_1798 = tpu.vector_load %arg12[%swap3A_1797] {strides = array<i32>} : memref<18432xi32, #tpu.memory_space<vmem>>, vector<16xi32>,
        tpu.vector_store %arg12[%swap3A_1797], %broadcast_in_dim3A_264 {strides = array<i32>} : memref<18432xi32, #tpu.memory_space<vmem>>, vector<16xi32>,
        %add3A_1799 = arith.constant 720 : i32
        %add3A_1800 = arith.addi %mul3A_260, %add3A_1799 : i32
        %add3A_1801 = arith.constant 112 : i32
        %add3A_1802 = arith.addi %add3A_1800, %add3A_1801 : i32
        %get3A_1803 = arith.index_cast %add3A_1802 : i32 to index
        %get3A_1804 = tpu.vector_load %arg12[%get3A_1803] {strides = array<i32>} : memref<18432xi32, #tpu.memory_space<vmem>>, vector<16xi32>,
        %add3A_1805 = arith.addi %add3A_1792, %get3A_1804 : vector<16xi32>
        %add3A_1806 = arith.constant 720 : i32
        %add3A_1807 = arith.addi %mul3A_260, %add3A_1806 : i32
        %add3A_1808 = arith.constant 112 : i32
        %add3A_1809 = arith.addi %add3A_1807, %add3A_1808 : i32
        %swap3A_1810 = arith.index_cast %add3A_1809 : i32 to index
        %swap3A_1811 = tpu.vector_load %arg12[%swap3A_1810] {strides = array<i32>} : memref<18432xi32, #tpu.memory_space<vmem>>, vector<16xi32>,
        tpu.vector_store %arg12[%swap3A_1810], %broadcast_in_dim3A_264 {strides = array<i32>} : memref<18432xi32, #tpu.memory_space<vmem>>, vector<16xi32>,
        %add3A_1812 = arith.constant 864 : i32
        %add3A_1813 = arith.addi %mul3A_260, %add3A_1812 : i32
        %add3A_1814 = arith.constant 112 : i32
        %add3A_1815 = arith.addi %add3A_1813, %add3A_1814 : i32
        %get3A_1816 = arith.index_cast %add3A_1815 : i32 to index
        %get3A_1817 = tpu.vector_load %arg12[%get3A_1816] {strides = array<i32>} : memref<18432xi32, #tpu.memory_space<vmem>>, vector<16xi32>,
        %add3A_1818 = arith.addi %add3A_1805, %get3A_1817 : vector<16xi32>
        %add3A_1819 = arith.constant 864 : i32
        %add3A_1820 = arith.addi %mul3A_260, %add3A_1819 : i32
        %add3A_1821 = arith.constant 112 : i32
        %add3A_1822 = arith.addi %add3A_1820, %add3A_1821 : i32
        %swap3A_1823 = arith.index_cast %add3A_1822 : i32 to index
        %swap3A_1824 = tpu.vector_load %arg12[%swap3A_1823] {strides = array<i32>} : memref<18432xi32, #tpu.memory_space<vmem>>, vector<16xi32>,
        tpu.vector_store %arg12[%swap3A_1823], %broadcast_in_dim3A_264 {strides = array<i32>} : memref<18432xi32, #tpu.memory_space<vmem>>, vector<16xi32>,
        %add3A_1825 = arith.constant 1008 : i32
        %add3A_1826 = arith.addi %mul3A_260, %add3A_1825 : i32
        %add3A_1827 = arith.constant 112 : i32
        %add3A_1828 = arith.addi %add3A_1826, %add3A_1827 : i32
        %get3A_1829 = arith.index_cast %add3A_1828 : i32 to index
        %get3A_1830 = tpu.vector_load %arg12[%get3A_1829] {strides = array<i32>} : memref<18432xi32, #tpu.memory_space<vmem>>, vector<16xi32>,
        %add3A_1831 = arith.addi %add3A_1818, %get3A_1830 : vector<16xi32>
        %add3A_1832 = arith.constant 1008 : i32
        %add3A_1833 = arith.addi %mul3A_260, %add3A_1832 : i32
        %add3A_1834 = arith.constant 112 : i32
        %add3A_1835 = arith.addi %add3A_1833, %add3A_1834 : i32
        %swap3A_1836 = arith.index_cast %add3A_1835 : i32 to index
        %swap3A_1837 = tpu.vector_load %arg12[%swap3A_1836] {strides = array<i32>} : memref<18432xi32, #tpu.memory_space<vmem>>, vector<16xi32>,
        tpu.vector_store %arg12[%swap3A_1836], %broadcast_in_dim3A_264 {strides = array<i32>} : memref<18432xi32, #tpu.memory_space<vmem>>, vector<16xi32>,
        %add3A_1838 = arith.constant 1152 : i32
        %add3A_1839 = arith.addi %mul3A_260, %add3A_1838 : i32
        %add3A_1840 = arith.constant 112 : i32
        %add3A_1841 = arith.addi %add3A_1839, %add3A_1840 : i32
        %get3A_1842 = arith.index_cast %add3A_1841 : i32 to index
        %get3A_1843 = tpu.vector_load %arg12[%get3A_1842] {strides = array<i32>} : memref<18432xi32, #tpu.memory_space<vmem>>, vector<16xi32>,
        %add3A_1844 = arith.addi %add3A_1831, %get3A_1843 : vector<16xi32>
        %add3A_1845 = arith.constant 1152 : i32
        %add3A_1846 = arith.addi %mul3A_260, %add3A_1845 : i32
        %add3A_1847 = arith.constant 112 : i32
        %add3A_1848 = arith.addi %add3A_1846, %add3A_1847 : i32
        %swap3A_1849 = arith.index_cast %add3A_1848 : i32 to index
        %swap3A_1850 = tpu.vector_load %arg12[%swap3A_1849] {strides = array<i32>} : memref<18432xi32, #tpu.memory_space<vmem>>, vector<16xi32>,
        tpu.vector_store %arg12[%swap3A_1849], %broadcast_in_dim3A_264 {strides = array<i32>} : memref<18432xi32, #tpu.memory_space<vmem>>, vector<16xi32>,
        %add3A_1851 = arith.constant 1296 : i32
        %add3A_1852 = arith.addi %mul3A_260, %add3A_1851 : i32
        %add3A_1853 = arith.constant 112 : i32
        %add3A_1854 = arith.addi %add3A_1852, %add3A_1853 : i32
        %get3A_1855 = arith.index_cast %add3A_1854 : i32 to index
        %get3A_1856 = tpu.vector_load %arg12[%get3A_1855] {strides = array<i32>} : memref<18432xi32, #tpu.memory_space<vmem>>, vector<16xi32>,
        %add3A_1857 = arith.addi %add3A_1844, %get3A_1856 : vector<16xi32>
        %add3A_1858 = arith.constant 1296 : i32
        %add3A_1859 = arith.addi %mul3A_260, %add3A_1858 : i32
        %add3A_1860 = arith.constant 112 : i32
        %add3A_1861 = arith.addi %add3A_1859, %add3A_1860 : i32
        %swap3A_1862 = arith.index_cast %add3A_1861 : i32 to index
        %swap3A_1863 = tpu.vector_load %arg12[%swap3A_1862] {strides = array<i32>} : memref<18432xi32, #tpu.memory_space<vmem>>, vector<16xi32>,
        tpu.vector_store %arg12[%swap3A_1862], %broadcast_in_dim3A_264 {strides = array<i32>} : memref<18432xi32, #tpu.memory_space<vmem>>, vector<16xi32>,
        %add3A_1864 = arith.constant 1440 : i32
        %add3A_1865 = arith.addi %mul3A_260, %add3A_1864 : i32
        %add3A_1866 = arith.constant 112 : i32
        %add3A_1867 = arith.addi %add3A_1865, %add3A_1866 : i32
        %get3A_1868 = arith.index_cast %add3A_1867 : i32 to index
        %get3A_1869 = tpu.vector_load %arg12[%get3A_1868] {strides = array<i32>} : memref<18432xi32, #tpu.memory_space<vmem>>, vector<16xi32>,
        %add3A_1870 = arith.addi %add3A_1857, %get3A_1869 : vector<16xi32>
        %add3A_1871 = arith.constant 1440 : i32
        %add3A_1872 = arith.addi %mul3A_260, %add3A_1871 : i32
        %add3A_1873 = arith.constant 112 : i32
        %add3A_1874 = arith.addi %add3A_1872, %add3A_1873 : i32
        %swap3A_1875 = arith.index_cast %add3A_1874 : i32 to index
        %swap3A_1876 = tpu.vector_load %arg12[%swap3A_1875] {strides = array<i32>} : memref<18432xi32, #tpu.memory_space<vmem>>, vector<16xi32>,
        tpu.vector_store %arg12[%swap3A_1875], %broadcast_in_dim3A_264 {strides = array<i32>} : memref<18432xi32, #tpu.memory_space<vmem>>, vector<16xi32>,
        %add3A_1877 = arith.constant 1584 : i32
        %add3A_1878 = arith.addi %mul3A_260, %add3A_1877 : i32
        %add3A_1879 = arith.constant 112 : i32
        %add3A_1880 = arith.addi %add3A_1878, %add3A_1879 : i32
        %get3A_1881 = arith.index_cast %add3A_1880 : i32 to index
        %get3A_1882 = tpu.vector_load %arg12[%get3A_1881] {strides = array<i32>} : memref<18432xi32, #tpu.memory_space<vmem>>, vector<16xi32>,
        %add3A_1883 = arith.addi %add3A_1870, %get3A_1882 : vector<16xi32>
        %add3A_1884 = arith.constant 1584 : i32
        %add3A_1885 = arith.addi %mul3A_260, %add3A_1884 : i32
        %add3A_1886 = arith.constant 112 : i32
        %add3A_1887 = arith.addi %add3A_1885, %add3A_1886 : i32
        %swap3A_1888 = arith.index_cast %add3A_1887 : i32 to index
        %swap3A_1889 = tpu.vector_load %arg12[%swap3A_1888] {strides = array<i32>} : memref<18432xi32, #tpu.memory_space<vmem>>, vector<16xi32>,
        tpu.vector_store %arg12[%swap3A_1888], %broadcast_in_dim3A_264 {strides = array<i32>} : memref<18432xi32, #tpu.memory_space<vmem>>, vector<16xi32>,
        %add3A_1890 = arith.constant 1728 : i32
        %add3A_1891 = arith.addi %mul3A_260, %add3A_1890 : i32
        %add3A_1892 = arith.constant 112 : i32
        %add3A_1893 = arith.addi %add3A_1891, %add3A_1892 : i32
        %get3A_1894 = arith.index_cast %add3A_1893 : i32 to index
        %get3A_1895 = tpu.vector_load %arg12[%get3A_1894] {strides = array<i32>} : memref<18432xi32, #tpu.memory_space<vmem>>, vector<16xi32>,
        %add3A_1896 = arith.addi %add3A_1883, %get3A_1895 : vector<16xi32>
        %add3A_1897 = arith.constant 1728 : i32
        %add3A_1898 = arith.addi %mul3A_260, %add3A_1897 : i32
        %add3A_1899 = arith.constant 112 : i32
        %add3A_1900 = arith.addi %add3A_1898, %add3A_1899 : i32
        %swap3A_1901 = arith.index_cast %add3A_1900 : i32 to index
        %swap3A_1902 = tpu.vector_load %arg12[%swap3A_1901] {strides = array<i32>} : memref<18432xi32, #tpu.memory_space<vmem>>, vector<16xi32>,
        tpu.vector_store %arg12[%swap3A_1901], %broadcast_in_dim3A_264 {strides = array<i32>} : memref<18432xi32, #tpu.memory_space<vmem>>, vector<16xi32>,
        %add3A_1903 = arith.constant 1872 : i32
        %add3A_1904 = arith.addi %mul3A_260, %add3A_1903 : i32
        %add3A_1905 = arith.constant 112 : i32
        %add3A_1906 = arith.addi %add3A_1904, %add3A_1905 : i32
        %get3A_1907 = arith.index_cast %add3A_1906 : i32 to index
        %get3A_1908 = tpu.vector_load %arg12[%get3A_1907] {strides = array<i32>} : memref<18432xi32, #tpu.memory_space<vmem>>, vector<16xi32>,
        %add3A_1909 = arith.addi %add3A_1896, %get3A_1908 : vector<16xi32>
        %add3A_1910 = arith.constant 1872 : i32
        %add3A_1911 = arith.addi %mul3A_260, %add3A_1910 : i32
        %add3A_1912 = arith.constant 112 : i32
        %add3A_1913 = arith.addi %add3A_1911, %add3A_1912 : i32
        %swap3A_1914 = arith.index_cast %add3A_1913 : i32 to index
        %swap3A_1915 = tpu.vector_load %arg12[%swap3A_1914] {strides = array<i32>} : memref<18432xi32, #tpu.memory_space<vmem>>, vector<16xi32>,
        tpu.vector_store %arg12[%swap3A_1914], %broadcast_in_dim3A_264 {strides = array<i32>} : memref<18432xi32, #tpu.memory_space<vmem>>, vector<16xi32>,
        %add3A_1916 = arith.constant 2016 : i32
        %add3A_1917 = arith.addi %mul3A_260, %add3A_1916 : i32
        %add3A_1918 = arith.constant 112 : i32
        %add3A_1919 = arith.addi %add3A_1917, %add3A_1918 : i32
        %get3A_1920 = arith.index_cast %add3A_1919 : i32 to index
        %get3A_1921 = tpu.vector_load %arg12[%get3A_1920] {strides = array<i32>} : memref<18432xi32, #tpu.memory_space<vmem>>, vector<16xi32>,
        %add3A_1922 = arith.addi %add3A_1909, %get3A_1921 : vector<16xi32>
        %add3A_1923 = arith.constant 2016 : i32
        %add3A_1924 = arith.addi %mul3A_260, %add3A_1923 : i32
        %add3A_1925 = arith.constant 112 : i32
        %add3A_1926 = arith.addi %add3A_1924, %add3A_1925 : i32
        %swap3A_1927 = arith.index_cast %add3A_1926 : i32 to index
        %swap3A_1928 = tpu.vector_load %arg12[%swap3A_1927] {strides = array<i32>} : memref<18432xi32, #tpu.memory_space<vmem>>, vector<16xi32>,
        tpu.vector_store %arg12[%swap3A_1927], %broadcast_in_dim3A_264 {strides = array<i32>} : memref<18432xi32, #tpu.memory_space<vmem>>, vector<16xi32>,
        %add3A_1929 = arith.constant 2160 : i32
        %add3A_1930 = arith.addi %mul3A_260, %add3A_1929 : i32
        %add3A_1931 = arith.constant 112 : i32
        %add3A_1932 = arith.addi %add3A_1930, %add3A_1931 : i32
        %get3A_1933 = arith.index_cast %add3A_1932 : i32 to index
        %get3A_1934 = tpu.vector_load %arg12[%get3A_1933] {strides = array<i32>} : memref<18432xi32, #tpu.memory_space<vmem>>, vector<16xi32>,
        %add3A_1935 = arith.addi %add3A_1922, %get3A_1934 : vector<16xi32>
        %add3A_1936 = arith.constant 2160 : i32
        %add3A_1937 = arith.addi %mul3A_260, %add3A_1936 : i32
        %add3A_1938 = arith.constant 112 : i32
        %add3A_1939 = arith.addi %add3A_1937, %add3A_1938 : i32
        %swap3A_1940 = arith.index_cast %add3A_1939 : i32 to index
        %swap3A_1941 = tpu.vector_load %arg12[%swap3A_1940] {strides = array<i32>} : memref<18432xi32, #tpu.memory_space<vmem>>, vector<16xi32>,
        tpu.vector_store %arg12[%swap3A_1940], %broadcast_in_dim3A_264 {strides = array<i32>} : memref<18432xi32, #tpu.memory_space<vmem>>, vector<16xi32>,
        %swap3A_1942 = arith.constant 112 : index
        %swap3A_1943 = tpu.vector_load %arg13[%swap3A_1942] {strides = array<i32>} : memref<144xi32, #tpu.memory_space<vmem>>, vector<16xi32>,
        tpu.vector_store %arg13[%swap3A_1942], %add3A_1935 {strides = array<i32>} : memref<144xi32, #tpu.memory_space<vmem>>, vector<16xi32>,
        %add3A_1944 = arith.constant 0 : i32
        %add3A_1945 = arith.addi %mul3A_260, %add3A_1944 : i32
        %add3A_1946 = arith.constant 128 : i32
        %add3A_1947 = arith.addi %add3A_1945, %add3A_1946 : i32
        %get3A_1948 = arith.index_cast %add3A_1947 : i32 to index
        %get3A_1949 = tpu.vector_load %arg12[%get3A_1948] {strides = array<i32>} : memref<18432xi32, #tpu.memory_space<vmem>>, vector<16xi32>,
        %add3A_1950 = arith.addi %broadcast_in_dim3A_264, %get3A_1949 : vector<16xi32>
        %add3A_1951 = arith.constant 0 : i32
        %add3A_1952 = arith.addi %mul3A_260, %add3A_1951 : i32
        %add3A_1953 = arith.constant 128 : i32
        %add3A_1954 = arith.addi %add3A_1952, %add3A_1953 : i32
        %swap3A_1955 = arith.index_cast %add3A_1954 : i32 to index
        %swap3A_1956 = tpu.vector_load %arg12[%swap3A_1955] {strides = array<i32>} : memref<18432xi32, #tpu.memory_space<vmem>>, vector<16xi32>,
        tpu.vector_store %arg12[%swap3A_1955], %broadcast_in_dim3A_264 {strides = array<i32>} : memref<18432xi32, #tpu.memory_space<vmem>>, vector<16xi32>,
        %add3A_1957 = arith.constant 144 : i32
        %add3A_1958 = arith.addi %mul3A_260, %add3A_1957 : i32
        %add3A_1959 = arith.constant 128 : i32
        %add3A_1960 = arith.addi %add3A_1958, %add3A_1959 : i32
        %get3A_1961 = arith.index_cast %add3A_1960 : i32 to index
        %get3A_1962 = tpu.vector_load %arg12[%get3A_1961] {strides = array<i32>} : memref<18432xi32, #tpu.memory_space<vmem>>, vector<16xi32>,
        %add3A_1963 = arith.addi %add3A_1950, %get3A_1962 : vector<16xi32>
        %add3A_1964 = arith.constant 144 : i32
        %add3A_1965 = arith.addi %mul3A_260, %add3A_1964 : i32
        %add3A_1966 = arith.constant 128 : i32
        %add3A_1967 = arith.addi %add3A_1965, %add3A_1966 : i32
        %swap3A_1968 = arith.index_cast %add3A_1967 : i32 to index
        %swap3A_1969 = tpu.vector_load %arg12[%swap3A_1968] {strides = array<i32>} : memref<18432xi32, #tpu.memory_space<vmem>>, vector<16xi32>,
        tpu.vector_store %arg12[%swap3A_1968], %broadcast_in_dim3A_264 {strides = array<i32>} : memref<18432xi32, #tpu.memory_space<vmem>>, vector<16xi32>,
        %add3A_1970 = arith.constant 288 : i32
        %add3A_1971 = arith.addi %mul3A_260, %add3A_1970 : i32
        %add3A_1972 = arith.constant 128 : i32
        %add3A_1973 = arith.addi %add3A_1971, %add3A_1972 : i32
        %get3A_1974 = arith.index_cast %add3A_1973 : i32 to index
        %get3A_1975 = tpu.vector_load %arg12[%get3A_1974] {strides = array<i32>} : memref<18432xi32, #tpu.memory_space<vmem>>, vector<16xi32>,
        %add3A_1976 = arith.addi %add3A_1963, %get3A_1975 : vector<16xi32>
        %add3A_1977 = arith.constant 288 : i32
        %add3A_1978 = arith.addi %mul3A_260, %add3A_1977 : i32
        %add3A_1979 = arith.constant 128 : i32
        %add3A_1980 = arith.addi %add3A_1978, %add3A_1979 : i32
        %swap3A_1981 = arith.index_cast %add3A_1980 : i32 to index
        %swap3A_1982 = tpu.vector_load %arg12[%swap3A_1981] {strides = array<i32>} : memref<18432xi32, #tpu.memory_space<vmem>>, vector<16xi32>,
        tpu.vector_store %arg12[%swap3A_1981], %broadcast_in_dim3A_264 {strides = array<i32>} : memref<18432xi32, #tpu.memory_space<vmem>>, vector<16xi32>,
        %add3A_1983 = arith.constant 432 : i32
        %add3A_1984 = arith.addi %mul3A_260, %add3A_1983 : i32
        %add3A_1985 = arith.constant 128 : i32
        %add3A_1986 = arith.addi %add3A_1984, %add3A_1985 : i32
        %get3A_1987 = arith.index_cast %add3A_1986 : i32 to index
        %get3A_1988 = tpu.vector_load %arg12[%get3A_1987] {strides = array<i32>} : memref<18432xi32, #tpu.memory_space<vmem>>, vector<16xi32>,
        %add3A_1989 = arith.addi %add3A_1976, %get3A_1988 : vector<16xi32>
        %add3A_1990 = arith.constant 432 : i32
        %add3A_1991 = arith.addi %mul3A_260, %add3A_1990 : i32
        %add3A_1992 = arith.constant 128 : i32
        %add3A_1993 = arith.addi %add3A_1991, %add3A_1992 : i32
        %swap3A_1994 = arith.index_cast %add3A_1993 : i32 to index
        %swap3A_1995 = tpu.vector_load %arg12[%swap3A_1994] {strides = array<i32>} : memref<18432xi32, #tpu.memory_space<vmem>>, vector<16xi32>,
        tpu.vector_store %arg12[%swap3A_1994], %broadcast_in_dim3A_264 {strides = array<i32>} : memref<18432xi32, #tpu.memory_space<vmem>>, vector<16xi32>,
        %add3A_1996 = arith.constant 576 : i32
        %add3A_1997 = arith.addi %mul3A_260, %add3A_1996 : i32
        %add3A_1998 = arith.constant 128 : i32
        %add3A_1999 = arith.addi %add3A_1997, %add3A_1998 : i32
        %get3A_2000 = arith.index_cast %add3A_1999 : i32 to index
        %get3A_2001 = tpu.vector_load %arg12[%get3A_2000] {strides = array<i32>} : memref<18432xi32, #tpu.memory_space<vmem>>, vector<16xi32>,
        %add3A_2002 = arith.addi %add3A_1989, %get3A_2001 : vector<16xi32>
        %add3A_2003 = arith.constant 576 : i32
        %add3A_2004 = arith.addi %mul3A_260, %add3A_2003 : i32
        %add3A_2005 = arith.constant 128 : i32
        %add3A_2006 = arith.addi %add3A_2004, %add3A_2005 : i32
        %swap3A_2007 = arith.index_cast %add3A_2006 : i32 to index
        %swap3A_2008 = tpu.vector_load %arg12[%swap3A_2007] {strides = array<i32>} : memref<18432xi32, #tpu.memory_space<vmem>>, vector<16xi32>,
        tpu.vector_store %arg12[%swap3A_2007], %broadcast_in_dim3A_264 {strides = array<i32>} : memref<18432xi32, #tpu.memory_space<vmem>>, vector<16xi32>,
        %add3A_2009 = arith.constant 720 : i32
        %add3A_2010 = arith.addi %mul3A_260, %add3A_2009 : i32
        %add3A_2011 = arith.constant 128 : i32
        %add3A_2012 = arith.addi %add3A_2010, %add3A_2011 : i32
        %get3A_2013 = arith.index_cast %add3A_2012 : i32 to index
        %get3A_2014 = tpu.vector_load %arg12[%get3A_2013] {strides = array<i32>} : memref<18432xi32, #tpu.memory_space<vmem>>, vector<16xi32>,
        %add3A_2015 = arith.addi %add3A_2002, %get3A_2014 : vector<16xi32>
        %add3A_2016 = arith.constant 720 : i32
        %add3A_2017 = arith.addi %mul3A_260, %add3A_2016 : i32
        %add3A_2018 = arith.constant 128 : i32
        %add3A_2019 = arith.addi %add3A_2017, %add3A_2018 : i32
        %swap3A_2020 = arith.index_cast %add3A_2019 : i32 to index
        %swap3A_2021 = tpu.vector_load %arg12[%swap3A_2020] {strides = array<i32>} : memref<18432xi32, #tpu.memory_space<vmem>>, vector<16xi32>,
        tpu.vector_store %arg12[%swap3A_2020], %broadcast_in_dim3A_264 {strides = array<i32>} : memref<18432xi32, #tpu.memory_space<vmem>>, vector<16xi32>,
        %add3A_2022 = arith.constant 864 : i32
        %add3A_2023 = arith.addi %mul3A_260, %add3A_2022 : i32
        %add3A_2024 = arith.constant 128 : i32
        %add3A_2025 = arith.addi %add3A_2023, %add3A_2024 : i32
        %get3A_2026 = arith.index_cast %add3A_2025 : i32 to index
        %get3A_2027 = tpu.vector_load %arg12[%get3A_2026] {strides = array<i32>} : memref<18432xi32, #tpu.memory_space<vmem>>, vector<16xi32>,
        %add3A_2028 = arith.addi %add3A_2015, %get3A_2027 : vector<16xi32>
        %add3A_2029 = arith.constant 864 : i32
        %add3A_2030 = arith.addi %mul3A_260, %add3A_2029 : i32
        %add3A_2031 = arith.constant 128 : i32
        %add3A_2032 = arith.addi %add3A_2030, %add3A_2031 : i32
        %swap3A_2033 = arith.index_cast %add3A_2032 : i32 to index
        %swap3A_2034 = tpu.vector_load %arg12[%swap3A_2033] {strides = array<i32>} : memref<18432xi32, #tpu.memory_space<vmem>>, vector<16xi32>,
        tpu.vector_store %arg12[%swap3A_2033], %broadcast_in_dim3A_264 {strides = array<i32>} : memref<18432xi32, #tpu.memory_space<vmem>>, vector<16xi32>,
        %add3A_2035 = arith.constant 1008 : i32
        %add3A_2036 = arith.addi %mul3A_260, %add3A_2035 : i32
        %add3A_2037 = arith.constant 128 : i32
        %add3A_2038 = arith.addi %add3A_2036, %add3A_2037 : i32
        %get3A_2039 = arith.index_cast %add3A_2038 : i32 to index
        %get3A_2040 = tpu.vector_load %arg12[%get3A_2039] {strides = array<i32>} : memref<18432xi32, #tpu.memory_space<vmem>>, vector<16xi32>,
        %add3A_2041 = arith.addi %add3A_2028, %get3A_2040 : vector<16xi32>
        %add3A_2042 = arith.constant 1008 : i32
        %add3A_2043 = arith.addi %mul3A_260, %add3A_2042 : i32
        %add3A_2044 = arith.constant 128 : i32
        %add3A_2045 = arith.addi %add3A_2043, %add3A_2044 : i32
        %swap3A_2046 = arith.index_cast %add3A_2045 : i32 to index
        %swap3A_2047 = tpu.vector_load %arg12[%swap3A_2046] {strides = array<i32>} : memref<18432xi32, #tpu.memory_space<vmem>>, vector<16xi32>,
        tpu.vector_store %arg12[%swap3A_2046], %broadcast_in_dim3A_264 {strides = array<i32>} : memref<18432xi32, #tpu.memory_space<vmem>>, vector<16xi32>,
        %add3A_2048 = arith.constant 1152 : i32
        %add3A_2049 = arith.addi %mul3A_260, %add3A_2048 : i32
        %add3A_2050 = arith.constant 128 : i32
        %add3A_2051 = arith.addi %add3A_2049, %add3A_2050 : i32
        %get3A_2052 = arith.index_cast %add3A_2051 : i32 to index
        %get3A_2053 = tpu.vector_load %arg12[%get3A_2052] {strides = array<i32>} : memref<18432xi32, #tpu.memory_space<vmem>>, vector<16xi32>,
        %add3A_2054 = arith.addi %add3A_2041, %get3A_2053 : vector<16xi32>
        %add3A_2055 = arith.constant 1152 : i32
        %add3A_2056 = arith.addi %mul3A_260, %add3A_2055 : i32
        %add3A_2057 = arith.constant 128 : i32
        %add3A_2058 = arith.addi %add3A_2056, %add3A_2057 : i32
        %swap3A_2059 = arith.index_cast %add3A_2058 : i32 to index
        %swap3A_2060 = tpu.vector_load %arg12[%swap3A_2059] {strides = array<i32>} : memref<18432xi32, #tpu.memory_space<vmem>>, vector<16xi32>,
        tpu.vector_store %arg12[%swap3A_2059], %broadcast_in_dim3A_264 {strides = array<i32>} : memref<18432xi32, #tpu.memory_space<vmem>>, vector<16xi32>,
        %add3A_2061 = arith.constant 1296 : i32
        %add3A_2062 = arith.addi %mul3A_260, %add3A_2061 : i32
        %add3A_2063 = arith.constant 128 : i32
        %add3A_2064 = arith.addi %add3A_2062, %add3A_2063 : i32
        %get3A_2065 = arith.index_cast %add3A_2064 : i32 to index
        %get3A_2066 = tpu.vector_load %arg12[%get3A_2065] {strides = array<i32>} : memref<18432xi32, #tpu.memory_space<vmem>>, vector<16xi32>,
        %add3A_2067 = arith.addi %add3A_2054, %get3A_2066 : vector<16xi32>
        %add3A_2068 = arith.constant 1296 : i32
        %add3A_2069 = arith.addi %mul3A_260, %add3A_2068 : i32
        %add3A_2070 = arith.constant 128 : i32
        %add3A_2071 = arith.addi %add3A_2069, %add3A_2070 : i32
        %swap3A_2072 = arith.index_cast %add3A_2071 : i32 to index
        %swap3A_2073 = tpu.vector_load %arg12[%swap3A_2072] {strides = array<i32>} : memref<18432xi32, #tpu.memory_space<vmem>>, vector<16xi32>,
        tpu.vector_store %arg12[%swap3A_2072], %broadcast_in_dim3A_264 {strides = array<i32>} : memref<18432xi32, #tpu.memory_space<vmem>>, vector<16xi32>,
        %add3A_2074 = arith.constant 1440 : i32
        %add3A_2075 = arith.addi %mul3A_260, %add3A_2074 : i32
        %add3A_2076 = arith.constant 128 : i32
        %add3A_2077 = arith.addi %add3A_2075, %add3A_2076 : i32
        %get3A_2078 = arith.index_cast %add3A_2077 : i32 to index
        %get3A_2079 = tpu.vector_load %arg12[%get3A_2078] {strides = array<i32>} : memref<18432xi32, #tpu.memory_space<vmem>>, vector<16xi32>,
        %add3A_2080 = arith.addi %add3A_2067, %get3A_2079 : vector<16xi32>
        %add3A_2081 = arith.constant 1440 : i32
        %add3A_2082 = arith.addi %mul3A_260, %add3A_2081 : i32
        %add3A_2083 = arith.constant 128 : i32
        %add3A_2084 = arith.addi %add3A_2082, %add3A_2083 : i32
        %swap3A_2085 = arith.index_cast %add3A_2084 : i32 to index
        %swap3A_2086 = tpu.vector_load %arg12[%swap3A_2085] {strides = array<i32>} : memref<18432xi32, #tpu.memory_space<vmem>>, vector<16xi32>,
        tpu.vector_store %arg12[%swap3A_2085], %broadcast_in_dim3A_264 {strides = array<i32>} : memref<18432xi32, #tpu.memory_space<vmem>>, vector<16xi32>,
        %add3A_2087 = arith.constant 1584 : i32
        %add3A_2088 = arith.addi %mul3A_260, %add3A_2087 : i32
        %add3A_2089 = arith.constant 128 : i32
        %add3A_2090 = arith.addi %add3A_2088, %add3A_2089 : i32
        %get3A_2091 = arith.index_cast %add3A_2090 : i32 to index
        %get3A_2092 = tpu.vector_load %arg12[%get3A_2091] {strides = array<i32>} : memref<18432xi32, #tpu.memory_space<vmem>>, vector<16xi32>,
        %add3A_2093 = arith.addi %add3A_2080, %get3A_2092 : vector<16xi32>
        %add3A_2094 = arith.constant 1584 : i32
        %add3A_2095 = arith.addi %mul3A_260, %add3A_2094 : i32
        %add3A_2096 = arith.constant 128 : i32
        %add3A_2097 = arith.addi %add3A_2095, %add3A_2096 : i32
        %swap3A_2098 = arith.index_cast %add3A_2097 : i32 to index
        %swap3A_2099 = tpu.vector_load %arg12[%swap3A_2098] {strides = array<i32>} : memref<18432xi32, #tpu.memory_space<vmem>>, vector<16xi32>,
        tpu.vector_store %arg12[%swap3A_2098], %broadcast_in_dim3A_264 {strides = array<i32>} : memref<18432xi32, #tpu.memory_space<vmem>>, vector<16xi32>,
        %add3A_2100 = arith.constant 1728 : i32
        %add3A_2101 = arith.addi %mul3A_260, %add3A_2100 : i32
        %add3A_2102 = arith.constant 128 : i32
        %add3A_2103 = arith.addi %add3A_2101, %add3A_2102 : i32
        %get3A_2104 = arith.index_cast %add3A_2103 : i32 to index
        %get3A_2105 = tpu.vector_load %arg12[%get3A_2104] {strides = array<i32>} : memref<18432xi32, #tpu.memory_space<vmem>>, vector<16xi32>,
        %add3A_2106 = arith.addi %add3A_2093, %get3A_2105 : vector<16xi32>
        %add3A_2107 = arith.constant 1728 : i32
        %add3A_2108 = arith.addi %mul3A_260, %add3A_2107 : i32
        %add3A_2109 = arith.constant 128 : i32
        %add3A_2110 = arith.addi %add3A_2108, %add3A_2109 : i32
        %swap3A_2111 = arith.index_cast %add3A_2110 : i32 to index
        %swap3A_2112 = tpu.vector_load %arg12[%swap3A_2111] {strides = array<i32>} : memref<18432xi32, #tpu.memory_space<vmem>>, vector<16xi32>,
        tpu.vector_store %arg12[%swap3A_2111], %broadcast_in_dim3A_264 {strides = array<i32>} : memref<18432xi32, #tpu.memory_space<vmem>>, vector<16xi32>,
        %add3A_2113 = arith.constant 1872 : i32
        %add3A_2114 = arith.addi %mul3A_260, %add3A_2113 : i32
        %add3A_2115 = arith.constant 128 : i32
        %add3A_2116 = arith.addi %add3A_2114, %add3A_2115 : i32
        %get3A_2117 = arith.index_cast %add3A_2116 : i32 to index
        %get3A_2118 = tpu.vector_load %arg12[%get3A_2117] {strides = array<i32>} : memref<18432xi32, #tpu.memory_space<vmem>>, vector<16xi32>,
        %add3A_2119 = arith.addi %add3A_2106, %get3A_2118 : vector<16xi32>
        %add3A_2120 = arith.constant 1872 : i32
        %add3A_2121 = arith.addi %mul3A_260, %add3A_2120 : i32
        %add3A_2122 = arith.constant 128 : i32
        %add3A_2123 = arith.addi %add3A_2121, %add3A_2122 : i32
        %swap3A_2124 = arith.index_cast %add3A_2123 : i32 to index
        %swap3A_2125 = tpu.vector_load %arg12[%swap3A_2124] {strides = array<i32>} : memref<18432xi32, #tpu.memory_space<vmem>>, vector<16xi32>,
        tpu.vector_store %arg12[%swap3A_2124], %broadcast_in_dim3A_264 {strides = array<i32>} : memref<18432xi32, #tpu.memory_space<vmem>>, vector<16xi32>,
        %add3A_2126 = arith.constant 2016 : i32
        %add3A_2127 = arith.addi %mul3A_260, %add3A_2126 : i32
        %add3A_2128 = arith.constant 128 : i32
        %add3A_2129 = arith.addi %add3A_2127, %add3A_2128 : i32
        %get3A_2130 = arith.index_cast %add3A_2129 : i32 to index
        %get3A_2131 = tpu.vector_load %arg12[%get3A_2130] {strides = array<i32>} : memref<18432xi32, #tpu.memory_space<vmem>>, vector<16xi32>,
        %add3A_2132 = arith.addi %add3A_2119, %get3A_2131 : vector<16xi32>
        %add3A_2133 = arith.constant 2016 : i32
        %add3A_2134 = arith.addi %mul3A_260, %add3A_2133 : i32
        %add3A_2135 = arith.constant 128 : i32
        %add3A_2136 = arith.addi %add3A_2134, %add3A_2135 : i32
        %swap3A_2137 = arith.index_cast %add3A_2136 : i32 to index
        %swap3A_2138 = tpu.vector_load %arg12[%swap3A_2137] {strides = array<i32>} : memref<18432xi32, #tpu.memory_space<vmem>>, vector<16xi32>,
        tpu.vector_store %arg12[%swap3A_2137], %broadcast_in_dim3A_264 {strides = array<i32>} : memref<18432xi32, #tpu.memory_space<vmem>>, vector<16xi32>,
        %add3A_2139 = arith.constant 2160 : i32
        %add3A_2140 = arith.addi %mul3A_260, %add3A_2139 : i32
        %add3A_2141 = arith.constant 128 : i32
        %add3A_2142 = arith.addi %add3A_2140, %add3A_2141 : i32
        %get3A_2143 = arith.index_cast %add3A_2142 : i32 to index
        %get3A_2144 = tpu.vector_load %arg12[%get3A_2143] {strides = array<i32>} : memref<18432xi32, #tpu.memory_space<vmem>>, vector<16xi32>,
        %add3A_2145 = arith.addi %add3A_2132, %get3A_2144 : vector<16xi32>
        %add3A_2146 = arith.constant 2160 : i32
        %add3A_2147 = arith.addi %mul3A_260, %add3A_2146 : i32
        %add3A_2148 = arith.constant 128 : i32
        %add3A_2149 = arith.addi %add3A_2147, %add3A_2148 : i32
        %swap3A_2150 = arith.index_cast %add3A_2149 : i32 to index
        %swap3A_2151 = tpu.vector_load %arg12[%swap3A_2150] {strides = array<i32>} : memref<18432xi32, #tpu.memory_space<vmem>>, vector<16xi32>,
        tpu.vector_store %arg12[%swap3A_2150], %broadcast_in_dim3A_264 {strides = array<i32>} : memref<18432xi32, #tpu.memory_space<vmem>>, vector<16xi32>,
        %swap3A_2152 = arith.constant 128 : index
        %swap3A_2153 = tpu.vector_load %arg13[%swap3A_2152] {strides = array<i32>} : memref<144xi32, #tpu.memory_space<vmem>>, vector<16xi32>,
        tpu.vector_store %arg13[%swap3A_2152], %add3A_2145 {strides = array<i32>} : memref<144xi32, #tpu.memory_space<vmem>>, vector<16xi32>,
        %broadcast_in_dim3A_2154 = arith.constant 0 : i32
        %broadcast_in_dim3A_2155 = vector.broadcast %broadcast_in_dim3A_2154 : i32 to vector<16xi32>
        %get3A_2156 = arith.constant 0 : index
        %get3A_2157 = tpu.vector_load %arg13[%get3A_2156] {strides = array<i32>} : memref<144xi32, #tpu.memory_space<vmem>>, vector<16xi32>,
        %reduce_sum3A = arith.constant true
        %reduce_sum3A_2158 = vector.broadcast %reduce_sum3A : i1 to vector<16xi1>
        %reduce_sum3A_2159 = tpu.scan <sum>, %get3A_2157 masked %reduce_sum3A_2158 : vector<16xi32>, vector<16xi1> -> vector<16xi32>
        %reduce_sum3A_2160 = vector.extract %reduce_sum3A_2159[15] : i32 from vector<16xi32>
        %eq3A_2161 = arith.constant 0 : i32
        %eq3A_2162 = vector.broadcast %eq3A_2161 : i32 to vector<16xi32>
        %eq3A_2163 = arith.cmpi eq, %iota3A, %eq3A_2162 : vector<16xi32>
        %broadcast_in_dim3A_2164 = vector.broadcast %reduce_sum3A_2160 : i32 to vector<16xi32>
        %select_n3A_2165 = arith.select %eq3A_2163, %broadcast_in_dim3A_2164, %broadcast_in_dim3A_2155 : vector<16xi1>, vector<16xi32>
        %get3A_2166 = arith.constant 16 : index
        %get3A_2167 = tpu.vector_load %arg13[%get3A_2166] {strides = array<i32>} : memref<144xi32, #tpu.memory_space<vmem>>, vector<16xi32>,
        %reduce_sum3A_2168 = arith.constant true
        %reduce_sum3A_2169 = vector.broadcast %reduce_sum3A_2168 : i1 to vector<16xi1>
        %reduce_sum3A_2170 = tpu.scan <sum>, %get3A_2167 masked %reduce_sum3A_2169 : vector<16xi32>, vector<16xi1> -> vector<16xi32>
        %reduce_sum3A_2171 = vector.extract %reduce_sum3A_2170[15] : i32 from vector<16xi32>
        %eq3A_2172 = arith.constant 1 : i32
        %eq3A_2173 = vector.broadcast %eq3A_2172 : i32 to vector<16xi32>
        %eq3A_2174 = arith.cmpi eq, %iota3A, %eq3A_2173 : vector<16xi32>
        %broadcast_in_dim3A_2175 = vector.broadcast %reduce_sum3A_2171 : i32 to vector<16xi32>
        %select_n3A_2176 = arith.select %eq3A_2174, %broadcast_in_dim3A_2175, %select_n3A_2165 : vector<16xi1>, vector<16xi32>
        %get3A_2177 = arith.constant 32 : index
        %get3A_2178 = tpu.vector_load %arg13[%get3A_2177] {strides = array<i32>} : memref<144xi32, #tpu.memory_space<vmem>>, vector<16xi32>,
        %reduce_sum3A_2179 = arith.constant true
        %reduce_sum3A_2180 = vector.broadcast %reduce_sum3A_2179 : i1 to vector<16xi1>
        %reduce_sum3A_2181 = tpu.scan <sum>, %get3A_2178 masked %reduce_sum3A_2180 : vector<16xi32>, vector<16xi1> -> vector<16xi32>
        %reduce_sum3A_2182 = vector.extract %reduce_sum3A_2181[15] : i32 from vector<16xi32>
        %eq3A_2183 = arith.constant 2 : i32
        %eq3A_2184 = vector.broadcast %eq3A_2183 : i32 to vector<16xi32>
        %eq3A_2185 = arith.cmpi eq, %iota3A, %eq3A_2184 : vector<16xi32>
        %broadcast_in_dim3A_2186 = vector.broadcast %reduce_sum3A_2182 : i32 to vector<16xi32>
        %select_n3A_2187 = arith.select %eq3A_2185, %broadcast_in_dim3A_2186, %select_n3A_2176 : vector<16xi1>, vector<16xi32>
        %get3A_2188 = arith.constant 48 : index
        %get3A_2189 = tpu.vector_load %arg13[%get3A_2188] {strides = array<i32>} : memref<144xi32, #tpu.memory_space<vmem>>, vector<16xi32>,
        %reduce_sum3A_2190 = arith.constant true
        %reduce_sum3A_2191 = vector.broadcast %reduce_sum3A_2190 : i1 to vector<16xi1>
        %reduce_sum3A_2192 = tpu.scan <sum>, %get3A_2189 masked %reduce_sum3A_2191 : vector<16xi32>, vector<16xi1> -> vector<16xi32>
        %reduce_sum3A_2193 = vector.extract %reduce_sum3A_2192[15] : i32 from vector<16xi32>
        %eq3A_2194 = arith.constant 3 : i32
        %eq3A_2195 = vector.broadcast %eq3A_2194 : i32 to vector<16xi32>
        %eq3A_2196 = arith.cmpi eq, %iota3A, %eq3A_2195 : vector<16xi32>
        %broadcast_in_dim3A_2197 = vector.broadcast %reduce_sum3A_2193 : i32 to vector<16xi32>
        %select_n3A_2198 = arith.select %eq3A_2196, %broadcast_in_dim3A_2197, %select_n3A_2187 : vector<16xi1>, vector<16xi32>
        %get3A_2199 = arith.constant 64 : index
        %get3A_2200 = tpu.vector_load %arg13[%get3A_2199] {strides = array<i32>} : memref<144xi32, #tpu.memory_space<vmem>>, vector<16xi32>,
        %reduce_sum3A_2201 = arith.constant true
        %reduce_sum3A_2202 = vector.broadcast %reduce_sum3A_2201 : i1 to vector<16xi1>
        %reduce_sum3A_2203 = tpu.scan <sum>, %get3A_2200 masked %reduce_sum3A_2202 : vector<16xi32>, vector<16xi1> -> vector<16xi32>
        %reduce_sum3A_2204 = vector.extract %reduce_sum3A_2203[15] : i32 from vector<16xi32>
        %eq3A_2205 = arith.constant 4 : i32
        %eq3A_2206 = vector.broadcast %eq3A_2205 : i32 to vector<16xi32>
        %eq3A_2207 = arith.cmpi eq, %iota3A, %eq3A_2206 : vector<16xi32>
        %broadcast_in_dim3A_2208 = vector.broadcast %reduce_sum3A_2204 : i32 to vector<16xi32>
        %select_n3A_2209 = arith.select %eq3A_2207, %broadcast_in_dim3A_2208, %select_n3A_2198 : vector<16xi1>, vector<16xi32>
        %get3A_2210 = arith.constant 80 : index
        %get3A_2211 = tpu.vector_load %arg13[%get3A_2210] {strides = array<i32>} : memref<144xi32, #tpu.memory_space<vmem>>, vector<16xi32>,
        %reduce_sum3A_2212 = arith.constant true
        %reduce_sum3A_2213 = vector.broadcast %reduce_sum3A_2212 : i1 to vector<16xi1>
        %reduce_sum3A_2214 = tpu.scan <sum>, %get3A_2211 masked %reduce_sum3A_2213 : vector<16xi32>, vector<16xi1> -> vector<16xi32>
        %reduce_sum3A_2215 = vector.extract %reduce_sum3A_2214[15] : i32 from vector<16xi32>
        %eq3A_2216 = arith.constant 5 : i32
        %eq3A_2217 = vector.broadcast %eq3A_2216 : i32 to vector<16xi32>
        %eq3A_2218 = arith.cmpi eq, %iota3A, %eq3A_2217 : vector<16xi32>
        %broadcast_in_dim3A_2219 = vector.broadcast %reduce_sum3A_2215 : i32 to vector<16xi32>
        %select_n3A_2220 = arith.select %eq3A_2218, %broadcast_in_dim3A_2219, %select_n3A_2209 : vector<16xi1>, vector<16xi32>
        %get3A_2221 = arith.constant 96 : index
        %get3A_2222 = tpu.vector_load %arg13[%get3A_2221] {strides = array<i32>} : memref<144xi32, #tpu.memory_space<vmem>>, vector<16xi32>,
        %reduce_sum3A_2223 = arith.constant true
        %reduce_sum3A_2224 = vector.broadcast %reduce_sum3A_2223 : i1 to vector<16xi1>
        %reduce_sum3A_2225 = tpu.scan <sum>, %get3A_2222 masked %reduce_sum3A_2224 : vector<16xi32>, vector<16xi1> -> vector<16xi32>
        %reduce_sum3A_2226 = vector.extract %reduce_sum3A_2225[15] : i32 from vector<16xi32>
        %eq3A_2227 = arith.constant 6 : i32
        %eq3A_2228 = vector.broadcast %eq3A_2227 : i32 to vector<16xi32>
        %eq3A_2229 = arith.cmpi eq, %iota3A, %eq3A_2228 : vector<16xi32>
        %broadcast_in_dim3A_2230 = vector.broadcast %reduce_sum3A_2226 : i32 to vector<16xi32>
        %select_n3A_2231 = arith.select %eq3A_2229, %broadcast_in_dim3A_2230, %select_n3A_2220 : vector<16xi1>, vector<16xi32>
        %get3A_2232 = arith.constant 112 : index
        %get3A_2233 = tpu.vector_load %arg13[%get3A_2232] {strides = array<i32>} : memref<144xi32, #tpu.memory_space<vmem>>, vector<16xi32>,
        %reduce_sum3A_2234 = arith.constant true
        %reduce_sum3A_2235 = vector.broadcast %reduce_sum3A_2234 : i1 to vector<16xi1>
        %reduce_sum3A_2236 = tpu.scan <sum>, %get3A_2233 masked %reduce_sum3A_2235 : vector<16xi32>, vector<16xi1> -> vector<16xi32>
        %reduce_sum3A_2237 = vector.extract %reduce_sum3A_2236[15] : i32 from vector<16xi32>
        %eq3A_2238 = arith.constant 7 : i32
        %eq3A_2239 = vector.broadcast %eq3A_2238 : i32 to vector<16xi32>
        %eq3A_2240 = arith.cmpi eq, %iota3A, %eq3A_2239 : vector<16xi32>
        %broadcast_in_dim3A_2241 = vector.broadcast %reduce_sum3A_2237 : i32 to vector<16xi32>
        %select_n3A_2242 = arith.select %eq3A_2240, %broadcast_in_dim3A_2241, %select_n3A_2231 : vector<16xi1>, vector<16xi32>
        %get3A_2243 = arith.constant 128 : index
        %get3A_2244 = tpu.vector_load %arg13[%get3A_2243] {strides = array<i32>} : memref<144xi32, #tpu.memory_space<vmem>>, vector<16xi32>,
        %reduce_sum3A_2245 = arith.constant true
        %reduce_sum3A_2246 = vector.broadcast %reduce_sum3A_2245 : i1 to vector<16xi1>
        %reduce_sum3A_2247 = tpu.scan <sum>, %get3A_2244 masked %reduce_sum3A_2246 : vector<16xi32>, vector<16xi1> -> vector<16xi32>
        %reduce_sum3A_2248 = vector.extract %reduce_sum3A_2247[15] : i32 from vector<16xi32>
        %eq3A_2249 = arith.constant 8 : i32
        %eq3A_2250 = vector.broadcast %eq3A_2249 : i32 to vector<16xi32>
        %eq3A_2251 = arith.cmpi eq, %iota3A, %eq3A_2250 : vector<16xi32>
        %broadcast_in_dim3A_2252 = vector.broadcast %reduce_sum3A_2248 : i32 to vector<16xi32>
        %select_n3A_2253 = arith.select %eq3A_2251, %broadcast_in_dim3A_2252, %select_n3A_2242 : vector<16xi1>, vector<16xi32>
        %broadcast_in_dim3A_2254 = arith.constant true
        %broadcast_in_dim3A_2255 = vector.broadcast %broadcast_in_dim3A_2254 : i1 to vector<16xi1>
        %masked_cumsum3A = tpu.scan <sum>, %select_n3A_2253 masked %broadcast_in_dim3A_2255 : vector<16xi32>, vector<16xi1> -> vector<16xi32>
        %ge3A = arith.constant 33 : i32
        %ge3A_2256 = vector.broadcast %ge3A : i32 to vector<16xi32>
        %ge3A_2257 = arith.cmpi sge, %masked_cumsum3A, %ge3A_2256 : vector<16xi32>
        %convert_element_type3A = arith.extui %ge3A_2257 : vector<16xi1> to vector<16xi32>
        %broadcast_in_dim3A_2258 = arith.constant true
        %broadcast_in_dim3A_2259 = vector.broadcast %broadcast_in_dim3A_2258 : i1 to vector<16xi1>
        %masked_cummax3A = arith.constant -2147483648 : i32
        %masked_cummax3A_2260 = vector.broadcast %masked_cummax3A : i32 to vector<16xi32>
        %masked_cummax3A_2261 = arith.xori %convert_element_type3A, %masked_cummax3A_2260 : vector<16xi32>
        %masked_cummax3A_2262 = tpu.scan <max>, %masked_cummax3A_2261 masked %broadcast_in_dim3A_2259 : vector<16xi32>, vector<16xi1> -> vector<16xi32>
        %masked_cummax3A_2263 = arith.xori %masked_cummax3A_2262, %masked_cummax3A_2260 : vector<16xi32>
        %reduce_sum3A_2264 = arith.constant true
        %reduce_sum3A_2265 = vector.broadcast %reduce_sum3A_2264 : i1 to vector<16xi1>
        %reduce_sum3A_2266 = tpu.scan <sum>, %masked_cummax3A_2263 masked %reduce_sum3A_2265 : vector<16xi32>, vector<16xi1> -> vector<16xi32>
        %reduce_sum3A_2267 = vector.extract %reduce_sum3A_2266[15] : i32 from vector<16xi32>
        %sub3A_2268 = arith.constant 16 : i32
        %sub3A_2269 = arith.subi %sub3A_2268, %reduce_sum3A_2267 : i32
        %sub3A_2270 = arith.constant 1 : i32
        %sub3A_2271 = arith.subi %sub3A_2269, %sub3A_2270 : i32
        %eq3A_2272 = vector.broadcast %sub3A_2271 : i32 to vector<16xi32>
        %eq3A_2273 = arith.cmpi eq, %iota3A, %eq3A_2272 : vector<16xi32>
        %jit3A_2274 = arith.constant 0 : i32
        %broadcast_in_dim3A_2275 = vector.broadcast %jit3A_2274 : i32 to vector<16xi32>
        %select_n3A_2276 = arith.select %eq3A_2273, %masked_cumsum3A, %broadcast_in_dim3A_2275 : vector<16xi1>, vector<16xi32>
        %reduce_sum3A_2277 = arith.constant true
        %reduce_sum3A_2278 = vector.broadcast %reduce_sum3A_2277 : i1 to vector<16xi1>
        %reduce_sum3A_2279 = tpu.scan <sum>, %select_n3A_2276 masked %reduce_sum3A_2278 : vector<16xi32>, vector<16xi1> -> vector<16xi32>
        %reduce_sum3A_2280 = vector.extract %reduce_sum3A_2279[15] : i32 from vector<16xi32>
        %mul3A_2281 = arith.constant 16 : i32
        %mul3A_2282 = arith.muli %sub3A_2269, %mul3A_2281 : i32
        %get3A_2283 = arith.index_cast %mul3A_2282 : i32 to index
        %get3A_2284 = tpu.vector_load %arg13[%get3A_2283] {strides = array<i32>} : memref<144xi32, #tpu.memory_space<vmem>>, vector<16xi32>,
        %broadcast_in_dim3A_2285 = arith.constant true
        %broadcast_in_dim3A_2286 = vector.broadcast %broadcast_in_dim3A_2285 : i1 to vector<16xi1>
        %masked_cumsum3A_2287 = tpu.scan <sum>, %get3A_2284 masked %broadcast_in_dim3A_2286 : vector<16xi32>, vector<16xi1> -> vector<16xi32>
        %add3A_2288 = vector.broadcast %reduce_sum3A_2280 : i32 to vector<16xi32>
        %add3A_2289 = arith.addi %masked_cumsum3A_2287, %add3A_2288 : vector<16xi32>
        %ge3A_2290 = arith.constant 33 : i32
        %ge3A_2291 = vector.broadcast %ge3A_2290 : i32 to vector<16xi32>
        %ge3A_2292 = arith.cmpi sge, %add3A_2289, %ge3A_2291 : vector<16xi32>
        %convert_element_type3A_2293 = arith.extui %ge3A_2292 : vector<16xi1> to vector<16xi32>
        %broadcast_in_dim3A_2294 = arith.constant true
        %broadcast_in_dim3A_2295 = vector.broadcast %broadcast_in_dim3A_2294 : i1 to vector<16xi1>
        %masked_cummax3A_2296 = arith.constant -2147483648 : i32
        %masked_cummax3A_2297 = vector.broadcast %masked_cummax3A_2296 : i32 to vector<16xi32>
        %masked_cummax3A_2298 = arith.xori %convert_element_type3A_2293, %masked_cummax3A_2297 : vector<16xi32>
        %masked_cummax3A_2299 = tpu.scan <max>, %masked_cummax3A_2298 masked %broadcast_in_dim3A_2295 : vector<16xi32>, vector<16xi1> -> vector<16xi32>
        %masked_cummax3A_2300 = arith.xori %masked_cummax3A_2299, %masked_cummax3A_2297 : vector<16xi32>
        %reduce_sum3A_2301 = arith.constant true
        %reduce_sum3A_2302 = vector.broadcast %reduce_sum3A_2301 : i1 to vector<16xi1>
        %reduce_sum3A_2303 = tpu.scan <sum>, %masked_cummax3A_2300 masked %reduce_sum3A_2302 : vector<16xi32>, vector<16xi1> -> vector<16xi32>
        %reduce_sum3A_2304 = vector.extract %reduce_sum3A_2303[15] : i32 from vector<16xi32>
        %sub3A_2305 = arith.constant 16 : i32
        %sub3A_2306 = arith.subi %sub3A_2305, %reduce_sum3A_2304 : i32
        %sub3A_2307 = arith.constant 1 : i32
        %sub3A_2308 = arith.subi %sub3A_2306, %sub3A_2307 : i32
        %eq3A_2309 = vector.broadcast %sub3A_2308 : i32 to vector<16xi32>
        %eq3A_2310 = arith.cmpi eq, %iota3A, %eq3A_2309 : vector<16xi32>
        %jit3A_2311 = arith.constant 0 : i32
        %broadcast_in_dim3A_2312 = vector.broadcast %jit3A_2311 : i32 to vector<16xi32>
        %select_n3A_2313 = arith.select %eq3A_2310, %add3A_2289, %broadcast_in_dim3A_2312 : vector<16xi1>, vector<16xi32>
        %reduce_sum3A_2314 = arith.constant true
        %reduce_sum3A_2315 = vector.broadcast %reduce_sum3A_2314 : i1 to vector<16xi1>
        %reduce_sum3A_2316 = tpu.scan <sum>, %select_n3A_2313 masked %reduce_sum3A_2315 : vector<16xi32>, vector<16xi1> -> vector<16xi32>
        %reduce_sum3A_2317 = vector.extract %reduce_sum3A_2316[15] : i32 from vector<16xi32>
        %eq3A_2318 = arith.constant 0 : i32
        %eq3A_2319 = arith.cmpi eq, %sub3A_2306, %eq3A_2318 : i32
        %select_n3A_2320 = arith.select %eq3A_2319, %reduce_sum3A_2280, %reduce_sum3A_2317 : i32
        %eq3A_2321 = vector.broadcast %sub3A_2306 : i32 to vector<16xi32>
        %eq3A_2322 = arith.cmpi eq, %iota3A, %eq3A_2321 : vector<16xi32>
        %jit3A_2323 = arith.constant 0 : i32
        %broadcast_in_dim3A_2324 = vector.broadcast %jit3A_2323 : i32 to vector<16xi32>
        %select_n3A_2325 = arith.select %eq3A_2322, %get3A_2284, %broadcast_in_dim3A_2324 : vector<16xi1>, vector<16xi32>
        %reduce_sum3A_2326 = arith.constant true
        %reduce_sum3A_2327 = vector.broadcast %reduce_sum3A_2326 : i1 to vector<16xi1>
        %reduce_sum3A_2328 = tpu.scan <sum>, %select_n3A_2325 masked %reduce_sum3A_2327 : vector<16xi32>, vector<16xi1> -> vector<16xi32>
        %reduce_sum3A_2329 = vector.extract %reduce_sum3A_2328[15] : i32 from vector<16xi32>
        %mul3A_2330 = arith.constant 16 : i32
        %mul3A_2331 = arith.muli %sub3A_2269, %mul3A_2330 : i32
        %add3A_2332 = arith.addi %mul3A_2331, %sub3A_2306 : i32
        %while3A = arith.constant 23 : i32
        %while3A_2333:4 = scf.while (%while3A_2439 = %while3A, %while3A_2440 = %add3A_2332, %while3A_2441 = %select_n3A_2320, %while3A_2442 = %reduce_sum3A_2329) : (i32, i32, i32, i32) -> (i32, i32, i32, i32) {
          %add3A_2443 = arith.addi %while3A_2441, %while3A_2442 : i32
          %gt3A = arith.constant 48 : i32
          %gt3A_2444 = arith.cmpi sgt, %add3A_2443, %gt3A : i32
          %gt3A_2445 = arith.constant 3 : i32
          %gt3A_2446 = arith.cmpi sgt, %while3A_2439, %gt3A_2445 : i32
          %and3A_2447 = arith.andi %gt3A_2444, %gt3A_2446 : i1
          scf.condition(%and3A_2447) %while3A_2439, %while3A_2440, %while3A_2441, %while3A_2442 : i32, i32, i32, i32
        } do {
        ^bb0(%while3A_2439: i32, %while3A_2440: i32, %while3A_2441: i32, %while3A_2442: i32):
          %sub3A_2443 = arith.constant 4 : i32
          %sub3A_2444 = arith.subi %while3A_2439, %sub3A_2443 : i32
          %scan3A_2445 = arith.constant 0 : i32
          %scan3A_2446 = arith.constant 0 : i32
          %scan3A_2447 = arith.constant 256 : i32
          %scan3A_2448 = arith.addi %scan3A_2446, %scan3A_2447 : i32
          %scan3A_2449 = arith.constant 1 : i32
          %scan3A_2450 = scf.for %scan3A_2678 = %scan3A_2446 to %scan3A_2448 step %scan3A_2449 iter_args(%scan3A_2679 = %scan3A_2445) -> (i32)  : i32 {
            %mul3A_2680 = arith.constant 16 : i32
            %mul3A_2681 = arith.muli %scan3A_2678, %mul3A_2680 : i32
            %add3A_2682 = arith.addi %mul3A_262, %mul3A_2681 : i32
            %get3A_2683 = arith.index_cast %add3A_2682 : i32 to index
            %get3A_2684 = tpu.vector_load %arg11[%get3A_2683] {strides = array<i32>} : memref<32768xf32, #tpu.memory_space<vmem>>, vector<16xf32>,
            %bitcast_convert_type3A = tpu.bitcast %get3A_2684 : vector<16xf32> -> vector<16xi32>
            %shift_right_logical3A = vector.broadcast %while3A_2439 : i32 to vector<16xi32>
            %shift_right_logical3A_2685 = arith.shrui %bitcast_convert_type3A, %shift_right_logical3A : vector<16xi32>
            %eq3A_2686 = vector.broadcast %while3A_2440 : i32 to vector<16xi32>
            %eq3A_2687 = arith.cmpi eq, %shift_right_logical3A_2685, %eq3A_2686 : vector<16xi32>
            %shift_right_logical3A_2688 = vector.broadcast %sub3A_2444 : i32 to vector<16xi32>
            %shift_right_logical3A_2689 = arith.shrui %bitcast_convert_type3A, %shift_right_logical3A_2688 : vector<16xi32>
            %and3A_2690 = arith.constant 15 : i32
            %and3A_2691 = vector.broadcast %and3A_2690 : i32 to vector<16xi32>
            %and3A_2692 = arith.andi %shift_right_logical3A_2689, %and3A_2691 : vector<16xi32>
            %mul3A_2693 = arith.constant 144 : i32
            %mul3A_2694 = vector.broadcast %mul3A_2693 : i32 to vector<16xi32>
            %mul3A_2695 = arith.muli %iota3A, %mul3A_2694 : vector<16xi32>
            %add3A_2696 = vector.broadcast %mul3A_260 : i32 to vector<16xi32>
            %add3A_2697 = arith.addi %add3A_2696, %mul3A_2695 : vector<16xi32>
            %add3A_2698 = arith.addi %add3A_2697, %and3A_2692 : vector<16xi32>
            tpu.vector_store_idx %arg12[%add3A_2698], %broadcast_in_dim3A_37 masked %eq3A_2687 {add = true} : memref<18432xi32, #tpu.memory_space<vmem>>[vector<16xi32>], vector<16xi32>, vector<16xi1>
            %scan3A_2699 = arith.constant 0 : i32
            scf.yield %scan3A_2699 : i32
          }
          %scan3A_2451 = arith.constant 256 : i32
          %broadcast_in_dim3A_2452 = arith.constant 0 : i32
          %broadcast_in_dim3A_2453 = vector.broadcast %broadcast_in_dim3A_2452 : i32 to vector<16xi32>
          %add3A_2454 = arith.constant 0 : i32
          %add3A_2455 = arith.addi %mul3A_260, %add3A_2454 : i32
          %get3A_2456 = arith.index_cast %add3A_2455 : i32 to index
          %get3A_2457 = tpu.vector_load %arg12[%get3A_2456] {strides = array<i32>} : memref<18432xi32, #tpu.memory_space<vmem>>, vector<16xi32>,
          %add3A_2458 = arith.addi %broadcast_in_dim3A_2453, %get3A_2457 : vector<16xi32>
          %broadcast_in_dim3A_2459 = arith.constant 0 : i32
          %broadcast_in_dim3A_2460 = vector.broadcast %broadcast_in_dim3A_2459 : i32 to vector<16xi32>
          %add3A_2461 = arith.constant 0 : i32
          %add3A_2462 = arith.addi %mul3A_260, %add3A_2461 : i32
          %swap3A_2463 = arith.index_cast %add3A_2462 : i32 to index
          %swap3A_2464 = tpu.vector_load %arg12[%swap3A_2463] {strides = array<i32>} : memref<18432xi32, #tpu.memory_space<vmem>>, vector<16xi32>,
          tpu.vector_store %arg12[%swap3A_2463], %broadcast_in_dim3A_2460 {strides = array<i32>} : memref<18432xi32, #tpu.memory_space<vmem>>, vector<16xi32>,
          %add3A_2465 = arith.constant 144 : i32
          %add3A_2466 = arith.addi %mul3A_260, %add3A_2465 : i32
          %get3A_2467 = arith.index_cast %add3A_2466 : i32 to index
          %get3A_2468 = tpu.vector_load %arg12[%get3A_2467] {strides = array<i32>} : memref<18432xi32, #tpu.memory_space<vmem>>, vector<16xi32>,
          %add3A_2469 = arith.addi %add3A_2458, %get3A_2468 : vector<16xi32>
          %broadcast_in_dim3A_2470 = arith.constant 0 : i32
          %broadcast_in_dim3A_2471 = vector.broadcast %broadcast_in_dim3A_2470 : i32 to vector<16xi32>
          %add3A_2472 = arith.constant 144 : i32
          %add3A_2473 = arith.addi %mul3A_260, %add3A_2472 : i32
          %swap3A_2474 = arith.index_cast %add3A_2473 : i32 to index
          %swap3A_2475 = tpu.vector_load %arg12[%swap3A_2474] {strides = array<i32>} : memref<18432xi32, #tpu.memory_space<vmem>>, vector<16xi32>,
          tpu.vector_store %arg12[%swap3A_2474], %broadcast_in_dim3A_2471 {strides = array<i32>} : memref<18432xi32, #tpu.memory_space<vmem>>, vector<16xi32>,
          %add3A_2476 = arith.constant 288 : i32
          %add3A_2477 = arith.addi %mul3A_260, %add3A_2476 : i32
          %get3A_2478 = arith.index_cast %add3A_2477 : i32 to index
          %get3A_2479 = tpu.vector_load %arg12[%get3A_2478] {strides = array<i32>} : memref<18432xi32, #tpu.memory_space<vmem>>, vector<16xi32>,
          %add3A_2480 = arith.addi %add3A_2469, %get3A_2479 : vector<16xi32>
          %broadcast_in_dim3A_2481 = arith.constant 0 : i32
          %broadcast_in_dim3A_2482 = vector.broadcast %broadcast_in_dim3A_2481 : i32 to vector<16xi32>
          %add3A_2483 = arith.constant 288 : i32
          %add3A_2484 = arith.addi %mul3A_260, %add3A_2483 : i32
          %swap3A_2485 = arith.index_cast %add3A_2484 : i32 to index
          %swap3A_2486 = tpu.vector_load %arg12[%swap3A_2485] {strides = array<i32>} : memref<18432xi32, #tpu.memory_space<vmem>>, vector<16xi32>,
          tpu.vector_store %arg12[%swap3A_2485], %broadcast_in_dim3A_2482 {strides = array<i32>} : memref<18432xi32, #tpu.memory_space<vmem>>, vector<16xi32>,
          %add3A_2487 = arith.constant 432 : i32
          %add3A_2488 = arith.addi %mul3A_260, %add3A_2487 : i32
          %get3A_2489 = arith.index_cast %add3A_2488 : i32 to index
          %get3A_2490 = tpu.vector_load %arg12[%get3A_2489] {strides = array<i32>} : memref<18432xi32, #tpu.memory_space<vmem>>, vector<16xi32>,
          %add3A_2491 = arith.addi %add3A_2480, %get3A_2490 : vector<16xi32>
          %broadcast_in_dim3A_2492 = arith.constant 0 : i32
          %broadcast_in_dim3A_2493 = vector.broadcast %broadcast_in_dim3A_2492 : i32 to vector<16xi32>
          %add3A_2494 = arith.constant 432 : i32
          %add3A_2495 = arith.addi %mul3A_260, %add3A_2494 : i32
          %swap3A_2496 = arith.index_cast %add3A_2495 : i32 to index
          %swap3A_2497 = tpu.vector_load %arg12[%swap3A_2496] {strides = array<i32>} : memref<18432xi32, #tpu.memory_space<vmem>>, vector<16xi32>,
          tpu.vector_store %arg12[%swap3A_2496], %broadcast_in_dim3A_2493 {strides = array<i32>} : memref<18432xi32, #tpu.memory_space<vmem>>, vector<16xi32>,
          %add3A_2498 = arith.constant 576 : i32
          %add3A_2499 = arith.addi %mul3A_260, %add3A_2498 : i32
          %get3A_2500 = arith.index_cast %add3A_2499 : i32 to index
          %get3A_2501 = tpu.vector_load %arg12[%get3A_2500] {strides = array<i32>} : memref<18432xi32, #tpu.memory_space<vmem>>, vector<16xi32>,
          %add3A_2502 = arith.addi %add3A_2491, %get3A_2501 : vector<16xi32>
          %broadcast_in_dim3A_2503 = arith.constant 0 : i32
          %broadcast_in_dim3A_2504 = vector.broadcast %broadcast_in_dim3A_2503 : i32 to vector<16xi32>
          %add3A_2505 = arith.constant 576 : i32
          %add3A_2506 = arith.addi %mul3A_260, %add3A_2505 : i32
          %swap3A_2507 = arith.index_cast %add3A_2506 : i32 to index
          %swap3A_2508 = tpu.vector_load %arg12[%swap3A_2507] {strides = array<i32>} : memref<18432xi32, #tpu.memory_space<vmem>>, vector<16xi32>,
          tpu.vector_store %arg12[%swap3A_2507], %broadcast_in_dim3A_2504 {strides = array<i32>} : memref<18432xi32, #tpu.memory_space<vmem>>, vector<16xi32>,
          %add3A_2509 = arith.constant 720 : i32
          %add3A_2510 = arith.addi %mul3A_260, %add3A_2509 : i32
          %get3A_2511 = arith.index_cast %add3A_2510 : i32 to index
          %get3A_2512 = tpu.vector_load %arg12[%get3A_2511] {strides = array<i32>} : memref<18432xi32, #tpu.memory_space<vmem>>, vector<16xi32>,
          %add3A_2513 = arith.addi %add3A_2502, %get3A_2512 : vector<16xi32>
          %broadcast_in_dim3A_2514 = arith.constant 0 : i32
          %broadcast_in_dim3A_2515 = vector.broadcast %broadcast_in_dim3A_2514 : i32 to vector<16xi32>
          %add3A_2516 = arith.constant 720 : i32
          %add3A_2517 = arith.addi %mul3A_260, %add3A_2516 : i32
          %swap3A_2518 = arith.index_cast %add3A_2517 : i32 to index
          %swap3A_2519 = tpu.vector_load %arg12[%swap3A_2518] {strides = array<i32>} : memref<18432xi32, #tpu.memory_space<vmem>>, vector<16xi32>,
          tpu.vector_store %arg12[%swap3A_2518], %broadcast_in_dim3A_2515 {strides = array<i32>} : memref<18432xi32, #tpu.memory_space<vmem>>, vector<16xi32>,
          %add3A_2520 = arith.constant 864 : i32
          %add3A_2521 = arith.addi %mul3A_260, %add3A_2520 : i32
          %get3A_2522 = arith.index_cast %add3A_2521 : i32 to index
          %get3A_2523 = tpu.vector_load %arg12[%get3A_2522] {strides = array<i32>} : memref<18432xi32, #tpu.memory_space<vmem>>, vector<16xi32>,
          %add3A_2524 = arith.addi %add3A_2513, %get3A_2523 : vector<16xi32>
          %broadcast_in_dim3A_2525 = arith.constant 0 : i32
          %broadcast_in_dim3A_2526 = vector.broadcast %broadcast_in_dim3A_2525 : i32 to vector<16xi32>
          %add3A_2527 = arith.constant 864 : i32
          %add3A_2528 = arith.addi %mul3A_260, %add3A_2527 : i32
          %swap3A_2529 = arith.index_cast %add3A_2528 : i32 to index
          %swap3A_2530 = tpu.vector_load %arg12[%swap3A_2529] {strides = array<i32>} : memref<18432xi32, #tpu.memory_space<vmem>>, vector<16xi32>,
          tpu.vector_store %arg12[%swap3A_2529], %broadcast_in_dim3A_2526 {strides = array<i32>} : memref<18432xi32, #tpu.memory_space<vmem>>, vector<16xi32>,
          %add3A_2531 = arith.constant 1008 : i32
          %add3A_2532 = arith.addi %mul3A_260, %add3A_2531 : i32
          %get3A_2533 = arith.index_cast %add3A_2532 : i32 to index
          %get3A_2534 = tpu.vector_load %arg12[%get3A_2533] {strides = array<i32>} : memref<18432xi32, #tpu.memory_space<vmem>>, vector<16xi32>,
          %add3A_2535 = arith.addi %add3A_2524, %get3A_2534 : vector<16xi32>
          %broadcast_in_dim3A_2536 = arith.constant 0 : i32
          %broadcast_in_dim3A_2537 = vector.broadcast %broadcast_in_dim3A_2536 : i32 to vector<16xi32>
          %add3A_2538 = arith.constant 1008 : i32
          %add3A_2539 = arith.addi %mul3A_260, %add3A_2538 : i32
          %swap3A_2540 = arith.index_cast %add3A_2539 : i32 to index
          %swap3A_2541 = tpu.vector_load %arg12[%swap3A_2540] {strides = array<i32>} : memref<18432xi32, #tpu.memory_space<vmem>>, vector<16xi32>,
          tpu.vector_store %arg12[%swap3A_2540], %broadcast_in_dim3A_2537 {strides = array<i32>} : memref<18432xi32, #tpu.memory_space<vmem>>, vector<16xi32>,
          %add3A_2542 = arith.constant 1152 : i32
          %add3A_2543 = arith.addi %mul3A_260, %add3A_2542 : i32
          %get3A_2544 = arith.index_cast %add3A_2543 : i32 to index
          %get3A_2545 = tpu.vector_load %arg12[%get3A_2544] {strides = array<i32>} : memref<18432xi32, #tpu.memory_space<vmem>>, vector<16xi32>,
          %add3A_2546 = arith.addi %add3A_2535, %get3A_2545 : vector<16xi32>
          %broadcast_in_dim3A_2547 = arith.constant 0 : i32
          %broadcast_in_dim3A_2548 = vector.broadcast %broadcast_in_dim3A_2547 : i32 to vector<16xi32>
          %add3A_2549 = arith.constant 1152 : i32
          %add3A_2550 = arith.addi %mul3A_260, %add3A_2549 : i32
          %swap3A_2551 = arith.index_cast %add3A_2550 : i32 to index
          %swap3A_2552 = tpu.vector_load %arg12[%swap3A_2551] {strides = array<i32>} : memref<18432xi32, #tpu.memory_space<vmem>>, vector<16xi32>,
          tpu.vector_store %arg12[%swap3A_2551], %broadcast_in_dim3A_2548 {strides = array<i32>} : memref<18432xi32, #tpu.memory_space<vmem>>, vector<16xi32>,
          %add3A_2553 = arith.constant 1296 : i32
          %add3A_2554 = arith.addi %mul3A_260, %add3A_2553 : i32
          %get3A_2555 = arith.index_cast %add3A_2554 : i32 to index
          %get3A_2556 = tpu.vector_load %arg12[%get3A_2555] {strides = array<i32>} : memref<18432xi32, #tpu.memory_space<vmem>>, vector<16xi32>,
          %add3A_2557 = arith.addi %add3A_2546, %get3A_2556 : vector<16xi32>
          %broadcast_in_dim3A_2558 = arith.constant 0 : i32
          %broadcast_in_dim3A_2559 = vector.broadcast %broadcast_in_dim3A_2558 : i32 to vector<16xi32>
          %add3A_2560 = arith.constant 1296 : i32
          %add3A_2561 = arith.addi %mul3A_260, %add3A_2560 : i32
          %swap3A_2562 = arith.index_cast %add3A_2561 : i32 to index
          %swap3A_2563 = tpu.vector_load %arg12[%swap3A_2562] {strides = array<i32>} : memref<18432xi32, #tpu.memory_space<vmem>>, vector<16xi32>,
          tpu.vector_store %arg12[%swap3A_2562], %broadcast_in_dim3A_2559 {strides = array<i32>} : memref<18432xi32, #tpu.memory_space<vmem>>, vector<16xi32>,
          %add3A_2564 = arith.constant 1440 : i32
          %add3A_2565 = arith.addi %mul3A_260, %add3A_2564 : i32
          %get3A_2566 = arith.index_cast %add3A_2565 : i32 to index
          %get3A_2567 = tpu.vector_load %arg12[%get3A_2566] {strides = array<i32>} : memref<18432xi32, #tpu.memory_space<vmem>>, vector<16xi32>,
          %add3A_2568 = arith.addi %add3A_2557, %get3A_2567 : vector<16xi32>
          %broadcast_in_dim3A_2569 = arith.constant 0 : i32
          %broadcast_in_dim3A_2570 = vector.broadcast %broadcast_in_dim3A_2569 : i32 to vector<16xi32>
          %add3A_2571 = arith.constant 1440 : i32
          %add3A_2572 = arith.addi %mul3A_260, %add3A_2571 : i32
          %swap3A_2573 = arith.index_cast %add3A_2572 : i32 to index
          %swap3A_2574 = tpu.vector_load %arg12[%swap3A_2573] {strides = array<i32>} : memref<18432xi32, #tpu.memory_space<vmem>>, vector<16xi32>,
          tpu.vector_store %arg12[%swap3A_2573], %broadcast_in_dim3A_2570 {strides = array<i32>} : memref<18432xi32, #tpu.memory_space<vmem>>, vector<16xi32>,
          %add3A_2575 = arith.constant 1584 : i32
          %add3A_2576 = arith.addi %mul3A_260, %add3A_2575 : i32
          %get3A_2577 = arith.index_cast %add3A_2576 : i32 to index
          %get3A_2578 = tpu.vector_load %arg12[%get3A_2577] {strides = array<i32>} : memref<18432xi32, #tpu.memory_space<vmem>>, vector<16xi32>,
          %add3A_2579 = arith.addi %add3A_2568, %get3A_2578 : vector<16xi32>
          %broadcast_in_dim3A_2580 = arith.constant 0 : i32
          %broadcast_in_dim3A_2581 = vector.broadcast %broadcast_in_dim3A_2580 : i32 to vector<16xi32>
          %add3A_2582 = arith.constant 1584 : i32
          %add3A_2583 = arith.addi %mul3A_260, %add3A_2582 : i32
          %swap3A_2584 = arith.index_cast %add3A_2583 : i32 to index
          %swap3A_2585 = tpu.vector_load %arg12[%swap3A_2584] {strides = array<i32>} : memref<18432xi32, #tpu.memory_space<vmem>>, vector<16xi32>,
          tpu.vector_store %arg12[%swap3A_2584], %broadcast_in_dim3A_2581 {strides = array<i32>} : memref<18432xi32, #tpu.memory_space<vmem>>, vector<16xi32>,
          %add3A_2586 = arith.constant 1728 : i32
          %add3A_2587 = arith.addi %mul3A_260, %add3A_2586 : i32
          %get3A_2588 = arith.index_cast %add3A_2587 : i32 to index
          %get3A_2589 = tpu.vector_load %arg12[%get3A_2588] {strides = array<i32>} : memref<18432xi32, #tpu.memory_space<vmem>>, vector<16xi32>,
          %add3A_2590 = arith.addi %add3A_2579, %get3A_2589 : vector<16xi32>
          %broadcast_in_dim3A_2591 = arith.constant 0 : i32
          %broadcast_in_dim3A_2592 = vector.broadcast %broadcast_in_dim3A_2591 : i32 to vector<16xi32>
          %add3A_2593 = arith.constant 1728 : i32
          %add3A_2594 = arith.addi %mul3A_260, %add3A_2593 : i32
          %swap3A_2595 = arith.index_cast %add3A_2594 : i32 to index
          %swap3A_2596 = tpu.vector_load %arg12[%swap3A_2595] {strides = array<i32>} : memref<18432xi32, #tpu.memory_space<vmem>>, vector<16xi32>,
          tpu.vector_store %arg12[%swap3A_2595], %broadcast_in_dim3A_2592 {strides = array<i32>} : memref<18432xi32, #tpu.memory_space<vmem>>, vector<16xi32>,
          %add3A_2597 = arith.constant 1872 : i32
          %add3A_2598 = arith.addi %mul3A_260, %add3A_2597 : i32
          %get3A_2599 = arith.index_cast %add3A_2598 : i32 to index
          %get3A_2600 = tpu.vector_load %arg12[%get3A_2599] {strides = array<i32>} : memref<18432xi32, #tpu.memory_space<vmem>>, vector<16xi32>,
          %add3A_2601 = arith.addi %add3A_2590, %get3A_2600 : vector<16xi32>
          %broadcast_in_dim3A_2602 = arith.constant 0 : i32
          %broadcast_in_dim3A_2603 = vector.broadcast %broadcast_in_dim3A_2602 : i32 to vector<16xi32>
          %add3A_2604 = arith.constant 1872 : i32
          %add3A_2605 = arith.addi %mul3A_260, %add3A_2604 : i32
          %swap3A_2606 = arith.index_cast %add3A_2605 : i32 to index
          %swap3A_2607 = tpu.vector_load %arg12[%swap3A_2606] {strides = array<i32>} : memref<18432xi32, #tpu.memory_space<vmem>>, vector<16xi32>,
          tpu.vector_store %arg12[%swap3A_2606], %broadcast_in_dim3A_2603 {strides = array<i32>} : memref<18432xi32, #tpu.memory_space<vmem>>, vector<16xi32>,
          %add3A_2608 = arith.constant 2016 : i32
          %add3A_2609 = arith.addi %mul3A_260, %add3A_2608 : i32
          %get3A_2610 = arith.index_cast %add3A_2609 : i32 to index
          %get3A_2611 = tpu.vector_load %arg12[%get3A_2610] {strides = array<i32>} : memref<18432xi32, #tpu.memory_space<vmem>>, vector<16xi32>,
          %add3A_2612 = arith.addi %add3A_2601, %get3A_2611 : vector<16xi32>
          %broadcast_in_dim3A_2613 = arith.constant 0 : i32
          %broadcast_in_dim3A_2614 = vector.broadcast %broadcast_in_dim3A_2613 : i32 to vector<16xi32>
          %add3A_2615 = arith.constant 2016 : i32
          %add3A_2616 = arith.addi %mul3A_260, %add3A_2615 : i32
          %swap3A_2617 = arith.index_cast %add3A_2616 : i32 to index
          %swap3A_2618 = tpu.vector_load %arg12[%swap3A_2617] {strides = array<i32>} : memref<18432xi32, #tpu.memory_space<vmem>>, vector<16xi32>,
          tpu.vector_store %arg12[%swap3A_2617], %broadcast_in_dim3A_2614 {strides = array<i32>} : memref<18432xi32, #tpu.memory_space<vmem>>, vector<16xi32>,
          %add3A_2619 = arith.constant 2160 : i32
          %add3A_2620 = arith.addi %mul3A_260, %add3A_2619 : i32
          %get3A_2621 = arith.index_cast %add3A_2620 : i32 to index
          %get3A_2622 = tpu.vector_load %arg12[%get3A_2621] {strides = array<i32>} : memref<18432xi32, #tpu.memory_space<vmem>>, vector<16xi32>,
          %add3A_2623 = arith.addi %add3A_2612, %get3A_2622 : vector<16xi32>
          %broadcast_in_dim3A_2624 = arith.constant 0 : i32
          %broadcast_in_dim3A_2625 = vector.broadcast %broadcast_in_dim3A_2624 : i32 to vector<16xi32>
          %add3A_2626 = arith.constant 2160 : i32
          %add3A_2627 = arith.addi %mul3A_260, %add3A_2626 : i32
          %swap3A_2628 = arith.index_cast %add3A_2627 : i32 to index
          %swap3A_2629 = tpu.vector_load %arg12[%swap3A_2628] {strides = array<i32>} : memref<18432xi32, #tpu.memory_space<vmem>>, vector<16xi32>,
          tpu.vector_store %arg12[%swap3A_2628], %broadcast_in_dim3A_2625 {strides = array<i32>} : memref<18432xi32, #tpu.memory_space<vmem>>, vector<16xi32>,
          %broadcast_in_dim3A_2630 = arith.constant true
          %broadcast_in_dim3A_2631 = vector.broadcast %broadcast_in_dim3A_2630 : i1 to vector<16xi1>
          %masked_cumsum3A_2632 = tpu.scan <sum>, %add3A_2623 masked %broadcast_in_dim3A_2631 : vector<16xi32>, vector<16xi1> -> vector<16xi32>
          %add3A_2633 = vector.broadcast %while3A_2441 : i32 to vector<16xi32>
          %add3A_2634 = arith.addi %masked_cumsum3A_2632, %add3A_2633 : vector<16xi32>
          %ge3A_2635 = arith.constant 33 : i32
          %ge3A_2636 = vector.broadcast %ge3A_2635 : i32 to vector<16xi32>
          %ge3A_2637 = arith.cmpi sge, %add3A_2634, %ge3A_2636 : vector<16xi32>
          %convert_element_type3A_2638 = arith.extui %ge3A_2637 : vector<16xi1> to vector<16xi32>
          %broadcast_in_dim3A_2639 = arith.constant true
          %broadcast_in_dim3A_2640 = vector.broadcast %broadcast_in_dim3A_2639 : i1 to vector<16xi1>
          %masked_cummax3A_2641 = arith.constant -2147483648 : i32
          %masked_cummax3A_2642 = vector.broadcast %masked_cummax3A_2641 : i32 to vector<16xi32>
          %masked_cummax3A_2643 = arith.xori %convert_element_type3A_2638, %masked_cummax3A_2642 : vector<16xi32>
          %masked_cummax3A_2644 = tpu.scan <max>, %masked_cummax3A_2643 masked %broadcast_in_dim3A_2640 : vector<16xi32>, vector<16xi1> -> vector<16xi32>
          %masked_cummax3A_2645 = arith.xori %masked_cummax3A_2644, %masked_cummax3A_2642 : vector<16xi32>
          %reduce_sum3A_2646 = arith.constant true
          %reduce_sum3A_2647 = vector.broadcast %reduce_sum3A_2646 : i1 to vector<16xi1>
          %reduce_sum3A_2648 = tpu.scan <sum>, %masked_cummax3A_2645 masked %reduce_sum3A_2647 : vector<16xi32>, vector<16xi1> -> vector<16xi32>
          %reduce_sum3A_2649 = vector.extract %reduce_sum3A_2648[15] : i32 from vector<16xi32>
          %sub3A_2650 = arith.constant 16 : i32
          %sub3A_2651 = arith.subi %sub3A_2650, %reduce_sum3A_2649 : i32
          %sub3A_2652 = arith.constant 1 : i32
          %sub3A_2653 = arith.subi %sub3A_2651, %sub3A_2652 : i32
          %eq3A_2654 = vector.broadcast %sub3A_2653 : i32 to vector<16xi32>
          %eq3A_2655 = arith.cmpi eq, %iota3A, %eq3A_2654 : vector<16xi32>
          %jit3A_2656 = arith.constant 0 : i32
          %broadcast_in_dim3A_2657 = vector.broadcast %jit3A_2656 : i32 to vector<16xi32>
          %select_n3A_2658 = arith.select %eq3A_2655, %add3A_2634, %broadcast_in_dim3A_2657 : vector<16xi1>, vector<16xi32>
          %reduce_sum3A_2659 = arith.constant true
          %reduce_sum3A_2660 = vector.broadcast %reduce_sum3A_2659 : i1 to vector<16xi1>
          %reduce_sum3A_2661 = tpu.scan <sum>, %select_n3A_2658 masked %reduce_sum3A_2660 : vector<16xi32>, vector<16xi1> -> vector<16xi32>
          %reduce_sum3A_2662 = vector.extract %reduce_sum3A_2661[15] : i32 from vector<16xi32>
          %eq3A_2663 = arith.constant 0 : i32
          %eq3A_2664 = arith.cmpi eq, %sub3A_2651, %eq3A_2663 : i32
          %select_n3A_2665 = arith.select %eq3A_2664, %while3A_2441, %reduce_sum3A_2662 : i32
          %eq3A_2666 = vector.broadcast %sub3A_2651 : i32 to vector<16xi32>
          %eq3A_2667 = arith.cmpi eq, %iota3A, %eq3A_2666 : vector<16xi32>
          %jit3A_2668 = arith.constant 0 : i32
          %broadcast_in_dim3A_2669 = vector.broadcast %jit3A_2668 : i32 to vector<16xi32>
          %select_n3A_2670 = arith.select %eq3A_2667, %add3A_2623, %broadcast_in_dim3A_2669 : vector<16xi1>, vector<16xi32>
          %reduce_sum3A_2671 = arith.constant true
          %reduce_sum3A_2672 = vector.broadcast %reduce_sum3A_2671 : i1 to vector<16xi1>
          %reduce_sum3A_2673 = tpu.scan <sum>, %select_n3A_2670 masked %reduce_sum3A_2672 : vector<16xi32>, vector<16xi1> -> vector<16xi32>
          %reduce_sum3A_2674 = vector.extract %reduce_sum3A_2673[15] : i32 from vector<16xi32>
          %mul3A_2675 = arith.constant 16 : i32
          %mul3A_2676 = arith.muli %while3A_2440, %mul3A_2675 : i32
          %add3A_2677 = arith.addi %mul3A_2676, %sub3A_2651 : i32
          scf.yield %sub3A_2444, %add3A_2677, %select_n3A_2665, %reduce_sum3A_2674 : i32, i32, i32, i32
        }
        %broadcast_in_dim3A_2334 = arith.constant 0x7F800000 : f32
        %broadcast_in_dim3A_2335 = vector.broadcast %broadcast_in_dim3A_2334 : f32 to vector<16xf32>
        %swap3A_2336 = arith.constant 0 : index
        %swap3A_2337 = tpu.vector_load %arg14[%swap3A_2336] {strides = array<i32>} : memref<64xf32, #tpu.memory_space<vmem>>, vector<16xf32>,
        tpu.vector_store %arg14[%swap3A_2336], %broadcast_in_dim3A_2335 {strides = array<i32>} : memref<64xf32, #tpu.memory_space<vmem>>, vector<16xf32>,
        %add3A_2338 = arith.constant 4096 : i32
        %add3A_2339 = vector.broadcast %add3A_2338 : i32 to vector<16xi32>
        %add3A_2340 = arith.addi %add3A_2339, %iota3A : vector<16xi32>
        %swap3A_2341 = arith.constant 0 : index
        %swap3A_2342 = tpu.vector_load %arg15[%swap3A_2341] {strides = array<i32>} : memref<64xi32, #tpu.memory_space<vmem>>, vector<16xi32>,
        tpu.vector_store %arg15[%swap3A_2341], %add3A_2340 {strides = array<i32>} : memref<64xi32, #tpu.memory_space<vmem>>, vector<16xi32>,
        %broadcast_in_dim3A_2343 = arith.constant 0x7F800000 : f32
        %broadcast_in_dim3A_2344 = vector.broadcast %broadcast_in_dim3A_2343 : f32 to vector<16xf32>
        %swap3A_2345 = arith.constant 16 : index
        %swap3A_2346 = tpu.vector_load %arg14[%swap3A_2345] {strides = array<i32>} : memref<64xf32, #tpu.memory_space<vmem>>, vector<16xf32>,
        tpu.vector_store %arg14[%swap3A_2345], %broadcast_in_dim3A_2344 {strides = array<i32>} : memref<64xf32, #tpu.memory_space<vmem>>, vector<16xf32>,
        %add3A_2347 = arith.constant 4112 : i32
        %add3A_2348 = vector.broadcast %add3A_2347 : i32 to vector<16xi32>
        %add3A_2349 = arith.addi %add3A_2348, %iota3A : vector<16xi32>
        %swap3A_2350 = arith.constant 16 : index
        %swap3A_2351 = tpu.vector_load %arg15[%swap3A_2350] {strides = array<i32>} : memref<64xi32, #tpu.memory_space<vmem>>, vector<16xi32>,
        tpu.vector_store %arg15[%swap3A_2350], %add3A_2349 {strides = array<i32>} : memref<64xi32, #tpu.memory_space<vmem>>, vector<16xi32>,
        %broadcast_in_dim3A_2352 = arith.constant 0x7F800000 : f32
        %broadcast_in_dim3A_2353 = vector.broadcast %broadcast_in_dim3A_2352 : f32 to vector<16xf32>
        %swap3A_2354 = arith.constant 32 : index
        %swap3A_2355 = tpu.vector_load %arg14[%swap3A_2354] {strides = array<i32>} : memref<64xf32, #tpu.memory_space<vmem>>, vector<16xf32>,
        tpu.vector_store %arg14[%swap3A_2354], %broadcast_in_dim3A_2353 {strides = array<i32>} : memref<64xf32, #tpu.memory_space<vmem>>, vector<16xf32>,
        %add3A_2356 = arith.constant 4128 : i32
        %add3A_2357 = vector.broadcast %add3A_2356 : i32 to vector<16xi32>
        %add3A_2358 = arith.addi %add3A_2357, %iota3A : vector<16xi32>
        %swap3A_2359 = arith.constant 32 : index
        %swap3A_2360 = tpu.vector_load %arg15[%swap3A_2359] {strides = array<i32>} : memref<64xi32, #tpu.memory_space<vmem>>, vector<16xi32>,
        tpu.vector_store %arg15[%swap3A_2359], %add3A_2358 {strides = array<i32>} : memref<64xi32, #tpu.memory_space<vmem>>, vector<16xi32>,
        %broadcast_in_dim3A_2361 = arith.constant 0x7F800000 : f32
        %broadcast_in_dim3A_2362 = vector.broadcast %broadcast_in_dim3A_2361 : f32 to vector<16xf32>
        %swap3A_2363 = arith.constant 48 : index
        %swap3A_2364 = tpu.vector_load %arg14[%swap3A_2363] {strides = array<i32>} : memref<64xf32, #tpu.memory_space<vmem>>, vector<16xf32>,
        tpu.vector_store %arg14[%swap3A_2363], %broadcast_in_dim3A_2362 {strides = array<i32>} : memref<64xf32, #tpu.memory_space<vmem>>, vector<16xf32>,
        %add3A_2365 = arith.constant 4144 : i32
        %add3A_2366 = vector.broadcast %add3A_2365 : i32 to vector<16xi32>
        %add3A_2367 = arith.addi %add3A_2366, %iota3A : vector<16xi32>
        %swap3A_2368 = arith.constant 48 : index
        %swap3A_2369 = tpu.vector_load %arg15[%swap3A_2368] {strides = array<i32>} : memref<64xi32, #tpu.memory_space<vmem>>, vector<16xi32>,
        tpu.vector_store %arg15[%swap3A_2368], %add3A_2367 {strides = array<i32>} : memref<64xi32, #tpu.memory_space<vmem>>, vector<16xi32>,
        %scan3A_2370 = arith.constant 0 : i32
        %scan3A_2371 = arith.constant 0 : i32
        %scan3A_2372 = arith.constant 128 : i32
        %scan3A_2373 = arith.addi %scan3A_2371, %scan3A_2372 : i32
        %scan3A_2374 = arith.constant 1 : i32
        %scan3A_2375 = scf.for %scan3A_2439 = %scan3A_2371 to %scan3A_2373 step %scan3A_2374 iter_args(%scan3A_2440 = %scan3A_2370) -> (i32)  : i32 {
          %mul3A_2441 = arith.constant 2 : i32
          %mul3A_2442 = arith.muli %scan3A_2439, %mul3A_2441 : i32
          %add3A_2443 = arith.constant 0 : i32
          %add3A_2444 = arith.addi %mul3A_2442, %add3A_2443 : i32
          %mul3A_2445 = arith.constant 16 : i32
          %mul3A_2446 = arith.muli %add3A_2444, %mul3A_2445 : i32
          %add3A_2447 = arith.addi %mul3A_262, %mul3A_2446 : i32
          %get3A_2448 = arith.index_cast %add3A_2447 : i32 to index
          %get3A_2449 = tpu.vector_load %arg11[%get3A_2448] {strides = array<i32>} : memref<32768xf32, #tpu.memory_space<vmem>>, vector<16xf32>,
          %bitcast_convert_type3A = tpu.bitcast %get3A_2449 : vector<16xf32> -> vector<16xi32>
          %shift_right_logical3A = vector.broadcast %while3A_2333#0 : i32 to vector<16xi32>
          %shift_right_logical3A_2450 = arith.shrui %bitcast_convert_type3A, %shift_right_logical3A : vector<16xi32>
          %le3A_2451 = vector.broadcast %while3A_2333#1 : i32 to vector<16xi32>
          %le3A_2452 = arith.cmpi sle, %shift_right_logical3A_2450, %le3A_2451 : vector<16xi32>
          %min3A = arith.constant 48 : i32
          %min3A_2453 = arith.minsi %scan3A_2440, %min3A : i32
          %swap3A_2454 = arith.index_cast %min3A_2453 : i32 to index
          %swap3A_2455 = tpu.vector_load %arg14[%swap3A_2454] masked %le3A_2452 {strides = array<i32>} : memref<64xf32, #tpu.memory_space<vmem>>, vector<16xf32>, vector<16xi1>
          tpu.vector_store %arg14[%swap3A_2454], %get3A_2449 masked %le3A_2452 {strides = array<i32>} : memref<64xf32, #tpu.memory_space<vmem>>, vector<16xf32>, vector<16xi1>
          %mul3A_2456 = arith.constant 16 : i32
          %mul3A_2457 = arith.muli %add3A_2444, %mul3A_2456 : i32
          %add3A_2458 = vector.broadcast %mul3A_2457 : i32 to vector<16xi32>
          %add3A_2459 = arith.addi %add3A_2458, %iota3A : vector<16xi32>
          %swap3A_2460 = arith.index_cast %min3A_2453 : i32 to index
          %swap3A_2461 = tpu.vector_load %arg15[%swap3A_2460] masked %le3A_2452 {strides = array<i32>} : memref<64xi32, #tpu.memory_space<vmem>>, vector<16xi32>, vector<16xi1>
          tpu.vector_store %arg15[%swap3A_2460], %add3A_2459 masked %le3A_2452 {strides = array<i32>} : memref<64xi32, #tpu.memory_space<vmem>>, vector<16xi32>, vector<16xi1>
          %convert_element_type3A_2462 = arith.extui %le3A_2452 : vector<16xi1> to vector<16xi32>
          %reduce_sum3A_2463 = arith.constant true
          %reduce_sum3A_2464 = vector.broadcast %reduce_sum3A_2463 : i1 to vector<16xi1>
          %reduce_sum3A_2465 = tpu.scan <sum>, %convert_element_type3A_2462 masked %reduce_sum3A_2464 : vector<16xi32>, vector<16xi1> -> vector<16xi32>
          %reduce_sum3A_2466 = vector.extract %reduce_sum3A_2465[15] : i32 from vector<16xi32>
          %add3A_2467 = arith.addi %scan3A_2440, %reduce_sum3A_2466 : i32
          %min3A_2468 = arith.constant 48 : i32
          %min3A_2469 = arith.minsi %add3A_2467, %min3A_2468 : i32
          %mul3A_2470 = arith.constant 2 : i32
          %mul3A_2471 = arith.muli %scan3A_2439, %mul3A_2470 : i32
          %add3A_2472 = arith.constant 1 : i32
          %add3A_2473 = arith.addi %mul3A_2471, %add3A_2472 : i32
          %mul3A_2474 = arith.constant 16 : i32
          %mul3A_2475 = arith.muli %add3A_2473, %mul3A_2474 : i32
          %add3A_2476 = arith.addi %mul3A_262, %mul3A_2475 : i32
          %get3A_2477 = arith.index_cast %add3A_2476 : i32 to index
          %get3A_2478 = tpu.vector_load %arg11[%get3A_2477] {strides = array<i32>} : memref<32768xf32, #tpu.memory_space<vmem>>, vector<16xf32>,
          %bitcast_convert_type3A_2479 = tpu.bitcast %get3A_2478 : vector<16xf32> -> vector<16xi32>
          %shift_right_logical3A_2480 = vector.broadcast %while3A_2333#0 : i32 to vector<16xi32>
          %shift_right_logical3A_2481 = arith.shrui %bitcast_convert_type3A_2479, %shift_right_logical3A_2480 : vector<16xi32>
          %le3A_2482 = vector.broadcast %while3A_2333#1 : i32 to vector<16xi32>
          %le3A_2483 = arith.cmpi sle, %shift_right_logical3A_2481, %le3A_2482 : vector<16xi32>
          %min3A_2484 = arith.constant 48 : i32
          %min3A_2485 = arith.minsi %min3A_2469, %min3A_2484 : i32
          %swap3A_2486 = arith.index_cast %min3A_2485 : i32 to index
          %swap3A_2487 = tpu.vector_load %arg14[%swap3A_2486] masked %le3A_2483 {strides = array<i32>} : memref<64xf32, #tpu.memory_space<vmem>>, vector<16xf32>, vector<16xi1>
          tpu.vector_store %arg14[%swap3A_2486], %get3A_2478 masked %le3A_2483 {strides = array<i32>} : memref<64xf32, #tpu.memory_space<vmem>>, vector<16xf32>, vector<16xi1>
          %mul3A_2488 = arith.constant 16 : i32
          %mul3A_2489 = arith.muli %add3A_2473, %mul3A_2488 : i32
          %add3A_2490 = vector.broadcast %mul3A_2489 : i32 to vector<16xi32>
          %add3A_2491 = arith.addi %add3A_2490, %iota3A : vector<16xi32>
          %swap3A_2492 = arith.index_cast %min3A_2485 : i32 to index
          %swap3A_2493 = tpu.vector_load %arg15[%swap3A_2492] masked %le3A_2483 {strides = array<i32>} : memref<64xi32, #tpu.memory_space<vmem>>, vector<16xi32>, vector<16xi1>
          tpu.vector_store %arg15[%swap3A_2492], %add3A_2491 masked %le3A_2483 {strides = array<i32>} : memref<64xi32, #tpu.memory_space<vmem>>, vector<16xi32>, vector<16xi1>
          %convert_element_type3A_2494 = arith.extui %le3A_2483 : vector<16xi1> to vector<16xi32>
          %reduce_sum3A_2495 = arith.constant true
          %reduce_sum3A_2496 = vector.broadcast %reduce_sum3A_2495 : i1 to vector<16xi1>
          %reduce_sum3A_2497 = tpu.scan <sum>, %convert_element_type3A_2494 masked %reduce_sum3A_2496 : vector<16xi32>, vector<16xi1> -> vector<16xi32>
          %reduce_sum3A_2498 = vector.extract %reduce_sum3A_2497[15] : i32 from vector<16xi32>
          %add3A_2499 = arith.addi %min3A_2469, %reduce_sum3A_2498 : i32
          %min3A_2500 = arith.constant 48 : i32
          %min3A_2501 = arith.minsi %add3A_2499, %min3A_2500 : i32
          scf.yield %min3A_2501 : i32
        }
        %scan3A_2376 = arith.constant 128 : i32
        %get3A_2377 = arith.constant 0 : index
        %get3A_2378 = tpu.vector_load %arg14[%get3A_2377] {strides = array<i32>} : memref<64xf32, #tpu.memory_space<vmem>>, vector<16xf32>,
        %get3A_2379 = arith.constant 16 : index
        %get3A_2380 = tpu.vector_load %arg14[%get3A_2379] {strides = array<i32>} : memref<64xf32, #tpu.memory_space<vmem>>, vector<16xf32>,
        %get3A_2381 = arith.constant 32 : index
        %get3A_2382 = tpu.vector_load %arg14[%get3A_2381] {strides = array<i32>} : memref<64xf32, #tpu.memory_space<vmem>>, vector<16xf32>,
        %get3A_2383 = arith.constant 0 : index
        %get3A_2384 = tpu.vector_load %arg15[%get3A_2383] {strides = array<i32>} : memref<64xi32, #tpu.memory_space<vmem>>, vector<16xi32>,
        %get3A_2385 = arith.constant 16 : index
        %get3A_2386 = tpu.vector_load %arg15[%get3A_2385] {strides = array<i32>} : memref<64xi32, #tpu.memory_space<vmem>>, vector<16xi32>,
        %get3A_2387 = arith.constant 32 : index
        %get3A_2388 = tpu.vector_load %arg15[%get3A_2387] {strides = array<i32>} : memref<64xi32, #tpu.memory_space<vmem>>, vector<16xi32>,
        %scan3A_2389 = arith.constant 0 : i32
        %scan3A_2390 = arith.constant 16 : i32
        %scan3A_2391 = arith.addi %scan3A_2389, %scan3A_2390 : i32
        %scan3A_2392 = arith.constant 1 : i32
        %scan3A_2393:3 = scf.for %scan3A_2439 = %scan3A_2389 to %scan3A_2391 step %scan3A_2392 iter_args(%scan3A_2440 = %broadcast_in_dim3A_264, %scan3A_2441 = %broadcast_in_dim3A_264, %scan3A_2442 = %broadcast_in_dim3A_264) -> (vector<16xi32>, vector<16xi32>, vector<16xi32>)  : i32 {
          %add3A_2443 = vector.broadcast %scan3A_2439 : i32 to vector<16xi32>
          %add3A_2444 = arith.addi %iota3A, %add3A_2443 : vector<16xi32>
          %and3A_2445 = arith.constant 15 : i32
          %and3A_2446 = vector.broadcast %and3A_2445 : i32 to vector<16xi32>
          %and3A_2447 = arith.andi %add3A_2444, %and3A_2446 : vector<16xi32>
          %broadcast_in_dim3A_2448 = vector.shape_cast %and3A_2447 : vector<16xi32> to vector<16x1xi32>
          %gather3A_2449 = vector.shape_cast %broadcast_in_dim3A_2448 : vector<16x1xi32> to vector<16xi32>
          %gather3A_2450 = tpu.dynamic_gather %get3A_2378[%gather3A_2449] in [0] : vector<16xf32>, vector<16xi32> -> vector<16xf32>
          %broadcast_in_dim3A_2451 = vector.shape_cast %and3A_2447 : vector<16xi32> to vector<16x1xi32>
          %gather3A_2452 = vector.shape_cast %broadcast_in_dim3A_2451 : vector<16x1xi32> to vector<16xi32>
          %gather3A_2453 = tpu.dynamic_gather %get3A_2384[%gather3A_2452] in [0] : vector<16xi32>, vector<16xi32> -> vector<16xi32>
          %broadcast_in_dim3A_2454 = vector.shape_cast %and3A_2447 : vector<16xi32> to vector<16x1xi32>
          %gather3A_2455 = vector.shape_cast %broadcast_in_dim3A_2454 : vector<16x1xi32> to vector<16xi32>
          %gather3A_2456 = tpu.dynamic_gather %get3A_2380[%gather3A_2455] in [0] : vector<16xf32>, vector<16xi32> -> vector<16xf32>
          %broadcast_in_dim3A_2457 = vector.shape_cast %and3A_2447 : vector<16xi32> to vector<16x1xi32>
          %gather3A_2458 = vector.shape_cast %broadcast_in_dim3A_2457 : vector<16x1xi32> to vector<16xi32>
          %gather3A_2459 = tpu.dynamic_gather %get3A_2386[%gather3A_2458] in [0] : vector<16xi32>, vector<16xi32> -> vector<16xi32>
          %broadcast_in_dim3A_2460 = vector.shape_cast %and3A_2447 : vector<16xi32> to vector<16x1xi32>
          %gather3A_2461 = vector.shape_cast %broadcast_in_dim3A_2460 : vector<16x1xi32> to vector<16xi32>
          %gather3A_2462 = tpu.dynamic_gather %get3A_2382[%gather3A_2461] in [0] : vector<16xf32>, vector<16xi32> -> vector<16xf32>
          %broadcast_in_dim3A_2463 = vector.shape_cast %and3A_2447 : vector<16xi32> to vector<16x1xi32>
          %gather3A_2464 = vector.shape_cast %broadcast_in_dim3A_2463 : vector<16x1xi32> to vector<16xi32>
          %gather3A_2465 = tpu.dynamic_gather %get3A_2388[%gather3A_2464] in [0] : vector<16xi32>, vector<16xi32> -> vector<16xi32>
          %lt3A_2466 = arith.cmpf olt, %gather3A_2450, %get3A_2378 : vector<16xf32>
          %eq3A_2467 = arith.cmpf oeq, %gather3A_2450, %get3A_2378 : vector<16xf32>
          %lt3A_2468 = arith.cmpi slt, %gather3A_2453, %get3A_2384 : vector<16xi32>
          %and3A_2469 = arith.andi %eq3A_2467, %lt3A_2468 : vector<16xi1>
          %or3A = arith.ori %lt3A_2466, %and3A_2469 : vector<16xi1>
          %jit3A_2470 = arith.constant 1 : i32
          %jit3A_2471 = arith.constant 0 : i32
          %broadcast_in_dim3A_2472 = vector.broadcast %jit3A_2470 : i32 to vector<16xi32>
          %broadcast_in_dim3A_2473 = vector.broadcast %jit3A_2471 : i32 to vector<16xi32>
          %select_n3A_2474 = arith.select %or3A, %broadcast_in_dim3A_2472, %broadcast_in_dim3A_2473 : vector<16xi1>, vector<16xi32>
          %add3A_2475 = arith.addi %scan3A_2440, %select_n3A_2474 : vector<16xi32>
          %lt3A_2476 = arith.cmpf olt, %gather3A_2456, %get3A_2378 : vector<16xf32>
          %eq3A_2477 = arith.cmpf oeq, %gather3A_2456, %get3A_2378 : vector<16xf32>
          %lt3A_2478 = arith.cmpi slt, %gather3A_2459, %get3A_2384 : vector<16xi32>
          %and3A_2479 = arith.andi %eq3A_2477, %lt3A_2478 : vector<16xi1>
          %or3A_2480 = arith.ori %lt3A_2476, %and3A_2479 : vector<16xi1>
          %jit3A_2481 = arith.constant 1 : i32
          %jit3A_2482 = arith.constant 0 : i32
          %broadcast_in_dim3A_2483 = vector.broadcast %jit3A_2481 : i32 to vector<16xi32>
          %broadcast_in_dim3A_2484 = vector.broadcast %jit3A_2482 : i32 to vector<16xi32>
          %select_n3A_2485 = arith.select %or3A_2480, %broadcast_in_dim3A_2483, %broadcast_in_dim3A_2484 : vector<16xi1>, vector<16xi32>
          %add3A_2486 = arith.addi %add3A_2475, %select_n3A_2485 : vector<16xi32>
          %lt3A_2487 = arith.cmpf olt, %gather3A_2462, %get3A_2378 : vector<16xf32>
          %eq3A_2488 = arith.cmpf oeq, %gather3A_2462, %get3A_2378 : vector<16xf32>
          %lt3A_2489 = arith.cmpi slt, %gather3A_2465, %get3A_2384 : vector<16xi32>
          %and3A_2490 = arith.andi %eq3A_2488, %lt3A_2489 : vector<16xi1>
          %or3A_2491 = arith.ori %lt3A_2487, %and3A_2490 : vector<16xi1>
          %jit3A_2492 = arith.constant 1 : i32
          %jit3A_2493 = arith.constant 0 : i32
          %broadcast_in_dim3A_2494 = vector.broadcast %jit3A_2492 : i32 to vector<16xi32>
          %broadcast_in_dim3A_2495 = vector.broadcast %jit3A_2493 : i32 to vector<16xi32>
          %select_n3A_2496 = arith.select %or3A_2491, %broadcast_in_dim3A_2494, %broadcast_in_dim3A_2495 : vector<16xi1>, vector<16xi32>
          %add3A_2497 = arith.addi %add3A_2486, %select_n3A_2496 : vector<16xi32>
          %lt3A_2498 = arith.cmpf olt, %gather3A_2450, %get3A_2380 : vector<16xf32>
          %eq3A_2499 = arith.cmpf oeq, %gather3A_2450, %get3A_2380 : vector<16xf32>
          %lt3A_2500 = arith.cmpi slt, %gather3A_2453, %get3A_2386 : vector<16xi32>
          %and3A_2501 = arith.andi %eq3A_2499, %lt3A_2500 : vector<16xi1>
          %or3A_2502 = arith.ori %lt3A_2498, %and3A_2501 : vector<16xi1>
          %jit3A_2503 = arith.constant 1 : i32
          %jit3A_2504 = arith.constant 0 : i32
          %broadcast_in_dim3A_2505 = vector.broadcast %jit3A_2503 : i32 to vector<16xi32>
          %broadcast_in_dim3A_2506 = vector.broadcast %jit3A_2504 : i32 to vector<16xi32>
          %select_n3A_2507 = arith.select %or3A_2502, %broadcast_in_dim3A_2505, %broadcast_in_dim3A_2506 : vector<16xi1>, vector<16xi32>
          %add3A_2508 = arith.addi %scan3A_2441, %select_n3A_2507 : vector<16xi32>
          %lt3A_2509 = arith.cmpf olt, %gather3A_2456, %get3A_2380 : vector<16xf32>
          %eq3A_2510 = arith.cmpf oeq, %gather3A_2456, %get3A_2380 : vector<16xf32>
          %lt3A_2511 = arith.cmpi slt, %gather3A_2459, %get3A_2386 : vector<16xi32>
          %and3A_2512 = arith.andi %eq3A_2510, %lt3A_2511 : vector<16xi1>
          %or3A_2513 = arith.ori %lt3A_2509, %and3A_2512 : vector<16xi1>
          %jit3A_2514 = arith.constant 1 : i32
          %jit3A_2515 = arith.constant 0 : i32
          %broadcast_in_dim3A_2516 = vector.broadcast %jit3A_2514 : i32 to vector<16xi32>
          %broadcast_in_dim3A_2517 = vector.broadcast %jit3A_2515 : i32 to vector<16xi32>
          %select_n3A_2518 = arith.select %or3A_2513, %broadcast_in_dim3A_2516, %broadcast_in_dim3A_2517 : vector<16xi1>, vector<16xi32>
          %add3A_2519 = arith.addi %add3A_2508, %select_n3A_2518 : vector<16xi32>
          %lt3A_2520 = arith.cmpf olt, %gather3A_2462, %get3A_2380 : vector<16xf32>
          %eq3A_2521 = arith.cmpf oeq, %gather3A_2462, %get3A_2380 : vector<16xf32>
          %lt3A_2522 = arith.cmpi slt, %gather3A_2465, %get3A_2386 : vector<16xi32>
          %and3A_2523 = arith.andi %eq3A_2521, %lt3A_2522 : vector<16xi1>
          %or3A_2524 = arith.ori %lt3A_2520, %and3A_2523 : vector<16xi1>
          %jit3A_2525 = arith.constant 1 : i32
          %jit3A_2526 = arith.constant 0 : i32
          %broadcast_in_dim3A_2527 = vector.broadcast %jit3A_2525 : i32 to vector<16xi32>
          %broadcast_in_dim3A_2528 = vector.broadcast %jit3A_2526 : i32 to vector<16xi32>
          %select_n3A_2529 = arith.select %or3A_2524, %broadcast_in_dim3A_2527, %broadcast_in_dim3A_2528 : vector<16xi1>, vector<16xi32>
          %add3A_2530 = arith.addi %add3A_2519, %select_n3A_2529 : vector<16xi32>
          %lt3A_2531 = arith.cmpf olt, %gather3A_2450, %get3A_2382 : vector<16xf32>
          %eq3A_2532 = arith.cmpf oeq, %gather3A_2450, %get3A_2382 : vector<16xf32>
          %lt3A_2533 = arith.cmpi slt, %gather3A_2453, %get3A_2388 : vector<16xi32>
          %and3A_2534 = arith.andi %eq3A_2532, %lt3A_2533 : vector<16xi1>
          %or3A_2535 = arith.ori %lt3A_2531, %and3A_2534 : vector<16xi1>
          %jit3A_2536 = arith.constant 1 : i32
          %jit3A_2537 = arith.constant 0 : i32
          %broadcast_in_dim3A_2538 = vector.broadcast %jit3A_2536 : i32 to vector<16xi32>
          %broadcast_in_dim3A_2539 = vector.broadcast %jit3A_2537 : i32 to vector<16xi32>
          %select_n3A_2540 = arith.select %or3A_2535, %broadcast_in_dim3A_2538, %broadcast_in_dim3A_2539 : vector<16xi1>, vector<16xi32>
          %add3A_2541 = arith.addi %scan3A_2442, %select_n3A_2540 : vector<16xi32>
          %lt3A_2542 = arith.cmpf olt, %gather3A_2456, %get3A_2382 : vector<16xf32>
          %eq3A_2543 = arith.cmpf oeq, %gather3A_2456, %get3A_2382 : vector<16xf32>
          %lt3A_2544 = arith.cmpi slt, %gather3A_2459, %get3A_2388 : vector<16xi32>
          %and3A_2545 = arith.andi %eq3A_2543, %lt3A_2544 : vector<16xi1>
          %or3A_2546 = arith.ori %lt3A_2542, %and3A_2545 : vector<16xi1>
          %jit3A_2547 = arith.constant 1 : i32
          %jit3A_2548 = arith.constant 0 : i32
          %broadcast_in_dim3A_2549 = vector.broadcast %jit3A_2547 : i32 to vector<16xi32>
          %broadcast_in_dim3A_2550 = vector.broadcast %jit3A_2548 : i32 to vector<16xi32>
          %select_n3A_2551 = arith.select %or3A_2546, %broadcast_in_dim3A_2549, %broadcast_in_dim3A_2550 : vector<16xi1>, vector<16xi32>
          %add3A_2552 = arith.addi %add3A_2541, %select_n3A_2551 : vector<16xi32>
          %lt3A_2553 = arith.cmpf olt, %gather3A_2462, %get3A_2382 : vector<16xf32>
          %eq3A_2554 = arith.cmpf oeq, %gather3A_2462, %get3A_2382 : vector<16xf32>
          %lt3A_2555 = arith.cmpi slt, %gather3A_2465, %get3A_2388 : vector<16xi32>
          %and3A_2556 = arith.andi %eq3A_2554, %lt3A_2555 : vector<16xi1>
          %or3A_2557 = arith.ori %lt3A_2553, %and3A_2556 : vector<16xi1>
          %jit3A_2558 = arith.constant 1 : i32
          %jit3A_2559 = arith.constant 0 : i32
          %broadcast_in_dim3A_2560 = vector.broadcast %jit3A_2558 : i32 to vector<16xi32>
          %broadcast_in_dim3A_2561 = vector.broadcast %jit3A_2559 : i32 to vector<16xi32>
          %select_n3A_2562 = arith.select %or3A_2557, %broadcast_in_dim3A_2560, %broadcast_in_dim3A_2561 : vector<16xi1>, vector<16xi32>
          %add3A_2563 = arith.addi %add3A_2552, %select_n3A_2562 : vector<16xi32>
          scf.yield %add3A_2497, %add3A_2530, %add3A_2563 : vector<16xi32>, vector<16xi32>, vector<16xi32>
        }
        %scan3A_2394 = arith.constant 16 : i32
        %ge3A_2395 = arith.constant 1 : i32
        %ge3A_2396 = vector.broadcast %ge3A_2395 : i32 to vector<16xi32>
        %ge3A_2397 = arith.cmpi sge, %scan3A_2393#0, %ge3A_2396 : vector<16xi32>
        %le3A = arith.constant 32 : i32
        %le3A_2398 = vector.broadcast %le3A : i32 to vector<16xi32>
        %le3A_2399 = arith.cmpi sle, %scan3A_2393#0, %le3A_2398 : vector<16xi32>
        %and3A_2400 = arith.andi %ge3A_2397, %le3A_2399 : vector<16xi1>
        %sub3A_2401 = arith.constant 1 : i32
        %sub3A_2402 = vector.broadcast %sub3A_2401 : i32 to vector<16xi32>
        %sub3A_2403 = arith.subi %scan3A_2393#0, %sub3A_2402 : vector<16xi32>
        tpu.vector_store_idx %arg16[%sub3A_2403], %get3A_2384 masked %and3A_2400 : memref<64xi32, #tpu.memory_space<vmem>>[vector<16xi32>], vector<16xi32>, vector<16xi1>
        %ge3A_2404 = arith.constant 1 : i32
        %ge3A_2405 = vector.broadcast %ge3A_2404 : i32 to vector<16xi32>
        %ge3A_2406 = arith.cmpi sge, %scan3A_2393#1, %ge3A_2405 : vector<16xi32>
        %le3A_2407 = arith.constant 32 : i32
        %le3A_2408 = vector.broadcast %le3A_2407 : i32 to vector<16xi32>
        %le3A_2409 = arith.cmpi sle, %scan3A_2393#1, %le3A_2408 : vector<16xi32>
        %and3A_2410 = arith.andi %ge3A_2406, %le3A_2409 : vector<16xi1>
        %sub3A_2411 = arith.constant 1 : i32
        %sub3A_2412 = vector.broadcast %sub3A_2411 : i32 to vector<16xi32>
        %sub3A_2413 = arith.subi %scan3A_2393#1, %sub3A_2412 : vector<16xi32>
        tpu.vector_store_idx %arg16[%sub3A_2413], %get3A_2386 masked %and3A_2410 : memref<64xi32, #tpu.memory_space<vmem>>[vector<16xi32>], vector<16xi32>, vector<16xi1>
        %ge3A_2414 = arith.constant 1 : i32
        %ge3A_2415 = vector.broadcast %ge3A_2414 : i32 to vector<16xi32>
        %ge3A_2416 = arith.cmpi sge, %scan3A_2393#2, %ge3A_2415 : vector<16xi32>
        %le3A_2417 = arith.constant 32 : i32
        %le3A_2418 = vector.broadcast %le3A_2417 : i32 to vector<16xi32>
        %le3A_2419 = arith.cmpi sle, %scan3A_2393#2, %le3A_2418 : vector<16xi32>
        %and3A_2420 = arith.andi %ge3A_2416, %le3A_2419 : vector<16xi1>
        %sub3A_2421 = arith.constant 1 : i32
        %sub3A_2422 = vector.broadcast %sub3A_2421 : i32 to vector<16xi32>
        %sub3A_2423 = arith.subi %scan3A_2393#2, %sub3A_2422 : vector<16xi32>
        tpu.vector_store_idx %arg16[%sub3A_2423], %get3A_2388 masked %and3A_2420 : memref<64xi32, #tpu.memory_space<vmem>>[vector<16xi32>], vector<16xi32>, vector<16xi1>
        %get3A_2424 = arith.constant 0 : index
        %get3A_2425 = tpu.vector_load %arg16[%get3A_2424] {strides = array<i32>} : memref<64xi32, #tpu.memory_space<vmem>>, vector<16xi32>,
        %mul3A_2426 = arith.constant 32 : i32
        %mul3A_2427 = arith.muli %add3A_256, %mul3A_2426 : i32
        %swap3A_2428 = arith.index_cast %mul3A_2427 : i32 to index
        %swap3A_2429 = tpu.vector_load %arg17[%swap3A_2428] {strides = array<i32>} : memref<16384xi32, #tpu.memory_space<vmem>>, vector<16xi32>,
        tpu.vector_store %arg17[%swap3A_2428], %get3A_2425 {strides = array<i32>} : memref<16384xi32, #tpu.memory_space<vmem>>, vector<16xi32>,
        %get3A_2430 = arith.constant 16 : index
        %get3A_2431 = tpu.vector_load %arg16[%get3A_2430] {strides = array<i32>} : memref<64xi32, #tpu.memory_space<vmem>>, vector<16xi32>,
        %mul3A_2432 = arith.constant 32 : i32
        %mul3A_2433 = arith.muli %add3A_256, %mul3A_2432 : i32
        %add3A_2434 = arith.constant 16 : i32
        %add3A_2435 = arith.addi %mul3A_2433, %add3A_2434 : i32
        %swap3A_2436 = arith.index_cast %add3A_2435 : i32 to index
        %swap3A_2437 = tpu.vector_load %arg17[%swap3A_2436] {strides = array<i32>} : memref<16384xi32, #tpu.memory_space<vmem>>, vector<16xi32>,
        tpu.vector_store %arg17[%swap3A_2436], %get3A_2431 {strides = array<i32>} : memref<16384xi32, #tpu.memory_space<vmem>>, vector<16xi32>,
        %scan3A_2438 = arith.constant 0 : i32
        scf.yield %scan3A_2438 : i32
      }
      %scan3A_252 = arith.constant 8 : i32
      %scan3A_253 = arith.constant 0 : i32
      scf.yield %scan3A_253 : i32
    }
    %scan3A_73 = arith.constant 64 : i32
    %mul3A_74 = arith.constant 512 : i32
    %mul3A_75 = arith.muli %add3A, %mul3A_74 : i32
    %mul3A_76 = arith.constant 32 : i32
    %mul3A_77 = arith.muli %mul3A_75, %mul3A_76 : i32
    "tpu.region"() ({
      %run_scoped3A = tpu.sem_alloc : memref<!tpu.dma_semaphore, #tpu.memory_space<semaphore_mem>>
      %dma_start3A = tpu.memref_slice %arg4[%mul3A_77] : memref<524288xi32, #tpu.memory_space<hbm>> -> memref<16384xi32, #tpu.memory_space<hbm>>
      %dma_start3A_78 = tpu.memref_slice %arg4[%mul3A_77] : memref<524288xi32, #tpu.memory_space<hbm>> -> memref<16384xi32, #tpu.memory_space<hbm>>
      tpu.enqueue_dma source(%arg17 : memref<16384xi32, #tpu.memory_space<vmem>>) target(%dma_start3A_78 : memref<16384xi32, #tpu.memory_space<hbm>>) target_semaphore(%run_scoped3A : memref<!tpu.dma_semaphore, #tpu.memory_space<semaphore_mem>>)
      %dma_wait3A = tpu.memref_slice %arg4[%mul3A_77] : memref<524288xi32, #tpu.memory_space<hbm>> -> memref<16384xi32, #tpu.memory_space<hbm>>
      %dma_wait3A_79 = tpu.memref_slice %arg4[%mul3A_77] : memref<524288xi32, #tpu.memory_space<hbm>> -> memref<16384xi32, #tpu.memory_space<hbm>>
      tpu.wait_dma2 semaphore(%run_scoped3A : memref<!tpu.dma_semaphore, #tpu.memory_space<semaphore_mem>>) src(%arg17 : memref<16384xi32, #tpu.memory_space<vmem>>) dst(%dma_wait3A_79 : memref<16384xi32, #tpu.memory_space<hbm>>)
      tpu.yield
    }) : () -> ()
    return
  }
}

</mosaic_0001>

<sc_bundles>
// kernel: kernel.3.cloned.1.call-start
scs
__scs_entry_jumppad:
0x0: {  	(pc) =	sbr.rel $0x88, $3  }
0x1: {  	(tag) =	ssettag $0x0;
	lr =	simm.s32 $0x1  }
0x2: {  	[smem:$0x3F9F] =	sst lr;
	_ =	strace $0xD0000000  }
0x3: {  	_ = 	snop  }
0x4: {  	_ = 	snop  }
0x5: {  	_ = 	snop  }
0x6: {  	_ = 	snop  }
0x7: {  	_ = 	snop  }
__scs_overlays_trampoline_lowered:
0x8: {  	[smem:$0x3FAE] =	sst s0  }
0x9: {  	[smem:$0x3FAF] =	sst s1  }
0xa: {  	[smem:$0x3FB0] =	sst s2  }
0xb: {  	[smem:$0x3FB1] =	sst s3  }
0xc: {  	[smem:$0x3FB2] =	sst s4  }
0xd: {  	[smem:$0x3FB3] =	sst s5  }
0xe: {  	[smem:$0x3FB4] =	sst s6  }
0xf: {  	[smem:$0x3FB5] =	sst s7  }
0x10: {  	[smem:$0x3FB6] =	sst s8  }
0x11: {  	[smem:$0x3FB7] =	sst s9;
	s0 =	simm.s32 @!p0 $0x0  }
0x12: {  	s1 =	sld [smem:$0x3F9D];
	s0 =	simm.s32 @p0 $0x1  }
0x13: {  	[smem:$0x3FB8] =	sst s0;
	s0 =	simm.s32 @!p1 $0x0  }
0x14: {  	s2 =	sld [smem:$0x3F9C];
	s0 =	simm.s32 @p1 $0x1  }
0x15: {  	[smem:$0x3FB9] =	sst s0;
	s0 =	simm.s32 @!p2 $0x0  }
0x16: {  	s3 =	sld [smem:$0x3FDB];
	s0 =	simm.s32 @p2 $0x1  }
0x17: {  	s4 =	simm.s32 $0x1BF5;
	[smem:$0x3FBB] =	sst s0  }
0x18: {  	s0 =	sld [smem:$0x3F9E];
	_ =	swait.ge [sflag:s4], $0x0  }
0x19: {  	s7 =	sld [smem:$0x3F9F]  }
0x1a: {  	s8 =	sadd.s32 $0xFFFFE003, lr  }
0x1b: {  	s9 =	sadd.s32 $0xFFFFFEF7, lr;
	s5 =	simm.s32 $0xFFFFFFFF;
	p2 =	slt.u32 s8, $0xFFFFF086  }
0x1c: {  	p1 =	slt.u32 s9, $0xF7A;
	s5 =	simm.s32 @!p2 $0x0  }
0x1d: {  	s5 =	simm.s32 @p1 $0x1;
	p0 =	seq.s32 s7, s2  }
0x1e: {  	s7 =	smul.u32 @!p0 $0xF7A, s2;
	p2 =	seq.s32 @!p0 s5, $0x0  }
0x1f: {  	s9 =	smul.u32 $0xF7A, s1;
	s8 =	simm.s32 @!p0 $0x1BF5;
	p2 =	por !p2, p0  }
0x20: {  	[sflag:s8] =	ssyncset.s32 @!p0 $0xFFFFF086;
	s6 =	sadd.s32 @!p0 s3, s7;
	s7 =	simm.s32 @!p0 $0x108  }
0x21: {  	s3 =	sadd.s32 s3, s9;
	s6 =	sadd.s32 @!p0 $0x88, s6;
	s7 =	simm.s32 @p2 $0x1082  }
0x22: {  	[simem:s7], [sflag:s8] =	dma.local @!p0 [hbm:s6], $0xF7A  }
0x23: {  	s9 =	sor.u32 $0xD0000000, s2;
	s6 =	simm.s32 $0x108;
	_ =	swait.ge @!p0 [sflag:s8], $0x0  }
0x24: {  	s3 =	sadd.s32 $0x88, s3;
	s6 =	simm.s32 @!p1 $0x1082;
	[sflag:s4] =	ssyncset.s32 $0xFFFFF086  }
0x25: {  	[simem:s6], [sflag:s4] =	dma.local [hbm:s3], $0xF7A  }
0x26: {  	[smem:$0x3F9F] =	sst s1;
	(tag) =	ssettag s2;
	_ =	strace s9  }
0x27: {  	s1 =	sld [smem:$0x3FAF]  }
0x28: {  	s2 =	sld [smem:$0x3FB0]  }
0x29: {  	s4 =	sld [smem:$0x3FB2]  }
0x2a: {  	p0 =	seq.s32 s5, $0x0;
	s5 =	sld [smem:$0x3FB3]  }
0x2b: {  	s6 =	sld [smem:$0x3FB4]  }
0x2c: {  	s7 =	sld [smem:$0x3FB5]  }
0x2d: {  	s3 =	simm.s32 $0x108;
	s8 =	sld [smem:$0x3FB6]  }
0x2e: {  	s3 =	simm.s32 @!p0 $0x1082;
	s9 =	sld [smem:$0x3FB7]  }
0x2f: {  	lr =	sadd.s32 s0, s3;
	s0 =	sld [smem:$0x3FAE]  }
0x30: {  	s3 =	sld [smem:$0x3FB1]  }
0x31: {  	[smem:$0x3FBA] =	sst s10  }
0x32: {  	s10 =	sld [smem:$0x3FB8];
	_ =	sdelay $0x3  }
0x33: {  	p0 =	seq.s32 s10, $0x1;
	s10 =	sld [smem:$0x3FBA];
	_ =	sdelay $0x3  }
0x34: {  	[smem:$0x3FBA] =	sst s10  }
0x35: {  	s10 =	sld [smem:$0x3FB9];
	_ =	sdelay $0x3  }
0x36: {  	p1 =	seq.s32 s10, $0x1;
	s10 =	sld [smem:$0x3FBA];
	_ =	sdelay $0x3  }
0x37: {  	[smem:$0x3FBA] =	sst s10  }
0x38: {  	s10 =	sld [smem:$0x3FBB]  }
0x39: {  	_ = 	snop;
	(pc) =	sbr.ind lr, $3  }
0x3a: {  	_ = 	snop  }
0x3b: {  	_ = 	snop  }
0x3c: {  	p2 =	seq.s32 s10, $0x1;
	s10 =	sld [smem:$0x3FBA]  }
0x3d: {  	_ =	shalt  }
0x3e: {  	_ =	shalt  }
0x3f: {  	_ =	shalt  }
0x40: {  	_ =	shalt  }
0x41: {  	_ =	shalt  }
0x42: {  	_ =	shalt  }
0x43: {  	_ =	shalt  }
0x44: {  	_ =	shalt  }
0x45: {  	_ =	shalt  }
0x46: {  	_ =	shalt  }
0x47: {  	_ =	shalt  }
0x48: {  	_ =	shalt  }
0x49: {  	_ =	shalt  }
0x4a: {  	_ =	shalt  }
0x4b: {  	_ =	shalt  }
0x4c: {  	_ =	shalt  }
0x4d: {  	_ =	shalt  }
0x4e: {  	_ =	shalt  }
0x4f: {  	_ =	shalt  }
0x50: {  	_ =	shalt  }
0x51: {  	_ =	shalt  }
0x52: {  	_ =	shalt  }
0x53: {  	_ =	shalt  }
0x54: {  	_ =	shalt  }
0x55: {  	_ =	shalt  }
0x56: {  	_ =	shalt  }
0x57: {  	_ =	shalt  }
0x58: {  	_ =	shalt  }
0x59: {  	_ =	shalt  }
0x5a: {  	_ =	shalt  }
0x5b: {  	_ =	shalt  }
0x5c: {  	_ =	shalt  }
0x5d: {  	_ =	shalt  }
0x5e: {  	_ =	shalt  }
0x5f: {  	_ =	shalt  }
0x60: {  	_ =	shalt  }
0x61: {  	_ =	shalt  }
0x62: {  	_ =	shalt  }
0x63: {  	_ =	shalt  }
0x64: {  	_ =	shalt  }
0x65: {  	_ =	shalt  }
0x66: {  	_ =	shalt  }
0x67: {  	_ =	shalt  }
0x68: {  	_ =	shalt  }
0x69: {  	_ =	shalt  }
0x6a: {  	_ =	shalt  }
0x6b: {  	_ =	shalt  }
0x6c: {  	_ =	shalt  }
0x6d: {  	_ =	shalt  }
0x6e: {  	_ =	shalt  }
0x6f: {  	_ =	shalt  }
0x70: {  	_ =	shalt  }
0x71: {  	_ =	shalt  }
0x72: {  	_ =	shalt  }
0x73: {  	_ =	shalt  }
0x74: {  	_ =	shalt  }
0x75: {  	_ =	shalt  }
0x76: {  	_ =	shalt  }
0x77: {  	_ =	shalt  }
0x78: {  	_ =	shalt  }
0x79: {  	_ =	shalt  }
0x7a: {  	_ =	shalt  }
0x7b: {  	_ =	shalt  }
0x7c: {  	_ =	shalt  }
0x7d: {  	_ =	shalt  }
0x7e: {  	_ =	shalt  }
0x7f: {  	_ =	shalt  }
0x80: {  	_ =	shalt  }
0x81: {  	_ =	shalt  }
0x82: {  	_ =	shalt  }
0x83: {  	_ =	shalt  }
0x84: {  	_ =	shalt  }
0x85: {  	_ =	shalt  }
0x86: {  	_ =	shalt  }
0x87: {  	_ =	shalt  }
.Lfunc_end0:
.L_simem_size_0:
called_computation_lowered:
.L_overlay_start_0:
0x88: {  	s2 =	sld [smem:$0x3FD9]  }
0x89: {  	s3 =	sld [smem:$0x3FFE];
	_ =	sdelay $0x1  }
0x8a: {  	s1 =	srdreg.scid  }
0x8b: {  	s0 =	sand.u32 $0x1, s1  }
0x8c: {  	s17 =	sshll.u32 s0, $0xA;
	s2 =	sadd.s32 s3, s2  }
0x8d: {  	s2 =	sadd.s32 s2, s17  }
0x8e: {  	[smem:$0x3FC6] =	sst s2  }
0x8f: {  	_ = 	snop  }
0x90: {  	s2 =	sld [smem:$0x3FD0];
	(tm) =	ssettm $0x1  }
0x91: {  	s18 =	sld [smem:$0x3FFB];
	_ =	sdelay $0x3  }
0x92: {  	_ =	strace s18  }
0x93: {  	s3 =	sld [smem:$0x3FFC];
	_ =	sdelay $0x3  }
0x94: {  	_ =	strace s3  }
0x95: {  	s3 =	sld [smem:$0x3FFD];
	_ =	sdelay $0x3  }
0x96: {  	_ =	strace s3  }
0x97: {  	_ =	strace $0x8FFFFFFF  }
0x98: {  	s19 =	sld [smem:$0x3FDB];
	_ =	sdelay $0x1  }
0x99: {  	s4 =	simm.s32 $_scs_section_size  }
0x9a: {  	s5 =	simm.s32 $_size__tile_overlayer_lowered;
	s6 =	simm.s32 $_tile_overlayer_lowered  }
0x9b: {  	s22 =	simm.s32 $0x1BFF;
	s21 =	sshll.u32 s6, $0x1;
	s3 =	sadd.s32 s4, s19  }
0x9c: {  	s7 =	simm.s32 $0x0;
	s20 =	sshll.u32 s5, $0x1;
	s5 =	sadd.s32 s21, s3  }
0x9d: {  	[timem:s7], [sflag:s22] =	dma.local [hbm:s5], s20  }
0x9e: {  	_ =	swait.ge [sflag:s22], s20  }
0x9f: {  	s4 =	ssub.s32 $0x0, s20;
	[sflag:s22] =	ssyncset.done $0x0  }
0xa0: {  	[sflag:s22] =	ssyncadd.s32 s4;
	_ =	sdelay $0x1  }
0xa1: {  	s23 =	simm.s32 $0x1B8B  }
0xa2: {  	_ =	swait.ge [sflag:s23], $0x1  }
0xa3: {  	[sflag:s23] =	ssyncset.done $0x0  }
0xa4: {  	s25 =	simm.s32 $0x1B8E;
	s24 =	sld [smem:$0x3FFE];
	[sflag:s23] =	ssyncadd.s32 $0xFFFFFFFF  }
0xa5: {  	s26 =	simm.s32 $execute0_lowered;
	[smem:$0x3FD2] =	sst s25  }
0xa6: {  	s5 =	sshll.u32 s26, $0x1;
	_ =	strace $0x80000046;
	[dreg:$0x1] =	wrdreg $0xFFFFFFFF  }
0xa7: {  	s28 =	simm.s32 $_size_execute0_lowered;
	s3 =	sadd.s32 s3, s5;
	[dreg:$0x0] =	wrdreg $0x0  }
0xa8: {  	s5 =	sshll.u32 s28, $0x1;
	[dreg:$0x2] =	wrdreg s3  }
0xa9: {  	[dreg:$0x3] =	wrdreg s5  }
0xaa: {  	[dreg:$0x4] =	wrdreg $0xC0  }
0xab: {  	_ =	task [dreg:s7], $0x5FFFF  }
0xac: {  	[dreg:$0x1] =	wrdreg $0xFFFFFFFF  }
0xad: {  	[dreg:$0x0] =	wrdreg $0x60  }
0xae: {  	[dreg:$0x2] =	wrdreg s24  }
0xaf: {  	[dreg:$0x3] =	wrdreg s2  }
0xb0: {  	[dreg:$0x4] =	wrdreg $0x9  }
0xb1: {  	_ =	task.clear_ibuf [dreg:s7], $0x5FFFF;
	_ =	strace $0x90000046  }
0xb2: {  	s29 =	simm.s32 $0x9;
	_ =	strace $0x80000048  }
0xb3: {  	_ =	swait.ge [sflag:s29], $0x1  }
0xb4: {  	[sflag:s29] =	ssyncadd.s32 $0xFFFFFFFF  }
0xb5: {  	_ =	strace $0x90000048  }
0xb6: {  	_ =	sfence  }
0xb7: {  	s30 =	sld [smem:$0x0];
	_ =	sdelay $0x2  }
0xb8: {  	s31 =	sshll.u32 s1, $0xD;
	s1 =	sshrl.u32 s1, $0x2  }
0xb9: {  	s3 =	sand.u32 $0x4000, s31;
	s1 =	sadd.s32 s1, s30  }
0xba: {  	s0 =	sor.u32 s3, s0;
	s1 =	sshll.u32 s1, $0x11  }
0xbb: {  	s0 =	sor.u32 s1, s0  }
0xbc: {  	s0 =	sadd.s32 $0x8F2B, s0  }
0xbd: {  	[sflag:s0] =	ssyncadd.remote.s32 $0x1  }
0xbe: {  	_ =	sfence.sel $0xFFFF  }
0xbf: {  	[dreg:$0x0] =	wrdreg $0xFFFFFFFF;
	(pc) =	sbr.abs _section_cstart, $3  }
0xc0: {  	[dreg:$0x1] =	wrdreg $0xFFFFFFFF  }
0xc1: {  	_ =	task.clear_ibuf [dreg:s7], $0x2FFFF;
	_ =	strace $0x9FFFFFFF  }
0xc2: {  	(tm) =	ssettm $0x7FFFFFFF  }
0xc3: {  	_ =	shalt  }
tec
execute0_lowered:
.L_overlay_start_1:
0x0: {  	(tag) =	ssettag $0x1  }
0x1: {  	s3 =	rddreg [dreg:$0x0]  }
0x2: {  	s7 =	rddreg [dreg:$0x1]  }
0x3: {  	s0 =	rddreg [dreg:$0x2]  }
0x4: {  	s1 =	stileid.u32;
	s2 =	simm.s32 $0x0;
	s5 =	srdreg.scid  }
0x5: {  	s12 =	simm.s32 $0x7400;
	s13 =	simm.s32 $0xFE00;
	s14 =	simm.s32 $0x14800  }
0x6: {  	s15 =	simm.s32 $0x14880;
	s16 =	simm.s32 $0x0;
	s4 =	sshrl.u32 s1, $0x2  }
0x7: {  	s5 =	sand.u32 $0x1, s5;
	s6 =	sshll.u32 s1, $0x1;
	[smem:$0x7FF] =	sst s2  }
0x8: {  	s10 =	sadd.s32 $0x1C00, s3;
	s4 =	smul.u32 $0x3000, s4;
	s6 =	sor.u32 s5, s6  }
0x9: {  	_ =	strace $0x80000047;
	s5 =	ssub.s32 $0x2, s5;
	s9 =	sshll.u32 s6, $0x9  }
0xa: {  	s28 =	sshrl.u32 s5, $0x1;
	s31 =	sshll.u32 s6, $0xB;
	s8 =	sshrl.u32 s4, $0x3  }
0xb: {  	v0 =	vlaneseq.u32;
	s9 =	sand.u32 $0xE00, s9;
	s11 =	ssub.s32 s5, s28;
	s8 =	sadd.s32 s8, s3  }
0xc: {  	vm0 =	vmmov $0x1;
	v11 =	vimm.s32 $0x0;
	v1 =	vmul.u32 $0x90, v0;
	s7 =	sadd.s32 s7, s31;
	s9 =	sor.u32 s4, s9;
	s3 =	sadd.s32 $0x400, s8  }
0xd: {  	v2 =	vimm.s32 $0x0;
	v11 =	vsel vm0, $0xFFFFFFFF, v11;
	s4 =	sshrl.u32 s9, $0x3;
	s29 =	sadd.s32 $0x1000, s9;
	s30 =	sadd.s32 $0x2000, s9  }
0xe: {  	v3 =	vimm.s32 $0x1;
	[tilespmem:$0x1FFF0] =	vst v11;
	v11 =	vimm.f32 $+Inf;
	v4 =	vadd.s32 $0x900, v1;
	s9 =	simm.s32 $0x1;
	s5 =	sshrl.u32 s29, $0x3;
	s8 =	sshrl.u32 s30, $0x3  }
0xf: {  	v5 =	vadd.s32 $0x1200, v1;
	v6 =	vadd.s32 $0x1B00, v1;
	v7 =	vadd.s32 $0x2400, v1;
	s4 =	sadd.s32 s10, s4;
	s5 =	sadd.s32 s10, s5;
	s6 =	sadd.s32 s10, s8  }
0x10: {  	v8 =	vadd.s32 $0x2D00, v1;
	v9 =	vadd.s32 $0x3600, v1;
	v10 =	vadd.s32 $0x3F00, v1;
	s8 =	smax.u32 s11, $0x1;
	s10 =	simm.s32 $0x7000;
	s11 =	simm.s32 $0x7200  }
.LBB2_1:
0x11: {  	[tilespmem:s2], [sflag:$0x1] =	stream.linear.gather [hbm4b:s3+s2], $0x3000, $0x38;
	[tilespmem:$0x18880] =	vst v63  }
0x12: {  	_ =	swait.ge [sflag:s9], $0x3000  }
0x13: {  	[sflag:s9] =	ssyncset.done $0x0  }
0x14: {  	[sflag:s9] =	ssyncadd.s32 $0xFFFFD000  }
0x15: {  	[tilespmem:s10], [sflag:$0x1] =	stream.linear.gather [hbm4b:s4+s2], $0x200, $0x38;
	[tilespmem:$0x18880] =	vst v63  }
0x16: {  	_ =	swait.ge [sflag:s9], $0x200  }
0x17: {  	[sflag:s9] =	ssyncset.done $0x0  }
0x18: {  	[sflag:s9] =	ssyncadd.s32 $0xFFFFFE00  }
0x19: {  	[tilespmem:s11], [sflag:$0x1] =	stream.linear.gather [hbm4b:s5+s2], $0x200, $0x38;
	[tilespmem:$0x18880] =	vst v63  }
0x1a: {  	_ =	swait.ge [sflag:s9], $0x200  }
0x1b: {  	[sflag:s9] =	ssyncset.done $0x0  }
0x1c: {  	[sflag:s9] =	ssyncadd.s32 $0xFFFFFE00  }
0x1d: {  	[tilespmem:s12], [sflag:$0x1] =	stream.linear.gather [hbm4b:s6+s2], $0x200, $0x38;
	[tilespmem:$0x18880] =	vst v63  }
0x1e: {  	_ =	swait.ge [sflag:s9], $0x200  }
0x1f: {  	[sflag:s9] =	ssyncset.done $0x0  }
0x20: {  	s18 =	simm.s32 $0x0;
	[sflag:s9] =	ssyncadd.s32 $0xFFFFFE00  }
0x21: {  	v12 =	vld [tilespmem:s18+$0x2000]  }
0x22: {  	v13 =	vld [tilespmem:s18+$0x0]  }
0x23: {  	v14 =	vld [tilespmem:s18+$0x1000];
	_ =	sdelay $0x3  }
0x24: {  	v15 =	vmul.f32 v12, v12;
	v16 =	vshrl.u32 v12, $0x10;
	v17 =	vmul.f32 v13, v13  }
0x25: {  	s17 =	simm.s32 $0x10;
	v18 =	vshrl.u32 v13, $0x10;
	v19 =	vshrl.u32 v14, $0x10;
	v16 =	vand.u32 $0x1, v16  }
0x26: {  	v20 =	vld [tilespmem:s17+$0x2000];
	v18 =	vand.u32 $0x1, v18;
	v19 =	vand.u32 $0x1, v19;
	v12 =	vadd.s32 v16, v12  }
0x27: {  	v16 =	vmul.f32 v14, v14;
	v13 =	vadd.s32 v18, v13;
	v18 =	vadd.s32 v19, v14;
	v14 =	vld [tilespmem:s17+$0x1000]  }
0x28: {  	v21 =	vadd.s32 $0x7FFF, v12;
	v12 =	vld [tilespmem:s17+$0x0];
	v13 =	vadd.s32 $0x7FFF, v13  }
0x29: {  	v18 =	vadd.s32 $0x7FFF, v18;
	v19 =	vand.u32 $0xFFFF0000, v21;
	v16 =	vadd.f32 v16, v17  }
0x2a: {  	v13 =	vand.u32 $0xFFFF0000, v13;
	v17 =	vand.u32 $0xFFFF0000, v18;
	v19 =	vmul.f32 $-2.000000000e+00, v19  }
0x2b: {  	v18 =	vmul.f32 $-2.000000000e+00, v13;
	v63 =	vmul.f32 $-2.000000000e+00, v17  }
0x2c: {  	v13 =	vmul.f32 v20, v20;
	v17 =	vshrl.u32 v20, $0x10;
	v16 =	vadd.f32 v15, v16;
	[tilespmem:s18+$0x5000] =	vst v19  }
0x2d: {  	v22 =	vand.u32 $0x1, v17;
	[tilespmem:s18+$0x3000] =	vst v18;
	v18 =	vshrl.u32 v14, $0x10;
	v19 =	vshrl.u32 v12, $0x10  }
0x2e: {  	s19 =	simm.s32 $0x20;
	s20 =	simm.s32 $0xC0;
	[tilespmem:s18+$0x4000] =	vst v63;
	v15 =	vmul.f32 v12, v12;
	v17 =	vand.u32 $0x1, v19;
	v19 =	vadd.s32 v22, v20  }
.LBB2_2:
0x2f: {  	p0 =	sne.s32 s20, $0x3FC0;
	v20 =	vld [tilespmem:s19+$0x2000];
	v21 =	vmul.f32 v14, v14;
	v18 =	vand.u32 $0x1, v18;
	v19 =	vadd.s32 $0x7FFF, v19;
	[tilespmem:s18+$0x6000] =	vst v16;
	s18 =	smov.u32 s17;
	s17 =	smov.u32 s19  }
0x30: {  	v16 =	vadd.s32 v17, v12;
	v12 =	vld [tilespmem:s17+$0x0];
	v17 =	vadd.s32 v18, v14;
	v18 =	vand.u32 $0xFFFF0000, v19  }
0x31: {  	v16 =	vadd.s32 $0x7FFF, v16;
	v14 =	vld [tilespmem:s17+$0x1000];
	v17 =	vadd.s32 $0x7FFF, v17;
	v18 =	vmul.f32 $-2.000000000e+00, v18  }
.Ltmp0:
0x32: {  	v15 =	vadd.f32 v21, v15;
	v16 =	vand.u32 $0xFFFF0000, v16;
	v17 =	vand.u32 $0xFFFF0000, v17;
	(pc) =	sbr.rel @p0 .LBB2_2-.Ltmp0, $4  }
0x33: {  	v19 =	vmul.f32 $-2.000000000e+00, v16;
	v21 =	vmul.f32 $-2.000000000e+00, v17;
	[tilespmem:s18+$0x5000] =	vst v18  }
0x34: {  	v16 =	vadd.f32 v13, v15;
	v17 =	vshrl.u32 v20, $0x10;
	v13 =	vmul.f32 v20, v20  }
0x35: {  	v15 =	vmul.f32 v12, v12;
	v18 =	vshrl.u32 v12, $0x10;
	v22 =	vand.u32 $0x1, v17;
	[tilespmem:s18+$0x3000] =	vst v19  }
0x36: {  	s19 =	sshra.s32 s20, $0x2;
	s20 =	sadd.s32 $0x40, s20;
	v17 =	vand.u32 $0x1, v18;
	v18 =	vshrl.u32 v14, $0x10;
	v19 =	vadd.s32 v22, v20;
	[tilespmem:s18+$0x4000] =	vst v21  }
0x37: {  	v20 =	vld [tilespmem:s19+$0x2000];
	[tilespmem:s18+$0x6000] =	vst v16;
	v51 =	vmul.f32 v14, v14;
	v18 =	vand.u32 $0x1, v18;
	v19 =	vadd.s32 $0x7FFF, v19  }
0x38: {  	v12 =	vadd.s32 v17, v12;
	v21 =	vld [tilespmem:s19+$0x0];
	v52 =	vadd.s32 v18, v14;
	v53 =	vand.u32 $0xFFFF0000, v19  }
0x39: {  	v54 =	vld [tilespmem:s19+$0x1000];
	v12 =	vadd.s32 $0x7FFF, v12;
	v14 =	vadd.s32 $0x7FFF, v52;
	v17 =	vmul.f32 $-2.000000000e+00, v53  }
0x3a: {  	v15 =	vadd.f32 v51, v15;
	v12 =	vand.u32 $0xFFFF0000, v12;
	v14 =	vand.u32 $0xFFFF0000, v14  }
0x3b: {  	v12 =	vmul.f32 $-2.000000000e+00, v12;
	v14 =	vmul.f32 $-2.000000000e+00, v14  }
0x3c: {  	v13 =	vadd.f32 v13, v15;
	v55 =	vshrl.u32 v20, $0x10;
	v57 =	vmul.f32 v20, v20  }
0x3d: {  	v56 =	vshrl.u32 v21, $0x10;
	v16 =	vand.u32 $0x1, v55;
	v58 =	vmul.f32 v21, v21  }
0x3e: {  	v60 =	vmul.f32 v54, v54;
	v15 =	vand.u32 $0x1, v56;
	v16 =	vadd.s32 v16, v20  }
0x3f: {  	[tilespmem:s17+$0x5000] =	vst v17;
	v59 =	vshrl.u32 v54, $0x10;
	v15 =	vadd.s32 v15, v21;
	v16 =	vadd.s32 $0x7FFF, v16  }
0x40: {  	[tilespmem:s17+$0x3000] =	vst v12;
	v21 =	vand.u32 $0x1, v59;
	v63 =	vadd.f32 v60, v58;
	v16 =	vand.u32 $0xFFFF0000, v16  }
0x41: {  	p0 =	por $0x1, $0x1;
	[tilespmem:s17+$0x4000] =	vst v14;
	v61 =	vadd.s32 v21, v54;
	v15 =	vadd.s32 $0x7FFF, v15;
	v62 =	vmul.f32 $-2.000000000e+00, v16  }
.Ltmp1:
0x42: {  	[tilespmem:s17+$0x6000] =	vst v13;
	v12 =	vadd.s32 $0x7FFF, v61;
	v15 =	vand.u32 $0xFFFF0000, v15;
	v13 =	vadd.f32 v57, v63;
	(pc) =	sbr.rel @!p0 .LBB2_5-.Ltmp1, $4  }
0x43: {  	v12 =	vand.u32 $0xFFFF0000, v12;
	v15 =	vmul.f32 $-2.000000000e+00, v15;
	[tilespmem:s19+$0x5000] =	vst v62  }
0x44: {  	v12 =	vmul.f32 $-2.000000000e+00, v12;
	[tilespmem:s19+$0x6000] =	vst v13  }
0x45: {  	[tilespmem:s19+$0x3000] =	vst v15  }
0x46: {  	s18 =	simm.s32 $0x0;
	s17 =	simm.s32 $0x40;
	[tilespmem:s19+$0x4000] =	vst v12  }
.LBB2_4:
0x47: {  	p0 =	sne.s32 s17, $0x11FC0;
	[tilespmem:s18+$0xFE00] =	vst v2;
	s18 =	smov.u32 s17;
	s17 =	sadd.s32 $0x40, s17  }
.Ltmp2:
0x48: {  	(pc) =	sbr.rel @p0 .LBB2_4-.Ltmp2, $2  }
0x49: {  	_ =	sdelay $0x2  }
0x4a: {  	s18 =	sshra.s32 s18, $0x2  }
.LBB2_5:
0x4b: {  	p2 =	por $0x1, $0x1  }
.Ltmp3:
0x4c: {  	_ = 	snop;
	(pc) =	sbr.rel @!p2 .LBB2_6-.Ltmp3, $3  }
0x4d: {  	_ =	sdelay $0x1  }
0x4e: {  	[tilespmem:s18+$0xFE00] =	vst v2;
	s17 =	simm.s32 $0x0  }
0x4f: {  	p0 =	por $0x0, $0x0;
	p1 =	por $0x0, $0x0;
	v12 =	vld [tilespmem:s17+$0x7000]  }
0x50: {  	v14 =	vld [tilespmem:s17+$0x7200]  }
0x51: {  	p2 =	por $0x1, $0x1  }
.Ltmp4:
0x52: {  	s19 =	simm.s32 $0x10;
	(pc) =	sbr.rel @!p2 .LBB2_8-.Ltmp4, $3  }
0x53: {  	v13 =	vld [tilespmem:s19+$0x7000];
	_ =	sdelay $0x1  }
0x54: {  	v16 =	vshrl.u32 v12, $0x10;
	v15 =	vmul.f32 v12, v12;
	v19 =	vshrl.u32 v14, $0x10  }
0x55: {  	v18 =	vld [tilespmem:s17+$0x7400];
	p0 =	por $0x1, $0x1;
	v17 =	vmul.f32 v14, v14;
	v20 =	vand.u32 $0x1, v16;
	v21 =	vand.u32 $0x1, v19  }
0x56: {  	_ =	sdelay $0x2  }
0x57: {  	v19 =	vld [tilespmem:s19+$0x7200];
	v12 =	vadd.s32 v20, v12  }
0x58: {  	v15 =	vadd.f32 v17, v15;
	v12 =	vadd.s32 $0x7FFF, v12;
	v16 =	vmul.f32 v18, v18  }
0x59: {  	p2 =	por $0x1, $0x1;
	v12 =	vand.u32 $0xFFFF0000, v12;
	v17 =	vshrl.u32 v18, $0x10  }
.Ltmp5:
0x5a: {  	v17 =	vand.u32 $0x1, v17;
	v15 =	vadd.f32 v16, v15;
	v16 =	vadd.s32 v21, v14;
	v14 =	vld [tilespmem:s19+$0x7400];
	(pc) =	sbr.rel @!p2 .LBB2_10-.Ltmp5, $4  }
0x5b: {  	v17 =	vadd.s32 v17, v18;
	v18 =	vshrl.u32 v13, $0x10;
	v16 =	vadd.s32 $0x7FFF, v16  }
0x5c: {  	v21 =	vshrl.u32 v19, $0x10;
	[tilespmem:s17+$0x7C00] =	vst v15;
	v15 =	vadd.s32 $0x7FFF, v17;
	v22 =	vand.u32 $0xFFFF0000, v16  }
0x5d: {  	s18 =	simm.s32 $0x20;
	[tilespmem:s17+$0x7600] =	vst v12;
	v17 =	vmul.f32 v19, v19;
	v16 =	vand.u32 $0xFFFF0000, v15;
	v15 =	vmul.f32 v13, v13  }
0x5e: {  	s20 =	simm.s32 $0xC0;
	p1 =	por $0x1, $0x1;
	v20 =	vand.u32 $0x1, v18;
	v21 =	vand.u32 $0x1, v21;
	v12 =	vld [tilespmem:s18+$0x7000];
	[tilespmem:s17+$0x7800] =	vst v22  }
.LBB2_11:
0x5f: {  	p2 =	sne.s32 s20, $0x7C0;
	v18 =	vld [tilespmem:s18+$0x7200];
	v15 =	vadd.f32 v17, v15;
	v17 =	vmul.f32 v14, v14;
	v22 =	vshrl.u32 v14, $0x10;
	[tilespmem:s17+$0x7A00] =	vst v16;
	s17 =	smov.u32 s19;
	s19 =	smov.u32 s18  }
0x60: {  	v13 =	vadd.s32 v20, v13;
	v16 =	vadd.s32 v21, v19;
	v19 =	vand.u32 $0x1, v22  }
.Ltmp6:
0x61: {  	v24 =	vadd.s32 $0x7FFF, v13;
	v15 =	vadd.f32 v17, v15;
	v17 =	vadd.s32 v19, v14;
	v14 =	vld [tilespmem:s19+$0x7400];
	(pc) =	sbr.rel @p2 .LBB2_11-.Ltmp6, $4  }
0x62: {  	v21 =	vadd.s32 $0x7FFF, v16;
	v23 =	vand.u32 $0xFFFF0000, v24;
	v16 =	vadd.s32 $0x7FFF, v17  }
0x63: {  	v22 =	vand.u32 $0xFFFF0000, v21;
	v20 =	vshrl.u32 v12, $0x10;
	[tilespmem:s17+$0x7C00] =	vst v15;
	v16 =	vand.u32 $0xFFFF0000, v16;
	v13 =	vmovc v12  }
0x64: {  	s18 =	sshra.s32 s20, $0x2;
	v15 =	vmul.f32 v12, v13;
	v17 =	vmul.f32 v18, v18;
	v21 =	vshrl.u32 v18, $0x10;
	[tilespmem:s17+$0x7600] =	vst v23;
	v19 =	vmovc v18  }
0x65: {  	s20 =	sadd.s32 $0x40, s20;
	v20 =	vand.u32 $0x1, v20;
	v12 =	vld [tilespmem:s18+$0x7000];
	v21 =	vand.u32 $0x1, v21;
	[tilespmem:s17+$0x7800] =	vst v22  }
0x66: {  	s20 =	smov.u32 s17;
	v18 =	vmov v14;
	s17 =	smov.u32 s19;
	v22 =	vmov v13;
	v14 =	vmov v19  }
.LBB2_13:
0x67: {  	v13 =	vld [tilespmem:s18+$0x7200];
	v15 =	vadd.f32 @p0 v17, v15;
	v17 =	vmul.f32 @p0 v18, v18;
	[tilespmem:s20+$0x7A00] =	vst @p1 v16;
	v16 =	vshrl.u32 @p0 v18, $0x10  }
0x68: {  	v19 =	vadd.s32 @p0 v20, v22;
	v14 =	vadd.s32 @p0 v21, v14;
	v16 =	vand.u32 @p0 $0x1, v16  }
0x69: {  	v53 =	vld [tilespmem:s18+$0x7400];
	v14 =	vadd.s32 @p0 $0x7FFF, v14;
	v15 =	vadd.f32 @p0 v17, v15;
	v17 =	vadd.s32 @p0 $0x7FFF, v19  }
0x6a: {  	v16 =	vadd.s32 @p0 v16, v18;
	v14 =	vand.u32 @p0 $0xFFFF0000, v14;
	v17 =	vand.u32 @p0 $0xFFFF0000, v17  }
0x6b: {  	v16 =	vadd.s32 @p0 $0x7FFF, v16;
	v54 =	vmul.f32 v12, v12;
	v56 =	vshrl.u32 v12, $0x10  }
0x6c: {  	v16 =	vand.u32 @p0 $0xFFFF0000, v16;
	v59 =	vand.u32 $0x1, v56;
	v55 =	vmul.f32 v13, v13  }
0x6d: {  	[tilespmem:s17+$0x7800] =	vst @p0 v14;
	v57 =	vshrl.u32 v13, $0x10;
	v16 =	vpsel p0, v16, v0;
	v61 =	vadd.s32 v59, v12  }
0x6e: {  	[tilespmem:s17+$0x7C00] =	vst @p0 v15;
	v58 =	vmul.f32 v53, v53;
	v15 =	vand.u32 $0x1, v57;
	v60 =	vshrl.u32 v53, $0x10  }
0x6f: {  	[tilespmem:s17+$0x7600] =	vst @p0 v17;
	s17 =	smov.u32 @p0 s17;
	v12 =	vadd.s32 $0x7FFF, v61;
	v18 =	vadd.f32 v55, v54;
	v13 =	vadd.s32 v15, v13  }
0x70: {  	[tilespmem:s17+$0x7A00] =	vst @p0 v16;
	v14 =	vand.u32 $0x1, v60;
	v12 =	vand.u32 $0xFFFF0000, v12;
	v13 =	vadd.s32 $0x7FFF, v13  }
0x71: {  	v14 =	vadd.s32 v14, v53;
	[tilespmem:s18+$0x7600] =	vst v12;
	v62 =	vadd.f32 v58, v18;
	v13 =	vand.u32 $0xFFFF0000, v13  }
0x72: {  	v14 =	vadd.s32 $0x7FFF, v14;
	[tilespmem:s18+$0x7800] =	vst v13  }
0x73: {  	v63 =	vand.u32 $0xFFFF0000, v14;
	[tilespmem:s18+$0x7C00] =	vst v62  }
0x74: {  	s17 =	simm.s32 $0x0;
	[tilespmem:s18+$0x7A00] =	vst v63  }
.LBB2_14:
0x75: {  	s18 =	sshll.u32 s17, $0x3  }
0x76: {  	s19 =	sand.u32 $0x1F0, s18  }
0x77: {  	v40 =	vld [tilespmem:s19+$0x7600]  }
0x78: {  	v41 =	vld [tilespmem:s19+$0x7800]  }
0x79: {  	v42 =	vld [tilespmem:s19+$0x7A00]  }
0x7a: {  	v43 =	vld [tilespmem:s19+$0x7C00];
	_ =	sdelay $0x1  }
0x7b: {  	s25 =	sand.u32 $0x8, s18  }
0x7c: {  	v15 =	vmov s25  }
0x7d: {  	s20 =	sor.u32 $0x1, s25;
	v12 =	vperm.xlane v40, v15;
	v13 =	vperm.xlane v41, v15  }
0x7e: {  	v19 =	vmov s20;
	v14 =	vperm.xlane v42, v15;
	v15 =	vperm.xlane v43, v15  }
0x7f: {  	s26 =	sor.u32 $0x2, s25;
	v16 =	vperm.xlane v40, v19;
	v17 =	vperm.xlane v41, v19  }
0x80: {  	v23 =	vmov s26;
	v18 =	vperm.xlane v42, v19;
	v19 =	vperm.xlane v43, v19  }
0x81: {  	s28 =	sor.u32 $0x3, s25;
	v20 =	vperm.xlane v40, v23;
	v21 =	vperm.xlane v41, v23  }
0x82: {  	v27 =	vmov s28;
	v22 =	vperm.xlane v42, v23;
	v23 =	vperm.xlane v43, v23  }
0x83: {  	s29 =	sor.u32 $0x4, s25;
	v24 =	vperm.xlane v40, v27;
	v25 =	vperm.xlane v41, v27  }
0x84: {  	v31 =	vmov s29;
	v26 =	vperm.xlane v42, v27;
	v27 =	vperm.xlane v43, v27  }
0x85: {  	s30 =	sor.u32 $0x5, s25;
	v28 =	vperm.xlane v40, v31;
	v29 =	vperm.xlane v41, v31  }
0x86: {  	v35 =	vmov s30;
	v30 =	vperm.xlane v42, v31;
	v31 =	vperm.xlane v43, v31  }
0x87: {  	s31 =	sor.u32 $0x6, s25;
	v32 =	vperm.xlane v40, v35;
	v33 =	vperm.xlane v41, v35  }
0x88: {  	v39 =	vmov s31;
	v34 =	vperm.xlane v42, v35;
	v35 =	vperm.xlane v43, v35  }
0x89: {  	s19 =	sor.u32 $0x7, s25;
	v36 =	vperm.xlane v40, v39;
	v37 =	vperm.xlane v41, v39  }
0x8a: {  	v44 =	vmov s19;
	v38 =	vperm.xlane v42, v39;
	v39 =	vperm.xlane v43, v39  }
0x8b: {  	v40 =	vperm.xlane v40, v44;
	v41 =	vperm.xlane v41, v44  }
0x8c: {  	s19 =	simm.s32 $0x0;
	s20 =	simm.s32 $0x0;
	v42 =	vperm.xlane v42, v44;
	v43 =	vperm.xlane v43, v44  }
.LBB2_15:
0x8d: {  	s21 =	sshra.s32 s20, $0x2  }
0x8e: {  	v44 =	vld [tilespmem:s21+$0x3000]  }
0x8f: {  	v45 =	vld [tilespmem:s21+$0x4000]  }
0x90: {  	v46 =	vld [tilespmem:s21+$0x5000]  }
0x91: {  	v47 =	vld [tilespmem:s21+$0x6000];
	_ =	sdelay $0x2  }
0x92: {  	v48 =	vmul.f32 v44, v12  }
0x93: {  	v49 =	vmul.f32 v45, v13;
	v63 =	vmul.f32 v46, v14  }
0x94: {  	v50 =	vmul.f32 v44, v16;
	v51 =	vmul.f32 v45, v17;
	v54 =	vadd.f32 v47, v15  }
0x95: {  	v57 =	vadd.f32 v47, v19;
	v58 =	vmul.f32 v44, v20;
	v52 =	vmul.f32 v45, v21  }
0x96: {  	v55 =	vmul.f32 v46, v18;
	v48 =	vadd.f32 v49, v48;
	v50 =	vadd.f32 v51, v50  }
0x97: {  	v59 =	vmul.f32 v46, v22;
	v60 =	vmul.f32 v44, v24;
	v51 =	vadd.f32 v52, v58  }
0x98: {  	v62 =	vmul.f32 v46, v26;
	v48 =	vadd.f32 v63, v48;
	v56 =	vadd.f32 v55, v50  }
0x99: {  	v50 =	vadd.f32 v59, v51;
	v63 =	vadd.f32 v47, v23;
	v55 =	vmul.f32 v44, v28  }
0x9a: {  	v59 =	vadd.f32 v47, v27;
	v48 =	vadd.f32 v48, v54;
	v54 =	vmul.f32 v45, v25  }
0x9b: {  	v49 =	vadd.f32 v56, v57;
	v56 =	vmul.f32 v45, v29;
	v50 =	vadd.f32 v50, v63  }
0x9c: {  	v63 =	vmul.f32 v45, v33;
	v48 =	vmax.f32 v48, $0.0e+00;
	v61 =	vadd.f32 v54, v60  }
0x9d: {  	v49 =	vmax.f32 v49, $0.0e+00;
	v60 =	vadd.f32 v56, v55;
	v50 =	vmax.f32 v50, $0.0e+00  }
0x9e: {  	v53 =	vshrl.u32 v48, $0x17;
	v57 =	vshrl.u32 v49, $0x17;
	v51 =	vadd.f32 v62, v61  }
0x9f: {  	v58 =	vshrl.u32 v50, $0x17;
	v53 =	vadd.s32 v1, v53;
	v61 =	vmul.f32 v46, v30  }
0xa0: {  	v62 =	vmul.f32 v44, v32;
	v57 =	vadd.s32 v4, v57;
	v51 =	vadd.f32 v51, v59  }
0xa1: {  	v54 =	vadd.f32 v61, v60;
	v60 =	vadd.f32 v47, v31;
	v61 =	vmul.f32 v46, v34  }
0xa2: {  	v52 =	vadd.f32 v63, v62;
	v62 =	vmul.f32 v44, v36;
	v63 =	vmul.f32 v45, v37  }
0xa3: {  	v58 =	vadd.s32 v5, v58;
	v44 =	vmul.f32 v44, v40;
	v45 =	vmul.f32 v45, v41  }
0xa4: {  	v51 =	vmax.f32 v51, $0.0e+00;
	v54 =	vadd.f32 v54, v60;
	v52 =	vadd.f32 v61, v52  }
0xa5: {  	v55 =	vadd.f32 v63, v62;
	v60 =	vmul.f32 v46, v38;
	v61 =	vadd.f32 v47, v35  }
0xa6: {  	[tilespmem:s21+$0x7E00] =	vst v48;
	v63 =	vadd.f32 v47, v39;
	v44 =	vadd.f32 v45, v44;
	v59 =	vshrl.u32 v51, $0x17  }
0xa7: {  	[tilespmem:v53+s13+$0x0] =	vst.idx.add.s32.msk $0xffff, v3;
	v59 =	vadd.s32 v6, v59;
	v54 =	vmax.f32 v54, $0.0e+00;
	v55 =	vadd.f32 v60, v55  }
0xa8: {  	[tilespmem:s21+$0x8E00] =	vst v49;
	v48 =	vadd.f32 v52, v61;
	v60 =	vmul.f32 v46, v42;
	v62 =	vshrl.u32 v54, $0x17  }
0xa9: {  	[tilespmem:v57+s13+$0x0] =	vst.idx.add.s32.msk $0xffff, v3;
	v61 =	vadd.s32 v7, v62;
	v62 =	vadd.f32 v55, v63  }
0xaa: {  	[tilespmem:s21+$0x9E00] =	vst v50;
	v48 =	vmax.f32 v48, $0.0e+00;
	v44 =	vadd.f32 v60, v44;
	v63 =	vadd.f32 v47, v43  }
0xab: {  	s22 =	sand.u32 $0xFE0, s19;
	[tilespmem:v58+s13+$0x0] =	vst.idx.add.s32.msk $0xffff, v3;
	v52 =	vshrl.u32 v48, $0x17  }
0xac: {  	[tilespmem:s22+$0xAE00] =	vst v51;
	v47 =	vadd.s32 v8, v52;
	v49 =	vmax.f32 v62, $0.0e+00;
	v44 =	vadd.f32 v44, v63  }
0xad: {  	[tilespmem:v59+s13+$0x0] =	vst.idx.add.s32.msk $0xffff, v3;
	v53 =	vshrl.u32 v49, $0x17  }
0xae: {  	[tilespmem:s22+$0xBE00] =	vst v54;
	v45 =	vadd.s32 v9, v53;
	v44 =	vmax.f32 v44, $0.0e+00  }
0xaf: {  	[tilespmem:v61+s13+$0x0] =	vst.idx.add.s32.msk $0xffff, v3;
	v54 =	vshrl.u32 v44, $0x17  }
0xb0: {  	[tilespmem:s22+$0xCE00] =	vst v48;
	v46 =	vadd.s32 v10, v54  }
0xb1: {  	[tilespmem:v47+s13+$0x0] =	vst.idx.add.s32.msk $0xffff, v3  }
0xb2: {  	[tilespmem:s22+$0xDE00] =	vst v49  }
0xb3: {  	[tilespmem:v45+s13+$0x0] =	vst.idx.add.s32.msk $0xffff, v3  }
0xb4: {  	[tilespmem:s22+$0xEE00] =	vst v44  }
0xb5: {  	[tilespmem:v46+s13+$0x0] =	vst.idx.add.s32.msk $0xffff, v3  }
0xb6: {  	v44 =	vld [tilespmem:s21+$0x3010]  }
0xb7: {  	v45 =	vld [tilespmem:s21+$0x4010];
	_ =	sdelay $0x1  }
0xb8: {  	v46 =	vld [tilespmem:s21+$0x5010]  }
0xb9: {  	v47 =	vld [tilespmem:s21+$0x6010];
	_ =	sdelay $0x1  }
0xba: {  	v55 =	vmul.f32 v44, v12;
	v56 =	vmul.f32 v45, v13  }
0xbb: {  	v58 =	vmul.f32 v44, v16;
	v59 =	vmul.f32 v45, v17  }
0xbc: {  	v57 =	vmul.f32 v46, v14;
	v48 =	vadd.f32 v56, v55  }
0xbd: {  	v60 =	vadd.f32 v47, v15;
	v61 =	vmul.f32 v46, v18;
	v50 =	vadd.f32 v59, v58  }
0xbe: {  	v63 =	vadd.f32 v47, v19;
	v56 =	vmul.f32 v44, v20;
	v48 =	vadd.f32 v57, v48  }
0xbf: {  	v58 =	vmul.f32 v46, v22;
	v62 =	vadd.f32 v61, v50;
	v57 =	vmul.f32 v45, v21  }
0xc0: {  	v59 =	vmul.f32 v44, v24;
	v61 =	vadd.f32 v47, v23;
	v48 =	vadd.f32 v48, v60  }
0xc1: {  	v49 =	vadd.f32 v62, v63;
	v51 =	vadd.f32 v57, v56;
	v60 =	vmul.f32 v45, v25  }
0xc2: {  	v62 =	vmul.f32 v46, v26;
	v63 =	vmul.f32 v44, v28;
	v48 =	vmax.f32 v48, $0.0e+00  }
0xc3: {  	v49 =	vmax.f32 v49, $0.0e+00;
	v51 =	vadd.f32 v58, v51;
	v53 =	vadd.f32 v60, v59  }
0xc4: {  	v60 =	vmul.f32 v45, v29;
	v50 =	vshrl.u32 v48, $0x17;
	v57 =	vshrl.u32 v49, $0x17  }
0xc5: {  	v50 =	vadd.s32 v1, v50;
	v51 =	vadd.f32 v51, v61;
	v52 =	vadd.f32 v62, v53  }
0xc6: {  	v53 =	vadd.f32 v60, v63;
	v61 =	vmul.f32 v46, v30;
	v62 =	vadd.f32 v47, v27  }
0xc7: {  	v63 =	vmul.f32 v44, v32;
	v60 =	vmul.f32 v45, v33;
	v57 =	vadd.s32 v4, v57  }
0xc8: {  	v51 =	vmax.f32 v51, $0.0e+00;
	v53 =	vadd.f32 v61, v53;
	v61 =	vadd.f32 v47, v31  }
0xc9: {  	v52 =	vadd.f32 v52, v62;
	v62 =	vadd.f32 v60, v63;
	v63 =	vmul.f32 v46, v34  }
0xca: {  	v60 =	vmul.f32 v44, v36;
	v44 =	vmul.f32 v44, v40;
	v53 =	vadd.f32 v53, v61  }
0xcb: {  	v61 =	vmul.f32 v45, v37;
	v55 =	vadd.f32 v63, v62;
	v62 =	vshrl.u32 v51, $0x17  }
0xcc: {  	[tilespmem:s21+$0x7E10] =	vst v48;
	v63 =	vmul.f32 v46, v38;
	v48 =	vmax.f32 v52, $0.0e+00;
	v45 =	vmul.f32 v45, v41  }
0xcd: {  	v46 =	vmul.f32 v46, v42;
	v56 =	vadd.s32 v5, v62;
	v62 =	vadd.f32 v47, v35  }
0xce: {  	v54 =	vadd.f32 v61, v60;
	v60 =	vshrl.u32 v48, $0x17;
	v44 =	vadd.f32 v45, v44  }
0xcf: {  	[tilespmem:v50+s13+$0x0] =	vst.idx.add.s32.msk $0xffff, v3;
	v53 =	vmax.f32 v53, $0.0e+00;
	v58 =	vadd.f32 v55, v62;
	v50 =	vadd.s32 v6, v60  }
0xd0: {  	[tilespmem:s21+$0x8E10] =	vst v49;
	v59 =	vshrl.u32 v53, $0x17;
	v61 =	vadd.f32 v63, v54;
	v63 =	vadd.f32 v47, v39  }
0xd1: {  	[tilespmem:v57+s13+$0x0] =	vst.idx.add.s32.msk $0xffff, v3;
	v44 =	vadd.f32 v46, v44;
	v46 =	vadd.s32 v7, v59  }
0xd2: {  	[tilespmem:s21+$0x9E10] =	vst v51;
	v47 =	vadd.f32 v47, v43;
	v49 =	vmax.f32 v58, $0.0e+00;
	v45 =	vadd.f32 v61, v63  }
0xd3: {  	[tilespmem:v56+s13+$0x0] =	vst.idx.add.s32.msk $0xffff, v3;
	v60 =	vshrl.u32 v49, $0x17  }
0xd4: {  	v44 =	vadd.f32 v44, v47;
	[tilespmem:s21+$0xAE10] =	vst v48;
	v61 =	vadd.s32 v8, v60;
	v45 =	vmax.f32 v45, $0.0e+00  }
0xd5: {  	[tilespmem:v50+s13+$0x0] =	vst.idx.add.s32.msk $0xffff, v3;
	v62 =	vshrl.u32 v45, $0x17  }
0xd6: {  	v44 =	vmax.f32 v44, $0.0e+00;
	[tilespmem:s21+$0xBE10] =	vst v53;
	v48 =	vadd.s32 v9, v62  }
0xd7: {  	v63 =	vshrl.u32 v44, $0x17;
	[tilespmem:v46+s13+$0x0] =	vst.idx.add.s32.msk $0xffff, v3  }
0xd8: {  	p0 =	sne.s32 s20, $0x3F80;
	v46 =	vadd.s32 v10, v63;
	[tilespmem:s21+$0xCE10] =	vst v49  }
.Ltmp7:
0xd9: {  	[tilespmem:v61+s13+$0x0] =	vst.idx.add.s32.msk $0xffff, v3;
	(pc) =	sbr.rel @p0 .LBB2_15-.Ltmp7, $4  }
0xda: {  	[tilespmem:s21+$0xDE10] =	vst v45  }
0xdb: {  	[tilespmem:v48+s13+$0x0] =	vst.idx.add.s32.msk $0xffff, v3  }
0xdc: {  	[tilespmem:s21+$0xEE10] =	vst v44  }
0xdd: {  	s19 =	sadd.s32 $0x20, s19;
	s20 =	sadd.s32 $0x80, s20;
	[tilespmem:v46+s13+$0x0] =	vst.idx.add.s32.msk $0xffff, v3  }
0xde: {  	s19 =	simm.s32 $0x0  }
.LBB2_17:
0xdf: {  	s20 =	smul.u32 $0x900, s19;
	_ =	sdelay $0x1  }
0xe0: {  	v12 =	vld [tilespmem:s20+$0xFE00]  }
0xe1: {  	v13 =	vld [tilespmem:s20+$0xFE90]  }
0xe2: {  	v14 =	vld [tilespmem:s20+$0xFF20]  }
0xe3: {  	v15 =	vld [tilespmem:s20+$0xFFB0]  }
0xe4: {  	v16 =	vld [tilespmem:s20+$0x10040]  }
0xe5: {  	[tilespmem:s20+$0xFE00] =	vst v2;
	v17 =	vld [tilespmem:s20+$0x100D0]  }
0xe6: {  	[tilespmem:s20+$0xFE90] =	vst v2;
	v32 =	vld [tilespmem:s20+$0x10160];
	v12 =	vadd.s32 v12, v13  }
0xe7: {  	[tilespmem:s20+$0xFF20] =	vst v2;
	v33 =	vld [tilespmem:s20+$0x101F0];
	v12 =	vadd.s32 v14, v12  }
0xe8: {  	[tilespmem:s20+$0xFFB0] =	vst v2;
	v34 =	vld [tilespmem:s20+$0x10280];
	v12 =	vadd.s32 v15, v12  }
0xe9: {  	[tilespmem:s20+$0x10040] =	vst v2;
	v35 =	vld [tilespmem:s20+$0x10310];
	v12 =	vadd.s32 v16, v12  }
0xea: {  	[tilespmem:s20+$0x100D0] =	vst v2;
	v36 =	vld [tilespmem:s20+$0x103A0];
	v12 =	vadd.s32 v17, v12  }
0xeb: {  	[tilespmem:s20+$0x10160] =	vst v2;
	v37 =	vld [tilespmem:s20+$0x10430];
	v12 =	vadd.s32 v32, v12  }
0xec: {  	[tilespmem:s20+$0x101F0] =	vst v2;
	v38 =	vld [tilespmem:s20+$0x104C0];
	v12 =	vadd.s32 v33, v12  }
0xed: {  	[tilespmem:s20+$0x10280] =	vst v2;
	v39 =	vld [tilespmem:s20+$0x10550];
	v12 =	vadd.s32 v34, v12  }
0xee: {  	[tilespmem:s20+$0x10310] =	vst v2;
	v40 =	vld [tilespmem:s20+$0x105E0];
	v12 =	vadd.s32 v35, v12  }
0xef: {  	[tilespmem:s20+$0x103A0] =	vst v2;
	v41 =	vld [tilespmem:s20+$0x10670];
	v12 =	vadd.s32 v36, v12  }
0xf0: {  	[tilespmem:s20+$0x10430] =	vst v2;
	v12 =	vadd.s32 v37, v12  }
0xf1: {  	[tilespmem:s20+$0x104C0] =	vst v2;
	v12 =	vadd.s32 v38, v12  }
0xf2: {  	[tilespmem:s20+$0x10550] =	vst v2;
	v12 =	vadd.s32 v39, v12  }
0xf3: {  	[tilespmem:s20+$0x105E0] =	vst v2;
	v12 =	vadd.s32 v40, v12  }
0xf4: {  	[tilespmem:s20+$0x10670] =	vst v2;
	v12 =	vadd.s32 v41, v12  }
0xf5: {  	[tilespmem:$0x14600] =	vst v12  }
0xf6: {  	v12 =	vld [tilespmem:s20+$0xFE10]  }
0xf7: {  	v42 =	vld [tilespmem:s20+$0xFEA0]  }
0xf8: {  	v43 =	vld [tilespmem:s20+$0xFF30]  }
0xf9: {  	v44 =	vld [tilespmem:s20+$0xFFC0]  }
0xfa: {  	v45 =	vld [tilespmem:s20+$0x10050]  }
0xfb: {  	[tilespmem:s20+$0xFE10] =	vst v2;
	v46 =	vld [tilespmem:s20+$0x100E0]  }
0xfc: {  	[tilespmem:s20+$0xFEA0] =	vst v2;
	v47 =	vld [tilespmem:s20+$0x10170];
	v12 =	vadd.s32 v12, v42  }
0xfd: {  	[tilespmem:s20+$0xFF30] =	vst v2;
	v48 =	vld [tilespmem:s20+$0x10200];
	v12 =	vadd.s32 v43, v12  }
0xfe: {  	[tilespmem:s20+$0xFFC0] =	vst v2;
	v49 =	vld [tilespmem:s20+$0x10290];
	v12 =	vadd.s32 v44, v12  }
0xff: {  	[tilespmem:s20+$0x10050] =	vst v2;
	v50 =	vld [tilespmem:s20+$0x10320];
	v12 =	vadd.s32 v45, v12  }
0x100: {  	[tilespmem:s20+$0x100E0] =	vst v2;
	v51 =	vld [tilespmem:s20+$0x103B0];
	v12 =	vadd.s32 v46, v12  }
0x101: {  	[tilespmem:s20+$0x10170] =	vst v2;
	v52 =	vld [tilespmem:s20+$0x10440];
	v12 =	vadd.s32 v47, v12  }
0x102: {  	[tilespmem:s20+$0x10200] =	vst v2;
	v53 =	vld [tilespmem:s20+$0x104D0];
	v12 =	vadd.s32 v48, v12  }
0x103: {  	[tilespmem:s20+$0x10290] =	vst v2;
	v54 =	vld [tilespmem:s20+$0x10560];
	v12 =	vadd.s32 v49, v12  }
0x104: {  	[tilespmem:s20+$0x10320] =	vst v2;
	v55 =	vld [tilespmem:s20+$0x105F0];
	v12 =	vadd.s32 v50, v12  }
0x105: {  	[tilespmem:s20+$0x103B0] =	vst v2;
	v56 =	vld [tilespmem:s20+$0x10680];
	v12 =	vadd.s32 v51, v12  }
0x106: {  	[tilespmem:s20+$0x10440] =	vst v2;
	v12 =	vadd.s32 v52, v12  }
0x107: {  	[tilespmem:s20+$0x104D0] =	vst v2;
	v12 =	vadd.s32 v53, v12  }
0x108: {  	[tilespmem:s20+$0x10560] =	vst v2;
	v12 =	vadd.s32 v54, v12  }
0x109: {  	[tilespmem:s20+$0x105F0] =	vst v2;
	v12 =	vadd.s32 v55, v12  }
0x10a: {  	[tilespmem:s20+$0x10680] =	vst v2;
	v12 =	vadd.s32 v56, v12  }
0x10b: {  	[tilespmem:$0x14610] =	vst v12  }
0x10c: {  	v12 =	vld [tilespmem:s20+$0xFE20]  }
0x10d: {  	v57 =	vld [tilespmem:s20+$0xFEB0]  }
0x10e: {  	v58 =	vld [tilespmem:s20+$0xFF40]  }
0x10f: {  	v59 =	vld [tilespmem:s20+$0xFFD0]  }
0x110: {  	v60 =	vld [tilespmem:s20+$0x10060]  }
0x111: {  	[tilespmem:s20+$0xFE20] =	vst v2;
	v61 =	vld [tilespmem:s20+$0x100F0]  }
0x112: {  	[tilespmem:s20+$0xFEB0] =	vst v2;
	v62 =	vld [tilespmem:s20+$0x10180];
	v12 =	vadd.s32 v12, v57  }
0x113: {  	[tilespmem:s20+$0xFF40] =	vst v2;
	v63 =	vld [tilespmem:s20+$0x10210];
	v12 =	vadd.s32 v58, v12  }
0x114: {  	[tilespmem:s20+$0xFFD0] =	vst v2;
	v20 =	vld [tilespmem:s20+$0x102A0];
	v12 =	vadd.s32 v59, v12  }
0x115: {  	[tilespmem:s20+$0x10060] =	vst v2;
	v21 =	vld [tilespmem:s20+$0x10330];
	v12 =	vadd.s32 v60, v12  }
0x116: {  	[tilespmem:s20+$0x100F0] =	vst v2;
	v22 =	vld [tilespmem:s20+$0x103C0];
	v12 =	vadd.s32 v61, v12  }
0x117: {  	[tilespmem:s20+$0x10180] =	vst v2;
	v23 =	vld [tilespmem:s20+$0x10450];
	v12 =	vadd.s32 v62, v12  }
0x118: {  	[tilespmem:s20+$0x10210] =	vst v2;
	v24 =	vld [tilespmem:s20+$0x104E0];
	v12 =	vadd.s32 v63, v12  }
0x119: {  	[tilespmem:s20+$0x102A0] =	vst v2;
	v25 =	vld [tilespmem:s20+$0x10570];
	v12 =	vadd.s32 v20, v12  }
0x11a: {  	[tilespmem:s20+$0x10330] =	vst v2;
	v26 =	vld [tilespmem:s20+$0x10600];
	v12 =	vadd.s32 v21, v12  }
0x11b: {  	[tilespmem:s20+$0x103C0] =	vst v2;
	v27 =	vld [tilespmem:s20+$0x10690];
	v12 =	vadd.s32 v22, v12  }
0x11c: {  	[tilespmem:s20+$0x10450] =	vst v2;
	v12 =	vadd.s32 v23, v12  }
0x11d: {  	[tilespmem:s20+$0x104E0] =	vst v2;
	v12 =	vadd.s32 v24, v12  }
0x11e: {  	[tilespmem:s20+$0x10570] =	vst v2;
	v12 =	vadd.s32 v25, v12  }
0x11f: {  	[tilespmem:s20+$0x10600] =	vst v2;
	v12 =	vadd.s32 v26, v12  }
0x120: {  	[tilespmem:s20+$0x10690] =	vst v2;
	v12 =	vadd.s32 v27, v12  }
0x121: {  	[tilespmem:$0x14620] =	vst v12  }
0x122: {  	v12 =	vld [tilespmem:s20+$0xFE30]  }
0x123: {  	v28 =	vld [tilespmem:s20+$0xFEC0]  }
0x124: {  	v29 =	vld [tilespmem:s20+$0xFF50]  }
0x125: {  	v30 =	vld [tilespmem:s20+$0xFFE0]  }
0x126: {  	v31 =	vld [tilespmem:s20+$0x10070]  }
0x127: {  	[tilespmem:s20+$0xFE30] =	vst v2;
	v32 =	vld [tilespmem:s20+$0x10100]  }
0x128: {  	[tilespmem:s20+$0xFEC0] =	vst v2;
	v33 =	vld [tilespmem:s20+$0x10190];
	v12 =	vadd.s32 v12, v28  }
0x129: {  	[tilespmem:s20+$0xFF50] =	vst v2;
	v34 =	vld [tilespmem:s20+$0x10220];
	v12 =	vadd.s32 v29, v12  }
0x12a: {  	[tilespmem:s20+$0xFFE0] =	vst v2;
	v35 =	vld [tilespmem:s20+$0x102B0];
	v12 =	vadd.s32 v30, v12  }
0x12b: {  	[tilespmem:s20+$0x10070] =	vst v2;
	v36 =	vld [tilespmem:s20+$0x10340];
	v12 =	vadd.s32 v31, v12  }
0x12c: {  	[tilespmem:s20+$0x10100] =	vst v2;
	v37 =	vld [tilespmem:s20+$0x103D0];
	v12 =	vadd.s32 v32, v12  }
0x12d: {  	[tilespmem:s20+$0x10190] =	vst v2;
	v38 =	vld [tilespmem:s20+$0x10460];
	v12 =	vadd.s32 v33, v12  }
0x12e: {  	[tilespmem:s20+$0x10220] =	vst v2;
	v39 =	vld [tilespmem:s20+$0x104F0];
	v12 =	vadd.s32 v34, v12  }
0x12f: {  	[tilespmem:s20+$0x102B0] =	vst v2;
	v40 =	vld [tilespmem:s20+$0x10580];
	v12 =	vadd.s32 v35, v12  }
0x130: {  	[tilespmem:s20+$0x10340] =	vst v2;
	v41 =	vld [tilespmem:s20+$0x10610];
	v12 =	vadd.s32 v36, v12  }
0x131: {  	[tilespmem:s20+$0x103D0] =	vst v2;
	v42 =	vld [tilespmem:s20+$0x106A0];
	v12 =	vadd.s32 v37, v12  }
0x132: {  	[tilespmem:s20+$0x10460] =	vst v2;
	v12 =	vadd.s32 v38, v12  }
0x133: {  	[tilespmem:s20+$0x104F0] =	vst v2;
	v12 =	vadd.s32 v39, v12  }
0x134: {  	[tilespmem:s20+$0x10580] =	vst v2;
	v12 =	vadd.s32 v40, v12  }
0x135: {  	[tilespmem:s20+$0x10610] =	vst v2;
	v12 =	vadd.s32 v41, v12  }
0x136: {  	[tilespmem:s20+$0x106A0] =	vst v2;
	v12 =	vadd.s32 v42, v12  }
0x137: {  	[tilespmem:$0x14630] =	vst v12  }
0x138: {  	v12 =	vld [tilespmem:s20+$0xFE40]  }
0x139: {  	v43 =	vld [tilespmem:s20+$0xFED0]  }
0x13a: {  	v44 =	vld [tilespmem:s20+$0xFF60]  }
0x13b: {  	v45 =	vld [tilespmem:s20+$0xFFF0]  }
0x13c: {  	v46 =	vld [tilespmem:s20+$0x10080]  }
0x13d: {  	[tilespmem:s20+$0xFE40] =	vst v2;
	v47 =	vld [tilespmem:s20+$0x10110]  }
0x13e: {  	[tilespmem:s20+$0xFED0] =	vst v2;
	v48 =	vld [tilespmem:s20+$0x101A0];
	v12 =	vadd.s32 v12, v43  }
0x13f: {  	[tilespmem:s20+$0xFF60] =	vst v2;
	v49 =	vld [tilespmem:s20+$0x10230];
	v12 =	vadd.s32 v44, v12  }
0x140: {  	[tilespmem:s20+$0xFFF0] =	vst v2;
	v50 =	vld [tilespmem:s20+$0x102C0];
	v12 =	vadd.s32 v45, v12  }
0x141: {  	[tilespmem:s20+$0x10080] =	vst v2;
	v51 =	vld [tilespmem:s20+$0x10350];
	v12 =	vadd.s32 v46, v12  }
0x142: {  	[tilespmem:s20+$0x10110] =	vst v2;
	v52 =	vld [tilespmem:s20+$0x103E0];
	v12 =	vadd.s32 v47, v12  }
0x143: {  	[tilespmem:s20+$0x101A0] =	vst v2;
	v53 =	vld [tilespmem:s20+$0x10470];
	v12 =	vadd.s32 v48, v12  }
0x144: {  	[tilespmem:s20+$0x10230] =	vst v2;
	v54 =	vld [tilespmem:s20+$0x10500];
	v12 =	vadd.s32 v49, v12  }
0x145: {  	[tilespmem:s20+$0x102C0] =	vst v2;
	v55 =	vld [tilespmem:s20+$0x10590];
	v12 =	vadd.s32 v50, v12  }
0x146: {  	[tilespmem:s20+$0x10350] =	vst v2;
	v56 =	vld [tilespmem:s20+$0x10620];
	v12 =	vadd.s32 v51, v12  }
0x147: {  	[tilespmem:s20+$0x103E0] =	vst v2;
	v57 =	vld [tilespmem:s20+$0x106B0];
	v12 =	vadd.s32 v52, v12  }
0x148: {  	[tilespmem:s20+$0x10470] =	vst v2;
	v12 =	vadd.s32 v53, v12  }
0x149: {  	[tilespmem:s20+$0x10500] =	vst v2;
	v12 =	vadd.s32 v54, v12  }
0x14a: {  	[tilespmem:s20+$0x10590] =	vst v2;
	v12 =	vadd.s32 v55, v12  }
0x14b: {  	[tilespmem:s20+$0x10620] =	vst v2;
	v12 =	vadd.s32 v56, v12  }
0x14c: {  	[tilespmem:s20+$0x106B0] =	vst v2;
	v12 =	vadd.s32 v57, v12  }
0x14d: {  	[tilespmem:$0x14640] =	vst v12  }
0x14e: {  	v12 =	vld [tilespmem:s20+$0xFE50]  }
0x14f: {  	v58 =	vld [tilespmem:s20+$0xFEE0]  }
0x150: {  	v59 =	vld [tilespmem:s20+$0xFF70]  }
0x151: {  	v60 =	vld [tilespmem:s20+$0x10000]  }
0x152: {  	v61 =	vld [tilespmem:s20+$0x10090]  }
0x153: {  	[tilespmem:s20+$0xFE50] =	vst v2;
	v62 =	vld [tilespmem:s20+$0x10120]  }
0x154: {  	[tilespmem:s20+$0xFEE0] =	vst v2;
	v63 =	vld [tilespmem:s20+$0x101B0];
	v12 =	vadd.s32 v12, v58  }
0x155: {  	[tilespmem:s20+$0xFF70] =	vst v2;
	v20 =	vld [tilespmem:s20+$0x10240];
	v12 =	vadd.s32 v59, v12  }
0x156: {  	[tilespmem:s20+$0x10000] =	vst v2;
	v21 =	vld [tilespmem:s20+$0x102D0];
	v12 =	vadd.s32 v60, v12  }
0x157: {  	[tilespmem:s20+$0x10090] =	vst v2;
	v22 =	vld [tilespmem:s20+$0x10360];
	v12 =	vadd.s32 v61, v12  }
0x158: {  	[tilespmem:s20+$0x10120] =	vst v2;
	v23 =	vld [tilespmem:s20+$0x103F0];
	v12 =	vadd.s32 v62, v12  }
0x159: {  	[tilespmem:s20+$0x101B0] =	vst v2;
	v24 =	vld [tilespmem:s20+$0x10480];
	v12 =	vadd.s32 v63, v12  }
0x15a: {  	[tilespmem:s20+$0x10240] =	vst v2;
	v25 =	vld [tilespmem:s20+$0x10510];
	v12 =	vadd.s32 v20, v12  }
0x15b: {  	[tilespmem:s20+$0x102D0] =	vst v2;
	v26 =	vld [tilespmem:s20+$0x105A0];
	v12 =	vadd.s32 v21, v12  }
0x15c: {  	[tilespmem:s20+$0x10360] =	vst v2;
	v27 =	vld [tilespmem:s20+$0x10630];
	v12 =	vadd.s32 v22, v12  }
0x15d: {  	[tilespmem:s20+$0x103F0] =	vst v2;
	v28 =	vld [tilespmem:s20+$0x106C0];
	v12 =	vadd.s32 v23, v12  }
0x15e: {  	[tilespmem:s20+$0x10480] =	vst v2;
	v12 =	vadd.s32 v24, v12  }
0x15f: {  	[tilespmem:s20+$0x10510] =	vst v2;
	v12 =	vadd.s32 v25, v12  }
0x160: {  	[tilespmem:s20+$0x105A0] =	vst v2;
	v12 =	vadd.s32 v26, v12  }
0x161: {  	[tilespmem:s20+$0x10630] =	vst v2;
	v12 =	vadd.s32 v27, v12  }
0x162: {  	[tilespmem:s20+$0x106C0] =	vst v2;
	v12 =	vadd.s32 v28, v12  }
0x163: {  	[tilespmem:$0x14650] =	vst v12  }
0x164: {  	v12 =	vld [tilespmem:s20+$0xFE60]  }
0x165: {  	v29 =	vld [tilespmem:s20+$0xFEF0]  }
0x166: {  	v30 =	vld [tilespmem:s20+$0xFF80]  }
0x167: {  	v31 =	vld [tilespmem:s20+$0x10010]  }
0x168: {  	v32 =	vld [tilespmem:s20+$0x100A0]  }
0x169: {  	[tilespmem:s20+$0xFE60] =	vst v2;
	v33 =	vld [tilespmem:s20+$0x10130]  }
0x16a: {  	[tilespmem:s20+$0xFEF0] =	vst v2;
	v34 =	vld [tilespmem:s20+$0x101C0];
	v12 =	vadd.s32 v12, v29  }
0x16b: {  	[tilespmem:s20+$0xFF80] =	vst v2;
	v35 =	vld [tilespmem:s20+$0x10250];
	v12 =	vadd.s32 v30, v12  }
0x16c: {  	[tilespmem:s20+$0x10010] =	vst v2;
	v36 =	vld [tilespmem:s20+$0x102E0];
	v12 =	vadd.s32 v31, v12  }
0x16d: {  	[tilespmem:s20+$0x100A0] =	vst v2;
	v37 =	vld [tilespmem:s20+$0x10370];
	v12 =	vadd.s32 v32, v12  }
0x16e: {  	[tilespmem:s20+$0x10130] =	vst v2;
	v38 =	vld [tilespmem:s20+$0x10400];
	v12 =	vadd.s32 v33, v12  }
0x16f: {  	[tilespmem:s20+$0x101C0] =	vst v2;
	v39 =	vld [tilespmem:s20+$0x10490];
	v12 =	vadd.s32 v34, v12  }
0x170: {  	[tilespmem:s20+$0x10250] =	vst v2;
	v40 =	vld [tilespmem:s20+$0x10520];
	v12 =	vadd.s32 v35, v12  }
0x171: {  	[tilespmem:s20+$0x102E0] =	vst v2;
	v41 =	vld [tilespmem:s20+$0x105B0];
	v12 =	vadd.s32 v36, v12  }
0x172: {  	[tilespmem:s20+$0x10370] =	vst v2;
	v42 =	vld [tilespmem:s20+$0x10640];
	v12 =	vadd.s32 v37, v12  }
0x173: {  	[tilespmem:s20+$0x10400] =	vst v2;
	v43 =	vld [tilespmem:s20+$0x106D0];
	v12 =	vadd.s32 v38, v12  }
0x174: {  	[tilespmem:s20+$0x10490] =	vst v2;
	v12 =	vadd.s32 v39, v12  }
0x175: {  	[tilespmem:s20+$0x10520] =	vst v2;
	v12 =	vadd.s32 v40, v12  }
0x176: {  	[tilespmem:s20+$0x105B0] =	vst v2;
	v12 =	vadd.s32 v41, v12  }
0x177: {  	[tilespmem:s20+$0x10640] =	vst v2;
	v12 =	vadd.s32 v42, v12  }
0x178: {  	[tilespmem:s20+$0x106D0] =	vst v2;
	v12 =	vadd.s32 v43, v12  }
0x179: {  	[tilespmem:$0x14660] =	vst v12  }
0x17a: {  	v12 =	vld [tilespmem:s20+$0xFE70]  }
0x17b: {  	v44 =	vld [tilespmem:s20+$0xFF00]  }
0x17c: {  	v45 =	vld [tilespmem:s20+$0xFF90]  }
0x17d: {  	v46 =	vld [tilespmem:s20+$0x10020]  }
0x17e: {  	v47 =	vld [tilespmem:s20+$0x100B0]  }
0x17f: {  	[tilespmem:s20+$0xFE70] =	vst v2;
	v48 =	vld [tilespmem:s20+$0x10140]  }
0x180: {  	[tilespmem:s20+$0xFF00] =	vst v2;
	v49 =	vld [tilespmem:s20+$0x101D0];
	v12 =	vadd.s32 v12, v44  }
0x181: {  	[tilespmem:s20+$0xFF90] =	vst v2;
	v50 =	vld [tilespmem:s20+$0x10260];
	v12 =	vadd.s32 v45, v12  }
0x182: {  	[tilespmem:s20+$0x10020] =	vst v2;
	v51 =	vld [tilespmem:s20+$0x102F0];
	v12 =	vadd.s32 v46, v12  }
0x183: {  	[tilespmem:s20+$0x100B0] =	vst v2;
	v52 =	vld [tilespmem:s20+$0x10380];
	v12 =	vadd.s32 v47, v12  }
0x184: {  	[tilespmem:s20+$0x10140] =	vst v2;
	v53 =	vld [tilespmem:s20+$0x10410];
	v12 =	vadd.s32 v48, v12  }
0x185: {  	[tilespmem:s20+$0x101D0] =	vst v2;
	v54 =	vld [tilespmem:s20+$0x104A0];
	v12 =	vadd.s32 v49, v12  }
0x186: {  	[tilespmem:s20+$0x10260] =	vst v2;
	v55 =	vld [tilespmem:s20+$0x10530];
	v12 =	vadd.s32 v50, v12  }
0x187: {  	[tilespmem:s20+$0x102F0] =	vst v2;
	v56 =	vld [tilespmem:s20+$0x105C0];
	v12 =	vadd.s32 v51, v12  }
0x188: {  	[tilespmem:s20+$0x10380] =	vst v2;
	v57 =	vld [tilespmem:s20+$0x10650];
	v12 =	vadd.s32 v52, v12  }
0x189: {  	[tilespmem:s20+$0x10410] =	vst v2;
	v58 =	vld [tilespmem:s20+$0x106E0];
	v12 =	vadd.s32 v53, v12  }
0x18a: {  	[tilespmem:s20+$0x104A0] =	vst v2;
	v12 =	vadd.s32 v54, v12  }
0x18b: {  	[tilespmem:s20+$0x10530] =	vst v2;
	v12 =	vadd.s32 v55, v12  }
0x18c: {  	[tilespmem:s20+$0x105C0] =	vst v2;
	v12 =	vadd.s32 v56, v12  }
0x18d: {  	[tilespmem:s20+$0x10650] =	vst v2;
	v12 =	vadd.s32 v57, v12  }
0x18e: {  	[tilespmem:s20+$0x106E0] =	vst v2;
	v12 =	vadd.s32 v58, v12  }
0x18f: {  	[tilespmem:$0x14670] =	vst v12  }
0x190: {  	v12 =	vld [tilespmem:s20+$0xFE80];
	[tilespmem:s20+$0xFE80] =	vst v2  }
0x191: {  	v59 =	vld [tilespmem:s20+$0xFF10];
	[tilespmem:s20+$0xFF10] =	vst v2  }
0x192: {  	v60 =	vld [tilespmem:s20+$0xFFA0];
	[tilespmem:s20+$0xFFA0] =	vst v2  }
0x193: {  	v61 =	vld [tilespmem:s20+$0x10030];
	[tilespmem:s20+$0x10030] =	vst v2  }
0x194: {  	v62 =	vld [tilespmem:s20+$0x100C0];
	[tilespmem:s20+$0x100C0] =	vst v2  }
0x195: {  	v63 =	vld [tilespmem:s20+$0x10150];
	[tilespmem:s20+$0x10150] =	vst v2  }
0x196: {  	v18 =	vld [tilespmem:s20+$0x101E0];
	[tilespmem:s20+$0x101E0] =	vst v2  }
0x197: {  	v19 =	vld [tilespmem:s20+$0x10270];
	[tilespmem:s20+$0x10270] =	vst v2  }
0x198: {  	v20 =	vld [tilespmem:s20+$0x10300];
	[tilespmem:s20+$0x10300] =	vst v2  }
0x199: {  	v21 =	vld [tilespmem:s20+$0x10390];
	[tilespmem:s20+$0x10390] =	vst v2  }
0x19a: {  	v22 =	vld [tilespmem:s20+$0x10420];
	[tilespmem:s20+$0x10420] =	vst v2  }
0x19b: {  	v23 =	vld [tilespmem:s20+$0x104B0];
	[tilespmem:s20+$0x104B0] =	vst v2  }
0x19c: {  	v24 =	vld [tilespmem:s20+$0x10540];
	[tilespmem:s20+$0x10540] =	vst v2  }
0x19d: {  	v25 =	vld [tilespmem:s20+$0x105D0];
	[tilespmem:s20+$0x105D0] =	vst v2  }
0x19e: {  	v26 =	vld [tilespmem:s20+$0x10660];
	[tilespmem:s20+$0x10660] =	vst v2;
	v12 =	vadd.s32 v12, v59  }
0x19f: {  	v27 =	vld [tilespmem:s20+$0x106F0];
	[tilespmem:s20+$0x106F0] =	vst v2;
	v12 =	vadd.s32 v60, v12  }
0x1a0: {  	v28 =	vld [tilespmem:$0x14600];
	v12 =	vadd.s32 v61, v12  }
0x1a1: {  	v29 =	vld [tilespmem:$0x14610];
	v12 =	vadd.s32 v62, v12  }
0x1a2: {  	v30 =	vld [tilespmem:$0x14620];
	v12 =	vadd.s32 v63, v12  }
0x1a3: {  	v31 =	vld [tilespmem:$0x14630];
	v12 =	vadd.s32 v18, v12  }
0x1a4: {  	v32 =	vld [tilespmem:$0x14640];
	v12 =	vadd.s32 v19, v12  }
0x1a5: {  	v33 =	vld [tilespmem:$0x14650];
	(xrf0) =	vadd.scan.msk.s32 $0xffff, v28;
	v12 =	vadd.s32 v20, v12  }
0x1a6: {  	v34 =	vld [tilespmem:$0x14660];
	(xrf0) =	vadd.scan.msk.s32 $0xffff, v29;
	v12 =	vadd.s32 v21, v12  }
0x1a7: {  	v35 =	vld [tilespmem:$0x14670];
	(xrf0) =	vadd.scan.msk.s32 $0xffff, v30;
	v12 =	vadd.s32 v22, v12  }
0x1a8: {  	v41 =	vld [tilespmem:$0x1FFF0];
	(xrf0) =	vadd.scan.msk.s32 $0xffff, v31;
	v12 =	vadd.s32 v23, v12  }
0x1a9: {  	(xrf0) =	vadd.scan.msk.s32 $0xffff, v32;
	v12 =	vadd.s32 v24, v12  }
0x1aa: {  	(xrf0) =	vadd.scan.msk.s32 $0xffff, v33;
	v12 =	vadd.s32 v25, v12  }
0x1ab: {  	v36, _, _ =	vpop (xrf0);
	(xrf0) =	vadd.scan.msk.s32 $0xffff, v34;
	v12 =	vadd.s32 v26, v12  }
0x1ac: {  	v37 =	vbroadcast v36, $0xF;
	v38, _, _ =	vpop (xrf0);
	(xrf0) =	vadd.scan.msk.s32 $0xffff, v35;
	v12 =	vadd.s32 v27, v12  }
0x1ad: {  	vm0 =	vnez.u8 v41;
	v14 =	vbroadcast v38, $0xF;
	v39, _, _ =	vpop (xrf0);
	(xrf0) =	vadd.scan.msk.s32 $0xffff, v12  }
0x1ae: {  	vm4 =	vcmask $0x324;
	v40, _, _ =	vpop (xrf0);
	v13 =	vnsel vm0, $0x0, v37;
	v15 =	vbroadcast v39, $0xF  }
0x1af: {  	vm5 =	vcmask $0x724;
	v42, _, _ =	vpop (xrf0);
	v13 =	vsel vm4, v13, v14;
	v43 =	vbroadcast v40, $0xF  }
0x1b0: {  	vm6 =	vcmask $0xB24;
	v44, _, _ =	vpop (xrf0);
	v13 =	vsel vm5, v13, v15;
	v45 =	vbroadcast v42, $0xF  }
0x1b1: {  	vm7 =	vcmask $0xF24;
	v46, _, _ =	vpop (xrf0);
	v13 =	vsel vm6, v13, v43;
	v47 =	vbroadcast v44, $0xF  }
0x1b2: {  	vm8 =	vcmask $0x1324;
	v13 =	vsel vm7, v13, v45;
	v48 =	vbroadcast v46, $0xF;
	v49, _, _ =	vpop (xrf0)  }
0x1b3: {  	vm9 =	vcmask $0x1724;
	v13 =	vsel vm8, v13, v47;
	v50 =	vbroadcast v49, $0xF;
	v51, _, _ =	vpop (xrf0)  }
0x1b4: {  	vm10 =	vcmask $0x1B24;
	v13 =	vsel vm9, v13, v48;
	v52 =	vbroadcast v51, $0xF  }
0x1b5: {  	vm11 =	vcmask $0x1F24;
	v13 =	vsel vm10, v13, v50  }
0x1b6: {  	v13 =	vsel vm11, v13, v52  }
0x1b7: {  	(xrf0) =	vadd.scan.msk.s32 $0xffff, v13;
	_ =	sdelay $0x5  }
0x1b8: {  	v13, _, _ =	vpop (xrf0)  }
0x1b9: {  	vm1 =	vgt.s32 v13, $0x20  }
0x1ba: {  	v53 =	vsel vm1, $0x1, v2  }
0x1bb: {  	v14 =	vor.u32 $0x80000000, v53  }
0x1bc: {  	(xrf0) =	vmax.scan.msk.u32 $0xffff, v14;
	_ =	sdelay $0x5  }
0x1bd: {  	v14, _, _ =	vpop (xrf0)  }
0x1be: {  	v14 =	vxor.u32 $0x80000000, v14  }
0x1bf: {  	(xrf0) =	vadd.scan.msk.s32 $0xffff, v14;
	_ =	sdelay $0x5  }
0x1c0: {  	v14, _, _ =	vpop (xrf0)  }
0x1c1: {  	(v2sf) =	vpush v14, $0xF;
	_ =	sdelay $0xe  }
0x1c2: {  	s21 =	spop (v2sf)  }
0x1c3: {  	s22 =	sshll.u32 s21, $0x4  }
0x1c4: {  	[tilespmem:$0x14680] =	vst v12;
	s21 =	ssub.s32 $0xF, s21;
	s23 =	ssub.s32 $0x14700, s22  }
0x1c5: {  	v54 =	vmov s21;
	v55 =	vld [tilespmem:s23+$0x0]  }
0x1c6: {  	vm12 =	veq.s32 v54, v0  }
0x1c7: {  	v12 =	vnsel vm12, $0x0, v13  }
0x1c8: {  	(xrf0) =	vadd.scan.msk.s32 $0xffff, v12;
	_ =	sdelay $0x1  }
0x1c9: {  	(xrf0) =	vadd.scan.msk.s32 $0xffff, v55;
	_ =	sdelay $0x3  }
0x1ca: {  	v12, _, _ =	vpop (xrf0)  }
0x1cb: {  	v56 =	vbroadcast v12, $0xF  }
0x1cc: {  	v57, _, _ =	vpop (xrf0)  }
0x1cd: {  	v13 =	vadd.s32 v57, v56  }
0x1ce: {  	vm13 =	vgt.s32 v13, $0x20  }
0x1cf: {  	v58 =	vsel vm13, $0x1, v2  }
0x1d0: {  	v15 =	vor.u32 $0x80000000, v58  }
0x1d1: {  	(xrf0) =	vmax.scan.msk.u32 $0xffff, v15;
	_ =	sdelay $0x5  }
0x1d2: {  	v15, _, _ =	vpop (xrf0)  }
0x1d3: {  	v15 =	vxor.u32 $0x80000000, v15  }
0x1d4: {  	(xrf0) =	vadd.scan.msk.s32 $0xffff, v15;
	_ =	sdelay $0x5  }
0x1d5: {  	(v2sf) =	vpush v12, $0xF;
	v59, _, _ =	vpop (xrf0)  }
0x1d6: {  	(v2sf) =	vpush v59, $0xF;
	_ =	sdelay $0xd  }
0x1d7: {  	s21 =	spop (v2sf)  }
0x1d8: {  	s30 =	spop (v2sf)  }
0x1d9: {  	s24 =	ssub.s32 $0xF, s30  }
0x1da: {  	s25 =	ssub.s32 $0x10, s30;
	v60 =	vmov s24  }
0x1db: {  	v61 =	vmov s25;
	vm14 =	veq.s32 v60, v0  }
0x1dc: {  	vm15 =	veq.s32 v61, v0;
	v13 =	vnsel vm14, $0x0, v13  }
0x1dd: {  	v12 =	vnsel vm15, $0x0, v55;
	(xrf0) =	vadd.scan.msk.s32 $0xffff, v13  }
0x1de: {  	(xrf0) =	vadd.scan.msk.s32 $0xffff, v12;
	_ =	sdelay $0x4  }
0x1df: {  	v62, _, _ =	vpop (xrf0)  }
0x1e0: {  	(v2sf) =	vpush v62, $0xF;
	v63, _, _ =	vpop (xrf0)  }
0x1e1: {  	(v2sf) =	vpush v63, $0xF;
	_ =	sdelay $0xd  }
0x1e2: {  	p0 =	seq.s32 s30, $0x10;
	s24 =	spop (v2sf)  }
0x1e3: {  	s24 =	smov.u32 @p0 s21;
	s31 =	spop (v2sf)  }
0x1e4: {  	s21 =	sadd.s32 s24, s31  }
0x1e5: {  	p0 =	slt.s32 s21, $0x31  }
.Ltmp8:
0x1e6: {  	_ = 	snop;
	(pc) =	sbr.rel @p0 .LBB2_23-.Ltmp8, $3  }
0x1e7: {  	_ =	sdelay $0x1  }
0x1e8: {  	s26 =	sshll.u32 s19, $0xC;
	s22 =	ssub.s32 s25, s22  }
0x1e9: {  	s23 =	simm.s32 $0x17;
	s22 =	sadd.s32 $0x100, s22;
	s21 =	sadd.s32 $0x7E00, s26  }
0x1ea: {  	v12 =	vand.u32 $0x7, v0  }
0x1eb: {  	v13 =	vadd.s32 s20, v1;
	v12 =	vmul.u32 $0x10, v12  }
0x1ec: {  	v13 =	vand.u32 $0x7F80, v13  }
0x1ed: {  	s25 =	simm.s32 $0x17;
	v12 =	vor.u32 v12, v13  }
.LBB2_19:
0x1ee: {  	s23 =	simm.s32 $0x0  }
0x1ef: {  	s26 =	sand.u32 $0xF80, s23  }
0x1f0: {  	s23 =	sand.u32 $0x70, s23;
	s26 =	sadd.s32 s26, s21  }
0x1f1: {  	s23 =	sadd.s32 s23, s26  }
0x1f2: {  	v16 =	vld [tilespmem:s23+$0x0];
	_ =	sdelay $0x2  }
0x1f3: {  	s23 =	sadd.s32 $0xFFFFFFFC, s25  }
0x1f4: {  	v14 =	vmov s25;
	v13 =	vmov s23  }
0x1f5: {  	v15 =	vmov s22;
	v17 =	vshrl.u32 v16, v13;
	v16 =	vshrl.u32 v16, v14  }
0x1f6: {  	v17 =	vand.u32 $0xF, v17;
	vm1 =	veq.s32 v16, v15  }
0x1f7: {  	v16 =	vor.u32 v17, v12;
	_ =	sdelay $0x1  }
0x1f8: {  	s26 =	simm.s32 $0x10  }
0x1f9: {  	s28 =	simm.s32 $0x20;
	s29 =	sand.u32 $0xF80, s26  }
.LBB2_20:
0x1fa: {  	p0 =	sne.s32 s28, $0xFF0;
	s26 =	sand.u32 $0x70, s26;
	s29 =	sadd.s32 s29, s21  }
0x1fb: {  	s29 =	sadd.s32 s26, s29;
	[tilespmem:v16+s13+$0x0] =	vst.idx.add.s32.msk vm1, v3;
	s26 =	smov.u32 s28  }
0x1fc: {  	v16 =	vld [tilespmem:s29+$0x0];
	_ =	sdelay $0x4  }
0x1fd: {  	v17 =	vshrl.u32 v16, v14;
	v16 =	vshrl.u32 v16, v13  }
.Ltmp9:
0x1fe: {  	vm1 =	veq.s32 v17, v15;
	v16 =	vand.u32 $0xF, v16;
	(pc) =	sbr.rel @p0 .LBB2_20-.Ltmp9, $2  }
0x1ff: {  	v16 =	vor.u32 v16, v12;
	_ =	sdelay $0x2  }
0x200: {  	s28 =	sadd.s32 $0x10, s28;
	s29 =	sand.u32 $0xF80, s26  }
0x201: {  	_ =	sdelay $0x3  }
0x202: {  	s26 =	sand.u32 $0x70, s26;
	s28 =	sadd.s32 s29, s21  }
0x203: {  	[tilespmem:v16+s13+$0x0] =	vst.idx.add.s32.msk vm1, v3;
	s26 =	sadd.s32 s26, s28  }
0x204: {  	v16 =	vld [tilespmem:s26+$0x0];
	_ =	sdelay $0x4  }
0x205: {  	v14 =	vshrl.u32 v16, v14;
	v13 =	vshrl.u32 v16, v13  }
0x206: {  	vm12 =	veq.s32 v14, v15;
	v13 =	vand.u32 $0xF, v13  }
0x207: {  	v13 =	vor.u32 v13, v12;
	_ =	sdelay $0x4  }
0x208: {  	[tilespmem:v13+s13+$0x0] =	vst.idx.add.s32.msk vm12, v3  }
0x209: {  	v13 =	vld [tilespmem:s20+$0xFE00]  }
0x20a: {  	v14 =	vld [tilespmem:s20+$0xFE90]  }
0x20b: {  	v15 =	vld [tilespmem:s20+$0xFF20]  }
0x20c: {  	v57 =	vld [tilespmem:s20+$0xFFB0]  }
0x20d: {  	v17 =	vld [tilespmem:s20+$0x10040]  }
0x20e: {  	v18 =	vld [tilespmem:s20+$0x100D0]  }
0x20f: {  	v13 =	vadd.s32 v13, v14;
	v14 =	vld [tilespmem:s20+$0x10160]  }
0x210: {  	v13 =	vadd.s32 v15, v13;
	v15 =	vld [tilespmem:s20+$0x101F0]  }
0x211: {  	v58 =	vld [tilespmem:s20+$0x10280];
	v13 =	vadd.s32 v57, v13  }
0x212: {  	v59 =	vld [tilespmem:s20+$0x10310];
	v13 =	vadd.s32 v17, v13  }
0x213: {  	v60 =	vld [tilespmem:s20+$0x103A0];
	v13 =	vadd.s32 v18, v13  }
0x214: {  	v13 =	vadd.s32 v14, v13;
	v14 =	vld [tilespmem:s20+$0x10430]  }
0x215: {  	v13 =	vadd.s32 v15, v13;
	v15 =	vld [tilespmem:s20+$0x104C0]  }
0x216: {  	v61 =	vld [tilespmem:s20+$0x10550];
	v13 =	vadd.s32 v58, v13  }
0x217: {  	v62 =	vld [tilespmem:s20+$0x105E0];
	v13 =	vadd.s32 v59, v13  }
0x218: {  	v63 =	vld [tilespmem:s20+$0x10670];
	v13 =	vadd.s32 v60, v13  }
0x219: {  	v13 =	vadd.s32 v14, v13  }
0x21a: {  	v13 =	vadd.s32 v15, v13  }
0x21b: {  	v13 =	vadd.s32 v61, v13  }
0x21c: {  	v13 =	vadd.s32 v62, v13  }
0x21d: {  	v13 =	vadd.s32 v63, v13  }
0x21e: {  	(xrf0) =	vadd.scan.msk.s32 $0xffff, v13;
	_ =	sdelay $0x5  }
0x21f: {  	v14, _, _ =	vpop (xrf0)  }
0x220: {  	v14 =	vadd.s32 s24, v14  }
0x221: {  	vm13 =	vgt.s32 v14, $0x20  }
0x222: {  	v15 =	vsel vm13, $0x1, v2  }
0x223: {  	v15 =	vor.u32 $0x80000000, v15  }
0x224: {  	(xrf0) =	vmax.scan.msk.u32 $0xffff, v15;
	_ =	sdelay $0x5  }
0x225: {  	v15, _, _ =	vpop (xrf0)  }
0x226: {  	v15 =	vxor.u32 $0x80000000, v15  }
0x227: {  	(xrf0) =	vadd.scan.msk.s32 $0xffff, v15;
	_ =	sdelay $0x5  }
0x228: {  	v15, _, _ =	vpop (xrf0)  }
0x229: {  	(v2sf) =	vpush v15, $0xF;
	_ =	sdelay $0xe  }
0x22a: {  	s26 =	spop (v2sf)  }
0x22b: {  	s31 =	ssub.s32 $0xF, s26  }
0x22c: {  	s30 =	ssub.s32 $0x10, s26;
	v15 =	vmov s31  }
0x22d: {  	vm14 =	veq.s32 v15, v0;
	v15 =	vmov s30  }
0x22e: {  	v14 =	vnsel vm14, $0x0, v14;
	vm15 =	veq.s32 v15, v0  }
0x22f: {  	(xrf0) =	vadd.scan.msk.s32 $0xffff, v14;
	v13 =	vnsel vm15, $0x0, v13  }
0x230: {  	(xrf0) =	vadd.scan.msk.s32 $0xffff, v13;
	_ =	sdelay $0x4  }
0x231: {  	v13, _, _ =	vpop (xrf0)  }
0x232: {  	(v2sf) =	vpush v13, $0xF;
	v13, _, _ =	vpop (xrf0)  }
0x233: {  	(v2sf) =	vpush v13, $0xF;
	_ =	sdelay $0x7  }
0x234: {  	[tilespmem:s20+$0xFE00] =	vst v2  }
0x235: {  	[tilespmem:s20+$0xFE90] =	vst v2  }
0x236: {  	[tilespmem:s20+$0xFF20] =	vst v2  }
0x237: {  	[tilespmem:s20+$0xFFB0] =	vst v2  }
0x238: {  	[tilespmem:s20+$0x10040] =	vst v2  }
0x239: {  	[tilespmem:s20+$0x100D0] =	vst v2  }
0x23a: {  	[tilespmem:s20+$0x10280] =	vst v2;
	p0 =	seq.s32 s26, $0x10;
	s28 =	spop (v2sf)  }
0x23b: {  	[tilespmem:s20+$0x10310] =	vst v2;
	s28 =	smov.u32 @p0 s24;
	s31 =	spop (v2sf)  }
0x23c: {  	[tilespmem:s20+$0x103A0] =	vst v2;
	p0 =	slt.u32 s25, $0x8;
	s24 =	sadd.s32 s28, s31  }
0x23d: {  	[tilespmem:s20+$0x10550] =	vst v2;
	p1 =	sgt.s32 @!p0 s24, $0x30  }
0x23e: {  	[tilespmem:s20+$0x105E0] =	vst v2;
	p1 =	por p0, !p1  }
.Ltmp10:
0x23f: {  	[tilespmem:s20+$0x10670] =	vst v2;
	(pc) =	sbr.rel @!p1 .LBB2_19-.Ltmp10, $4  }
0x240: {  	[tilespmem:s20+$0x10160] =	vst v2  }
0x241: {  	[tilespmem:s20+$0x101F0] =	vst v2  }
0x242: {  	s22 =	sshll.u32 s22, $0x4;
	[tilespmem:s20+$0x10430] =	vst v2  }
0x243: {  	[tilespmem:s20+$0x104C0] =	vst v2;
	s22 =	sadd.s32 s22, s30;
	s25 =	smov.u32 s23;
	s24 =	smov.u32 s28  }
0x244: {  	s23 =	smov.u32 @p0 s23;
	s22 =	smov.u32 @p0 s22  }
.LBB2_23:
0x245: {  	[tilespmem:$0x14700] =	vst v11  }
0x246: {  	[tilespmem:$0x14710] =	vst v11  }
0x247: {  	[tilespmem:$0x14720] =	vst v11  }
0x248: {  	v12 =	vor.u32 $0x1000, v0;
	[tilespmem:$0x14730] =	vst v11  }
0x249: {  	s20 =	simm.s32 $0x0;
	[tilespmem:$0x14780] =	vst v12;
	v12 =	vor.u32 $0x1010, v0  }
0x24a: {  	s24 =	sand.u32 $0xF80, s20;
	[tilespmem:$0x14790] =	vst v12;
	v12 =	vor.u32 $0x1020, v0  }
0x24b: {  	s25 =	sand.u32 $0x60, s20;
	s24 =	sadd.s32 s24, s21;
	[tilespmem:$0x147A0] =	vst v12;
	v12 =	vor.u32 $0x1030, v0  }
0x24c: {  	s25 =	sadd.s32 s25, s24;
	[tilespmem:$0x147B0] =	vst v12  }
0x24d: {  	v14 =	vld [tilespmem:s25+$0x0];
	_ =	sdelay $0x3  }
0x24e: {  	v12 =	vmov s23  }
0x24f: {  	v13 =	vmov s22;
	v15 =	vshrl.u32 v14, v12  }
0x250: {  	s31 =	simm.s32 $0x10;
	vm1 =	vle.s32 v15, v13  }
0x251: {  	s25 =	sand.u32 $0x70, s31;
	[tilespmem:s20+$0x14700] =	vst.msk vm1, v14;
	v14 =	vor.u32 s20, v0;
	v15 =	vsel vm1, $0x1, v2  }
0x252: {  	s26 =	sadd.s32 s25, s24;
	[tilespmem:s20+$0x14780] =	vst.msk vm1, v14;
	(xrf0) =	vadd.scan.msk.s32 $0xffff, v15  }
0x253: {  	v14 =	vld [tilespmem:s26+$0x0];
	_ =	sdelay $0x4  }
0x254: {  	v15 =	vshrl.u32 v14, v12;
	v16, _, _ =	vpop (xrf0)  }
0x255: {  	vm15 =	vle.s32 v15, v13;
	(v2sf) =	vpush v16, $0xF  }
0x256: {  	v15 =	vsel vm15, $0x1, v2  }
0x257: {  	(xrf0) =	vadd.scan.msk.s32 $0xffff, v15;
	_ =	sdelay $0x5  }
0x258: {  	v15, _, _ =	vpop (xrf0)  }
0x259: {  	(v2sf) =	vpush v15, $0xF;
	_ =	sdelay $0x5  }
0x25a: {  	s28 =	spop (v2sf)  }
0x25b: {  	s20 =	sadd.s32 $0x0, s28  }
0x25c: {  	s22 =	simm.s32 $0x20;
	p0 =	slt.s32 s20, $0x30  }
0x25d: {  	s29 =	sand.u32 $0xF80, s22;
	s20 =	simm.s32 @!p0 $0x30  }
0x25e: {  	s25 =	sadd.s32 s29, s21;
	s26 =	sand.u32 $0x60, s22;
	[tilespmem:s20+$0x14700] =	vst.msk vm15, v14;
	v14 =	vor.u32 s31, v0  }
0x25f: {  	s30 =	sadd.s32 s26, s25;
	[tilespmem:s20+$0x14780] =	vst.msk vm15, v14  }
0x260: {  	v14 =	vld [tilespmem:s30+$0x0];
	_ =	sdelay $0x2  }
0x261: {  	s31 =	spop (v2sf)  }
0x262: {  	s23 =	sadd.s32 s20, s31  }
0x263: {  	s26 =	simm.s32 $0x40;
	s20 =	sadd.s32 s18, s19;
	v15 =	vshrl.u32 v14, v12;
	p1 =	slt.s32 s23, $0x30  }
.LBB2_24:
0x264: {  	s28 =	sadd.s32 $0x10, s22  }
0x265: {  	vm1 =	vle.s32 v15, v13;
	s23 =	simm.s32 @!p1 $0x30;
	s29 =	smov.u32 s26;
	s24 =	sadd.s32 $0x20, s26  }
0x266: {  	p0 =	sne.s32 s26, $0xFE0;
	[tilespmem:s23+$0x14700] =	vst.msk vm1, v14;
	v14 =	vor.u32 s22, v0;
	v15 =	vsel vm1, $0x1, v2;
	s26 =	sand.u32 $0x70, s28;
	s22 =	smov.u32 s29  }
0x267: {  	[tilespmem:s23+$0x14780] =	vst.msk vm1, v14;
	s25 =	sadd.s32 s26, s25;
	(xrf0) =	vadd.scan.msk.s32 $0xffff, v15  }
0x268: {  	v14 =	vld [tilespmem:s25+$0x0];
	_ =	sdelay $0x4  }
0x269: {  	v15 =	vshrl.u32 v14, v12;
	v16, _, _ =	vpop (xrf0)  }
0x26a: {  	vm1 =	vle.s32 v15, v13;
	(v2sf) =	vpush v16, $0xF  }
0x26b: {  	v15 =	vsel vm1, $0x1, v2  }
0x26c: {  	(xrf0) =	vadd.scan.msk.s32 $0xffff, v15;
	_ =	sdelay $0x5  }
0x26d: {  	v15, _, _ =	vpop (xrf0)  }
0x26e: {  	(v2sf) =	vpush v15, $0xF;
	_ =	sdelay $0x5  }
0x26f: {  	s25 =	spop (v2sf)  }
0x270: {  	s23 =	sadd.s32 s23, s25  }
0x271: {  	p1 =	slt.s32 s23, $0x30  }
0x272: {  	s25 =	sand.u32 $0xF80, s22;
	s23 =	simm.s32 @!p1 $0x30  }
0x273: {  	s26 =	sand.u32 $0x60, s22;
	s25 =	sadd.s32 s25, s21;
	[tilespmem:s23+$0x14700] =	vst.msk vm1, v14;
	v14 =	vor.u32 s28, v0  }
0x274: {  	s26 =	sadd.s32 s26, s25;
	[tilespmem:s23+$0x14780] =	vst.msk vm1, v14  }
0x275: {  	v14 =	vld [tilespmem:s26+$0x0]  }
.Ltmp11:
0x276: {  	(pc) =	sbr.rel @p0 .LBB2_24-.Ltmp11, $4  }
0x277: {  	_ = 	snop  }
0x278: {  	s26 =	spop (v2sf)  }
0x279: {  	s23 =	sadd.s32 s23, s26  }
0x27a: {  	s26 =	smov.u32 s24;
	v15 =	vshrl.u32 v14, v12;
	p1 =	slt.s32 s23, $0x30  }
0x27b: {  	vm1 =	vle.s32 v15, v13  }
0x27c: {  	v15 =	vsel vm1, $0x1, v2  }
0x27d: {  	(xrf0) =	vadd.scan.msk.s32 $0xffff, v15;
	_ =	sdelay $0x5  }
0x27e: {  	v15, _, _ =	vpop (xrf0)  }
0x27f: {  	(v2sf) =	vpush v15, $0xF;
	_ =	sdelay $0x1  }
0x280: {  	s21 =	sadd.s32 $0x10, s22;
	s23 =	simm.s32 @!p1 $0x30  }
0x281: {  	[tilespmem:s23+$0x14700] =	vst.msk vm1, v14;
	v14 =	vor.u32 s22, v0;
	s28 =	sand.u32 $0x70, s21  }
0x282: {  	[tilespmem:s23+$0x14780] =	vst.msk vm1, v14;
	s22 =	sadd.s32 s28, s25  }
0x283: {  	v14 =	vld [tilespmem:s22+$0x0];
	_ =	sdelay $0x4  }
0x284: {  	v12 =	vshrl.u32 v14, v12  }
0x285: {  	vm1 =	vle.s32 v12, v13  }
0x286: {  	v12 =	vsel vm1, $0x1, v2  }
0x287: {  	(xrf0) =	vadd.scan.msk.s32 $0xffff, v12;
	_ =	sdelay $0x1  }
0x288: {  	s29 =	spop (v2sf)  }
0x289: {  	s22 =	sadd.s32 s23, s29  }
0x28a: {  	p0 =	slt.s32 s22, $0x30  }
0x28b: {  	s22 =	simm.s32 @!p0 $0x30  }
0x28c: {  	v12 =	vor.u32 s21, v0;
	v13, _, _ =	vpop (xrf0);
	[tilespmem:s22+$0x14700] =	vst.msk vm1, v14  }
0x28d: {  	(v2sf) =	vpush v13, $0xF;
	[tilespmem:s22+$0x14780] =	vst.msk vm1, v12  }
0x28e: {  	v17 =	vld [tilespmem:$0x14700]  }
0x28f: {  	v18 =	vld [tilespmem:$0x14710]  }
0x290: {  	v12 =	vld [tilespmem:$0x14790]  }
0x291: {  	v13 =	vld [tilespmem:$0x147A0]  }
0x292: {  	s30 =	simm.s32 $0x0;
	v16 =	vld [tilespmem:$0x14720]  }
0x293: {  	v14 =	vadd.s32 s30, v0  }
0x294: {  	v19 =	vimm.s32 $0x0;
	v21 =	vand.u32 $0xF, v14  }
0x295: {  	v20 =	vimm.s32 $0x0;
	v25 =	vperm.xlane v17, v21;
	v22 =	vperm.xlane v12, v21  }
0x296: {  	v15 =	vimm.s32 $0x0;
	v14 =	vld [tilespmem:$0x14780];
	v24 =	vperm.xlane v13, v21;
	v26 =	vperm.xlane v18, v21  }
0x297: {  	v23 =	vperm.xlane v16, v21;
	vm12 =	veq.f32 v25, v17;
	vm9 =	vlt.f32 v25, v16  }
0x298: {  	vm10 =	vlt.f32 v25, v17;
	vm3 =	vlt.s32 v24, v12;
	vm15 =	vlt.f32 v26, v16  }
0x299: {  	vm11 =	veq.f32 v25, v18;
	vm14 =	vlt.f32 v23, v18;
	vm1 =	vlt.s32 v22, v13  }
0x29a: {  	vm2 =	vlt.f32 v26, v17;
	vm4 =	veq.f32 v23, v18;
	vm5 =	veq.f32 v26, v17  }
0x29b: {  	vm6 =	vlt.s32 v22, v14;
	vm13 =	vlt.f32 v25, v18;
	vm3 =	vmand vm4, vm3  }
0x29c: {  	s21 =	simm.s32 $0x1;
	vm4 =	vmand vm5, vm6;
	vm14 =	vmor vm14, vm3;
	s31 =	spop (v2sf);
	vm3 =	veq.f32 v26, v16  }
.LBB2_26:
0x29d: {  	p0 =	sne.s32 s21, $0xF;
	vm2 =	vmor vm2, vm4;
	vm4 =	veq.f32 v26, v18;
	vm5 =	vlt.s32 v24, v13;
	s22 =	smov.u32 s21;
	s21 =	sadd.s32 $0x1, s21  }
0x29e: {  	vm6 =	vlt.f32 v23, v17;
	v27 =	vsel vm2, $0x1, v2;
	vm2 =	veq.f32 v25, v16  }
0x29f: {  	vm7 =	vlt.f32 v26, v18;
	vm1 =	vmand vm3, vm1;
	vm3 =	veq.f32 v23, v16  }
0x2a0: {  	vm8 =	veq.f32 v23, v17;
	vm0 =	vlt.s32 v24, v14;
	vm1 =	vmor vm15, vm1  }
0x2a1: {  	vm0 =	vmand vm8, vm0;
	vm8 =	vlt.s32 v22, v12;
	vm3 =	vmand vm3, vm5  }
0x2a2: {  	v21 =	vperm.xlane v14, v21;
	v22 =	vsel vm1, $0x1, v2;
	vm1 =	vlt.f32 v23, v16  }
0x2a3: {  	vm0 =	vmor vm6, vm0;
	vm1 =	vmor vm1, vm3  }
0x2a4: {  	vm5 =	vlt.s32 v21, v12;
	vm4 =	vmand vm4, vm8;
	vm3 =	vlt.s32 v21, v14  }
0x2a5: {  	vm6 =	vlt.s32 v21, v13;
	vm4 =	vmor vm7, vm4;
	vm3 =	vmand vm12, vm3  }
0x2a6: {  	v23 =	vsel vm0, $0x1, v2;
	v24 =	vsel vm4, $0x1, v2;
	v25 =	vsel vm1, $0x1, v2  }
0x2a7: {  	v28 =	vsel vm14, $0x1, v2;
	vm1 =	vmand vm2, vm6;
	vm0 =	vmor vm10, vm3  }
0x2a8: {  	vm1 =	vmor vm9, vm1;
	v21 =	vsel vm0, $0x1, v2;
	vm0 =	vmand vm11, vm5  }
0x2a9: {  	v15 =	vadd.s32 v21, v15;
	vm0 =	vmor vm13, vm0;
	v21 =	vsel vm1, $0x1, v2  }
0x2aa: {  	v15 =	vadd.s32 v27, v15;
	v26 =	vsel vm0, $0x1, v2;
	v19 =	vadd.s32 v21, v19  }
0x2ab: {  	v21 =	vadd.s32 s22, v0;
	v20 =	vadd.s32 v26, v20;
	v19 =	vadd.s32 v22, v19  }
0x2ac: {  	v21 =	vand.u32 $0xF, v21;
	v15 =	vadd.s32 v23, v15;
	v19 =	vadd.s32 v25, v19  }
0x2ad: {  	v25 =	vperm.xlane v17, v21;
	v22 =	vperm.xlane v12, v21;
	v20 =	vadd.s32 v24, v20  }
0x2ae: {  	v26 =	vperm.xlane v18, v21;
	v24 =	vperm.xlane v13, v21;
	v20 =	vadd.s32 v28, v20  }
0x2af: {  	v23 =	vperm.xlane v16, v21;
	vm12 =	veq.f32 v25, v17;
	vm9 =	vlt.f32 v25, v16  }
.Ltmp12:
0x2b0: {  	vm10 =	vlt.f32 v25, v17;
	vm0 =	vlt.s32 v24, v12;
	vm15 =	vlt.f32 v26, v16;
	(pc) =	sbr.rel @p0 .LBB2_26-.Ltmp12, $4  }
0x2b1: {  	vm11 =	veq.f32 v25, v18;
	vm3 =	vlt.f32 v23, v18;
	vm1 =	vlt.s32 v22, v13  }
0x2b2: {  	vm2 =	vlt.f32 v26, v17;
	vm4 =	veq.f32 v26, v17;
	vm5 =	veq.f32 v23, v18  }
0x2b3: {  	vm6 =	vlt.s32 v22, v14;
	vm13 =	vlt.f32 v25, v18;
	vm0 =	vmand vm5, vm0  }
0x2b4: {  	vm4 =	vmand vm4, vm6;
	vm14 =	vmor vm3, vm0;
	vm3 =	veq.f32 v26, v16  }
0x2b5: {  	vm0 =	vmor vm2, vm4;
	vm2 =	veq.f32 v26, v18  }
0x2b6: {  	vm4 =	vlt.s32 v24, v13;
	vm5 =	veq.f32 v25, v16;
	vm6 =	vlt.f32 v26, v18  }
0x2b7: {  	vm1 =	vmand vm3, vm1;
	vm3 =	veq.f32 v23, v16;
	vm7 =	veq.f32 v23, v17  }
0x2b8: {  	vm8 =	vlt.s32 v24, v14;
	v54 =	vperm.xlane v14, v21;
	v59 =	vsel vm14, $0x1, v2  }
0x2b9: {  	v27 =	vsel vm0, $0x1, v2;
	vm0 =	vlt.f32 v23, v17;
	vm1 =	vmor vm15, vm1  }
0x2ba: {  	vm7 =	vmand vm7, vm8;
	vm8 =	vlt.s32 v22, v12;
	vm3 =	vmand vm3, vm4  }
0x2bb: {  	vm15 =	vlt.f32 v23, v16;
	v55 =	vsel vm1, $0x1, v2;
	vm0 =	vmor vm0, vm7  }
0x2bc: {  	vm1 =	vmor vm15, vm3;
	vm15 =	vlt.s32 v54, v14;
	vm2 =	vmand vm2, vm8  }
0x2bd: {  	vm4 =	vlt.s32 v54, v12;
	vm3 =	vmand vm12, vm15;
	vm2 =	vmor vm6, vm2  }
0x2be: {  	vm15 =	vlt.s32 v54, v13;
	v56 =	vsel vm0, $0x1, v2;
	v58 =	vsel vm1, $0x1, v2  }
0x2bf: {  	vm8 =	vmand vm11, vm4;
	v57 =	vsel vm2, $0x1, v2;
	vm7 =	vmor vm10, vm3  }
0x2c0: {  	vm10 =	vmand vm5, vm15;
	vm11 =	vmor vm13, vm8;
	v60 =	vsel vm7, $0x1, v2  }
0x2c1: {  	vm12 =	vmor vm9, vm10;
	v61 =	vsel vm11, $0x1, v2;
	v15 =	vadd.s32 v60, v15  }
0x2c2: {  	v62 =	vsel vm12, $0x1, v2;
	v20 =	vadd.s32 v61, v20;
	v15 =	vadd.s32 v27, v15  }
0x2c3: {  	v19 =	vadd.s32 v62, v19;
	v63 =	vadd.s32 v57, v20;
	v15 =	vadd.s32 v56, v15  }
0x2c4: {  	v16 =	vadd.s32 v55, v19;
	v17 =	vadd.s32 v59, v63;
	v15 =	vadd.s32 $0xFFFFFFFF, v15  }
0x2c5: {  	v16 =	vadd.s32 v58, v16;
	v17 =	vadd.s32 $0xFFFFFFFF, v17;
	vm13 =	vlt.u32 v15, $0x20  }
0x2c6: {  	vm14 =	vlt.u32 v17, $0x20;
	v16 =	vadd.s32 $0xFFFFFFFF, v16  }
0x2c7: {  	vm15 =	vlt.u32 v16, $0x20;
	_ =	sdelay $0x3  }
0x2c8: {  	[tilespmem:v15+s14+$0x0] =	vst.idx.msk vm13, v14  }
0x2c9: {  	[tilespmem:v17+s14+$0x0] =	vst.idx.msk vm14, v12  }
0x2ca: {  	[tilespmem:v16+s14+$0x0] =	vst.idx.msk vm15, v13  }
0x2cb: {  	v12 =	vld [tilespmem:$0x14800];
	_ =	sdelay $0x2  }
0x2cc: {  	s20 =	sshll.u32 s20, $0x5  }
0x2cd: {  	s20 =	sand.u32 $0x3FFFFFE0, s20  }
0x2ce: {  	s19 =	sadd.s32 $0x1, s19;
	[tilespmem:s20+$0x14880] =	vst v12  }
0x2cf: {  	p0 =	sne.s32 s19, $0x8;
	v12 =	vld [tilespmem:$0x14810]  }
.Ltmp13:
0x2d0: {  	_ = 	snop;
	(pc) =	sbr.rel @p0 .LBB2_17-.Ltmp13, $2  }
0x2d1: {  	_ =	sdelay $0x2  }
0x2d2: {  	[tilespmem:s20+$0x14890] =	vst v12  }
0x2d3: {  	s17 =	sadd.s32 $0x1, s17  }
0x2d4: {  	p0 =	sne.s32 s17, $0x40  }
.Ltmp14:
0x2d5: {  	_ = 	snop;
	(pc) =	sbr.rel @p0 .LBB2_14-.Ltmp14, $1  }
0x2d6: {  	_ =	sdelay $0x3  }
0x2d7: {  	[hbm4b:s7+s2] =	stream.linear.scatter [tilespmem:s15], [sflag:$0x1], $0x4000, $0x38;
	[tilespmem:$0x18880] =	vst v63  }
0x2d8: {  	s16 =	sadd.s32 $0x1, s16  }
0x2d9: {  	p0 =	sne.s32 s16, s8  }
.Ltmp15:
0x2da: {  	_ = 	snop;
	(pc) =	sbr.rel @p0 .LBB2_1-.Ltmp15, $4  }
.Ltmp16:
0x2db: {  	_ = 	snop;
	(pc) =	sbr.rel @!p0 .LBB2_30-.Ltmp16, $4  }
0x2dc: {  	_ =	swait.ge [sflag:s9], $0x4000  }
0x2dd: {  	[sflag:s9] =	ssyncset.done $0x0  }
0x2de: {  	[sflag:s9] =	ssyncadd.s32 $0xFFFFC000  }
0x2df: {  	_ = 	snop  }
.LBB2_6:
.Ltmp17:
0x2e0: {  	(pc) =	sbr.rel .LBB2_13-.Ltmp17, $2  }
0x2e1: {  	_ =	sdelay $0x2  }
0x2e2: {  	s18 =	simm.s32 $0x0  }
.LBB2_8:
.Ltmp18:
0x2e3: {  	(pc) =	sbr.rel .LBB2_13-.Ltmp18, $2  }
0x2e4: {  	_ =	sdelay $0x2  }
0x2e5: {  	v22 =	vmov v12;
	s18 =	simm.s32 $0x10;
	v12 =	vmov v13  }
.LBB2_10:
.Ltmp19:
0x2e6: {  	(pc) =	sbr.rel .LBB2_13-.Ltmp19, $2  }
0x2e7: {  	_ =	sdelay $0x2  }
0x2e8: {  	v18 =	vmov v14;
	s20 =	simm.s32 $0x0;
	s17 =	simm.s32 $0x10;
	v22 =	vmov v13;
	v14 =	vmov v19  }
.LBB2_30:
0x2e9: {  	_ =	sfence.sel $0x180000  }
0x2ea: {  	[bflag:$0x0] =	sbarrier.arrive $0xFFFF  }
0x2eb: {  	p0 =	sne.s32 s1, $0x0;
	_ =	strace $0x90000047  }
0x2ec: {  	s0 =	sadd.s32 @!p0 $0x100000, s0;
	[bflag:$0x2] =	sbarrier.arrive $0xFFFF  }
0x2ed: {  	[sflag:s0] =	ssyncadd.tile.s32 @!p0 $0x1;
	_ =	shalt  }
.Lfunc_end2:
_tile_overlayer_lowered:
.L_overlay_start_2:
0x2ee: {  	(tag) =	ssettag $0x2  }
0x2ef: {  	s0 =	rddreg [dreg:$0x0];
	s2 =	stileid.u32  }
0x2f0: {  	s1 =	rddreg [dreg:$0x1];
	p0 =	sne.s32 s2, $0x0  }
0x2f1: {  	s3 =	rddreg [dreg:$0x2];
	[bflag:$0x3] =	sbarrier.arrive $0xFFFF;
	s2 =	simm.s32 @!p0 $0x1C01  }
0x2f2: {  	[timem:s3], [sflag:s2] =	dma.local @!p0 [hbm:s0], s1  }
0x2f3: {  	s0 =	simm.s32 @!p0 $0x1  }
0x2f4: {  	_ =	swait.ge @!p0 [sflag:s0], s1  }
0x2f5: {  	s1 =	ssub.s32 @!p0 $0x0, s1;
	[sflag:s0] =	ssyncset.done @!p0 $0x0  }
0x2f6: {  	[sflag:s0] =	ssyncadd.s32 @!p0 s1  }
0x2f7: {  	[bflag:$0x3] =	sbarrier.arrive $0xFFFF  }
0x2f8: {  	_ =	shalt  }

</sc_bundles>
